<compile_context>
chip_gen: v7x
topology: tpu7x:2x2x1
jax: 0.10.2.dev20260603
libtpu: 0.0.44.dev20260713+nightly
codegen_flags: <defaults>
</compile_context>

<pallas_src>
import functools

import jax
import jax.numpy as jnp
from jax import lax
from jax.experimental import pallas as pl
from jax.experimental.pallas import tpu as pltpu
from jax.experimental.pallas import tpu_sc as plsc

N_NODES = 100000
D_IN = 128
D_OUT = 384
D3 = D_OUT // 3
B = 16384
K = 16

NC = 2
NS = 16
NW = NC * NS
RPW = B // NW
CH = 16
NCH = RPW // CH
NT = 2 * NCH
SELF_CH = 256
NSC = RPW // SELF_CH
VT = NT + NSC
NBUF = 3


def _sc_body(nodes2_hbm, adj2_hbm, dis2_hbm, table_hbm,
             self_out, adj_out, dis_out,
             idx_adj, idx_dis, idx_self,
             rows0, rows1, rows2, ob0, ob1,
             semg0, semg1, semg2, semw0, semw1, semself):
    wid = lax.axis_index("s") * NC + lax.axis_index("c")
    base = wid * RPW

    rows = (rows0, rows1, rows2)
    semg = (semg0, semg1, semg2)
    ob = (ob0, ob1)
    semw = (semw0, semw1)

    pltpu.sync_copy(adj2_hbm.at[pl.ds(wid * NCH * CH * K, NCH * CH * K)],
                    idx_adj)
    pltpu.sync_copy(dis2_hbm.at[pl.ds(wid * NCH * CH * K, NCH * CH * K)],
                    idx_dis)
    pltpu.sync_copy(nodes2_hbm.at[pl.ds(wid * NSC * SELF_CH, NSC * SELF_CH)],
                    idx_self)

    def fire(t, slot):
        @pl.when(t < NCH)
        def _():
            pltpu.async_copy(table_hbm.at[idx_adj.at[pl.ds(t * CH * K,
                                                           CH * K)]],
                             rows[slot], semg[slot])

        @pl.when(jnp.logical_and(t >= NCH, t < NT))
        def _():
            pltpu.async_copy(
                table_hbm.at[idx_dis.at[pl.ds((t - NCH) * CH * K, CH * K)]],
                rows[slot], semg[slot])

        @pl.when(jnp.logical_and(t >= NT, t < VT))
        def _():
            pltpu.async_copy(
                table_hbm.at[idx_self.at[pl.ds((t - NT) * SELF_CH, SELF_CH)]],
                rows[slot], semg[slot])

    def reduce_chunk(slot, oslot):
        def red_node(j, carry):
            rb = j * K
            for g in range(D_IN // 16):
                col = g * 16
                acc = rows[slot][rb, pl.ds(col, 16)]
                for i in range(1, K):
                    acc = acc + rows[slot][rb + i, pl.ds(col, 16)]
                ob[oslot][j, pl.ds(col, 16)] = acc
            return carry

        lax.fori_loop(0, CH, red_node, 0)

    for s in range(NBUF - 1):
        fire(s, s)

    @pl.loop(0, VT, step=NBUF)
    def outer(t0):
        for b in range(NBUF):
            t = t0 + b
            fire(t + NBUF - 1, (b + NBUF - 1) % NBUF)
            pltpu.make_async_copy(
                table_hbm.at[idx_adj.at[pl.ds(0, CH * K)]], rows[b],
                semg[b]).wait()

            @pl.when(t < NT)
            def _():
                @pl.when(t >= 2)
                def _():
                    pltpu.make_async_copy(ob[b % 2], adj_out.at[pl.ds(0, CH)],
                                          semw[b % 2]).wait()

                reduce_chunk(b, b % 2)

                @pl.when(t < NCH)
                def _():
                    pltpu.async_copy(ob[b % 2],
                                     adj_out.at[pl.ds(base + t * CH, CH)],
                                     semw[b % 2])

                @pl.when(t >= NCH)
                def _():
                    pltpu.async_copy(
                        ob[b % 2],
                        dis_out.at[pl.ds(base + (t - NCH) * CH, CH)],
                        semw[b % 2])

            @pl.when(jnp.logical_and(t >= NT, t < VT))
            def _():
                off = base + (t - NT) * SELF_CH
                pltpu.async_copy(rows[b], self_out.at[pl.ds(off, SELF_CH)],
                                 semself)

    for i in range(2):
        t = NT - 2 + i
        pltpu.make_async_copy(ob[t % 2],
                              dis_out.at[pl.ds(base + (t - NCH) * CH, CH)],
                              semw[t % 2]).wait()
    for c in range(NSC):
        pltpu.make_async_copy(
            rows[0], self_out.at[pl.ds(base + c * SELF_CH, SELF_CH)],
            semself).wait()


_sc_gather = functools.partial(
    pl.kernel,
    out_type=[
        jax.ShapeDtypeStruct((B, D_IN), jnp.float32),
        jax.ShapeDtypeStruct((B, D_IN), jnp.float32),
        jax.ShapeDtypeStruct((B, D_IN), jnp.float32),
    ],
    mesh=plsc.VectorSubcoreMesh(core_axis_name="c", subcore_axis_name="s"),
    scratch_types=(
        [pltpu.VMEM((NCH * CH * K,), jnp.int32)] * 2
        + [pltpu.VMEM((NSC * SELF_CH,), jnp.int32)]
        + [pltpu.VMEM((CH * K, D_IN), jnp.float32)] * NBUF
        + [pltpu.VMEM((CH, D_IN), jnp.float32)] * 2
        + [pltpu.SemaphoreType.DMA] * (NBUF + 3)
    ),
)(_sc_body)


def _compose_body(waa_t, baa, wad_t, bad, ws_t, wa_t, wd_t, wc_t, bwc,
                  a_ref, c_ref):
    hp = jax.lax.Precision.HIGHEST
    m1 = jnp.dot(wa_t[...], wc_t[D3:2 * D3, :], precision=hp)
    m2 = jnp.dot(wd_t[...], wc_t[2 * D3:D_OUT, :], precision=hp)
    a_ref[0:D_IN, :] = jnp.dot(ws_t[...], wc_t[0:D3, :], precision=hp)
    a_ref[D_IN:2 * D_IN, :] = jnp.dot(waa_t[...], m1, precision=hp) * (1.0 / K)
    a_ref[2 * D_IN:3 * D_IN, :] = jnp.dot(wad_t[...], m2,
                                          precision=hp) * (1.0 / K)
    c_ref[...] = (bwc[...]
                  + jnp.dot(baa[...], m1, precision=hp)
                  + jnp.dot(bad[...], m2, precision=hp))


def _compose(waa_t, baa, wad_t, bad, ws_t, wa_t, wd_t, wc_t, bwc):
    return pl.pallas_call(
        _compose_body,
        out_shape=[
            jax.ShapeDtypeStruct((3 * D_IN, D_OUT), jnp.float32),
            jax.ShapeDtypeStruct((1, D_OUT), jnp.float32),
        ],
    )(waa_t, baa, wad_t, bad, ws_t, wa_t, wd_t, wc_t, bwc)


def _tc_body(s_ref, a_sum_ref, d_sum_ref, a_ref, c_ref, o_ref):
    y = (jnp.dot(s_ref[...], a_ref[0:D_IN, :])
         + jnp.dot(a_sum_ref[...], a_ref[D_IN:2 * D_IN, :])
         + jnp.dot(d_sum_ref[...], a_ref[2 * D_IN:3 * D_IN, :])
         + c_ref[...])
    y = jnp.where(y >= 0, y, 0.2 * y)
    nrm = jnp.maximum(jnp.sqrt(jnp.sum(y * y, axis=-1, keepdims=True)), 1e-12)
    o_ref[...] = y / nrm


_TC_BLK = 2048


def _tc_dense(m_self, a_sum, d_sum, a, c):
    def whole(shape):
        return pl.BlockSpec(shape, lambda i: tuple(0 for _ in shape))

    row = lambda w: pl.BlockSpec((_TC_BLK, w), lambda i: (i, 0))
    return pl.pallas_call(
        _tc_body,
        grid=(B // _TC_BLK,),
        in_specs=[
            row(D_IN), row(D_IN), row(D_IN),
            whole((3 * D_IN, D_OUT)), whole((1, D_OUT)),
        ],
        out_specs=pl.BlockSpec((_TC_BLK, D_OUT), lambda i: (i, 0)),
        out_shape=jax.ShapeDtypeStruct((B, D_OUT), jnp.float32),
    )(m_self, a_sum, d_sum, a, c)


def kernel(nodes, adj_neighbors, dis_neighbors, table,
           W_agg_adj, b_agg_adj, W_agg_dis, b_agg_dis,
           W_self, W_adj, W_dis, WC, b_WC, bias):
    nodes2 = nodes.astype(jnp.int32)
    adj2 = adj_neighbors.astype(jnp.int32).reshape(-1)
    dis2 = dis_neighbors.astype(jnp.int32).reshape(-1)
    m_self, a_sum, d_sum = _sc_gather(nodes2, adj2, dis2, table)
    a, c = _compose(
        W_agg_adj.T, b_agg_adj.reshape(1, D_IN),
        W_agg_dis.T, b_agg_dis.reshape(1, D_IN),
        W_self.T, W_adj.T, W_dis.T,
        WC.T, (b_WC + bias).reshape(1, D_OUT),
    )
    return _tc_dense(m_self, a_sum, d_sum, a, c)

# --- scband reference (transcript-rebuilt; emitter-appended) ---
"""Pipeline reference for scband-sage-layer-71038759076173 (READ-ONLY COPY).

The authoritative reference and input builder live on the scoring server;
editing this copy changes nothing except your own understanding.
"""

import jax, jax.numpy as jnp
import numpy as np

N_NODES = 100000
D_IN = 128
D_OUT = 384
D3 = D_OUT // 3
B = 16384
K = 16


def setup_inputs(seed: int = 0) -> dict:
    key = jax.random.key(seed)
    ks = jax.random.split(key, 16)
    nodes = jax.random.randint(ks[0], (B,), 0, N_NODES)
    adj_neighbors = jax.random.randint(ks[1], (B, K), 0, N_NODES)
    dis_neighbors = jax.random.randint(ks[2], (B, K), 0, N_NODES)
    table = jax.random.normal(ks[3], (N_NODES, D_IN), dtype=jnp.float32)
    lim = 1.0 / np.sqrt(D_IN)
    W_agg_adj = jax.random.uniform(ks[4], (D_IN, D_IN), minval=-lim, maxval=lim, dtype=jnp.float32)
    b_agg_adj = jax.random.uniform(ks[5], (D_IN,), minval=-lim, maxval=lim, dtype=jnp.float32)
    W_agg_dis = jax.random.uniform(ks[6], (D_IN, D_IN), minval=-lim, maxval=lim, dtype=jnp.float32)
    b_agg_dis = jax.random.uniform(ks[7], (D_IN,), minval=-lim, maxval=lim, dtype=jnp.float32)
    W_self = jax.random.uniform(ks[8], (D3, D_IN), minval=-0.1, maxval=0.1, dtype=jnp.float32)
    W_adj = jax.random.uniform(ks[9], (D3, D_IN), minval=-0.1, maxval=0.1, dtype=jnp.float32)
    W_dis = jax.random.uniform(ks[10], (D3, D_IN), minval=-0.1, maxval=0.1, dtype=jnp.float32)
    WC = jax.random.uniform(ks[11], (D_OUT, D_OUT), minval=-0.1, maxval=0.1, dtype=jnp.float32)
    b_WC = jax.random.uniform(ks[12], (D_OUT,), minval=-0.1, maxval=0.1, dtype=jnp.float32)
    bias = jnp.zeros((D_OUT,), dtype=jnp.float32)
    return {
        'nodes': nodes, 'adj_neighbors': adj_neighbors, 'dis_neighbors': dis_neighbors,
        'table': table, 'W_agg_adj': W_agg_adj, 'b_agg_adj': b_agg_adj,
        'W_agg_dis': W_agg_dis, 'b_agg_dis': b_agg_dis,
        'W_self': W_self, 'W_adj': W_adj, 'W_dis': W_dis,
        'WC': WC, 'b_WC': b_WC, 'bias': bias,
    }


def _mean_agg(table, neigh, W_agg, b_agg):
    # MeanAggregator: embed neighbors, apply Linear W, then row-normalized mean (mask.mm)
    nf = jnp.take(table, neigh, axis=0)              # [B, K, D_IN] gather
    nf = nf @ W_agg.T + b_agg                        # Linear on neighbor embeddings
    return jnp.mean(nf, axis=1)                      # mean over neighbors


def _forward(nodes, adj_neighbors, dis_neighbors, table,
             W_agg_adj, b_agg_adj, W_agg_dis, b_agg_dis,
             W_self, W_adj, W_dis, WC, b_WC, bias):
    self_feats = jnp.take(table, nodes, axis=0)      # id2feat gather [B, D_IN]
    adj_feats = _mean_agg(table, adj_neighbors, W_agg_adj, b_agg_adj)
    dis_feats = _mean_agg(table, dis_neighbors, W_agg_dis, b_agg_dis)
    adj_feats = adj_feats @ W_adj.T                  # no bias
    self_feats = self_feats @ W_self.T               # no bias; dropout inactive in eval
    dis_feats = dis_feats @ W_dis.T                  # no bias
    feats = jnp.concatenate((self_feats, adj_feats, dis_feats), axis=-1)
    feats = feats @ WC.T + b_WC + bias
    feats = jax.nn.leaky_relu(feats, negative_slope=0.2)
    norm = jnp.maximum(jnp.linalg.norm(feats, ord=2, axis=-1, keepdims=True), 1e-12)
    feats = feats / norm
    return feats


def reference(nodes, adj_neighbors, dis_neighbors, table,
              W_agg_adj, b_agg_adj, W_agg_dis, b_agg_dis,
              W_self, W_adj, W_dis, WC, b_WC, bias):
    return _forward(nodes, adj_neighbors, dis_neighbors, table,
                    W_agg_adj, b_agg_adj, W_agg_dis, b_agg_dis,
                    W_self, W_adj, W_dis, WC, b_WC, bias)

if __name__ == "__main__":
    import jax
    _d = setup_inputs()
    print(jax.jit(kernel)(*tuple(_d.values())))

</pallas_src>

<mosaic_0001>
#map = affine_map<(d0, d1) -> (0)>
#map1 = affine_map<(d0, d1) -> (0, 0)>
module attributes {stable_mosaic.version = 14 : i64} {
  func.func @_sc_body(%arg0: i32, %arg1: i32, %arg2: memref<16384xi32, #tpu.memory_space<hbm>>, %arg3: memref<262144xi32, #tpu.memory_space<hbm>>, %arg4: memref<262144xi32, #tpu.memory_space<hbm>>, %arg5: memref<100000x128xf32, #tpu.memory_space<hbm>>, %arg6: memref<16384x128xf32, #tpu.memory_space<hbm>>, %arg7: memref<16384x128xf32, #tpu.memory_space<hbm>>, %arg8: memref<16384x128xf32, #tpu.memory_space<hbm>>, %arg9: memref<8192xi32, #tpu.memory_space<vmem>>, %arg10: memref<8192xi32, #tpu.memory_space<vmem>>, %arg11: memref<512xi32, #tpu.memory_space<vmem>>, %arg12: memref<256x128xf32, #tpu.memory_space<vmem>>, %arg13: memref<256x128xf32, #tpu.memory_space<vmem>>, %arg14: memref<256x128xf32, #tpu.memory_space<vmem>>, %arg15: memref<16x128xf32, #tpu.memory_space<vmem>>, %arg16: memref<16x128xf32, #tpu.memory_space<vmem>>, %arg17: memref<!tpu.dma_semaphore, #tpu.memory_space<semaphore_mem>>, %arg18: memref<!tpu.dma_semaphore, #tpu.memory_space<semaphore_mem>>, %arg19: memref<!tpu.dma_semaphore, #tpu.memory_space<semaphore_mem>>, %arg20: memref<!tpu.dma_semaphore, #tpu.memory_space<semaphore_mem>>, %arg21: memref<!tpu.dma_semaphore, #tpu.memory_space<semaphore_mem>>, %arg22: memref<!tpu.dma_semaphore, #tpu.memory_space<semaphore_mem>>) attributes {dimension_semantics = [#tpu.dimension_semantics<core_parallel>, #tpu.dimension_semantics<subcore_parallel>], iteration_bounds = array<i64: 2, 16>, scalar_prefetch = 0 : i64, scratch_operands = 14 : i64, tpu.core_type = #tpu.core_type<sc_vector_subcore>, window_params = [{transform_indices = #map}, {transform_indices = #map}, {transform_indices = #map}, {transform_indices = #map1}, {transform_indices = #map1}, {transform_indices = #map1}, {transform_indices = #map1}]} {
    %mul3A = arith.constant 2 : i32
    %mul3A_0 = arith.muli %arg1, %mul3A : i32
    %add3A = arith.addi %mul3A_0, %arg0 : i32
    %mul3A_1 = arith.constant 512 : i32
    %mul3A_2 = arith.muli %add3A, %mul3A_1 : i32
    %mul3A_3 = arith.constant 32 : i32
    %mul3A_4 = arith.muli %add3A, %mul3A_3 : i32
    %mul3A_5 = arith.constant 16 : i32
    %mul3A_6 = arith.muli %mul3A_4, %mul3A_5 : i32
    %mul3A_7 = arith.constant 16 : i32
    %mul3A_8 = arith.muli %mul3A_6, %mul3A_7 : i32
    "tpu.region"() ({
      %run_scoped3A = tpu.sem_alloc : memref<!tpu.dma_semaphore, #tpu.memory_space<semaphore_mem>>
      %dma_start3A_76 = tpu.memref_slice %arg3[%mul3A_8] : memref<262144xi32, #tpu.memory_space<hbm>> -> memref<8192xi32, #tpu.memory_space<hbm>>
      %dma_start3A_77 = tpu.memref_slice %arg3[%mul3A_8] : memref<262144xi32, #tpu.memory_space<hbm>> -> memref<8192xi32, #tpu.memory_space<hbm>>
      tpu.enqueue_dma source(%dma_start3A_77 : memref<8192xi32, #tpu.memory_space<hbm>>) target(%arg9 : memref<8192xi32, #tpu.memory_space<vmem>>) target_semaphore(%run_scoped3A : memref<!tpu.dma_semaphore, #tpu.memory_space<semaphore_mem>>)
      %dma_wait3A_78 = tpu.memref_slice %arg3[%mul3A_8] : memref<262144xi32, #tpu.memory_space<hbm>> -> memref<8192xi32, #tpu.memory_space<hbm>>
      %dma_wait3A_79 = tpu.memref_slice %arg3[%mul3A_8] : memref<262144xi32, #tpu.memory_space<hbm>> -> memref<8192xi32, #tpu.memory_space<hbm>>
      tpu.wait_dma2 semaphore(%run_scoped3A : memref<!tpu.dma_semaphore, #tpu.memory_space<semaphore_mem>>) src(%dma_wait3A_79 : memref<8192xi32, #tpu.memory_space<hbm>>) dst(%arg9 : memref<8192xi32, #tpu.memory_space<vmem>>)
      tpu.yield
    }) : () -> ()
    %mul3A_9 = arith.constant 32 : i32
    %mul3A_10 = arith.muli %add3A, %mul3A_9 : i32
    %mul3A_11 = arith.constant 16 : i32
    %mul3A_12 = arith.muli %mul3A_10, %mul3A_11 : i32
    %mul3A_13 = arith.constant 16 : i32
    %mul3A_14 = arith.muli %mul3A_12, %mul3A_13 : i32
    "tpu.region"() ({
      %run_scoped3A = tpu.sem_alloc : memref<!tpu.dma_semaphore, #tpu.memory_space<semaphore_mem>>
      %dma_start3A_76 = tpu.memref_slice %arg4[%mul3A_14] : memref<262144xi32, #tpu.memory_space<hbm>> -> memref<8192xi32, #tpu.memory_space<hbm>>
      %dma_start3A_77 = tpu.memref_slice %arg4[%mul3A_14] : memref<262144xi32, #tpu.memory_space<hbm>> -> memref<8192xi32, #tpu.memory_space<hbm>>
      tpu.enqueue_dma source(%dma_start3A_77 : memref<8192xi32, #tpu.memory_space<hbm>>) target(%arg10 : memref<8192xi32, #tpu.memory_space<vmem>>) target_semaphore(%run_scoped3A : memref<!tpu.dma_semaphore, #tpu.memory_space<semaphore_mem>>)
      %dma_wait3A_78 = tpu.memref_slice %arg4[%mul3A_14] : memref<262144xi32, #tpu.memory_space<hbm>> -> memref<8192xi32, #tpu.memory_space<hbm>>
      %dma_wait3A_79 = tpu.memref_slice %arg4[%mul3A_14] : memref<262144xi32, #tpu.memory_space<hbm>> -> memref<8192xi32, #tpu.memory_space<hbm>>
      tpu.wait_dma2 semaphore(%run_scoped3A : memref<!tpu.dma_semaphore, #tpu.memory_space<semaphore_mem>>) src(%dma_wait3A_79 : memref<8192xi32, #tpu.memory_space<hbm>>) dst(%arg10 : memref<8192xi32, #tpu.memory_space<vmem>>)
      tpu.yield
    }) : () -> ()
    %mul3A_15 = arith.constant 2 : i32
    %mul3A_16 = arith.muli %add3A, %mul3A_15 : i32
    %mul3A_17 = arith.constant 256 : i32
    %mul3A_18 = arith.muli %mul3A_16, %mul3A_17 : i32
    "tpu.region"() ({
      %run_scoped3A = tpu.sem_alloc : memref<!tpu.dma_semaphore, #tpu.memory_space<semaphore_mem>>
      %dma_start3A_76 = tpu.memref_slice %arg2[%mul3A_18] : memref<16384xi32, #tpu.memory_space<hbm>> -> memref<512xi32, #tpu.memory_space<hbm>>
      %dma_start3A_77 = tpu.memref_slice %arg2[%mul3A_18] : memref<16384xi32, #tpu.memory_space<hbm>> -> memref<512xi32, #tpu.memory_space<hbm>>
      tpu.enqueue_dma source(%dma_start3A_77 : memref<512xi32, #tpu.memory_space<hbm>>) target(%arg11 : memref<512xi32, #tpu.memory_space<vmem>>) target_semaphore(%run_scoped3A : memref<!tpu.dma_semaphore, #tpu.memory_space<semaphore_mem>>)
      %dma_wait3A_78 = tpu.memref_slice %arg2[%mul3A_18] : memref<16384xi32, #tpu.memory_space<hbm>> -> memref<512xi32, #tpu.memory_space<hbm>>
      %dma_wait3A_79 = tpu.memref_slice %arg2[%mul3A_18] : memref<16384xi32, #tpu.memory_space<hbm>> -> memref<512xi32, #tpu.memory_space<hbm>>
      tpu.wait_dma2 semaphore(%run_scoped3A : memref<!tpu.dma_semaphore, #tpu.memory_space<semaphore_mem>>) src(%dma_wait3A_79 : memref<512xi32, #tpu.memory_space<hbm>>) dst(%arg11 : memref<512xi32, #tpu.memory_space<vmem>>)
      tpu.yield
    }) : () -> ()
    %dma_start3A = arith.constant 0 : i32
    %dma_start3A_19 = tpu.memref_slice %arg9[%dma_start3A] : memref<8192xi32, #tpu.memory_space<vmem>> -> memref<256xi32, #tpu.memory_space<vmem>>
    %dma_start3A_20 = arith.constant 0 : i32
    %dma_start3A_21 = arith.constant 0 : i32
    %dma_start3A_22 = tpu.memref_slice %arg5[%dma_start3A_20, %dma_start3A_21] : memref<100000x128xf32, #tpu.memory_space<hbm>> -> memref<100000x128xf32, #tpu.memory_space<hbm>>
    tpu.enqueue_indirect_dma source(%dma_start3A_22 : memref<100000x128xf32, #tpu.memory_space<hbm>>) target(%arg12 : memref<256x128xf32, #tpu.memory_space<vmem>>) offsets(%dma_start3A_19 : memref<256xi32, #tpu.memory_space<vmem>>) semaphore(%arg17 : memref<!tpu.dma_semaphore, #tpu.memory_space<semaphore_mem>>)
    %and3A = arith.constant false
    %and3A_23 = arith.constant true
    %and3A_24 = arith.andi %and3A, %and3A_23 : i1
    %convert_element_type3A = arith.extui %and3A_24 : i1 to i32
    %cond3A = arith.constant 0 : i32
    %cond3A_25 = arith.cmpi ne, %convert_element_type3A, %cond3A : i32
    scf.if %cond3A_25 {
      %dma_start3A_76 = arith.constant -8192 : i32
      %dma_start3A_77 = tpu.memref_slice %arg10[%dma_start3A_76] : memref<8192xi32, #tpu.memory_space<vmem>> -> memref<256xi32, #tpu.memory_space<vmem>>
      %dma_start3A_78 = arith.constant 0 : i32
      %dma_start3A_79 = arith.constant 0 : i32
      %dma_start3A_80 = tpu.memref_slice %arg5[%dma_start3A_78, %dma_start3A_79] : memref<100000x128xf32, #tpu.memory_space<hbm>> -> memref<100000x128xf32, #tpu.memory_space<hbm>>
      tpu.enqueue_indirect_dma source(%dma_start3A_80 : memref<100000x128xf32, #tpu.memory_space<hbm>>) target(%arg12 : memref<256x128xf32, #tpu.memory_space<vmem>>) offsets(%dma_start3A_77 : memref<256xi32, #tpu.memory_space<vmem>>) semaphore(%arg17 : memref<!tpu.dma_semaphore, #tpu.memory_space<semaphore_mem>>)
    } else {
    }
    %and3A_26 = arith.constant false
    %and3A_27 = arith.constant true
    %and3A_28 = arith.andi %and3A_26, %and3A_27 : i1
    %convert_element_type3A_29 = arith.extui %and3A_28 : i1 to i32
    %cond3A_30 = arith.constant 0 : i32
    %cond3A_31 = arith.cmpi ne, %convert_element_type3A_29, %cond3A_30 : i32
    scf.if %cond3A_31 {
      %dma_start3A_76 = arith.constant -16384 : i32
      %dma_start3A_77 = tpu.memref_slice %arg11[%dma_start3A_76] : memref<512xi32, #tpu.memory_space<vmem>> -> memref<256xi32, #tpu.memory_space<vmem>>
      %dma_start3A_78 = arith.constant 0 : i32
      %dma_start3A_79 = arith.constant 0 : i32
      %dma_start3A_80 = tpu.memref_slice %arg5[%dma_start3A_78, %dma_start3A_79] : memref<100000x128xf32, #tpu.memory_space<hbm>> -> memref<100000x128xf32, #tpu.memory_space<hbm>>
      tpu.enqueue_indirect_dma source(%dma_start3A_80 : memref<100000x128xf32, #tpu.memory_space<hbm>>) target(%arg12 : memref<256x128xf32, #tpu.memory_space<vmem>>) offsets(%dma_start3A_77 : memref<256xi32, #tpu.memory_space<vmem>>) semaphore(%arg17 : memref<!tpu.dma_semaphore, #tpu.memory_space<semaphore_mem>>)
    } else {
    }
    %dma_start3A_32 = arith.constant 256 : i32
    %dma_start3A_33 = tpu.memref_slice %arg9[%dma_start3A_32] : memref<8192xi32, #tpu.memory_space<vmem>> -> memref<256xi32, #tpu.memory_space<vmem>>
    %dma_start3A_34 = arith.constant 0 : i32
    %dma_start3A_35 = arith.constant 0 : i32
    %dma_start3A_36 = tpu.memref_slice %arg5[%dma_start3A_34, %dma_start3A_35] : memref<100000x128xf32, #tpu.memory_space<hbm>> -> memref<100000x128xf32, #tpu.memory_space<hbm>>
    tpu.enqueue_indirect_dma source(%dma_start3A_36 : memref<100000x128xf32, #tpu.memory_space<hbm>>) target(%arg13 : memref<256x128xf32, #tpu.memory_space<vmem>>) offsets(%dma_start3A_33 : memref<256xi32, #tpu.memory_space<vmem>>) semaphore(%arg18 : memref<!tpu.dma_semaphore, #tpu.memory_space<semaphore_mem>>)
    %and3A_37 = arith.constant false
    %and3A_38 = arith.constant true
    %and3A_39 = arith.andi %and3A_37, %and3A_38 : i1
    %convert_element_type3A_40 = arith.extui %and3A_39 : i1 to i32
    %cond3A_41 = arith.constant 0 : i32
    %cond3A_42 = arith.cmpi ne, %convert_element_type3A_40, %cond3A_41 : i32
    scf.if %cond3A_42 {
      %dma_start3A_76 = arith.constant -7936 : i32
      %dma_start3A_77 = tpu.memref_slice %arg10[%dma_start3A_76] : memref<8192xi32, #tpu.memory_space<vmem>> -> memref<256xi32, #tpu.memory_space<vmem>>
      %dma_start3A_78 = arith.constant 0 : i32
      %dma_start3A_79 = arith.constant 0 : i32
      %dma_start3A_80 = tpu.memref_slice %arg5[%dma_start3A_78, %dma_start3A_79] : memref<100000x128xf32, #tpu.memory_space<hbm>> -> memref<100000x128xf32, #tpu.memory_space<hbm>>
      tpu.enqueue_indirect_dma source(%dma_start3A_80 : memref<100000x128xf32, #tpu.memory_space<hbm>>) target(%arg13 : memref<256x128xf32, #tpu.memory_space<vmem>>) offsets(%dma_start3A_77 : memref<256xi32, #tpu.memory_space<vmem>>) semaphore(%arg18 : memref<!tpu.dma_semaphore, #tpu.memory_space<semaphore_mem>>)
    } else {
    }
    %and3A_43 = arith.constant false
    %and3A_44 = arith.constant true
    %and3A_45 = arith.andi %and3A_43, %and3A_44 : i1
    %convert_element_type3A_46 = arith.extui %and3A_45 : i1 to i32
    %cond3A_47 = arith.constant 0 : i32
    %cond3A_48 = arith.cmpi ne, %convert_element_type3A_46, %cond3A_47 : i32
    scf.if %cond3A_48 {
      %dma_start3A_76 = arith.constant -16128 : i32
      %dma_start3A_77 = tpu.memref_slice %arg11[%dma_start3A_76] : memref<512xi32, #tpu.memory_space<vmem>> -> memref<256xi32, #tpu.memory_space<vmem>>
      %dma_start3A_78 = arith.constant 0 : i32
      %dma_start3A_79 = arith.constant 0 : i32
      %dma_start3A_80 = tpu.memref_slice %arg5[%dma_start3A_78, %dma_start3A_79] : memref<100000x128xf32, #tpu.memory_space<hbm>> -> memref<100000x128xf32, #tpu.memory_space<hbm>>
      tpu.enqueue_indirect_dma source(%dma_start3A_80 : memref<100000x128xf32, #tpu.memory_space<hbm>>) target(%arg13 : memref<256x128xf32, #tpu.memory_space<vmem>>) offsets(%dma_start3A_77 : memref<256xi32, #tpu.memory_space<vmem>>) semaphore(%arg18 : memref<!tpu.dma_semaphore, #tpu.memory_space<semaphore_mem>>)
    } else {
    }
    %scan3A = arith.constant 0 : i32
    %scan3A_49 = arith.constant 22 : i32
    %scan3A_50 = arith.addi %scan3A, %scan3A_49 : i32
    %scan3A_51 = arith.constant 1 : i32
    scf.for %scan3A_76 = %scan3A to %scan3A_50 step %scan3A_51  : i32 {
      %mul3A_77 = arith.constant 3 : i32
      %mul3A_78 = arith.muli %scan3A_76, %mul3A_77 : i32
      %add3A_79 = arith.constant 0 : i32
      %add3A_80 = arith.addi %add3A_79, %mul3A_78 : i32
      %add3A_81 = arith.constant 0 : i32
      %add3A_82 = arith.addi %add3A_80, %add3A_81 : i32
      %add3A_83 = arith.constant 3 : i32
      %add3A_84 = arith.addi %add3A_82, %add3A_83 : i32
      %sub3A = arith.constant 1 : i32
      %sub3A_85 = arith.subi %add3A_84, %sub3A : i32
      %lt3A = arith.constant 32 : i32
      %lt3A_86 = arith.cmpi slt, %sub3A_85, %lt3A : i32
      %convert_element_type3A_87 = arith.extui %lt3A_86 : i1 to i32
      %cond3A_88 = arith.constant 0 : i32
      %cond3A_89 = arith.cmpi ne, %convert_element_type3A_87, %cond3A_88 : i32
      scf.if %cond3A_89 {
        %mul3A_213 = arith.constant 16 : i32
        %mul3A_214 = arith.muli %sub3A_85, %mul3A_213 : i32
        %mul3A_215 = arith.constant 16 : i32
        %mul3A_216 = arith.muli %mul3A_214, %mul3A_215 : i32
        %dma_start3A_217 = tpu.memref_slice %arg9[%mul3A_216] : memref<8192xi32, #tpu.memory_space<vmem>> -> memref<256xi32, #tpu.memory_space<vmem>>
        %dma_start3A_218 = arith.constant 0 : i32
        %dma_start3A_219 = arith.constant 0 : i32
        %dma_start3A_220 = tpu.memref_slice %arg5[%dma_start3A_218, %dma_start3A_219] : memref<100000x128xf32, #tpu.memory_space<hbm>> -> memref<100000x128xf32, #tpu.memory_space<hbm>>
        tpu.enqueue_indirect_dma source(%dma_start3A_220 : memref<100000x128xf32, #tpu.memory_space<hbm>>) target(%arg14 : memref<256x128xf32, #tpu.memory_space<vmem>>) offsets(%dma_start3A_217 : memref<256xi32, #tpu.memory_space<vmem>>) semaphore(%arg19 : memref<!tpu.dma_semaphore, #tpu.memory_space<semaphore_mem>>)
      } else {
      }
      %ge3A = arith.constant 32 : i32
      %ge3A_90 = arith.cmpi sge, %sub3A_85, %ge3A : i32
      %lt3A_91 = arith.constant 64 : i32
      %lt3A_92 = arith.cmpi slt, %sub3A_85, %lt3A_91 : i32
      %and3A_93 = arith.andi %ge3A_90, %lt3A_92 : i1
      %convert_element_type3A_94 = arith.extui %and3A_93 : i1 to i32
      %cond3A_95 = arith.constant 0 : i32
      %cond3A_96 = arith.cmpi ne, %convert_element_type3A_94, %cond3A_95 : i32
      scf.if %cond3A_96 {
        %sub3A_213 = arith.constant 32 : i32
        %sub3A_214 = arith.subi %sub3A_85, %sub3A_213 : i32
        %mul3A_215 = arith.constant 16 : i32
        %mul3A_216 = arith.muli %sub3A_214, %mul3A_215 : i32
        %mul3A_217 = arith.constant 16 : i32
        %mul3A_218 = arith.muli %mul3A_216, %mul3A_217 : i32
        %dma_start3A_219 = tpu.memref_slice %arg10[%mul3A_218] : memref<8192xi32, #tpu.memory_space<vmem>> -> memref<256xi32, #tpu.memory_space<vmem>>
        %dma_start3A_220 = arith.constant 0 : i32
        %dma_start3A_221 = arith.constant 0 : i32
        %dma_start3A_222 = tpu.memref_slice %arg5[%dma_start3A_220, %dma_start3A_221] : memref<100000x128xf32, #tpu.memory_space<hbm>> -> memref<100000x128xf32, #tpu.memory_space<hbm>>
        tpu.enqueue_indirect_dma source(%dma_start3A_222 : memref<100000x128xf32, #tpu.memory_space<hbm>>) target(%arg14 : memref<256x128xf32, #tpu.memory_space<vmem>>) offsets(%dma_start3A_219 : memref<256xi32, #tpu.memory_space<vmem>>) semaphore(%arg19 : memref<!tpu.dma_semaphore, #tpu.memory_space<semaphore_mem>>)
      } else {
      }
      %ge3A_97 = arith.constant 64 : i32
      %ge3A_98 = arith.cmpi sge, %sub3A_85, %ge3A_97 : i32
      %lt3A_99 = arith.constant 66 : i32
      %lt3A_100 = arith.cmpi slt, %sub3A_85, %lt3A_99 : i32
      %and3A_101 = arith.andi %ge3A_98, %lt3A_100 : i1
      %convert_element_type3A_102 = arith.extui %and3A_101 : i1 to i32
      %cond3A_103 = arith.constant 0 : i32
      %cond3A_104 = arith.cmpi ne, %convert_element_type3A_102, %cond3A_103 : i32
      scf.if %cond3A_104 {
        %sub3A_213 = arith.constant 64 : i32
        %sub3A_214 = arith.subi %sub3A_85, %sub3A_213 : i32
        %mul3A_215 = arith.constant 256 : i32
        %mul3A_216 = arith.muli %sub3A_214, %mul3A_215 : i32
        %dma_start3A_217 = tpu.memref_slice %arg11[%mul3A_216] : memref<512xi32, #tpu.memory_space<vmem>> -> memref<256xi32, #tpu.memory_space<vmem>>
        %dma_start3A_218 = arith.constant 0 : i32
        %dma_start3A_219 = arith.constant 0 : i32
        %dma_start3A_220 = tpu.memref_slice %arg5[%dma_start3A_218, %dma_start3A_219] : memref<100000x128xf32, #tpu.memory_space<hbm>> -> memref<100000x128xf32, #tpu.memory_space<hbm>>
        tpu.enqueue_indirect_dma source(%dma_start3A_220 : memref<100000x128xf32, #tpu.memory_space<hbm>>) target(%arg14 : memref<256x128xf32, #tpu.memory_space<vmem>>) offsets(%dma_start3A_217 : memref<256xi32, #tpu.memory_space<vmem>>) semaphore(%arg19 : memref<!tpu.dma_semaphore, #tpu.memory_space<semaphore_mem>>)
      } else {
      }
      %dma_wait3A_105 = arith.constant 0 : i32
      %dma_wait3A_106 = tpu.memref_slice %arg9[%dma_wait3A_105] : memref<8192xi32, #tpu.memory_space<vmem>> -> memref<256xi32, #tpu.memory_space<vmem>>
      %dma_wait3A_107 = arith.constant 0 : i32
      %dma_wait3A_108 = arith.constant 0 : i32
      %dma_wait3A_109 = tpu.memref_slice %arg5[%dma_wait3A_107, %dma_wait3A_108] : memref<100000x128xf32, #tpu.memory_space<hbm>> -> memref<100000x128xf32, #tpu.memory_space<hbm>>
      tpu.wait_indirect_dma semaphore(%arg17 : memref<!tpu.dma_semaphore, #tpu.memory_space<semaphore_mem>>) src(%dma_wait3A_109 : memref<100000x128xf32, #tpu.memory_space<hbm>>) dst(%arg12 : memref<256x128xf32, #tpu.memory_space<vmem>>)
      %lt3A_110 = arith.constant 64 : i32
      %lt3A_111 = arith.cmpi slt, %add3A_82, %lt3A_110 : i32
      %convert_element_type3A_112 = arith.extui %lt3A_111 : i1 to i32
      %cond3A_113 = arith.constant 0 : i32
      %cond3A_114 = arith.cmpi ne, %convert_element_type3A_112, %cond3A_113 : i32
      scf.if %cond3A_114 {
        %ge3A_213 = arith.constant 2 : i32
        %ge3A_214 = arith.cmpi sge, %add3A_82, %ge3A_213 : i32
        %convert_element_type3A_215 = arith.extui %ge3A_214 : i1 to i32
        %cond3A_216 = arith.constant 0 : i32
        %cond3A_217 = arith.cmpi ne, %convert_element_type3A_215, %cond3A_216 : i32
        scf.if %cond3A_217 {
          %dma_wait3A_234 = arith.constant 0 : i32
          %dma_wait3A_235 = arith.constant 0 : i32
          %dma_wait3A_236 = tpu.memref_slice %arg7[%dma_wait3A_234, %dma_wait3A_235] : memref<16384x128xf32, #tpu.memory_space<hbm>> -> memref<16x128xf32, #tpu.memory_space<hbm>>
          %dma_wait3A_237 = arith.constant 0 : i32
          %dma_wait3A_238 = arith.constant 0 : i32
          %dma_wait3A_239 = tpu.memref_slice %arg7[%dma_wait3A_237, %dma_wait3A_238] : memref<16384x128xf32, #tpu.memory_space<hbm>> -> memref<16x128xf32, #tpu.memory_space<hbm>>
          tpu.wait_dma2 semaphore(%arg20 : memref<!tpu.dma_semaphore, #tpu.memory_space<semaphore_mem>>) src(%arg15 : memref<16x128xf32, #tpu.memory_space<vmem>>) dst(%dma_wait3A_239 : memref<16x128xf32, #tpu.memory_space<hbm>>)
        } else {
        }
        %scan3A_218 = arith.constant 0 : i32
        %scan3A_219 = arith.constant 0 : i32
        %scan3A_220 = arith.constant 16 : i32
        %scan3A_221 = arith.addi %scan3A_219, %scan3A_220 : i32
        %scan3A_222 = arith.constant 1 : i32
        scf.for %scan3A_234 = %scan3A_219 to %scan3A_221 step %scan3A_222  : i32 {
          %mul3A_235 = arith.constant 16 : i32
          %mul3A_236 = arith.muli %scan3A_234, %mul3A_235 : i32
          %get3A = arith.index_cast %mul3A_236 : i32 to index
          %get3A_237 = arith.constant 0 : index
          %get3A_238 = tpu.vector_load %arg12[%get3A, %get3A_237] {strides = array<i32>} : memref<256x128xf32, #tpu.memory_space<vmem>>, vector<1x16xf32>,
          %get3A_239 = vector.shape_cast %get3A_238 : vector<1x16xf32> to vector<16xf32>
          %add3A_240 = arith.constant 1 : i32
          %add3A_241 = arith.addi %mul3A_236, %add3A_240 : i32
          %get3A_242 = arith.index_cast %add3A_241 : i32 to index
          %get3A_243 = arith.constant 0 : index
          %get3A_244 = tpu.vector_load %arg12[%get3A_242, %get3A_243] {strides = array<i32>} : memref<256x128xf32, #tpu.memory_space<vmem>>, vector<1x16xf32>,
          %get3A_245 = vector.shape_cast %get3A_244 : vector<1x16xf32> to vector<16xf32>
          %add3A_246 = arith.addf %get3A_239, %get3A_245 : vector<16xf32>
          %add3A_247 = arith.constant 2 : i32
          %add3A_248 = arith.addi %mul3A_236, %add3A_247 : i32
          %get3A_249 = arith.index_cast %add3A_248 : i32 to index
          %get3A_250 = arith.constant 0 : index
          %get3A_251 = tpu.vector_load %arg12[%get3A_249, %get3A_250] {strides = array<i32>} : memref<256x128xf32, #tpu.memory_space<vmem>>, vector<1x16xf32>,
          %get3A_252 = vector.shape_cast %get3A_251 : vector<1x16xf32> to vector<16xf32>
          %add3A_253 = arith.addf %add3A_246, %get3A_252 : vector<16xf32>
          %add3A_254 = arith.constant 3 : i32
          %add3A_255 = arith.addi %mul3A_236, %add3A_254 : i32
          %get3A_256 = arith.index_cast %add3A_255 : i32 to index
          %get3A_257 = arith.constant 0 : index
          %get3A_258 = tpu.vector_load %arg12[%get3A_256, %get3A_257] {strides = array<i32>} : memref<256x128xf32, #tpu.memory_space<vmem>>, vector<1x16xf32>,
          %get3A_259 = vector.shape_cast %get3A_258 : vector<1x16xf32> to vector<16xf32>
          %add3A_260 = arith.addf %add3A_253, %get3A_259 : vector<16xf32>
          %add3A_261 = arith.constant 4 : i32
          %add3A_262 = arith.addi %mul3A_236, %add3A_261 : i32
          %get3A_263 = arith.index_cast %add3A_262 : i32 to index
          %get3A_264 = arith.constant 0 : index
          %get3A_265 = tpu.vector_load %arg12[%get3A_263, %get3A_264] {strides = array<i32>} : memref<256x128xf32, #tpu.memory_space<vmem>>, vector<1x16xf32>,
          %get3A_266 = vector.shape_cast %get3A_265 : vector<1x16xf32> to vector<16xf32>
          %add3A_267 = arith.addf %add3A_260, %get3A_266 : vector<16xf32>
          %add3A_268 = arith.constant 5 : i32
          %add3A_269 = arith.addi %mul3A_236, %add3A_268 : i32
          %get3A_270 = arith.index_cast %add3A_269 : i32 to index
          %get3A_271 = arith.constant 0 : index
          %get3A_272 = tpu.vector_load %arg12[%get3A_270, %get3A_271] {strides = array<i32>} : memref<256x128xf32, #tpu.memory_space<vmem>>, vector<1x16xf32>,
          %get3A_273 = vector.shape_cast %get3A_272 : vector<1x16xf32> to vector<16xf32>
          %add3A_274 = arith.addf %add3A_267, %get3A_273 : vector<16xf32>
          %add3A_275 = arith.constant 6 : i32
          %add3A_276 = arith.addi %mul3A_236, %add3A_275 : i32
          %get3A_277 = arith.index_cast %add3A_276 : i32 to index
          %get3A_278 = arith.constant 0 : index
          %get3A_279 = tpu.vector_load %arg12[%get3A_277, %get3A_278] {strides = array<i32>} : memref<256x128xf32, #tpu.memory_space<vmem>>, vector<1x16xf32>,
          %get3A_280 = vector.shape_cast %get3A_279 : vector<1x16xf32> to vector<16xf32>
          %add3A_281 = arith.addf %add3A_274, %get3A_280 : vector<16xf32>
          %add3A_282 = arith.constant 7 : i32
          %add3A_283 = arith.addi %mul3A_236, %add3A_282 : i32
          %get3A_284 = arith.index_cast %add3A_283 : i32 to index
          %get3A_285 = arith.constant 0 : index
          %get3A_286 = tpu.vector_load %arg12[%get3A_284, %get3A_285] {strides = array<i32>} : memref<256x128xf32, #tpu.memory_space<vmem>>, vector<1x16xf32>,
          %get3A_287 = vector.shape_cast %get3A_286 : vector<1x16xf32> to vector<16xf32>
          %add3A_288 = arith.addf %add3A_281, %get3A_287 : vector<16xf32>
          %add3A_289 = arith.constant 8 : i32
          %add3A_290 = arith.addi %mul3A_236, %add3A_289 : i32
          %get3A_291 = arith.index_cast %add3A_290 : i32 to index
          %get3A_292 = arith.constant 0 : index
          %get3A_293 = tpu.vector_load %arg12[%get3A_291, %get3A_292] {strides = array<i32>} : memref<256x128xf32, #tpu.memory_space<vmem>>, vector<1x16xf32>,
          %get3A_294 = vector.shape_cast %get3A_293 : vector<1x16xf32> to vector<16xf32>
          %add3A_295 = arith.addf %add3A_288, %get3A_294 : vector<16xf32>
          %add3A_296 = arith.constant 9 : i32
          %add3A_297 = arith.addi %mul3A_236, %add3A_296 : i32
          %get3A_298 = arith.index_cast %add3A_297 : i32 to index
          %get3A_299 = arith.constant 0 : index
          %get3A_300 = tpu.vector_load %arg12[%get3A_298, %get3A_299] {strides = array<i32>} : memref<256x128xf32, #tpu.memory_space<vmem>>, vector<1x16xf32>,
          %get3A_301 = vector.shape_cast %get3A_300 : vector<1x16xf32> to vector<16xf32>
          %add3A_302 = arith.addf %add3A_295, %get3A_301 : vector<16xf32>
          %add3A_303 = arith.constant 10 : i32
          %add3A_304 = arith.addi %mul3A_236, %add3A_303 : i32
          %get3A_305 = arith.index_cast %add3A_304 : i32 to index
          %get3A_306 = arith.constant 0 : index
          %get3A_307 = tpu.vector_load %arg12[%get3A_305, %get3A_306] {strides = array<i32>} : memref<256x128xf32, #tpu.memory_space<vmem>>, vector<1x16xf32>,
          %get3A_308 = vector.shape_cast %get3A_307 : vector<1x16xf32> to vector<16xf32>
          %add3A_309 = arith.addf %add3A_302, %get3A_308 : vector<16xf32>
          %add3A_310 = arith.constant 11 : i32
          %add3A_311 = arith.addi %mul3A_236, %add3A_310 : i32
          %get3A_312 = arith.index_cast %add3A_311 : i32 to index
          %get3A_313 = arith.constant 0 : index
          %get3A_314 = tpu.vector_load %arg12[%get3A_312, %get3A_313] {strides = array<i32>} : memref<256x128xf32, #tpu.memory_space<vmem>>, vector<1x16xf32>,
          %get3A_315 = vector.shape_cast %get3A_314 : vector<1x16xf32> to vector<16xf32>
          %add3A_316 = arith.addf %add3A_309, %get3A_315 : vector<16xf32>
          %add3A_317 = arith.constant 12 : i32
          %add3A_318 = arith.addi %mul3A_236, %add3A_317 : i32
          %get3A_319 = arith.index_cast %add3A_318 : i32 to index
          %get3A_320 = arith.constant 0 : index
          %get3A_321 = tpu.vector_load %arg12[%get3A_319, %get3A_320] {strides = array<i32>} : memref<256x128xf32, #tpu.memory_space<vmem>>, vector<1x16xf32>,
          %get3A_322 = vector.shape_cast %get3A_321 : vector<1x16xf32> to vector<16xf32>
          %add3A_323 = arith.addf %add3A_316, %get3A_322 : vector<16xf32>
          %add3A_324 = arith.constant 13 : i32
          %add3A_325 = arith.addi %mul3A_236, %add3A_324 : i32
          %get3A_326 = arith.index_cast %add3A_325 : i32 to index
          %get3A_327 = arith.constant 0 : index
          %get3A_328 = tpu.vector_load %arg12[%get3A_326, %get3A_327] {strides = array<i32>} : memref<256x128xf32, #tpu.memory_space<vmem>>, vector<1x16xf32>,
          %get3A_329 = vector.shape_cast %get3A_328 : vector<1x16xf32> to vector<16xf32>
          %add3A_330 = arith.addf %add3A_323, %get3A_329 : vector<16xf32>
          %add3A_331 = arith.constant 14 : i32
          %add3A_332 = arith.addi %mul3A_236, %add3A_331 : i32
          %get3A_333 = arith.index_cast %add3A_332 : i32 to index
          %get3A_334 = arith.constant 0 : index
          %get3A_335 = tpu.vector_load %arg12[%get3A_333, %get3A_334] {strides = array<i32>} : memref<256x128xf32, #tpu.memory_space<vmem>>, vector<1x16xf32>,
          %get3A_336 = vector.shape_cast %get3A_335 : vector<1x16xf32> to vector<16xf32>
          %add3A_337 = arith.addf %add3A_330, %get3A_336 : vector<16xf32>
          %add3A_338 = arith.constant 15 : i32
          %add3A_339 = arith.addi %mul3A_236, %add3A_338 : i32
          %get3A_340 = arith.index_cast %add3A_339 : i32 to index
          %get3A_341 = arith.constant 0 : index
          %get3A_342 = tpu.vector_load %arg12[%get3A_340, %get3A_341] {strides = array<i32>} : memref<256x128xf32, #tpu.memory_space<vmem>>, vector<1x16xf32>,
          %get3A_343 = vector.shape_cast %get3A_342 : vector<1x16xf32> to vector<16xf32>
          %add3A_344 = arith.addf %add3A_337, %get3A_343 : vector<16xf32>
          %swap3A = arith.index_cast %scan3A_234 : i32 to index
          %swap3A_345 = arith.constant 0 : index
          %swap3A_346 = tpu.vector_load %arg15[%swap3A, %swap3A_345] {strides = array<i32>} : memref<16x128xf32, #tpu.memory_space<vmem>>, vector<1x16xf32>,
          %swap3A_347 = vector.shape_cast %swap3A_346 : vector<1x16xf32> to vector<16xf32>
          %swap3A_348 = vector.shape_cast %add3A_344 : vector<16xf32> to vector<1x16xf32>
          tpu.vector_store %arg15[%swap3A, %swap3A_345], %swap3A_348 {strides = array<i32>} : memref<16x128xf32, #tpu.memory_space<vmem>>, vector<1x16xf32>,
          %get3A_349 = arith.index_cast %mul3A_236 : i32 to index
          %get3A_350 = arith.constant 16 : index
          %get3A_351 = tpu.vector_load %arg12[%get3A_349, %get3A_350] {strides = array<i32>} : memref<256x128xf32, #tpu.memory_space<vmem>>, vector<1x16xf32>,
          %get3A_352 = vector.shape_cast %get3A_351 : vector<1x16xf32> to vector<16xf32>
          %add3A_353 = arith.constant 1 : i32
          %add3A_354 = arith.addi %mul3A_236, %add3A_353 : i32
          %get3A_355 = arith.index_cast %add3A_354 : i32 to index
          %get3A_356 = arith.constant 16 : index
          %get3A_357 = tpu.vector_load %arg12[%get3A_355, %get3A_356] {strides = array<i32>} : memref<256x128xf32, #tpu.memory_space<vmem>>, vector<1x16xf32>,
          %get3A_358 = vector.shape_cast %get3A_357 : vector<1x16xf32> to vector<16xf32>
          %add3A_359 = arith.addf %get3A_352, %get3A_358 : vector<16xf32>
          %add3A_360 = arith.constant 2 : i32
          %add3A_361 = arith.addi %mul3A_236, %add3A_360 : i32
          %get3A_362 = arith.index_cast %add3A_361 : i32 to index
          %get3A_363 = arith.constant 16 : index
          %get3A_364 = tpu.vector_load %arg12[%get3A_362, %get3A_363] {strides = array<i32>} : memref<256x128xf32, #tpu.memory_space<vmem>>, vector<1x16xf32>,
          %get3A_365 = vector.shape_cast %get3A_364 : vector<1x16xf32> to vector<16xf32>
          %add3A_366 = arith.addf %add3A_359, %get3A_365 : vector<16xf32>
          %add3A_367 = arith.constant 3 : i32
          %add3A_368 = arith.addi %mul3A_236, %add3A_367 : i32
          %get3A_369 = arith.index_cast %add3A_368 : i32 to index
          %get3A_370 = arith.constant 16 : index
          %get3A_371 = tpu.vector_load %arg12[%get3A_369, %get3A_370] {strides = array<i32>} : memref<256x128xf32, #tpu.memory_space<vmem>>, vector<1x16xf32>,
          %get3A_372 = vector.shape_cast %get3A_371 : vector<1x16xf32> to vector<16xf32>
          %add3A_373 = arith.addf %add3A_366, %get3A_372 : vector<16xf32>
          %add3A_374 = arith.constant 4 : i32
          %add3A_375 = arith.addi %mul3A_236, %add3A_374 : i32
          %get3A_376 = arith.index_cast %add3A_375 : i32 to index
          %get3A_377 = arith.constant 16 : index
          %get3A_378 = tpu.vector_load %arg12[%get3A_376, %get3A_377] {strides = array<i32>} : memref<256x128xf32, #tpu.memory_space<vmem>>, vector<1x16xf32>,
          %get3A_379 = vector.shape_cast %get3A_378 : vector<1x16xf32> to vector<16xf32>
          %add3A_380 = arith.addf %add3A_373, %get3A_379 : vector<16xf32>
          %add3A_381 = arith.constant 5 : i32
          %add3A_382 = arith.addi %mul3A_236, %add3A_381 : i32
          %get3A_383 = arith.index_cast %add3A_382 : i32 to index
          %get3A_384 = arith.constant 16 : index
          %get3A_385 = tpu.vector_load %arg12[%get3A_383, %get3A_384] {strides = array<i32>} : memref<256x128xf32, #tpu.memory_space<vmem>>, vector<1x16xf32>,
          %get3A_386 = vector.shape_cast %get3A_385 : vector<1x16xf32> to vector<16xf32>
          %add3A_387 = arith.addf %add3A_380, %get3A_386 : vector<16xf32>
          %add3A_388 = arith.constant 6 : i32
          %add3A_389 = arith.addi %mul3A_236, %add3A_388 : i32
          %get3A_390 = arith.index_cast %add3A_389 : i32 to index
          %get3A_391 = arith.constant 16 : index
          %get3A_392 = tpu.vector_load %arg12[%get3A_390, %get3A_391] {strides = array<i32>} : memref<256x128xf32, #tpu.memory_space<vmem>>, vector<1x16xf32>,
          %get3A_393 = vector.shape_cast %get3A_392 : vector<1x16xf32> to vector<16xf32>
          %add3A_394 = arith.addf %add3A_387, %get3A_393 : vector<16xf32>
          %add3A_395 = arith.constant 7 : i32
          %add3A_396 = arith.addi %mul3A_236, %add3A_395 : i32
          %get3A_397 = arith.index_cast %add3A_396 : i32 to index
          %get3A_398 = arith.constant 16 : index
          %get3A_399 = tpu.vector_load %arg12[%get3A_397, %get3A_398] {strides = array<i32>} : memref<256x128xf32, #tpu.memory_space<vmem>>, vector<1x16xf32>,
          %get3A_400 = vector.shape_cast %get3A_399 : vector<1x16xf32> to vector<16xf32>
          %add3A_401 = arith.addf %add3A_394, %get3A_400 : vector<16xf32>
          %add3A_402 = arith.constant 8 : i32
          %add3A_403 = arith.addi %mul3A_236, %add3A_402 : i32
          %get3A_404 = arith.index_cast %add3A_403 : i32 to index
          %get3A_405 = arith.constant 16 : index
          %get3A_406 = tpu.vector_load %arg12[%get3A_404, %get3A_405] {strides = array<i32>} : memref<256x128xf32, #tpu.memory_space<vmem>>, vector<1x16xf32>,
          %get3A_407 = vector.shape_cast %get3A_406 : vector<1x16xf32> to vector<16xf32>
          %add3A_408 = arith.addf %add3A_401, %get3A_407 : vector<16xf32>
          %add3A_409 = arith.constant 9 : i32
          %add3A_410 = arith.addi %mul3A_236, %add3A_409 : i32
          %get3A_411 = arith.index_cast %add3A_410 : i32 to index
          %get3A_412 = arith.constant 16 : index
          %get3A_413 = tpu.vector_load %arg12[%get3A_411, %get3A_412] {strides = array<i32>} : memref<256x128xf32, #tpu.memory_space<vmem>>, vector<1x16xf32>,
          %get3A_414 = vector.shape_cast %get3A_413 : vector<1x16xf32> to vector<16xf32>
          %add3A_415 = arith.addf %add3A_408, %get3A_414 : vector<16xf32>
          %add3A_416 = arith.constant 10 : i32
          %add3A_417 = arith.addi %mul3A_236, %add3A_416 : i32
          %get3A_418 = arith.index_cast %add3A_417 : i32 to index
          %get3A_419 = arith.constant 16 : index
          %get3A_420 = tpu.vector_load %arg12[%get3A_418, %get3A_419] {strides = array<i32>} : memref<256x128xf32, #tpu.memory_space<vmem>>, vector<1x16xf32>,
          %get3A_421 = vector.shape_cast %get3A_420 : vector<1x16xf32> to vector<16xf32>
          %add3A_422 = arith.addf %add3A_415, %get3A_421 : vector<16xf32>
          %add3A_423 = arith.constant 11 : i32
          %add3A_424 = arith.addi %mul3A_236, %add3A_423 : i32
          %get3A_425 = arith.index_cast %add3A_424 : i32 to index
          %get3A_426 = arith.constant 16 : index
          %get3A_427 = tpu.vector_load %arg12[%get3A_425, %get3A_426] {strides = array<i32>} : memref<256x128xf32, #tpu.memory_space<vmem>>, vector<1x16xf32>,
          %get3A_428 = vector.shape_cast %get3A_427 : vector<1x16xf32> to vector<16xf32>
          %add3A_429 = arith.addf %add3A_422, %get3A_428 : vector<16xf32>
          %add3A_430 = arith.constant 12 : i32
          %add3A_431 = arith.addi %mul3A_236, %add3A_430 : i32
          %get3A_432 = arith.index_cast %add3A_431 : i32 to index
          %get3A_433 = arith.constant 16 : index
          %get3A_434 = tpu.vector_load %arg12[%get3A_432, %get3A_433] {strides = array<i32>} : memref<256x128xf32, #tpu.memory_space<vmem>>, vector<1x16xf32>,
          %get3A_435 = vector.shape_cast %get3A_434 : vector<1x16xf32> to vector<16xf32>
          %add3A_436 = arith.addf %add3A_429, %get3A_435 : vector<16xf32>
          %add3A_437 = arith.constant 13 : i32
          %add3A_438 = arith.addi %mul3A_236, %add3A_437 : i32
          %get3A_439 = arith.index_cast %add3A_438 : i32 to index
          %get3A_440 = arith.constant 16 : index
          %get3A_441 = tpu.vector_load %arg12[%get3A_439, %get3A_440] {strides = array<i32>} : memref<256x128xf32, #tpu.memory_space<vmem>>, vector<1x16xf32>,
          %get3A_442 = vector.shape_cast %get3A_441 : vector<1x16xf32> to vector<16xf32>
          %add3A_443 = arith.addf %add3A_436, %get3A_442 : vector<16xf32>
          %add3A_444 = arith.constant 14 : i32
          %add3A_445 = arith.addi %mul3A_236, %add3A_444 : i32
          %get3A_446 = arith.index_cast %add3A_445 : i32 to index
          %get3A_447 = arith.constant 16 : index
          %get3A_448 = tpu.vector_load %arg12[%get3A_446, %get3A_447] {strides = array<i32>} : memref<256x128xf32, #tpu.memory_space<vmem>>, vector<1x16xf32>,
          %get3A_449 = vector.shape_cast %get3A_448 : vector<1x16xf32> to vector<16xf32>
          %add3A_450 = arith.addf %add3A_443, %get3A_449 : vector<16xf32>
          %add3A_451 = arith.constant 15 : i32
          %add3A_452 = arith.addi %mul3A_236, %add3A_451 : i32
          %get3A_453 = arith.index_cast %add3A_452 : i32 to index
          %get3A_454 = arith.constant 16 : index
          %get3A_455 = tpu.vector_load %arg12[%get3A_453, %get3A_454] {strides = array<i32>} : memref<256x128xf32, #tpu.memory_space<vmem>>, vector<1x16xf32>,
          %get3A_456 = vector.shape_cast %get3A_455 : vector<1x16xf32> to vector<16xf32>
          %add3A_457 = arith.addf %add3A_450, %get3A_456 : vector<16xf32>
          %swap3A_458 = arith.index_cast %scan3A_234 : i32 to index
          %swap3A_459 = arith.constant 16 : index
          %swap3A_460 = tpu.vector_load %arg15[%swap3A_458, %swap3A_459] {strides = array<i32>} : memref<16x128xf32, #tpu.memory_space<vmem>>, vector<1x16xf32>,
          %swap3A_461 = vector.shape_cast %swap3A_460 : vector<1x16xf32> to vector<16xf32>
          %swap3A_462 = vector.shape_cast %add3A_457 : vector<16xf32> to vector<1x16xf32>
          tpu.vector_store %arg15[%swap3A_458, %swap3A_459], %swap3A_462 {strides = array<i32>} : memref<16x128xf32, #tpu.memory_space<vmem>>, vector<1x16xf32>,
          %get3A_463 = arith.index_cast %mul3A_236 : i32 to index
          %get3A_464 = arith.constant 32 : index
          %get3A_465 = tpu.vector_load %arg12[%get3A_463, %get3A_464] {strides = array<i32>} : memref<256x128xf32, #tpu.memory_space<vmem>>, vector<1x16xf32>,
          %get3A_466 = vector.shape_cast %get3A_465 : vector<1x16xf32> to vector<16xf32>
          %add3A_467 = arith.constant 1 : i32
          %add3A_468 = arith.addi %mul3A_236, %add3A_467 : i32
          %get3A_469 = arith.index_cast %add3A_468 : i32 to index
          %get3A_470 = arith.constant 32 : index
          %get3A_471 = tpu.vector_load %arg12[%get3A_469, %get3A_470] {strides = array<i32>} : memref<256x128xf32, #tpu.memory_space<vmem>>, vector<1x16xf32>,
          %get3A_472 = vector.shape_cast %get3A_471 : vector<1x16xf32> to vector<16xf32>
          %add3A_473 = arith.addf %get3A_466, %get3A_472 : vector<16xf32>
          %add3A_474 = arith.constant 2 : i32
          %add3A_475 = arith.addi %mul3A_236, %add3A_474 : i32
          %get3A_476 = arith.index_cast %add3A_475 : i32 to index
          %get3A_477 = arith.constant 32 : index
          %get3A_478 = tpu.vector_load %arg12[%get3A_476, %get3A_477] {strides = array<i32>} : memref<256x128xf32, #tpu.memory_space<vmem>>, vector<1x16xf32>,
          %get3A_479 = vector.shape_cast %get3A_478 : vector<1x16xf32> to vector<16xf32>
          %add3A_480 = arith.addf %add3A_473, %get3A_479 : vector<16xf32>
          %add3A_481 = arith.constant 3 : i32
          %add3A_482 = arith.addi %mul3A_236, %add3A_481 : i32
          %get3A_483 = arith.index_cast %add3A_482 : i32 to index
          %get3A_484 = arith.constant 32 : index
          %get3A_485 = tpu.vector_load %arg12[%get3A_483, %get3A_484] {strides = array<i32>} : memref<256x128xf32, #tpu.memory_space<vmem>>, vector<1x16xf32>,
          %get3A_486 = vector.shape_cast %get3A_485 : vector<1x16xf32> to vector<16xf32>
          %add3A_487 = arith.addf %add3A_480, %get3A_486 : vector<16xf32>
          %add3A_488 = arith.constant 4 : i32
          %add3A_489 = arith.addi %mul3A_236, %add3A_488 : i32
          %get3A_490 = arith.index_cast %add3A_489 : i32 to index
          %get3A_491 = arith.constant 32 : index
          %get3A_492 = tpu.vector_load %arg12[%get3A_490, %get3A_491] {strides = array<i32>} : memref<256x128xf32, #tpu.memory_space<vmem>>, vector<1x16xf32>,
          %get3A_493 = vector.shape_cast %get3A_492 : vector<1x16xf32> to vector<16xf32>
          %add3A_494 = arith.addf %add3A_487, %get3A_493 : vector<16xf32>
          %add3A_495 = arith.constant 5 : i32
          %add3A_496 = arith.addi %mul3A_236, %add3A_495 : i32
          %get3A_497 = arith.index_cast %add3A_496 : i32 to index
          %get3A_498 = arith.constant 32 : index
          %get3A_499 = tpu.vector_load %arg12[%get3A_497, %get3A_498] {strides = array<i32>} : memref<256x128xf32, #tpu.memory_space<vmem>>, vector<1x16xf32>,
          %get3A_500 = vector.shape_cast %get3A_499 : vector<1x16xf32> to vector<16xf32>
          %add3A_501 = arith.addf %add3A_494, %get3A_500 : vector<16xf32>
          %add3A_502 = arith.constant 6 : i32
          %add3A_503 = arith.addi %mul3A_236, %add3A_502 : i32
          %get3A_504 = arith.index_cast %add3A_503 : i32 to index
          %get3A_505 = arith.constant 32 : index
          %get3A_506 = tpu.vector_load %arg12[%get3A_504, %get3A_505] {strides = array<i32>} : memref<256x128xf32, #tpu.memory_space<vmem>>, vector<1x16xf32>,
          %get3A_507 = vector.shape_cast %get3A_506 : vector<1x16xf32> to vector<16xf32>
          %add3A_508 = arith.addf %add3A_501, %get3A_507 : vector<16xf32>
          %add3A_509 = arith.constant 7 : i32
          %add3A_510 = arith.addi %mul3A_236, %add3A_509 : i32
          %get3A_511 = arith.index_cast %add3A_510 : i32 to index
          %get3A_512 = arith.constant 32 : index
          %get3A_513 = tpu.vector_load %arg12[%get3A_511, %get3A_512] {strides = array<i32>} : memref<256x128xf32, #tpu.memory_space<vmem>>, vector<1x16xf32>,
          %get3A_514 = vector.shape_cast %get3A_513 : vector<1x16xf32> to vector<16xf32>
          %add3A_515 = arith.addf %add3A_508, %get3A_514 : vector<16xf32>
          %add3A_516 = arith.constant 8 : i32
          %add3A_517 = arith.addi %mul3A_236, %add3A_516 : i32
          %get3A_518 = arith.index_cast %add3A_517 : i32 to index
          %get3A_519 = arith.constant 32 : index
          %get3A_520 = tpu.vector_load %arg12[%get3A_518, %get3A_519] {strides = array<i32>} : memref<256x128xf32, #tpu.memory_space<vmem>>, vector<1x16xf32>,
          %get3A_521 = vector.shape_cast %get3A_520 : vector<1x16xf32> to vector<16xf32>
          %add3A_522 = arith.addf %add3A_515, %get3A_521 : vector<16xf32>
          %add3A_523 = arith.constant 9 : i32
          %add3A_524 = arith.addi %mul3A_236, %add3A_523 : i32
          %get3A_525 = arith.index_cast %add3A_524 : i32 to index
          %get3A_526 = arith.constant 32 : index
          %get3A_527 = tpu.vector_load %arg12[%get3A_525, %get3A_526] {strides = array<i32>} : memref<256x128xf32, #tpu.memory_space<vmem>>, vector<1x16xf32>,
          %get3A_528 = vector.shape_cast %get3A_527 : vector<1x16xf32> to vector<16xf32>
          %add3A_529 = arith.addf %add3A_522, %get3A_528 : vector<16xf32>
          %add3A_530 = arith.constant 10 : i32
          %add3A_531 = arith.addi %mul3A_236, %add3A_530 : i32
          %get3A_532 = arith.index_cast %add3A_531 : i32 to index
          %get3A_533 = arith.constant 32 : index
          %get3A_534 = tpu.vector_load %arg12[%get3A_532, %get3A_533] {strides = array<i32>} : memref<256x128xf32, #tpu.memory_space<vmem>>, vector<1x16xf32>,
          %get3A_535 = vector.shape_cast %get3A_534 : vector<1x16xf32> to vector<16xf32>
          %add3A_536 = arith.addf %add3A_529, %get3A_535 : vector<16xf32>
          %add3A_537 = arith.constant 11 : i32
          %add3A_538 = arith.addi %mul3A_236, %add3A_537 : i32
          %get3A_539 = arith.index_cast %add3A_538 : i32 to index
          %get3A_540 = arith.constant 32 : index
          %get3A_541 = tpu.vector_load %arg12[%get3A_539, %get3A_540] {strides = array<i32>} : memref<256x128xf32, #tpu.memory_space<vmem>>, vector<1x16xf32>,
          %get3A_542 = vector.shape_cast %get3A_541 : vector<1x16xf32> to vector<16xf32>
          %add3A_543 = arith.addf %add3A_536, %get3A_542 : vector<16xf32>
          %add3A_544 = arith.constant 12 : i32
          %add3A_545 = arith.addi %mul3A_236, %add3A_544 : i32
          %get3A_546 = arith.index_cast %add3A_545 : i32 to index
          %get3A_547 = arith.constant 32 : index
          %get3A_548 = tpu.vector_load %arg12[%get3A_546, %get3A_547] {strides = array<i32>} : memref<256x128xf32, #tpu.memory_space<vmem>>, vector<1x16xf32>,
          %get3A_549 = vector.shape_cast %get3A_548 : vector<1x16xf32> to vector<16xf32>
          %add3A_550 = arith.addf %add3A_543, %get3A_549 : vector<16xf32>
          %add3A_551 = arith.constant 13 : i32
          %add3A_552 = arith.addi %mul3A_236, %add3A_551 : i32
          %get3A_553 = arith.index_cast %add3A_552 : i32 to index
          %get3A_554 = arith.constant 32 : index
          %get3A_555 = tpu.vector_load %arg12[%get3A_553, %get3A_554] {strides = array<i32>} : memref<256x128xf32, #tpu.memory_space<vmem>>, vector<1x16xf32>,
          %get3A_556 = vector.shape_cast %get3A_555 : vector<1x16xf32> to vector<16xf32>
          %add3A_557 = arith.addf %add3A_550, %get3A_556 : vector<16xf32>
          %add3A_558 = arith.constant 14 : i32
          %add3A_559 = arith.addi %mul3A_236, %add3A_558 : i32
          %get3A_560 = arith.index_cast %add3A_559 : i32 to index
          %get3A_561 = arith.constant 32 : index
          %get3A_562 = tpu.vector_load %arg12[%get3A_560, %get3A_561] {strides = array<i32>} : memref<256x128xf32, #tpu.memory_space<vmem>>, vector<1x16xf32>,
          %get3A_563 = vector.shape_cast %get3A_562 : vector<1x16xf32> to vector<16xf32>
          %add3A_564 = arith.addf %add3A_557, %get3A_563 : vector<16xf32>
          %add3A_565 = arith.constant 15 : i32
          %add3A_566 = arith.addi %mul3A_236, %add3A_565 : i32
          %get3A_567 = arith.index_cast %add3A_566 : i32 to index
          %get3A_568 = arith.constant 32 : index
          %get3A_569 = tpu.vector_load %arg12[%get3A_567, %get3A_568] {strides = array<i32>} : memref<256x128xf32, #tpu.memory_space<vmem>>, vector<1x16xf32>,
          %get3A_570 = vector.shape_cast %get3A_569 : vector<1x16xf32> to vector<16xf32>
          %add3A_571 = arith.addf %add3A_564, %get3A_570 : vector<16xf32>
          %swap3A_572 = arith.index_cast %scan3A_234 : i32 to index
          %swap3A_573 = arith.constant 32 : index
          %swap3A_574 = tpu.vector_load %arg15[%swap3A_572, %swap3A_573] {strides = array<i32>} : memref<16x128xf32, #tpu.memory_space<vmem>>, vector<1x16xf32>,
          %swap3A_575 = vector.shape_cast %swap3A_574 : vector<1x16xf32> to vector<16xf32>
          %swap3A_576 = vector.shape_cast %add3A_571 : vector<16xf32> to vector<1x16xf32>
          tpu.vector_store %arg15[%swap3A_572, %swap3A_573], %swap3A_576 {strides = array<i32>} : memref<16x128xf32, #tpu.memory_space<vmem>>, vector<1x16xf32>,
          %get3A_577 = arith.index_cast %mul3A_236 : i32 to index
          %get3A_578 = arith.constant 48 : index
          %get3A_579 = tpu.vector_load %arg12[%get3A_577, %get3A_578] {strides = array<i32>} : memref<256x128xf32, #tpu.memory_space<vmem>>, vector<1x16xf32>,
          %get3A_580 = vector.shape_cast %get3A_579 : vector<1x16xf32> to vector<16xf32>
          %add3A_581 = arith.constant 1 : i32
          %add3A_582 = arith.addi %mul3A_236, %add3A_581 : i32
          %get3A_583 = arith.index_cast %add3A_582 : i32 to index
          %get3A_584 = arith.constant 48 : index
          %get3A_585 = tpu.vector_load %arg12[%get3A_583, %get3A_584] {strides = array<i32>} : memref<256x128xf32, #tpu.memory_space<vmem>>, vector<1x16xf32>,
          %get3A_586 = vector.shape_cast %get3A_585 : vector<1x16xf32> to vector<16xf32>
          %add3A_587 = arith.addf %get3A_580, %get3A_586 : vector<16xf32>
          %add3A_588 = arith.constant 2 : i32
          %add3A_589 = arith.addi %mul3A_236, %add3A_588 : i32
          %get3A_590 = arith.index_cast %add3A_589 : i32 to index
          %get3A_591 = arith.constant 48 : index
          %get3A_592 = tpu.vector_load %arg12[%get3A_590, %get3A_591] {strides = array<i32>} : memref<256x128xf32, #tpu.memory_space<vmem>>, vector<1x16xf32>,
          %get3A_593 = vector.shape_cast %get3A_592 : vector<1x16xf32> to vector<16xf32>
          %add3A_594 = arith.addf %add3A_587, %get3A_593 : vector<16xf32>
          %add3A_595 = arith.constant 3 : i32
          %add3A_596 = arith.addi %mul3A_236, %add3A_595 : i32
          %get3A_597 = arith.index_cast %add3A_596 : i32 to index
          %get3A_598 = arith.constant 48 : index
          %get3A_599 = tpu.vector_load %arg12[%get3A_597, %get3A_598] {strides = array<i32>} : memref<256x128xf32, #tpu.memory_space<vmem>>, vector<1x16xf32>,
          %get3A_600 = vector.shape_cast %get3A_599 : vector<1x16xf32> to vector<16xf32>
          %add3A_601 = arith.addf %add3A_594, %get3A_600 : vector<16xf32>
          %add3A_602 = arith.constant 4 : i32
          %add3A_603 = arith.addi %mul3A_236, %add3A_602 : i32
          %get3A_604 = arith.index_cast %add3A_603 : i32 to index
          %get3A_605 = arith.constant 48 : index
          %get3A_606 = tpu.vector_load %arg12[%get3A_604, %get3A_605] {strides = array<i32>} : memref<256x128xf32, #tpu.memory_space<vmem>>, vector<1x16xf32>,
          %get3A_607 = vector.shape_cast %get3A_606 : vector<1x16xf32> to vector<16xf32>
          %add3A_608 = arith.addf %add3A_601, %get3A_607 : vector<16xf32>
          %add3A_609 = arith.constant 5 : i32
          %add3A_610 = arith.addi %mul3A_236, %add3A_609 : i32
          %get3A_611 = arith.index_cast %add3A_610 : i32 to index
          %get3A_612 = arith.constant 48 : index
          %get3A_613 = tpu.vector_load %arg12[%get3A_611, %get3A_612] {strides = array<i32>} : memref<256x128xf32, #tpu.memory_space<vmem>>, vector<1x16xf32>,
          %get3A_614 = vector.shape_cast %get3A_613 : vector<1x16xf32> to vector<16xf32>
          %add3A_615 = arith.addf %add3A_608, %get3A_614 : vector<16xf32>
          %add3A_616 = arith.constant 6 : i32
          %add3A_617 = arith.addi %mul3A_236, %add3A_616 : i32
          %get3A_618 = arith.index_cast %add3A_617 : i32 to index
          %get3A_619 = arith.constant 48 : index
          %get3A_620 = tpu.vector_load %arg12[%get3A_618, %get3A_619] {strides = array<i32>} : memref<256x128xf32, #tpu.memory_space<vmem>>, vector<1x16xf32>,
          %get3A_621 = vector.shape_cast %get3A_620 : vector<1x16xf32> to vector<16xf32>
          %add3A_622 = arith.addf %add3A_615, %get3A_621 : vector<16xf32>
          %add3A_623 = arith.constant 7 : i32
          %add3A_624 = arith.addi %mul3A_236, %add3A_623 : i32
          %get3A_625 = arith.index_cast %add3A_624 : i32 to index
          %get3A_626 = arith.constant 48 : index
          %get3A_627 = tpu.vector_load %arg12[%get3A_625, %get3A_626] {strides = array<i32>} : memref<256x128xf32, #tpu.memory_space<vmem>>, vector<1x16xf32>,
          %get3A_628 = vector.shape_cast %get3A_627 : vector<1x16xf32> to vector<16xf32>
          %add3A_629 = arith.addf %add3A_622, %get3A_628 : vector<16xf32>
          %add3A_630 = arith.constant 8 : i32
          %add3A_631 = arith.addi %mul3A_236, %add3A_630 : i32
          %get3A_632 = arith.index_cast %add3A_631 : i32 to index
          %get3A_633 = arith.constant 48 : index
          %get3A_634 = tpu.vector_load %arg12[%get3A_632, %get3A_633] {strides = array<i32>} : memref<256x128xf32, #tpu.memory_space<vmem>>, vector<1x16xf32>,
          %get3A_635 = vector.shape_cast %get3A_634 : vector<1x16xf32> to vector<16xf32>
          %add3A_636 = arith.addf %add3A_629, %get3A_635 : vector<16xf32>
          %add3A_637 = arith.constant 9 : i32
          %add3A_638 = arith.addi %mul3A_236, %add3A_637 : i32
          %get3A_639 = arith.index_cast %add3A_638 : i32 to index
          %get3A_640 = arith.constant 48 : index
          %get3A_641 = tpu.vector_load %arg12[%get3A_639, %get3A_640] {strides = array<i32>} : memref<256x128xf32, #tpu.memory_space<vmem>>, vector<1x16xf32>,
          %get3A_642 = vector.shape_cast %get3A_641 : vector<1x16xf32> to vector<16xf32>
          %add3A_643 = arith.addf %add3A_636, %get3A_642 : vector<16xf32>
          %add3A_644 = arith.constant 10 : i32
          %add3A_645 = arith.addi %mul3A_236, %add3A_644 : i32
          %get3A_646 = arith.index_cast %add3A_645 : i32 to index
          %get3A_647 = arith.constant 48 : index
          %get3A_648 = tpu.vector_load %arg12[%get3A_646, %get3A_647] {strides = array<i32>} : memref<256x128xf32, #tpu.memory_space<vmem>>, vector<1x16xf32>,
          %get3A_649 = vector.shape_cast %get3A_648 : vector<1x16xf32> to vector<16xf32>
          %add3A_650 = arith.addf %add3A_643, %get3A_649 : vector<16xf32>
          %add3A_651 = arith.constant 11 : i32
          %add3A_652 = arith.addi %mul3A_236, %add3A_651 : i32
          %get3A_653 = arith.index_cast %add3A_652 : i32 to index
          %get3A_654 = arith.constant 48 : index
          %get3A_655 = tpu.vector_load %arg12[%get3A_653, %get3A_654] {strides = array<i32>} : memref<256x128xf32, #tpu.memory_space<vmem>>, vector<1x16xf32>,
          %get3A_656 = vector.shape_cast %get3A_655 : vector<1x16xf32> to vector<16xf32>
          %add3A_657 = arith.addf %add3A_650, %get3A_656 : vector<16xf32>
          %add3A_658 = arith.constant 12 : i32
          %add3A_659 = arith.addi %mul3A_236, %add3A_658 : i32
          %get3A_660 = arith.index_cast %add3A_659 : i32 to index
          %get3A_661 = arith.constant 48 : index
          %get3A_662 = tpu.vector_load %arg12[%get3A_660, %get3A_661] {strides = array<i32>} : memref<256x128xf32, #tpu.memory_space<vmem>>, vector<1x16xf32>,
          %get3A_663 = vector.shape_cast %get3A_662 : vector<1x16xf32> to vector<16xf32>
          %add3A_664 = arith.addf %add3A_657, %get3A_663 : vector<16xf32>
          %add3A_665 = arith.constant 13 : i32
          %add3A_666 = arith.addi %mul3A_236, %add3A_665 : i32
          %get3A_667 = arith.index_cast %add3A_666 : i32 to index
          %get3A_668 = arith.constant 48 : index
          %get3A_669 = tpu.vector_load %arg12[%get3A_667, %get3A_668] {strides = array<i32>} : memref<256x128xf32, #tpu.memory_space<vmem>>, vector<1x16xf32>,
          %get3A_670 = vector.shape_cast %get3A_669 : vector<1x16xf32> to vector<16xf32>
          %add3A_671 = arith.addf %add3A_664, %get3A_670 : vector<16xf32>
          %add3A_672 = arith.constant 14 : i32
          %add3A_673 = arith.addi %mul3A_236, %add3A_672 : i32
          %get3A_674 = arith.index_cast %add3A_673 : i32 to index
          %get3A_675 = arith.constant 48 : index
          %get3A_676 = tpu.vector_load %arg12[%get3A_674, %get3A_675] {strides = array<i32>} : memref<256x128xf32, #tpu.memory_space<vmem>>, vector<1x16xf32>,
          %get3A_677 = vector.shape_cast %get3A_676 : vector<1x16xf32> to vector<16xf32>
          %add3A_678 = arith.addf %add3A_671, %get3A_677 : vector<16xf32>
          %add3A_679 = arith.constant 15 : i32
          %add3A_680 = arith.addi %mul3A_236, %add3A_679 : i32
          %get3A_681 = arith.index_cast %add3A_680 : i32 to index
          %get3A_682 = arith.constant 48 : index
          %get3A_683 = tpu.vector_load %arg12[%get3A_681, %get3A_682] {strides = array<i32>} : memref<256x128xf32, #tpu.memory_space<vmem>>, vector<1x16xf32>,
          %get3A_684 = vector.shape_cast %get3A_683 : vector<1x16xf32> to vector<16xf32>
          %add3A_685 = arith.addf %add3A_678, %get3A_684 : vector<16xf32>
          %swap3A_686 = arith.index_cast %scan3A_234 : i32 to index
          %swap3A_687 = arith.constant 48 : index
          %swap3A_688 = tpu.vector_load %arg15[%swap3A_686, %swap3A_687] {strides = array<i32>} : memref<16x128xf32, #tpu.memory_space<vmem>>, vector<1x16xf32>,
          %swap3A_689 = vector.shape_cast %swap3A_688 : vector<1x16xf32> to vector<16xf32>
          %swap3A_690 = vector.shape_cast %add3A_685 : vector<16xf32> to vector<1x16xf32>
          tpu.vector_store %arg15[%swap3A_686, %swap3A_687], %swap3A_690 {strides = array<i32>} : memref<16x128xf32, #tpu.memory_space<vmem>>, vector<1x16xf32>,
          %get3A_691 = arith.index_cast %mul3A_236 : i32 to index
          %get3A_692 = arith.constant 64 : index
          %get3A_693 = tpu.vector_load %arg12[%get3A_691, %get3A_692] {strides = array<i32>} : memref<256x128xf32, #tpu.memory_space<vmem>>, vector<1x16xf32>,
          %get3A_694 = vector.shape_cast %get3A_693 : vector<1x16xf32> to vector<16xf32>
          %add3A_695 = arith.constant 1 : i32
          %add3A_696 = arith.addi %mul3A_236, %add3A_695 : i32
          %get3A_697 = arith.index_cast %add3A_696 : i32 to index
          %get3A_698 = arith.constant 64 : index
          %get3A_699 = tpu.vector_load %arg12[%get3A_697, %get3A_698] {strides = array<i32>} : memref<256x128xf32, #tpu.memory_space<vmem>>, vector<1x16xf32>,
          %get3A_700 = vector.shape_cast %get3A_699 : vector<1x16xf32> to vector<16xf32>
          %add3A_701 = arith.addf %get3A_694, %get3A_700 : vector<16xf32>
          %add3A_702 = arith.constant 2 : i32
          %add3A_703 = arith.addi %mul3A_236, %add3A_702 : i32
          %get3A_704 = arith.index_cast %add3A_703 : i32 to index
          %get3A_705 = arith.constant 64 : index
          %get3A_706 = tpu.vector_load %arg12[%get3A_704, %get3A_705] {strides = array<i32>} : memref<256x128xf32, #tpu.memory_space<vmem>>, vector<1x16xf32>,
          %get3A_707 = vector.shape_cast %get3A_706 : vector<1x16xf32> to vector<16xf32>
          %add3A_708 = arith.addf %add3A_701, %get3A_707 : vector<16xf32>
          %add3A_709 = arith.constant 3 : i32
          %add3A_710 = arith.addi %mul3A_236, %add3A_709 : i32
          %get3A_711 = arith.index_cast %add3A_710 : i32 to index
          %get3A_712 = arith.constant 64 : index
          %get3A_713 = tpu.vector_load %arg12[%get3A_711, %get3A_712] {strides = array<i32>} : memref<256x128xf32, #tpu.memory_space<vmem>>, vector<1x16xf32>,
          %get3A_714 = vector.shape_cast %get3A_713 : vector<1x16xf32> to vector<16xf32>
          %add3A_715 = arith.addf %add3A_708, %get3A_714 : vector<16xf32>
          %add3A_716 = arith.constant 4 : i32
          %add3A_717 = arith.addi %mul3A_236, %add3A_716 : i32
          %get3A_718 = arith.index_cast %add3A_717 : i32 to index
          %get3A_719 = arith.constant 64 : index
          %get3A_720 = tpu.vector_load %arg12[%get3A_718, %get3A_719] {strides = array<i32>} : memref<256x128xf32, #tpu.memory_space<vmem>>, vector<1x16xf32>,
          %get3A_721 = vector.shape_cast %get3A_720 : vector<1x16xf32> to vector<16xf32>
          %add3A_722 = arith.addf %add3A_715, %get3A_721 : vector<16xf32>
          %add3A_723 = arith.constant 5 : i32
          %add3A_724 = arith.addi %mul3A_236, %add3A_723 : i32
          %get3A_725 = arith.index_cast %add3A_724 : i32 to index
          %get3A_726 = arith.constant 64 : index
          %get3A_727 = tpu.vector_load %arg12[%get3A_725, %get3A_726] {strides = array<i32>} : memref<256x128xf32, #tpu.memory_space<vmem>>, vector<1x16xf32>,
          %get3A_728 = vector.shape_cast %get3A_727 : vector<1x16xf32> to vector<16xf32>
          %add3A_729 = arith.addf %add3A_722, %get3A_728 : vector<16xf32>
          %add3A_730 = arith.constant 6 : i32
          %add3A_731 = arith.addi %mul3A_236, %add3A_730 : i32
          %get3A_732 = arith.index_cast %add3A_731 : i32 to index
          %get3A_733 = arith.constant 64 : index
          %get3A_734 = tpu.vector_load %arg12[%get3A_732, %get3A_733] {strides = array<i32>} : memref<256x128xf32, #tpu.memory_space<vmem>>, vector<1x16xf32>,
          %get3A_735 = vector.shape_cast %get3A_734 : vector<1x16xf32> to vector<16xf32>
          %add3A_736 = arith.addf %add3A_729, %get3A_735 : vector<16xf32>
          %add3A_737 = arith.constant 7 : i32
          %add3A_738 = arith.addi %mul3A_236, %add3A_737 : i32
          %get3A_739 = arith.index_cast %add3A_738 : i32 to index
          %get3A_740 = arith.constant 64 : index
          %get3A_741 = tpu.vector_load %arg12[%get3A_739, %get3A_740] {strides = array<i32>} : memref<256x128xf32, #tpu.memory_space<vmem>>, vector<1x16xf32>,
          %get3A_742 = vector.shape_cast %get3A_741 : vector<1x16xf32> to vector<16xf32>
          %add3A_743 = arith.addf %add3A_736, %get3A_742 : vector<16xf32>
          %add3A_744 = arith.constant 8 : i32
          %add3A_745 = arith.addi %mul3A_236, %add3A_744 : i32
          %get3A_746 = arith.index_cast %add3A_745 : i32 to index
          %get3A_747 = arith.constant 64 : index
          %get3A_748 = tpu.vector_load %arg12[%get3A_746, %get3A_747] {strides = array<i32>} : memref<256x128xf32, #tpu.memory_space<vmem>>, vector<1x16xf32>,
          %get3A_749 = vector.shape_cast %get3A_748 : vector<1x16xf32> to vector<16xf32>
          %add3A_750 = arith.addf %add3A_743, %get3A_749 : vector<16xf32>
          %add3A_751 = arith.constant 9 : i32
          %add3A_752 = arith.addi %mul3A_236, %add3A_751 : i32
          %get3A_753 = arith.index_cast %add3A_752 : i32 to index
          %get3A_754 = arith.constant 64 : index
          %get3A_755 = tpu.vector_load %arg12[%get3A_753, %get3A_754] {strides = array<i32>} : memref<256x128xf32, #tpu.memory_space<vmem>>, vector<1x16xf32>,
          %get3A_756 = vector.shape_cast %get3A_755 : vector<1x16xf32> to vector<16xf32>
          %add3A_757 = arith.addf %add3A_750, %get3A_756 : vector<16xf32>
          %add3A_758 = arith.constant 10 : i32
          %add3A_759 = arith.addi %mul3A_236, %add3A_758 : i32
          %get3A_760 = arith.index_cast %add3A_759 : i32 to index
          %get3A_761 = arith.constant 64 : index
          %get3A_762 = tpu.vector_load %arg12[%get3A_760, %get3A_761] {strides = array<i32>} : memref<256x128xf32, #tpu.memory_space<vmem>>, vector<1x16xf32>,
          %get3A_763 = vector.shape_cast %get3A_762 : vector<1x16xf32> to vector<16xf32>
          %add3A_764 = arith.addf %add3A_757, %get3A_763 : vector<16xf32>
          %add3A_765 = arith.constant 11 : i32
          %add3A_766 = arith.addi %mul3A_236, %add3A_765 : i32
          %get3A_767 = arith.index_cast %add3A_766 : i32 to index
          %get3A_768 = arith.constant 64 : index
          %get3A_769 = tpu.vector_load %arg12[%get3A_767, %get3A_768] {strides = array<i32>} : memref<256x128xf32, #tpu.memory_space<vmem>>, vector<1x16xf32>,
          %get3A_770 = vector.shape_cast %get3A_769 : vector<1x16xf32> to vector<16xf32>
          %add3A_771 = arith.addf %add3A_764, %get3A_770 : vector<16xf32>
          %add3A_772 = arith.constant 12 : i32
          %add3A_773 = arith.addi %mul3A_236, %add3A_772 : i32
          %get3A_774 = arith.index_cast %add3A_773 : i32 to index
          %get3A_775 = arith.constant 64 : index
          %get3A_776 = tpu.vector_load %arg12[%get3A_774, %get3A_775] {strides = array<i32>} : memref<256x128xf32, #tpu.memory_space<vmem>>, vector<1x16xf32>,
          %get3A_777 = vector.shape_cast %get3A_776 : vector<1x16xf32> to vector<16xf32>
          %add3A_778 = arith.addf %add3A_771, %get3A_777 : vector<16xf32>
          %add3A_779 = arith.constant 13 : i32
          %add3A_780 = arith.addi %mul3A_236, %add3A_779 : i32
          %get3A_781 = arith.index_cast %add3A_780 : i32 to index
          %get3A_782 = arith.constant 64 : index
          %get3A_783 = tpu.vector_load %arg12[%get3A_781, %get3A_782] {strides = array<i32>} : memref<256x128xf32, #tpu.memory_space<vmem>>, vector<1x16xf32>,
          %get3A_784 = vector.shape_cast %get3A_783 : vector<1x16xf32> to vector<16xf32>
          %add3A_785 = arith.addf %add3A_778, %get3A_784 : vector<16xf32>
          %add3A_786 = arith.constant 14 : i32
          %add3A_787 = arith.addi %mul3A_236, %add3A_786 : i32
          %get3A_788 = arith.index_cast %add3A_787 : i32 to index
          %get3A_789 = arith.constant 64 : index
          %get3A_790 = tpu.vector_load %arg12[%get3A_788, %get3A_789] {strides = array<i32>} : memref<256x128xf32, #tpu.memory_space<vmem>>, vector<1x16xf32>,
          %get3A_791 = vector.shape_cast %get3A_790 : vector<1x16xf32> to vector<16xf32>
          %add3A_792 = arith.addf %add3A_785, %get3A_791 : vector<16xf32>
          %add3A_793 = arith.constant 15 : i32
          %add3A_794 = arith.addi %mul3A_236, %add3A_793 : i32
          %get3A_795 = arith.index_cast %add3A_794 : i32 to index
          %get3A_796 = arith.constant 64 : index
          %get3A_797 = tpu.vector_load %arg12[%get3A_795, %get3A_796] {strides = array<i32>} : memref<256x128xf32, #tpu.memory_space<vmem>>, vector<1x16xf32>,
          %get3A_798 = vector.shape_cast %get3A_797 : vector<1x16xf32> to vector<16xf32>
          %add3A_799 = arith.addf %add3A_792, %get3A_798 : vector<16xf32>
          %swap3A_800 = arith.index_cast %scan3A_234 : i32 to index
          %swap3A_801 = arith.constant 64 : index
          %swap3A_802 = tpu.vector_load %arg15[%swap3A_800, %swap3A_801] {strides = array<i32>} : memref<16x128xf32, #tpu.memory_space<vmem>>, vector<1x16xf32>,
          %swap3A_803 = vector.shape_cast %swap3A_802 : vector<1x16xf32> to vector<16xf32>
          %swap3A_804 = vector.shape_cast %add3A_799 : vector<16xf32> to vector<1x16xf32>
          tpu.vector_store %arg15[%swap3A_800, %swap3A_801], %swap3A_804 {strides = array<i32>} : memref<16x128xf32, #tpu.memory_space<vmem>>, vector<1x16xf32>,
          %get3A_805 = arith.index_cast %mul3A_236 : i32 to index
          %get3A_806 = arith.constant 80 : index
          %get3A_807 = tpu.vector_load %arg12[%get3A_805, %get3A_806] {strides = array<i32>} : memref<256x128xf32, #tpu.memory_space<vmem>>, vector<1x16xf32>,
          %get3A_808 = vector.shape_cast %get3A_807 : vector<1x16xf32> to vector<16xf32>
          %add3A_809 = arith.constant 1 : i32
          %add3A_810 = arith.addi %mul3A_236, %add3A_809 : i32
          %get3A_811 = arith.index_cast %add3A_810 : i32 to index
          %get3A_812 = arith.constant 80 : index
          %get3A_813 = tpu.vector_load %arg12[%get3A_811, %get3A_812] {strides = array<i32>} : memref<256x128xf32, #tpu.memory_space<vmem>>, vector<1x16xf32>,
          %get3A_814 = vector.shape_cast %get3A_813 : vector<1x16xf32> to vector<16xf32>
          %add3A_815 = arith.addf %get3A_808, %get3A_814 : vector<16xf32>
          %add3A_816 = arith.constant 2 : i32
          %add3A_817 = arith.addi %mul3A_236, %add3A_816 : i32
          %get3A_818 = arith.index_cast %add3A_817 : i32 to index
          %get3A_819 = arith.constant 80 : index
          %get3A_820 = tpu.vector_load %arg12[%get3A_818, %get3A_819] {strides = array<i32>} : memref<256x128xf32, #tpu.memory_space<vmem>>, vector<1x16xf32>,
          %get3A_821 = vector.shape_cast %get3A_820 : vector<1x16xf32> to vector<16xf32>
          %add3A_822 = arith.addf %add3A_815, %get3A_821 : vector<16xf32>
          %add3A_823 = arith.constant 3 : i32
          %add3A_824 = arith.addi %mul3A_236, %add3A_823 : i32
          %get3A_825 = arith.index_cast %add3A_824 : i32 to index
          %get3A_826 = arith.constant 80 : index
          %get3A_827 = tpu.vector_load %arg12[%get3A_825, %get3A_826] {strides = array<i32>} : memref<256x128xf32, #tpu.memory_space<vmem>>, vector<1x16xf32>,
          %get3A_828 = vector.shape_cast %get3A_827 : vector<1x16xf32> to vector<16xf32>
          %add3A_829 = arith.addf %add3A_822, %get3A_828 : vector<16xf32>
          %add3A_830 = arith.constant 4 : i32
          %add3A_831 = arith.addi %mul3A_236, %add3A_830 : i32
          %get3A_832 = arith.index_cast %add3A_831 : i32 to index
          %get3A_833 = arith.constant 80 : index
          %get3A_834 = tpu.vector_load %arg12[%get3A_832, %get3A_833] {strides = array<i32>} : memref<256x128xf32, #tpu.memory_space<vmem>>, vector<1x16xf32>,
          %get3A_835 = vector.shape_cast %get3A_834 : vector<1x16xf32> to vector<16xf32>
          %add3A_836 = arith.addf %add3A_829, %get3A_835 : vector<16xf32>
          %add3A_837 = arith.constant 5 : i32
          %add3A_838 = arith.addi %mul3A_236, %add3A_837 : i32
          %get3A_839 = arith.index_cast %add3A_838 : i32 to index
          %get3A_840 = arith.constant 80 : index
          %get3A_841 = tpu.vector_load %arg12[%get3A_839, %get3A_840] {strides = array<i32>} : memref<256x128xf32, #tpu.memory_space<vmem>>, vector<1x16xf32>,
          %get3A_842 = vector.shape_cast %get3A_841 : vector<1x16xf32> to vector<16xf32>
          %add3A_843 = arith.addf %add3A_836, %get3A_842 : vector<16xf32>
          %add3A_844 = arith.constant 6 : i32
          %add3A_845 = arith.addi %mul3A_236, %add3A_844 : i32
          %get3A_846 = arith.index_cast %add3A_845 : i32 to index
          %get3A_847 = arith.constant 80 : index
          %get3A_848 = tpu.vector_load %arg12[%get3A_846, %get3A_847] {strides = array<i32>} : memref<256x128xf32, #tpu.memory_space<vmem>>, vector<1x16xf32>,
          %get3A_849 = vector.shape_cast %get3A_848 : vector<1x16xf32> to vector<16xf32>
          %add3A_850 = arith.addf %add3A_843, %get3A_849 : vector<16xf32>
          %add3A_851 = arith.constant 7 : i32
          %add3A_852 = arith.addi %mul3A_236, %add3A_851 : i32
          %get3A_853 = arith.index_cast %add3A_852 : i32 to index
          %get3A_854 = arith.constant 80 : index
          %get3A_855 = tpu.vector_load %arg12[%get3A_853, %get3A_854] {strides = array<i32>} : memref<256x128xf32, #tpu.memory_space<vmem>>, vector<1x16xf32>,
          %get3A_856 = vector.shape_cast %get3A_855 : vector<1x16xf32> to vector<16xf32>
          %add3A_857 = arith.addf %add3A_850, %get3A_856 : vector<16xf32>
          %add3A_858 = arith.constant 8 : i32
          %add3A_859 = arith.addi %mul3A_236, %add3A_858 : i32
          %get3A_860 = arith.index_cast %add3A_859 : i32 to index
          %get3A_861 = arith.constant 80 : index
          %get3A_862 = tpu.vector_load %arg12[%get3A_860, %get3A_861] {strides = array<i32>} : memref<256x128xf32, #tpu.memory_space<vmem>>, vector<1x16xf32>,
          %get3A_863 = vector.shape_cast %get3A_862 : vector<1x16xf32> to vector<16xf32>
          %add3A_864 = arith.addf %add3A_857, %get3A_863 : vector<16xf32>
          %add3A_865 = arith.constant 9 : i32
          %add3A_866 = arith.addi %mul3A_236, %add3A_865 : i32
          %get3A_867 = arith.index_cast %add3A_866 : i32 to index
          %get3A_868 = arith.constant 80 : index
          %get3A_869 = tpu.vector_load %arg12[%get3A_867, %get3A_868] {strides = array<i32>} : memref<256x128xf32, #tpu.memory_space<vmem>>, vector<1x16xf32>,
          %get3A_870 = vector.shape_cast %get3A_869 : vector<1x16xf32> to vector<16xf32>
          %add3A_871 = arith.addf %add3A_864, %get3A_870 : vector<16xf32>
          %add3A_872 = arith.constant 10 : i32
          %add3A_873 = arith.addi %mul3A_236, %add3A_872 : i32
          %get3A_874 = arith.index_cast %add3A_873 : i32 to index
          %get3A_875 = arith.constant 80 : index
          %get3A_876 = tpu.vector_load %arg12[%get3A_874, %get3A_875] {strides = array<i32>} : memref<256x128xf32, #tpu.memory_space<vmem>>, vector<1x16xf32>,
          %get3A_877 = vector.shape_cast %get3A_876 : vector<1x16xf32> to vector<16xf32>
          %add3A_878 = arith.addf %add3A_871, %get3A_877 : vector<16xf32>
          %add3A_879 = arith.constant 11 : i32
          %add3A_880 = arith.addi %mul3A_236, %add3A_879 : i32
          %get3A_881 = arith.index_cast %add3A_880 : i32 to index
          %get3A_882 = arith.constant 80 : index
          %get3A_883 = tpu.vector_load %arg12[%get3A_881, %get3A_882] {strides = array<i32>} : memref<256x128xf32, #tpu.memory_space<vmem>>, vector<1x16xf32>,
          %get3A_884 = vector.shape_cast %get3A_883 : vector<1x16xf32> to vector<16xf32>
          %add3A_885 = arith.addf %add3A_878, %get3A_884 : vector<16xf32>
          %add3A_886 = arith.constant 12 : i32
          %add3A_887 = arith.addi %mul3A_236, %add3A_886 : i32
          %get3A_888 = arith.index_cast %add3A_887 : i32 to index
          %get3A_889 = arith.constant 80 : index
          %get3A_890 = tpu.vector_load %arg12[%get3A_888, %get3A_889] {strides = array<i32>} : memref<256x128xf32, #tpu.memory_space<vmem>>, vector<1x16xf32>,
          %get3A_891 = vector.shape_cast %get3A_890 : vector<1x16xf32> to vector<16xf32>
          %add3A_892 = arith.addf %add3A_885, %get3A_891 : vector<16xf32>
          %add3A_893 = arith.constant 13 : i32
          %add3A_894 = arith.addi %mul3A_236, %add3A_893 : i32
          %get3A_895 = arith.index_cast %add3A_894 : i32 to index
          %get3A_896 = arith.constant 80 : index
          %get3A_897 = tpu.vector_load %arg12[%get3A_895, %get3A_896] {strides = array<i32>} : memref<256x128xf32, #tpu.memory_space<vmem>>, vector<1x16xf32>,
          %get3A_898 = vector.shape_cast %get3A_897 : vector<1x16xf32> to vector<16xf32>
          %add3A_899 = arith.addf %add3A_892, %get3A_898 : vector<16xf32>
          %add3A_900 = arith.constant 14 : i32
          %add3A_901 = arith.addi %mul3A_236, %add3A_900 : i32
          %get3A_902 = arith.index_cast %add3A_901 : i32 to index
          %get3A_903 = arith.constant 80 : index
          %get3A_904 = tpu.vector_load %arg12[%get3A_902, %get3A_903] {strides = array<i32>} : memref<256x128xf32, #tpu.memory_space<vmem>>, vector<1x16xf32>,
          %get3A_905 = vector.shape_cast %get3A_904 : vector<1x16xf32> to vector<16xf32>
          %add3A_906 = arith.addf %add3A_899, %get3A_905 : vector<16xf32>
          %add3A_907 = arith.constant 15 : i32
          %add3A_908 = arith.addi %mul3A_236, %add3A_907 : i32
          %get3A_909 = arith.index_cast %add3A_908 : i32 to index
          %get3A_910 = arith.constant 80 : index
          %get3A_911 = tpu.vector_load %arg12[%get3A_909, %get3A_910] {strides = array<i32>} : memref<256x128xf32, #tpu.memory_space<vmem>>, vector<1x16xf32>,
          %get3A_912 = vector.shape_cast %get3A_911 : vector<1x16xf32> to vector<16xf32>
          %add3A_913 = arith.addf %add3A_906, %get3A_912 : vector<16xf32>
          %swap3A_914 = arith.index_cast %scan3A_234 : i32 to index
          %swap3A_915 = arith.constant 80 : index
          %swap3A_916 = tpu.vector_load %arg15[%swap3A_914, %swap3A_915] {strides = array<i32>} : memref<16x128xf32, #tpu.memory_space<vmem>>, vector<1x16xf32>,
          %swap3A_917 = vector.shape_cast %swap3A_916 : vector<1x16xf32> to vector<16xf32>
          %swap3A_918 = vector.shape_cast %add3A_913 : vector<16xf32> to vector<1x16xf32>
          tpu.vector_store %arg15[%swap3A_914, %swap3A_915], %swap3A_918 {strides = array<i32>} : memref<16x128xf32, #tpu.memory_space<vmem>>, vector<1x16xf32>,
          %get3A_919 = arith.index_cast %mul3A_236 : i32 to index
          %get3A_920 = arith.constant 96 : index
          %get3A_921 = tpu.vector_load %arg12[%get3A_919, %get3A_920] {strides = array<i32>} : memref<256x128xf32, #tpu.memory_space<vmem>>, vector<1x16xf32>,
          %get3A_922 = vector.shape_cast %get3A_921 : vector<1x16xf32> to vector<16xf32>
          %add3A_923 = arith.constant 1 : i32
          %add3A_924 = arith.addi %mul3A_236, %add3A_923 : i32
          %get3A_925 = arith.index_cast %add3A_924 : i32 to index
          %get3A_926 = arith.constant 96 : index
          %get3A_927 = tpu.vector_load %arg12[%get3A_925, %get3A_926] {strides = array<i32>} : memref<256x128xf32, #tpu.memory_space<vmem>>, vector<1x16xf32>,
          %get3A_928 = vector.shape_cast %get3A_927 : vector<1x16xf32> to vector<16xf32>
          %add3A_929 = arith.addf %get3A_922, %get3A_928 : vector<16xf32>
          %add3A_930 = arith.constant 2 : i32
          %add3A_931 = arith.addi %mul3A_236, %add3A_930 : i32
          %get3A_932 = arith.index_cast %add3A_931 : i32 to index
          %get3A_933 = arith.constant 96 : index
          %get3A_934 = tpu.vector_load %arg12[%get3A_932, %get3A_933] {strides = array<i32>} : memref<256x128xf32, #tpu.memory_space<vmem>>, vector<1x16xf32>,
          %get3A_935 = vector.shape_cast %get3A_934 : vector<1x16xf32> to vector<16xf32>
          %add3A_936 = arith.addf %add3A_929, %get3A_935 : vector<16xf32>
          %add3A_937 = arith.constant 3 : i32
          %add3A_938 = arith.addi %mul3A_236, %add3A_937 : i32
          %get3A_939 = arith.index_cast %add3A_938 : i32 to index
          %get3A_940 = arith.constant 96 : index
          %get3A_941 = tpu.vector_load %arg12[%get3A_939, %get3A_940] {strides = array<i32>} : memref<256x128xf32, #tpu.memory_space<vmem>>, vector<1x16xf32>,
          %get3A_942 = vector.shape_cast %get3A_941 : vector<1x16xf32> to vector<16xf32>
          %add3A_943 = arith.addf %add3A_936, %get3A_942 : vector<16xf32>
          %add3A_944 = arith.constant 4 : i32
          %add3A_945 = arith.addi %mul3A_236, %add3A_944 : i32
          %get3A_946 = arith.index_cast %add3A_945 : i32 to index
          %get3A_947 = arith.constant 96 : index
          %get3A_948 = tpu.vector_load %arg12[%get3A_946, %get3A_947] {strides = array<i32>} : memref<256x128xf32, #tpu.memory_space<vmem>>, vector<1x16xf32>,
          %get3A_949 = vector.shape_cast %get3A_948 : vector<1x16xf32> to vector<16xf32>
          %add3A_950 = arith.addf %add3A_943, %get3A_949 : vector<16xf32>
          %add3A_951 = arith.constant 5 : i32
          %add3A_952 = arith.addi %mul3A_236, %add3A_951 : i32
          %get3A_953 = arith.index_cast %add3A_952 : i32 to index
          %get3A_954 = arith.constant 96 : index
          %get3A_955 = tpu.vector_load %arg12[%get3A_953, %get3A_954] {strides = array<i32>} : memref<256x128xf32, #tpu.memory_space<vmem>>, vector<1x16xf32>,
          %get3A_956 = vector.shape_cast %get3A_955 : vector<1x16xf32> to vector<16xf32>
          %add3A_957 = arith.addf %add3A_950, %get3A_956 : vector<16xf32>
          %add3A_958 = arith.constant 6 : i32
          %add3A_959 = arith.addi %mul3A_236, %add3A_958 : i32
          %get3A_960 = arith.index_cast %add3A_959 : i32 to index
          %get3A_961 = arith.constant 96 : index
          %get3A_962 = tpu.vector_load %arg12[%get3A_960, %get3A_961] {strides = array<i32>} : memref<256x128xf32, #tpu.memory_space<vmem>>, vector<1x16xf32>,
          %get3A_963 = vector.shape_cast %get3A_962 : vector<1x16xf32> to vector<16xf32>
          %add3A_964 = arith.addf %add3A_957, %get3A_963 : vector<16xf32>
          %add3A_965 = arith.constant 7 : i32
          %add3A_966 = arith.addi %mul3A_236, %add3A_965 : i32
          %get3A_967 = arith.index_cast %add3A_966 : i32 to index
          %get3A_968 = arith.constant 96 : index
          %get3A_969 = tpu.vector_load %arg12[%get3A_967, %get3A_968] {strides = array<i32>} : memref<256x128xf32, #tpu.memory_space<vmem>>, vector<1x16xf32>,
          %get3A_970 = vector.shape_cast %get3A_969 : vector<1x16xf32> to vector<16xf32>
          %add3A_971 = arith.addf %add3A_964, %get3A_970 : vector<16xf32>
          %add3A_972 = arith.constant 8 : i32
          %add3A_973 = arith.addi %mul3A_236, %add3A_972 : i32
          %get3A_974 = arith.index_cast %add3A_973 : i32 to index
          %get3A_975 = arith.constant 96 : index
          %get3A_976 = tpu.vector_load %arg12[%get3A_974, %get3A_975] {strides = array<i32>} : memref<256x128xf32, #tpu.memory_space<vmem>>, vector<1x16xf32>,
          %get3A_977 = vector.shape_cast %get3A_976 : vector<1x16xf32> to vector<16xf32>
          %add3A_978 = arith.addf %add3A_971, %get3A_977 : vector<16xf32>
          %add3A_979 = arith.constant 9 : i32
          %add3A_980 = arith.addi %mul3A_236, %add3A_979 : i32
          %get3A_981 = arith.index_cast %add3A_980 : i32 to index
          %get3A_982 = arith.constant 96 : index
          %get3A_983 = tpu.vector_load %arg12[%get3A_981, %get3A_982] {strides = array<i32>} : memref<256x128xf32, #tpu.memory_space<vmem>>, vector<1x16xf32>,
          %get3A_984 = vector.shape_cast %get3A_983 : vector<1x16xf32> to vector<16xf32>
          %add3A_985 = arith.addf %add3A_978, %get3A_984 : vector<16xf32>
          %add3A_986 = arith.constant 10 : i32
          %add3A_987 = arith.addi %mul3A_236, %add3A_986 : i32
          %get3A_988 = arith.index_cast %add3A_987 : i32 to index
          %get3A_989 = arith.constant 96 : index
          %get3A_990 = tpu.vector_load %arg12[%get3A_988, %get3A_989] {strides = array<i32>} : memref<256x128xf32, #tpu.memory_space<vmem>>, vector<1x16xf32>,
          %get3A_991 = vector.shape_cast %get3A_990 : vector<1x16xf32> to vector<16xf32>
          %add3A_992 = arith.addf %add3A_985, %get3A_991 : vector<16xf32>
          %add3A_993 = arith.constant 11 : i32
          %add3A_994 = arith.addi %mul3A_236, %add3A_993 : i32
          %get3A_995 = arith.index_cast %add3A_994 : i32 to index
          %get3A_996 = arith.constant 96 : index
          %get3A_997 = tpu.vector_load %arg12[%get3A_995, %get3A_996] {strides = array<i32>} : memref<256x128xf32, #tpu.memory_space<vmem>>, vector<1x16xf32>,
          %get3A_998 = vector.shape_cast %get3A_997 : vector<1x16xf32> to vector<16xf32>
          %add3A_999 = arith.addf %add3A_992, %get3A_998 : vector<16xf32>
          %add3A_1000 = arith.constant 12 : i32
          %add3A_1001 = arith.addi %mul3A_236, %add3A_1000 : i32
          %get3A_1002 = arith.index_cast %add3A_1001 : i32 to index
          %get3A_1003 = arith.constant 96 : index
          %get3A_1004 = tpu.vector_load %arg12[%get3A_1002, %get3A_1003] {strides = array<i32>} : memref<256x128xf32, #tpu.memory_space<vmem>>, vector<1x16xf32>,
          %get3A_1005 = vector.shape_cast %get3A_1004 : vector<1x16xf32> to vector<16xf32>
          %add3A_1006 = arith.addf %add3A_999, %get3A_1005 : vector<16xf32>
          %add3A_1007 = arith.constant 13 : i32
          %add3A_1008 = arith.addi %mul3A_236, %add3A_1007 : i32
          %get3A_1009 = arith.index_cast %add3A_1008 : i32 to index
          %get3A_1010 = arith.constant 96 : index
          %get3A_1011 = tpu.vector_load %arg12[%get3A_1009, %get3A_1010] {strides = array<i32>} : memref<256x128xf32, #tpu.memory_space<vmem>>, vector<1x16xf32>,
          %get3A_1012 = vector.shape_cast %get3A_1011 : vector<1x16xf32> to vector<16xf32>
          %add3A_1013 = arith.addf %add3A_1006, %get3A_1012 : vector<16xf32>
          %add3A_1014 = arith.constant 14 : i32
          %add3A_1015 = arith.addi %mul3A_236, %add3A_1014 : i32
          %get3A_1016 = arith.index_cast %add3A_1015 : i32 to index
          %get3A_1017 = arith.constant 96 : index
          %get3A_1018 = tpu.vector_load %arg12[%get3A_1016, %get3A_1017] {strides = array<i32>} : memref<256x128xf32, #tpu.memory_space<vmem>>, vector<1x16xf32>,
          %get3A_1019 = vector.shape_cast %get3A_1018 : vector<1x16xf32> to vector<16xf32>
          %add3A_1020 = arith.addf %add3A_1013, %get3A_1019 : vector<16xf32>
          %add3A_1021 = arith.constant 15 : i32
          %add3A_1022 = arith.addi %mul3A_236, %add3A_1021 : i32
          %get3A_1023 = arith.index_cast %add3A_1022 : i32 to index
          %get3A_1024 = arith.constant 96 : index
          %get3A_1025 = tpu.vector_load %arg12[%get3A_1023, %get3A_1024] {strides = array<i32>} : memref<256x128xf32, #tpu.memory_space<vmem>>, vector<1x16xf32>,
          %get3A_1026 = vector.shape_cast %get3A_1025 : vector<1x16xf32> to vector<16xf32>
          %add3A_1027 = arith.addf %add3A_1020, %get3A_1026 : vector<16xf32>
          %swap3A_1028 = arith.index_cast %scan3A_234 : i32 to index
          %swap3A_1029 = arith.constant 96 : index
          %swap3A_1030 = tpu.vector_load %arg15[%swap3A_1028, %swap3A_1029] {strides = array<i32>} : memref<16x128xf32, #tpu.memory_space<vmem>>, vector<1x16xf32>,
          %swap3A_1031 = vector.shape_cast %swap3A_1030 : vector<1x16xf32> to vector<16xf32>
          %swap3A_1032 = vector.shape_cast %add3A_1027 : vector<16xf32> to vector<1x16xf32>
          tpu.vector_store %arg15[%swap3A_1028, %swap3A_1029], %swap3A_1032 {strides = array<i32>} : memref<16x128xf32, #tpu.memory_space<vmem>>, vector<1x16xf32>,
          %get3A_1033 = arith.index_cast %mul3A_236 : i32 to index
          %get3A_1034 = arith.constant 112 : index
          %get3A_1035 = tpu.vector_load %arg12[%get3A_1033, %get3A_1034] {strides = array<i32>} : memref<256x128xf32, #tpu.memory_space<vmem>>, vector<1x16xf32>,
          %get3A_1036 = vector.shape_cast %get3A_1035 : vector<1x16xf32> to vector<16xf32>
          %add3A_1037 = arith.constant 1 : i32
          %add3A_1038 = arith.addi %mul3A_236, %add3A_1037 : i32
          %get3A_1039 = arith.index_cast %add3A_1038 : i32 to index
          %get3A_1040 = arith.constant 112 : index
          %get3A_1041 = tpu.vector_load %arg12[%get3A_1039, %get3A_1040] {strides = array<i32>} : memref<256x128xf32, #tpu.memory_space<vmem>>, vector<1x16xf32>,
          %get3A_1042 = vector.shape_cast %get3A_1041 : vector<1x16xf32> to vector<16xf32>
          %add3A_1043 = arith.addf %get3A_1036, %get3A_1042 : vector<16xf32>
          %add3A_1044 = arith.constant 2 : i32
          %add3A_1045 = arith.addi %mul3A_236, %add3A_1044 : i32
          %get3A_1046 = arith.index_cast %add3A_1045 : i32 to index
          %get3A_1047 = arith.constant 112 : index
          %get3A_1048 = tpu.vector_load %arg12[%get3A_1046, %get3A_1047] {strides = array<i32>} : memref<256x128xf32, #tpu.memory_space<vmem>>, vector<1x16xf32>,
          %get3A_1049 = vector.shape_cast %get3A_1048 : vector<1x16xf32> to vector<16xf32>
          %add3A_1050 = arith.addf %add3A_1043, %get3A_1049 : vector<16xf32>
          %add3A_1051 = arith.constant 3 : i32
          %add3A_1052 = arith.addi %mul3A_236, %add3A_1051 : i32
          %get3A_1053 = arith.index_cast %add3A_1052 : i32 to index
          %get3A_1054 = arith.constant 112 : index
          %get3A_1055 = tpu.vector_load %arg12[%get3A_1053, %get3A_1054] {strides = array<i32>} : memref<256x128xf32, #tpu.memory_space<vmem>>, vector<1x16xf32>,
          %get3A_1056 = vector.shape_cast %get3A_1055 : vector<1x16xf32> to vector<16xf32>
          %add3A_1057 = arith.addf %add3A_1050, %get3A_1056 : vector<16xf32>
          %add3A_1058 = arith.constant 4 : i32
          %add3A_1059 = arith.addi %mul3A_236, %add3A_1058 : i32
          %get3A_1060 = arith.index_cast %add3A_1059 : i32 to index
          %get3A_1061 = arith.constant 112 : index
          %get3A_1062 = tpu.vector_load %arg12[%get3A_1060, %get3A_1061] {strides = array<i32>} : memref<256x128xf32, #tpu.memory_space<vmem>>, vector<1x16xf32>,
          %get3A_1063 = vector.shape_cast %get3A_1062 : vector<1x16xf32> to vector<16xf32>
          %add3A_1064 = arith.addf %add3A_1057, %get3A_1063 : vector<16xf32>
          %add3A_1065 = arith.constant 5 : i32
          %add3A_1066 = arith.addi %mul3A_236, %add3A_1065 : i32
          %get3A_1067 = arith.index_cast %add3A_1066 : i32 to index
          %get3A_1068 = arith.constant 112 : index
          %get3A_1069 = tpu.vector_load %arg12[%get3A_1067, %get3A_1068] {strides = array<i32>} : memref<256x128xf32, #tpu.memory_space<vmem>>, vector<1x16xf32>,
          %get3A_1070 = vector.shape_cast %get3A_1069 : vector<1x16xf32> to vector<16xf32>
          %add3A_1071 = arith.addf %add3A_1064, %get3A_1070 : vector<16xf32>
          %add3A_1072 = arith.constant 6 : i32
          %add3A_1073 = arith.addi %mul3A_236, %add3A_1072 : i32
          %get3A_1074 = arith.index_cast %add3A_1073 : i32 to index
          %get3A_1075 = arith.constant 112 : index
          %get3A_1076 = tpu.vector_load %arg12[%get3A_1074, %get3A_1075] {strides = array<i32>} : memref<256x128xf32, #tpu.memory_space<vmem>>, vector<1x16xf32>,
          %get3A_1077 = vector.shape_cast %get3A_1076 : vector<1x16xf32> to vector<16xf32>
          %add3A_1078 = arith.addf %add3A_1071, %get3A_1077 : vector<16xf32>
          %add3A_1079 = arith.constant 7 : i32
          %add3A_1080 = arith.addi %mul3A_236, %add3A_1079 : i32
          %get3A_1081 = arith.index_cast %add3A_1080 : i32 to index
          %get3A_1082 = arith.constant 112 : index
          %get3A_1083 = tpu.vector_load %arg12[%get3A_1081, %get3A_1082] {strides = array<i32>} : memref<256x128xf32, #tpu.memory_space<vmem>>, vector<1x16xf32>,
          %get3A_1084 = vector.shape_cast %get3A_1083 : vector<1x16xf32> to vector<16xf32>
          %add3A_1085 = arith.addf %add3A_1078, %get3A_1084 : vector<16xf32>
          %add3A_1086 = arith.constant 8 : i32
          %add3A_1087 = arith.addi %mul3A_236, %add3A_1086 : i32
          %get3A_1088 = arith.index_cast %add3A_1087 : i32 to index
          %get3A_1089 = arith.constant 112 : index
          %get3A_1090 = tpu.vector_load %arg12[%get3A_1088, %get3A_1089] {strides = array<i32>} : memref<256x128xf32, #tpu.memory_space<vmem>>, vector<1x16xf32>,
          %get3A_1091 = vector.shape_cast %get3A_1090 : vector<1x16xf32> to vector<16xf32>
          %add3A_1092 = arith.addf %add3A_1085, %get3A_1091 : vector<16xf32>
          %add3A_1093 = arith.constant 9 : i32
          %add3A_1094 = arith.addi %mul3A_236, %add3A_1093 : i32
          %get3A_1095 = arith.index_cast %add3A_1094 : i32 to index
          %get3A_1096 = arith.constant 112 : index
          %get3A_1097 = tpu.vector_load %arg12[%get3A_1095, %get3A_1096] {strides = array<i32>} : memref<256x128xf32, #tpu.memory_space<vmem>>, vector<1x16xf32>,
          %get3A_1098 = vector.shape_cast %get3A_1097 : vector<1x16xf32> to vector<16xf32>
          %add3A_1099 = arith.addf %add3A_1092, %get3A_1098 : vector<16xf32>
          %add3A_1100 = arith.constant 10 : i32
          %add3A_1101 = arith.addi %mul3A_236, %add3A_1100 : i32
          %get3A_1102 = arith.index_cast %add3A_1101 : i32 to index
          %get3A_1103 = arith.constant 112 : index
          %get3A_1104 = tpu.vector_load %arg12[%get3A_1102, %get3A_1103] {strides = array<i32>} : memref<256x128xf32, #tpu.memory_space<vmem>>, vector<1x16xf32>,
          %get3A_1105 = vector.shape_cast %get3A_1104 : vector<1x16xf32> to vector<16xf32>
          %add3A_1106 = arith.addf %add3A_1099, %get3A_1105 : vector<16xf32>
          %add3A_1107 = arith.constant 11 : i32
          %add3A_1108 = arith.addi %mul3A_236, %add3A_1107 : i32
          %get3A_1109 = arith.index_cast %add3A_1108 : i32 to index
          %get3A_1110 = arith.constant 112 : index
          %get3A_1111 = tpu.vector_load %arg12[%get3A_1109, %get3A_1110] {strides = array<i32>} : memref<256x128xf32, #tpu.memory_space<vmem>>, vector<1x16xf32>,
          %get3A_1112 = vector.shape_cast %get3A_1111 : vector<1x16xf32> to vector<16xf32>
          %add3A_1113 = arith.addf %add3A_1106, %get3A_1112 : vector<16xf32>
          %add3A_1114 = arith.constant 12 : i32
          %add3A_1115 = arith.addi %mul3A_236, %add3A_1114 : i32
          %get3A_1116 = arith.index_cast %add3A_1115 : i32 to index
          %get3A_1117 = arith.constant 112 : index
          %get3A_1118 = tpu.vector_load %arg12[%get3A_1116, %get3A_1117] {strides = array<i32>} : memref<256x128xf32, #tpu.memory_space<vmem>>, vector<1x16xf32>,
          %get3A_1119 = vector.shape_cast %get3A_1118 : vector<1x16xf32> to vector<16xf32>
          %add3A_1120 = arith.addf %add3A_1113, %get3A_1119 : vector<16xf32>
          %add3A_1121 = arith.constant 13 : i32
          %add3A_1122 = arith.addi %mul3A_236, %add3A_1121 : i32
          %get3A_1123 = arith.index_cast %add3A_1122 : i32 to index
          %get3A_1124 = arith.constant 112 : index
          %get3A_1125 = tpu.vector_load %arg12[%get3A_1123, %get3A_1124] {strides = array<i32>} : memref<256x128xf32, #tpu.memory_space<vmem>>, vector<1x16xf32>,
          %get3A_1126 = vector.shape_cast %get3A_1125 : vector<1x16xf32> to vector<16xf32>
          %add3A_1127 = arith.addf %add3A_1120, %get3A_1126 : vector<16xf32>
          %add3A_1128 = arith.constant 14 : i32
          %add3A_1129 = arith.addi %mul3A_236, %add3A_1128 : i32
          %get3A_1130 = arith.index_cast %add3A_1129 : i32 to index
          %get3A_1131 = arith.constant 112 : index
          %get3A_1132 = tpu.vector_load %arg12[%get3A_1130, %get3A_1131] {strides = array<i32>} : memref<256x128xf32, #tpu.memory_space<vmem>>, vector<1x16xf32>,
          %get3A_1133 = vector.shape_cast %get3A_1132 : vector<1x16xf32> to vector<16xf32>
          %add3A_1134 = arith.addf %add3A_1127, %get3A_1133 : vector<16xf32>
          %add3A_1135 = arith.constant 15 : i32
          %add3A_1136 = arith.addi %mul3A_236, %add3A_1135 : i32
          %get3A_1137 = arith.index_cast %add3A_1136 : i32 to index
          %get3A_1138 = arith.constant 112 : index
          %get3A_1139 = tpu.vector_load %arg12[%get3A_1137, %get3A_1138] {strides = array<i32>} : memref<256x128xf32, #tpu.memory_space<vmem>>, vector<1x16xf32>,
          %get3A_1140 = vector.shape_cast %get3A_1139 : vector<1x16xf32> to vector<16xf32>
          %add3A_1141 = arith.addf %add3A_1134, %get3A_1140 : vector<16xf32>
          %swap3A_1142 = arith.index_cast %scan3A_234 : i32 to index
          %swap3A_1143 = arith.constant 112 : index
          %swap3A_1144 = tpu.vector_load %arg15[%swap3A_1142, %swap3A_1143] {strides = array<i32>} : memref<16x128xf32, #tpu.memory_space<vmem>>, vector<1x16xf32>,
          %swap3A_1145 = vector.shape_cast %swap3A_1144 : vector<1x16xf32> to vector<16xf32>
          %swap3A_1146 = vector.shape_cast %add3A_1141 : vector<16xf32> to vector<1x16xf32>
          tpu.vector_store %arg15[%swap3A_1142, %swap3A_1143], %swap3A_1146 {strides = array<i32>} : memref<16x128xf32, #tpu.memory_space<vmem>>, vector<1x16xf32>,
        }
        %scan3A_223 = arith.constant 16 : i32
        %lt3A_224 = arith.constant 32 : i32
        %lt3A_225 = arith.cmpi slt, %add3A_82, %lt3A_224 : i32
        %convert_element_type3A_226 = arith.extui %lt3A_225 : i1 to i32
        %cond3A_227 = arith.constant 0 : i32
        %cond3A_228 = arith.cmpi ne, %convert_element_type3A_226, %cond3A_227 : i32
        scf.if %cond3A_228 {
          %mul3A_234 = arith.constant 16 : i32
          %mul3A_235 = arith.muli %add3A_82, %mul3A_234 : i32
          %add3A_236 = arith.addi %mul3A_2, %mul3A_235 : i32
          %dma_start3A_237 = arith.constant 0 : i32
          %dma_start3A_238 = tpu.memref_slice %arg7[%add3A_236, %dma_start3A_237] : memref<16384x128xf32, #tpu.memory_space<hbm>> -> memref<16x128xf32, #tpu.memory_space<hbm>>
          %dma_start3A_239 = arith.constant 0 : i32
          %dma_start3A_240 = tpu.memref_slice %arg7[%add3A_236, %dma_start3A_239] : memref<16384x128xf32, #tpu.memory_space<hbm>> -> memref<16x128xf32, #tpu.memory_space<hbm>>
          tpu.enqueue_dma source(%arg15 : memref<16x128xf32, #tpu.memory_space<vmem>>) target(%dma_start3A_240 : memref<16x128xf32, #tpu.memory_space<hbm>>) target_semaphore(%arg20 : memref<!tpu.dma_semaphore, #tpu.memory_space<semaphore_mem>>)
        } else {
        }
        %ge3A_229 = arith.constant 32 : i32
        %ge3A_230 = arith.cmpi sge, %add3A_82, %ge3A_229 : i32
        %convert_element_type3A_231 = arith.extui %ge3A_230 : i1 to i32
        %cond3A_232 = arith.constant 0 : i32
        %cond3A_233 = arith.cmpi ne, %convert_element_type3A_231, %cond3A_232 : i32
        scf.if %cond3A_233 {
          %sub3A_234 = arith.constant 32 : i32
          %sub3A_235 = arith.subi %add3A_82, %sub3A_234 : i32
          %mul3A_236 = arith.constant 16 : i32
          %mul3A_237 = arith.muli %sub3A_235, %mul3A_236 : i32
          %add3A_238 = arith.addi %mul3A_2, %mul3A_237 : i32
          %dma_start3A_239 = arith.constant 0 : i32
          %dma_start3A_240 = tpu.memref_slice %arg8[%add3A_238, %dma_start3A_239] : memref<16384x128xf32, #tpu.memory_space<hbm>> -> memref<16x128xf32, #tpu.memory_space<hbm>>
          %dma_start3A_241 = arith.constant 0 : i32
          %dma_start3A_242 = tpu.memref_slice %arg8[%add3A_238, %dma_start3A_241] : memref<16384x128xf32, #tpu.memory_space<hbm>> -> memref<16x128xf32, #tpu.memory_space<hbm>>
          tpu.enqueue_dma source(%arg15 : memref<16x128xf32, #tpu.memory_space<vmem>>) target(%dma_start3A_242 : memref<16x128xf32, #tpu.memory_space<hbm>>) target_semaphore(%arg20 : memref<!tpu.dma_semaphore, #tpu.memory_space<semaphore_mem>>)
        } else {
        }
      } else {
      }
      %ge3A_115 = arith.constant 64 : i32
      %ge3A_116 = arith.cmpi sge, %add3A_82, %ge3A_115 : i32
      %lt3A_117 = arith.constant 66 : i32
      %lt3A_118 = arith.cmpi slt, %add3A_82, %lt3A_117 : i32
      %and3A_119 = arith.andi %ge3A_116, %lt3A_118 : i1
      %convert_element_type3A_120 = arith.extui %and3A_119 : i1 to i32
      %cond3A_121 = arith.constant 0 : i32
      %cond3A_122 = arith.cmpi ne, %convert_element_type3A_120, %cond3A_121 : i32
      scf.if %cond3A_122 {
        %sub3A_213 = arith.constant 64 : i32
        %sub3A_214 = arith.subi %add3A_82, %sub3A_213 : i32
        %mul3A_215 = arith.constant 256 : i32
        %mul3A_216 = arith.muli %sub3A_214, %mul3A_215 : i32
        %add3A_217 = arith.addi %mul3A_2, %mul3A_216 : i32
        %dma_start3A_218 = arith.constant 0 : i32
        %dma_start3A_219 = tpu.memref_slice %arg6[%add3A_217, %dma_start3A_218] : memref<16384x128xf32, #tpu.memory_space<hbm>> -> memref<256x128xf32, #tpu.memory_space<hbm>>
        %dma_start3A_220 = arith.constant 0 : i32
        %dma_start3A_221 = tpu.memref_slice %arg6[%add3A_217, %dma_start3A_220] : memref<16384x128xf32, #tpu.memory_space<hbm>> -> memref<256x128xf32, #tpu.memory_space<hbm>>
        tpu.enqueue_dma source(%arg12 : memref<256x128xf32, #tpu.memory_space<vmem>>) target(%dma_start3A_221 : memref<256x128xf32, #tpu.memory_space<hbm>>) target_semaphore(%arg22 : memref<!tpu.dma_semaphore, #tpu.memory_space<semaphore_mem>>)
      } else {
      }
      %add3A_123 = arith.constant 1 : i32
      %add3A_124 = arith.addi %add3A_80, %add3A_123 : i32
      %add3A_125 = arith.constant 3 : i32
      %add3A_126 = arith.addi %add3A_124, %add3A_125 : i32
      %sub3A_127 = arith.constant 1 : i32
      %sub3A_128 = arith.subi %add3A_126, %sub3A_127 : i32
      %lt3A_129 = arith.constant 32 : i32
      %lt3A_130 = arith.cmpi slt, %sub3A_128, %lt3A_129 : i32
      %convert_element_type3A_131 = arith.extui %lt3A_130 : i1 to i32
      %cond3A_132 = arith.constant 0 : i32
      %cond3A_133 = arith.cmpi ne, %convert_element_type3A_131, %cond3A_132 : i32
      scf.if %cond3A_133 {
        %mul3A_213 = arith.constant 16 : i32
        %mul3A_214 = arith.muli %sub3A_128, %mul3A_213 : i32
        %mul3A_215 = arith.constant 16 : i32
        %mul3A_216 = arith.muli %mul3A_214, %mul3A_215 : i32
        %dma_start3A_217 = tpu.memref_slice %arg9[%mul3A_216] : memref<8192xi32, #tpu.memory_space<vmem>> -> memref<256xi32, #tpu.memory_space<vmem>>
        %dma_start3A_218 = arith.constant 0 : i32
        %dma_start3A_219 = arith.constant 0 : i32
        %dma_start3A_220 = tpu.memref_slice %arg5[%dma_start3A_218, %dma_start3A_219] : memref<100000x128xf32, #tpu.memory_space<hbm>> -> memref<100000x128xf32, #tpu.memory_space<hbm>>
        tpu.enqueue_indirect_dma source(%dma_start3A_220 : memref<100000x128xf32, #tpu.memory_space<hbm>>) target(%arg12 : memref<256x128xf32, #tpu.memory_space<vmem>>) offsets(%dma_start3A_217 : memref<256xi32, #tpu.memory_space<vmem>>) semaphore(%arg17 : memref<!tpu.dma_semaphore, #tpu.memory_space<semaphore_mem>>)
      } else {
      }
      %ge3A_134 = arith.constant 32 : i32
      %ge3A_135 = arith.cmpi sge, %sub3A_128, %ge3A_134 : i32
      %lt3A_136 = arith.constant 64 : i32
      %lt3A_137 = arith.cmpi slt, %sub3A_128, %lt3A_136 : i32
      %and3A_138 = arith.andi %ge3A_135, %lt3A_137 : i1
      %convert_element_type3A_139 = arith.extui %and3A_138 : i1 to i32
      %cond3A_140 = arith.constant 0 : i32
      %cond3A_141 = arith.cmpi ne, %convert_element_type3A_139, %cond3A_140 : i32
      scf.if %cond3A_141 {
        %sub3A_213 = arith.constant 32 : i32
        %sub3A_214 = arith.subi %sub3A_128, %sub3A_213 : i32
        %mul3A_215 = arith.constant 16 : i32
        %mul3A_216 = arith.muli %sub3A_214, %mul3A_215 : i32
        %mul3A_217 = arith.constant 16 : i32
        %mul3A_218 = arith.muli %mul3A_216, %mul3A_217 : i32
        %dma_start3A_219 = tpu.memref_slice %arg10[%mul3A_218] : memref<8192xi32, #tpu.memory_space<vmem>> -> memref<256xi32, #tpu.memory_space<vmem>>
        %dma_start3A_220 = arith.constant 0 : i32
        %dma_start3A_221 = arith.constant 0 : i32
        %dma_start3A_222 = tpu.memref_slice %arg5[%dma_start3A_220, %dma_start3A_221] : memref<100000x128xf32, #tpu.memory_space<hbm>> -> memref<100000x128xf32, #tpu.memory_space<hbm>>
        tpu.enqueue_indirect_dma source(%dma_start3A_222 : memref<100000x128xf32, #tpu.memory_space<hbm>>) target(%arg12 : memref<256x128xf32, #tpu.memory_space<vmem>>) offsets(%dma_start3A_219 : memref<256xi32, #tpu.memory_space<vmem>>) semaphore(%arg17 : memref<!tpu.dma_semaphore, #tpu.memory_space<semaphore_mem>>)
      } else {
      }
      %ge3A_142 = arith.constant 64 : i32
      %ge3A_143 = arith.cmpi sge, %sub3A_128, %ge3A_142 : i32
      %lt3A_144 = arith.constant 66 : i32
      %lt3A_145 = arith.cmpi slt, %sub3A_128, %lt3A_144 : i32
      %and3A_146 = arith.andi %ge3A_143, %lt3A_145 : i1
      %convert_element_type3A_147 = arith.extui %and3A_146 : i1 to i32
      %cond3A_148 = arith.constant 0 : i32
      %cond3A_149 = arith.cmpi ne, %convert_element_type3A_147, %cond3A_148 : i32
      scf.if %cond3A_149 {
        %sub3A_213 = arith.constant 64 : i32
        %sub3A_214 = arith.subi %sub3A_128, %sub3A_213 : i32
        %mul3A_215 = arith.constant 256 : i32
        %mul3A_216 = arith.muli %sub3A_214, %mul3A_215 : i32
        %dma_start3A_217 = tpu.memref_slice %arg11[%mul3A_216] : memref<512xi32, #tpu.memory_space<vmem>> -> memref<256xi32, #tpu.memory_space<vmem>>
        %dma_start3A_218 = arith.constant 0 : i32
        %dma_start3A_219 = arith.constant 0 : i32
        %dma_start3A_220 = tpu.memref_slice %arg5[%dma_start3A_218, %dma_start3A_219] : memref<100000x128xf32, #tpu.memory_space<hbm>> -> memref<100000x128xf32, #tpu.memory_space<hbm>>
        tpu.enqueue_indirect_dma source(%dma_start3A_220 : memref<100000x128xf32, #tpu.memory_space<hbm>>) target(%arg12 : memref<256x128xf32, #tpu.memory_space<vmem>>) offsets(%dma_start3A_217 : memref<256xi32, #tpu.memory_space<vmem>>) semaphore(%arg17 : memref<!tpu.dma_semaphore, #tpu.memory_space<semaphore_mem>>)
      } else {
      }
      %dma_wait3A_150 = arith.constant 0 : i32
      %dma_wait3A_151 = tpu.memref_slice %arg9[%dma_wait3A_150] : memref<8192xi32, #tpu.memory_space<vmem>> -> memref<256xi32, #tpu.memory_space<vmem>>
      %dma_wait3A_152 = arith.constant 0 : i32
      %dma_wait3A_153 = arith.constant 0 : i32
      %dma_wait3A_154 = tpu.memref_slice %arg5[%dma_wait3A_152, %dma_wait3A_153] : memref<100000x128xf32, #tpu.memory_space<hbm>> -> memref<100000x128xf32, #tpu.memory_space<hbm>>
      tpu.wait_indirect_dma semaphore(%arg18 : memref<!tpu.dma_semaphore, #tpu.memory_space<semaphore_mem>>) src(%dma_wait3A_154 : memref<100000x128xf32, #tpu.memory_space<hbm>>) dst(%arg13 : memref<256x128xf32, #tpu.memory_space<vmem>>)
      %lt3A_155 = arith.constant 64 : i32
      %lt3A_156 = arith.cmpi slt, %add3A_124, %lt3A_155 : i32
      %convert_element_type3A_157 = arith.extui %lt3A_156 : i1 to i32
      %cond3A_158 = arith.constant 0 : i32
      %cond3A_159 = arith.cmpi ne, %convert_element_type3A_157, %cond3A_158 : i32
      scf.if %cond3A_159 {
        %ge3A_213 = arith.constant 2 : i32
        %ge3A_214 = arith.cmpi sge, %add3A_124, %ge3A_213 : i32
        %convert_element_type3A_215 = arith.extui %ge3A_214 : i1 to i32
        %cond3A_216 = arith.constant 0 : i32
        %cond3A_217 = arith.cmpi ne, %convert_element_type3A_215, %cond3A_216 : i32
        scf.if %cond3A_217 {
          %dma_wait3A_234 = arith.constant 0 : i32
          %dma_wait3A_235 = arith.constant 0 : i32
          %dma_wait3A_236 = tpu.memref_slice %arg7[%dma_wait3A_234, %dma_wait3A_235] : memref<16384x128xf32, #tpu.memory_space<hbm>> -> memref<16x128xf32, #tpu.memory_space<hbm>>
          %dma_wait3A_237 = arith.constant 0 : i32
          %dma_wait3A_238 = arith.constant 0 : i32
          %dma_wait3A_239 = tpu.memref_slice %arg7[%dma_wait3A_237, %dma_wait3A_238] : memref<16384x128xf32, #tpu.memory_space<hbm>> -> memref<16x128xf32, #tpu.memory_space<hbm>>
          tpu.wait_dma2 semaphore(%arg21 : memref<!tpu.dma_semaphore, #tpu.memory_space<semaphore_mem>>) src(%arg16 : memref<16x128xf32, #tpu.memory_space<vmem>>) dst(%dma_wait3A_239 : memref<16x128xf32, #tpu.memory_space<hbm>>)
        } else {
        }
        %scan3A_218 = arith.constant 0 : i32
        %scan3A_219 = arith.constant 0 : i32
        %scan3A_220 = arith.constant 16 : i32
        %scan3A_221 = arith.addi %scan3A_219, %scan3A_220 : i32
        %scan3A_222 = arith.constant 1 : i32
        scf.for %scan3A_234 = %scan3A_219 to %scan3A_221 step %scan3A_222  : i32 {
          %mul3A_235 = arith.constant 16 : i32
          %mul3A_236 = arith.muli %scan3A_234, %mul3A_235 : i32
          %get3A = arith.index_cast %mul3A_236 : i32 to index
          %get3A_237 = arith.constant 0 : index
          %get3A_238 = tpu.vector_load %arg13[%get3A, %get3A_237] {strides = array<i32>} : memref<256x128xf32, #tpu.memory_space<vmem>>, vector<1x16xf32>,
          %get3A_239 = vector.shape_cast %get3A_238 : vector<1x16xf32> to vector<16xf32>
          %add3A_240 = arith.constant 1 : i32
          %add3A_241 = arith.addi %mul3A_236, %add3A_240 : i32
          %get3A_242 = arith.index_cast %add3A_241 : i32 to index
          %get3A_243 = arith.constant 0 : index
          %get3A_244 = tpu.vector_load %arg13[%get3A_242, %get3A_243] {strides = array<i32>} : memref<256x128xf32, #tpu.memory_space<vmem>>, vector<1x16xf32>,
          %get3A_245 = vector.shape_cast %get3A_244 : vector<1x16xf32> to vector<16xf32>
          %add3A_246 = arith.addf %get3A_239, %get3A_245 : vector<16xf32>
          %add3A_247 = arith.constant 2 : i32
          %add3A_248 = arith.addi %mul3A_236, %add3A_247 : i32
          %get3A_249 = arith.index_cast %add3A_248 : i32 to index
          %get3A_250 = arith.constant 0 : index
          %get3A_251 = tpu.vector_load %arg13[%get3A_249, %get3A_250] {strides = array<i32>} : memref<256x128xf32, #tpu.memory_space<vmem>>, vector<1x16xf32>,
          %get3A_252 = vector.shape_cast %get3A_251 : vector<1x16xf32> to vector<16xf32>
          %add3A_253 = arith.addf %add3A_246, %get3A_252 : vector<16xf32>
          %add3A_254 = arith.constant 3 : i32
          %add3A_255 = arith.addi %mul3A_236, %add3A_254 : i32
          %get3A_256 = arith.index_cast %add3A_255 : i32 to index
          %get3A_257 = arith.constant 0 : index
          %get3A_258 = tpu.vector_load %arg13[%get3A_256, %get3A_257] {strides = array<i32>} : memref<256x128xf32, #tpu.memory_space<vmem>>, vector<1x16xf32>,
          %get3A_259 = vector.shape_cast %get3A_258 : vector<1x16xf32> to vector<16xf32>
          %add3A_260 = arith.addf %add3A_253, %get3A_259 : vector<16xf32>
          %add3A_261 = arith.constant 4 : i32
          %add3A_262 = arith.addi %mul3A_236, %add3A_261 : i32
          %get3A_263 = arith.index_cast %add3A_262 : i32 to index
          %get3A_264 = arith.constant 0 : index
          %get3A_265 = tpu.vector_load %arg13[%get3A_263, %get3A_264] {strides = array<i32>} : memref<256x128xf32, #tpu.memory_space<vmem>>, vector<1x16xf32>,
          %get3A_266 = vector.shape_cast %get3A_265 : vector<1x16xf32> to vector<16xf32>
          %add3A_267 = arith.addf %add3A_260, %get3A_266 : vector<16xf32>
          %add3A_268 = arith.constant 5 : i32
          %add3A_269 = arith.addi %mul3A_236, %add3A_268 : i32
          %get3A_270 = arith.index_cast %add3A_269 : i32 to index
          %get3A_271 = arith.constant 0 : index
          %get3A_272 = tpu.vector_load %arg13[%get3A_270, %get3A_271] {strides = array<i32>} : memref<256x128xf32, #tpu.memory_space<vmem>>, vector<1x16xf32>,
          %get3A_273 = vector.shape_cast %get3A_272 : vector<1x16xf32> to vector<16xf32>
          %add3A_274 = arith.addf %add3A_267, %get3A_273 : vector<16xf32>
          %add3A_275 = arith.constant 6 : i32
          %add3A_276 = arith.addi %mul3A_236, %add3A_275 : i32
          %get3A_277 = arith.index_cast %add3A_276 : i32 to index
          %get3A_278 = arith.constant 0 : index
          %get3A_279 = tpu.vector_load %arg13[%get3A_277, %get3A_278] {strides = array<i32>} : memref<256x128xf32, #tpu.memory_space<vmem>>, vector<1x16xf32>,
          %get3A_280 = vector.shape_cast %get3A_279 : vector<1x16xf32> to vector<16xf32>
          %add3A_281 = arith.addf %add3A_274, %get3A_280 : vector<16xf32>
          %add3A_282 = arith.constant 7 : i32
          %add3A_283 = arith.addi %mul3A_236, %add3A_282 : i32
          %get3A_284 = arith.index_cast %add3A_283 : i32 to index
          %get3A_285 = arith.constant 0 : index
          %get3A_286 = tpu.vector_load %arg13[%get3A_284, %get3A_285] {strides = array<i32>} : memref<256x128xf32, #tpu.memory_space<vmem>>, vector<1x16xf32>,
          %get3A_287 = vector.shape_cast %get3A_286 : vector<1x16xf32> to vector<16xf32>
          %add3A_288 = arith.addf %add3A_281, %get3A_287 : vector<16xf32>
          %add3A_289 = arith.constant 8 : i32
          %add3A_290 = arith.addi %mul3A_236, %add3A_289 : i32
          %get3A_291 = arith.index_cast %add3A_290 : i32 to index
          %get3A_292 = arith.constant 0 : index
          %get3A_293 = tpu.vector_load %arg13[%get3A_291, %get3A_292] {strides = array<i32>} : memref<256x128xf32, #tpu.memory_space<vmem>>, vector<1x16xf32>,
          %get3A_294 = vector.shape_cast %get3A_293 : vector<1x16xf32> to vector<16xf32>
          %add3A_295 = arith.addf %add3A_288, %get3A_294 : vector<16xf32>
          %add3A_296 = arith.constant 9 : i32
          %add3A_297 = arith.addi %mul3A_236, %add3A_296 : i32
          %get3A_298 = arith.index_cast %add3A_297 : i32 to index
          %get3A_299 = arith.constant 0 : index
          %get3A_300 = tpu.vector_load %arg13[%get3A_298, %get3A_299] {strides = array<i32>} : memref<256x128xf32, #tpu.memory_space<vmem>>, vector<1x16xf32>,
          %get3A_301 = vector.shape_cast %get3A_300 : vector<1x16xf32> to vector<16xf32>
          %add3A_302 = arith.addf %add3A_295, %get3A_301 : vector<16xf32>
          %add3A_303 = arith.constant 10 : i32
          %add3A_304 = arith.addi %mul3A_236, %add3A_303 : i32
          %get3A_305 = arith.index_cast %add3A_304 : i32 to index
          %get3A_306 = arith.constant 0 : index
          %get3A_307 = tpu.vector_load %arg13[%get3A_305, %get3A_306] {strides = array<i32>} : memref<256x128xf32, #tpu.memory_space<vmem>>, vector<1x16xf32>,
          %get3A_308 = vector.shape_cast %get3A_307 : vector<1x16xf32> to vector<16xf32>
          %add3A_309 = arith.addf %add3A_302, %get3A_308 : vector<16xf32>
          %add3A_310 = arith.constant 11 : i32
          %add3A_311 = arith.addi %mul3A_236, %add3A_310 : i32
          %get3A_312 = arith.index_cast %add3A_311 : i32 to index
          %get3A_313 = arith.constant 0 : index
          %get3A_314 = tpu.vector_load %arg13[%get3A_312, %get3A_313] {strides = array<i32>} : memref<256x128xf32, #tpu.memory_space<vmem>>, vector<1x16xf32>,
          %get3A_315 = vector.shape_cast %get3A_314 : vector<1x16xf32> to vector<16xf32>
          %add3A_316 = arith.addf %add3A_309, %get3A_315 : vector<16xf32>
          %add3A_317 = arith.constant 12 : i32
          %add3A_318 = arith.addi %mul3A_236, %add3A_317 : i32
          %get3A_319 = arith.index_cast %add3A_318 : i32 to index
          %get3A_320 = arith.constant 0 : index
          %get3A_321 = tpu.vector_load %arg13[%get3A_319, %get3A_320] {strides = array<i32>} : memref<256x128xf32, #tpu.memory_space<vmem>>, vector<1x16xf32>,
          %get3A_322 = vector.shape_cast %get3A_321 : vector<1x16xf32> to vector<16xf32>
          %add3A_323 = arith.addf %add3A_316, %get3A_322 : vector<16xf32>
          %add3A_324 = arith.constant 13 : i32
          %add3A_325 = arith.addi %mul3A_236, %add3A_324 : i32
          %get3A_326 = arith.index_cast %add3A_325 : i32 to index
          %get3A_327 = arith.constant 0 : index
          %get3A_328 = tpu.vector_load %arg13[%get3A_326, %get3A_327] {strides = array<i32>} : memref<256x128xf32, #tpu.memory_space<vmem>>, vector<1x16xf32>,
          %get3A_329 = vector.shape_cast %get3A_328 : vector<1x16xf32> to vector<16xf32>
          %add3A_330 = arith.addf %add3A_323, %get3A_329 : vector<16xf32>
          %add3A_331 = arith.constant 14 : i32
          %add3A_332 = arith.addi %mul3A_236, %add3A_331 : i32
          %get3A_333 = arith.index_cast %add3A_332 : i32 to index
          %get3A_334 = arith.constant 0 : index
          %get3A_335 = tpu.vector_load %arg13[%get3A_333, %get3A_334] {strides = array<i32>} : memref<256x128xf32, #tpu.memory_space<vmem>>, vector<1x16xf32>,
          %get3A_336 = vector.shape_cast %get3A_335 : vector<1x16xf32> to vector<16xf32>
          %add3A_337 = arith.addf %add3A_330, %get3A_336 : vector<16xf32>
          %add3A_338 = arith.constant 15 : i32
          %add3A_339 = arith.addi %mul3A_236, %add3A_338 : i32
          %get3A_340 = arith.index_cast %add3A_339 : i32 to index
          %get3A_341 = arith.constant 0 : index
          %get3A_342 = tpu.vector_load %arg13[%get3A_340, %get3A_341] {strides = array<i32>} : memref<256x128xf32, #tpu.memory_space<vmem>>, vector<1x16xf32>,
          %get3A_343 = vector.shape_cast %get3A_342 : vector<1x16xf32> to vector<16xf32>
          %add3A_344 = arith.addf %add3A_337, %get3A_343 : vector<16xf32>
          %swap3A = arith.index_cast %scan3A_234 : i32 to index
          %swap3A_345 = arith.constant 0 : index
          %swap3A_346 = tpu.vector_load %arg16[%swap3A, %swap3A_345] {strides = array<i32>} : memref<16x128xf32, #tpu.memory_space<vmem>>, vector<1x16xf32>,
          %swap3A_347 = vector.shape_cast %swap3A_346 : vector<1x16xf32> to vector<16xf32>
          %swap3A_348 = vector.shape_cast %add3A_344 : vector<16xf32> to vector<1x16xf32>
          tpu.vector_store %arg16[%swap3A, %swap3A_345], %swap3A_348 {strides = array<i32>} : memref<16x128xf32, #tpu.memory_space<vmem>>, vector<1x16xf32>,
          %get3A_349 = arith.index_cast %mul3A_236 : i32 to index
          %get3A_350 = arith.constant 16 : index
          %get3A_351 = tpu.vector_load %arg13[%get3A_349, %get3A_350] {strides = array<i32>} : memref<256x128xf32, #tpu.memory_space<vmem>>, vector<1x16xf32>,
          %get3A_352 = vector.shape_cast %get3A_351 : vector<1x16xf32> to vector<16xf32>
          %add3A_353 = arith.constant 1 : i32
          %add3A_354 = arith.addi %mul3A_236, %add3A_353 : i32
          %get3A_355 = arith.index_cast %add3A_354 : i32 to index
          %get3A_356 = arith.constant 16 : index
          %get3A_357 = tpu.vector_load %arg13[%get3A_355, %get3A_356] {strides = array<i32>} : memref<256x128xf32, #tpu.memory_space<vmem>>, vector<1x16xf32>,
          %get3A_358 = vector.shape_cast %get3A_357 : vector<1x16xf32> to vector<16xf32>
          %add3A_359 = arith.addf %get3A_352, %get3A_358 : vector<16xf32>
          %add3A_360 = arith.constant 2 : i32
          %add3A_361 = arith.addi %mul3A_236, %add3A_360 : i32
          %get3A_362 = arith.index_cast %add3A_361 : i32 to index
          %get3A_363 = arith.constant 16 : index
          %get3A_364 = tpu.vector_load %arg13[%get3A_362, %get3A_363] {strides = array<i32>} : memref<256x128xf32, #tpu.memory_space<vmem>>, vector<1x16xf32>,
          %get3A_365 = vector.shape_cast %get3A_364 : vector<1x16xf32> to vector<16xf32>
          %add3A_366 = arith.addf %add3A_359, %get3A_365 : vector<16xf32>
          %add3A_367 = arith.constant 3 : i32
          %add3A_368 = arith.addi %mul3A_236, %add3A_367 : i32
          %get3A_369 = arith.index_cast %add3A_368 : i32 to index
          %get3A_370 = arith.constant 16 : index
          %get3A_371 = tpu.vector_load %arg13[%get3A_369, %get3A_370] {strides = array<i32>} : memref<256x128xf32, #tpu.memory_space<vmem>>, vector<1x16xf32>,
          %get3A_372 = vector.shape_cast %get3A_371 : vector<1x16xf32> to vector<16xf32>
          %add3A_373 = arith.addf %add3A_366, %get3A_372 : vector<16xf32>
          %add3A_374 = arith.constant 4 : i32
          %add3A_375 = arith.addi %mul3A_236, %add3A_374 : i32
          %get3A_376 = arith.index_cast %add3A_375 : i32 to index
          %get3A_377 = arith.constant 16 : index
          %get3A_378 = tpu.vector_load %arg13[%get3A_376, %get3A_377] {strides = array<i32>} : memref<256x128xf32, #tpu.memory_space<vmem>>, vector<1x16xf32>,
          %get3A_379 = vector.shape_cast %get3A_378 : vector<1x16xf32> to vector<16xf32>
          %add3A_380 = arith.addf %add3A_373, %get3A_379 : vector<16xf32>
          %add3A_381 = arith.constant 5 : i32
          %add3A_382 = arith.addi %mul3A_236, %add3A_381 : i32
          %get3A_383 = arith.index_cast %add3A_382 : i32 to index
          %get3A_384 = arith.constant 16 : index
          %get3A_385 = tpu.vector_load %arg13[%get3A_383, %get3A_384] {strides = array<i32>} : memref<256x128xf32, #tpu.memory_space<vmem>>, vector<1x16xf32>,
          %get3A_386 = vector.shape_cast %get3A_385 : vector<1x16xf32> to vector<16xf32>
          %add3A_387 = arith.addf %add3A_380, %get3A_386 : vector<16xf32>
          %add3A_388 = arith.constant 6 : i32
          %add3A_389 = arith.addi %mul3A_236, %add3A_388 : i32
          %get3A_390 = arith.index_cast %add3A_389 : i32 to index
          %get3A_391 = arith.constant 16 : index
          %get3A_392 = tpu.vector_load %arg13[%get3A_390, %get3A_391] {strides = array<i32>} : memref<256x128xf32, #tpu.memory_space<vmem>>, vector<1x16xf32>,
          %get3A_393 = vector.shape_cast %get3A_392 : vector<1x16xf32> to vector<16xf32>
          %add3A_394 = arith.addf %add3A_387, %get3A_393 : vector<16xf32>
          %add3A_395 = arith.constant 7 : i32
          %add3A_396 = arith.addi %mul3A_236, %add3A_395 : i32
          %get3A_397 = arith.index_cast %add3A_396 : i32 to index
          %get3A_398 = arith.constant 16 : index
          %get3A_399 = tpu.vector_load %arg13[%get3A_397, %get3A_398] {strides = array<i32>} : memref<256x128xf32, #tpu.memory_space<vmem>>, vector<1x16xf32>,
          %get3A_400 = vector.shape_cast %get3A_399 : vector<1x16xf32> to vector<16xf32>
          %add3A_401 = arith.addf %add3A_394, %get3A_400 : vector<16xf32>
          %add3A_402 = arith.constant 8 : i32
          %add3A_403 = arith.addi %mul3A_236, %add3A_402 : i32
          %get3A_404 = arith.index_cast %add3A_403 : i32 to index
          %get3A_405 = arith.constant 16 : index
          %get3A_406 = tpu.vector_load %arg13[%get3A_404, %get3A_405] {strides = array<i32>} : memref<256x128xf32, #tpu.memory_space<vmem>>, vector<1x16xf32>,
          %get3A_407 = vector.shape_cast %get3A_406 : vector<1x16xf32> to vector<16xf32>
          %add3A_408 = arith.addf %add3A_401, %get3A_407 : vector<16xf32>
          %add3A_409 = arith.constant 9 : i32
          %add3A_410 = arith.addi %mul3A_236, %add3A_409 : i32
          %get3A_411 = arith.index_cast %add3A_410 : i32 to index
          %get3A_412 = arith.constant 16 : index
          %get3A_413 = tpu.vector_load %arg13[%get3A_411, %get3A_412] {strides = array<i32>} : memref<256x128xf32, #tpu.memory_space<vmem>>, vector<1x16xf32>,
          %get3A_414 = vector.shape_cast %get3A_413 : vector<1x16xf32> to vector<16xf32>
          %add3A_415 = arith.addf %add3A_408, %get3A_414 : vector<16xf32>
          %add3A_416 = arith.constant 10 : i32
          %add3A_417 = arith.addi %mul3A_236, %add3A_416 : i32
          %get3A_418 = arith.index_cast %add3A_417 : i32 to index
          %get3A_419 = arith.constant 16 : index
          %get3A_420 = tpu.vector_load %arg13[%get3A_418, %get3A_419] {strides = array<i32>} : memref<256x128xf32, #tpu.memory_space<vmem>>, vector<1x16xf32>,
          %get3A_421 = vector.shape_cast %get3A_420 : vector<1x16xf32> to vector<16xf32>
          %add3A_422 = arith.addf %add3A_415, %get3A_421 : vector<16xf32>
          %add3A_423 = arith.constant 11 : i32
          %add3A_424 = arith.addi %mul3A_236, %add3A_423 : i32
          %get3A_425 = arith.index_cast %add3A_424 : i32 to index
          %get3A_426 = arith.constant 16 : index
          %get3A_427 = tpu.vector_load %arg13[%get3A_425, %get3A_426] {strides = array<i32>} : memref<256x128xf32, #tpu.memory_space<vmem>>, vector<1x16xf32>,
          %get3A_428 = vector.shape_cast %get3A_427 : vector<1x16xf32> to vector<16xf32>
          %add3A_429 = arith.addf %add3A_422, %get3A_428 : vector<16xf32>
          %add3A_430 = arith.constant 12 : i32
          %add3A_431 = arith.addi %mul3A_236, %add3A_430 : i32
          %get3A_432 = arith.index_cast %add3A_431 : i32 to index
          %get3A_433 = arith.constant 16 : index
          %get3A_434 = tpu.vector_load %arg13[%get3A_432, %get3A_433] {strides = array<i32>} : memref<256x128xf32, #tpu.memory_space<vmem>>, vector<1x16xf32>,
          %get3A_435 = vector.shape_cast %get3A_434 : vector<1x16xf32> to vector<16xf32>
          %add3A_436 = arith.addf %add3A_429, %get3A_435 : vector<16xf32>
          %add3A_437 = arith.constant 13 : i32
          %add3A_438 = arith.addi %mul3A_236, %add3A_437 : i32
          %get3A_439 = arith.index_cast %add3A_438 : i32 to index
          %get3A_440 = arith.constant 16 : index
          %get3A_441 = tpu.vector_load %arg13[%get3A_439, %get3A_440] {strides = array<i32>} : memref<256x128xf32, #tpu.memory_space<vmem>>, vector<1x16xf32>,
          %get3A_442 = vector.shape_cast %get3A_441 : vector<1x16xf32> to vector<16xf32>
          %add3A_443 = arith.addf %add3A_436, %get3A_442 : vector<16xf32>
          %add3A_444 = arith.constant 14 : i32
          %add3A_445 = arith.addi %mul3A_236, %add3A_444 : i32
          %get3A_446 = arith.index_cast %add3A_445 : i32 to index
          %get3A_447 = arith.constant 16 : index
          %get3A_448 = tpu.vector_load %arg13[%get3A_446, %get3A_447] {strides = array<i32>} : memref<256x128xf32, #tpu.memory_space<vmem>>, vector<1x16xf32>,
          %get3A_449 = vector.shape_cast %get3A_448 : vector<1x16xf32> to vector<16xf32>
          %add3A_450 = arith.addf %add3A_443, %get3A_449 : vector<16xf32>
          %add3A_451 = arith.constant 15 : i32
          %add3A_452 = arith.addi %mul3A_236, %add3A_451 : i32
          %get3A_453 = arith.index_cast %add3A_452 : i32 to index
          %get3A_454 = arith.constant 16 : index
          %get3A_455 = tpu.vector_load %arg13[%get3A_453, %get3A_454] {strides = array<i32>} : memref<256x128xf32, #tpu.memory_space<vmem>>, vector<1x16xf32>,
          %get3A_456 = vector.shape_cast %get3A_455 : vector<1x16xf32> to vector<16xf32>
          %add3A_457 = arith.addf %add3A_450, %get3A_456 : vector<16xf32>
          %swap3A_458 = arith.index_cast %scan3A_234 : i32 to index
          %swap3A_459 = arith.constant 16 : index
          %swap3A_460 = tpu.vector_load %arg16[%swap3A_458, %swap3A_459] {strides = array<i32>} : memref<16x128xf32, #tpu.memory_space<vmem>>, vector<1x16xf32>,
          %swap3A_461 = vector.shape_cast %swap3A_460 : vector<1x16xf32> to vector<16xf32>
          %swap3A_462 = vector.shape_cast %add3A_457 : vector<16xf32> to vector<1x16xf32>
          tpu.vector_store %arg16[%swap3A_458, %swap3A_459], %swap3A_462 {strides = array<i32>} : memref<16x128xf32, #tpu.memory_space<vmem>>, vector<1x16xf32>,
          %get3A_463 = arith.index_cast %mul3A_236 : i32 to index
          %get3A_464 = arith.constant 32 : index
          %get3A_465 = tpu.vector_load %arg13[%get3A_463, %get3A_464] {strides = array<i32>} : memref<256x128xf32, #tpu.memory_space<vmem>>, vector<1x16xf32>,
          %get3A_466 = vector.shape_cast %get3A_465 : vector<1x16xf32> to vector<16xf32>
          %add3A_467 = arith.constant 1 : i32
          %add3A_468 = arith.addi %mul3A_236, %add3A_467 : i32
          %get3A_469 = arith.index_cast %add3A_468 : i32 to index
          %get3A_470 = arith.constant 32 : index
          %get3A_471 = tpu.vector_load %arg13[%get3A_469, %get3A_470] {strides = array<i32>} : memref<256x128xf32, #tpu.memory_space<vmem>>, vector<1x16xf32>,
          %get3A_472 = vector.shape_cast %get3A_471 : vector<1x16xf32> to vector<16xf32>
          %add3A_473 = arith.addf %get3A_466, %get3A_472 : vector<16xf32>
          %add3A_474 = arith.constant 2 : i32
          %add3A_475 = arith.addi %mul3A_236, %add3A_474 : i32
          %get3A_476 = arith.index_cast %add3A_475 : i32 to index
          %get3A_477 = arith.constant 32 : index
          %get3A_478 = tpu.vector_load %arg13[%get3A_476, %get3A_477] {strides = array<i32>} : memref<256x128xf32, #tpu.memory_space<vmem>>, vector<1x16xf32>,
          %get3A_479 = vector.shape_cast %get3A_478 : vector<1x16xf32> to vector<16xf32>
          %add3A_480 = arith.addf %add3A_473, %get3A_479 : vector<16xf32>
          %add3A_481 = arith.constant 3 : i32
          %add3A_482 = arith.addi %mul3A_236, %add3A_481 : i32
          %get3A_483 = arith.index_cast %add3A_482 : i32 to index
          %get3A_484 = arith.constant 32 : index
          %get3A_485 = tpu.vector_load %arg13[%get3A_483, %get3A_484] {strides = array<i32>} : memref<256x128xf32, #tpu.memory_space<vmem>>, vector<1x16xf32>,
          %get3A_486 = vector.shape_cast %get3A_485 : vector<1x16xf32> to vector<16xf32>
          %add3A_487 = arith.addf %add3A_480, %get3A_486 : vector<16xf32>
          %add3A_488 = arith.constant 4 : i32
          %add3A_489 = arith.addi %mul3A_236, %add3A_488 : i32
          %get3A_490 = arith.index_cast %add3A_489 : i32 to index
          %get3A_491 = arith.constant 32 : index
          %get3A_492 = tpu.vector_load %arg13[%get3A_490, %get3A_491] {strides = array<i32>} : memref<256x128xf32, #tpu.memory_space<vmem>>, vector<1x16xf32>,
          %get3A_493 = vector.shape_cast %get3A_492 : vector<1x16xf32> to vector<16xf32>
          %add3A_494 = arith.addf %add3A_487, %get3A_493 : vector<16xf32>
          %add3A_495 = arith.constant 5 : i32
          %add3A_496 = arith.addi %mul3A_236, %add3A_495 : i32
          %get3A_497 = arith.index_cast %add3A_496 : i32 to index
          %get3A_498 = arith.constant 32 : index
          %get3A_499 = tpu.vector_load %arg13[%get3A_497, %get3A_498] {strides = array<i32>} : memref<256x128xf32, #tpu.memory_space<vmem>>, vector<1x16xf32>,
          %get3A_500 = vector.shape_cast %get3A_499 : vector<1x16xf32> to vector<16xf32>
          %add3A_501 = arith.addf %add3A_494, %get3A_500 : vector<16xf32>
          %add3A_502 = arith.constant 6 : i32
          %add3A_503 = arith.addi %mul3A_236, %add3A_502 : i32
          %get3A_504 = arith.index_cast %add3A_503 : i32 to index
          %get3A_505 = arith.constant 32 : index
          %get3A_506 = tpu.vector_load %arg13[%get3A_504, %get3A_505] {strides = array<i32>} : memref<256x128xf32, #tpu.memory_space<vmem>>, vector<1x16xf32>,
          %get3A_507 = vector.shape_cast %get3A_506 : vector<1x16xf32> to vector<16xf32>
          %add3A_508 = arith.addf %add3A_501, %get3A_507 : vector<16xf32>
          %add3A_509 = arith.constant 7 : i32
          %add3A_510 = arith.addi %mul3A_236, %add3A_509 : i32
          %get3A_511 = arith.index_cast %add3A_510 : i32 to index
          %get3A_512 = arith.constant 32 : index
          %get3A_513 = tpu.vector_load %arg13[%get3A_511, %get3A_512] {strides = array<i32>} : memref<256x128xf32, #tpu.memory_space<vmem>>, vector<1x16xf32>,
          %get3A_514 = vector.shape_cast %get3A_513 : vector<1x16xf32> to vector<16xf32>
          %add3A_515 = arith.addf %add3A_508, %get3A_514 : vector<16xf32>
          %add3A_516 = arith.constant 8 : i32
          %add3A_517 = arith.addi %mul3A_236, %add3A_516 : i32
          %get3A_518 = arith.index_cast %add3A_517 : i32 to index
          %get3A_519 = arith.constant 32 : index
          %get3A_520 = tpu.vector_load %arg13[%get3A_518, %get3A_519] {strides = array<i32>} : memref<256x128xf32, #tpu.memory_space<vmem>>, vector<1x16xf32>,
          %get3A_521 = vector.shape_cast %get3A_520 : vector<1x16xf32> to vector<16xf32>
          %add3A_522 = arith.addf %add3A_515, %get3A_521 : vector<16xf32>
          %add3A_523 = arith.constant 9 : i32
          %add3A_524 = arith.addi %mul3A_236, %add3A_523 : i32
          %get3A_525 = arith.index_cast %add3A_524 : i32 to index
          %get3A_526 = arith.constant 32 : index
          %get3A_527 = tpu.vector_load %arg13[%get3A_525, %get3A_526] {strides = array<i32>} : memref<256x128xf32, #tpu.memory_space<vmem>>, vector<1x16xf32>,
          %get3A_528 = vector.shape_cast %get3A_527 : vector<1x16xf32> to vector<16xf32>
          %add3A_529 = arith.addf %add3A_522, %get3A_528 : vector<16xf32>
          %add3A_530 = arith.constant 10 : i32
          %add3A_531 = arith.addi %mul3A_236, %add3A_530 : i32
          %get3A_532 = arith.index_cast %add3A_531 : i32 to index
          %get3A_533 = arith.constant 32 : index
          %get3A_534 = tpu.vector_load %arg13[%get3A_532, %get3A_533] {strides = array<i32>} : memref<256x128xf32, #tpu.memory_space<vmem>>, vector<1x16xf32>,
          %get3A_535 = vector.shape_cast %get3A_534 : vector<1x16xf32> to vector<16xf32>
          %add3A_536 = arith.addf %add3A_529, %get3A_535 : vector<16xf32>
          %add3A_537 = arith.constant 11 : i32
          %add3A_538 = arith.addi %mul3A_236, %add3A_537 : i32
          %get3A_539 = arith.index_cast %add3A_538 : i32 to index
          %get3A_540 = arith.constant 32 : index
          %get3A_541 = tpu.vector_load %arg13[%get3A_539, %get3A_540] {strides = array<i32>} : memref<256x128xf32, #tpu.memory_space<vmem>>, vector<1x16xf32>,
          %get3A_542 = vector.shape_cast %get3A_541 : vector<1x16xf32> to vector<16xf32>
          %add3A_543 = arith.addf %add3A_536, %get3A_542 : vector<16xf32>
          %add3A_544 = arith.constant 12 : i32
          %add3A_545 = arith.addi %mul3A_236, %add3A_544 : i32
          %get3A_546 = arith.index_cast %add3A_545 : i32 to index
          %get3A_547 = arith.constant 32 : index
          %get3A_548 = tpu.vector_load %arg13[%get3A_546, %get3A_547] {strides = array<i32>} : memref<256x128xf32, #tpu.memory_space<vmem>>, vector<1x16xf32>,
          %get3A_549 = vector.shape_cast %get3A_548 : vector<1x16xf32> to vector<16xf32>
          %add3A_550 = arith.addf %add3A_543, %get3A_549 : vector<16xf32>
          %add3A_551 = arith.constant 13 : i32
          %add3A_552 = arith.addi %mul3A_236, %add3A_551 : i32
          %get3A_553 = arith.index_cast %add3A_552 : i32 to index
          %get3A_554 = arith.constant 32 : index
          %get3A_555 = tpu.vector_load %arg13[%get3A_553, %get3A_554] {strides = array<i32>} : memref<256x128xf32, #tpu.memory_space<vmem>>, vector<1x16xf32>,
          %get3A_556 = vector.shape_cast %get3A_555 : vector<1x16xf32> to vector<16xf32>
          %add3A_557 = arith.addf %add3A_550, %get3A_556 : vector<16xf32>
          %add3A_558 = arith.constant 14 : i32
          %add3A_559 = arith.addi %mul3A_236, %add3A_558 : i32
          %get3A_560 = arith.index_cast %add3A_559 : i32 to index
          %get3A_561 = arith.constant 32 : index
          %get3A_562 = tpu.vector_load %arg13[%get3A_560, %get3A_561] {strides = array<i32>} : memref<256x128xf32, #tpu.memory_space<vmem>>, vector<1x16xf32>,
          %get3A_563 = vector.shape_cast %get3A_562 : vector<1x16xf32> to vector<16xf32>
          %add3A_564 = arith.addf %add3A_557, %get3A_563 : vector<16xf32>
          %add3A_565 = arith.constant 15 : i32
          %add3A_566 = arith.addi %mul3A_236, %add3A_565 : i32
          %get3A_567 = arith.index_cast %add3A_566 : i32 to index
          %get3A_568 = arith.constant 32 : index
          %get3A_569 = tpu.vector_load %arg13[%get3A_567, %get3A_568] {strides = array<i32>} : memref<256x128xf32, #tpu.memory_space<vmem>>, vector<1x16xf32>,
          %get3A_570 = vector.shape_cast %get3A_569 : vector<1x16xf32> to vector<16xf32>
          %add3A_571 = arith.addf %add3A_564, %get3A_570 : vector<16xf32>
          %swap3A_572 = arith.index_cast %scan3A_234 : i32 to index
          %swap3A_573 = arith.constant 32 : index
          %swap3A_574 = tpu.vector_load %arg16[%swap3A_572, %swap3A_573] {strides = array<i32>} : memref<16x128xf32, #tpu.memory_space<vmem>>, vector<1x16xf32>,
          %swap3A_575 = vector.shape_cast %swap3A_574 : vector<1x16xf32> to vector<16xf32>
          %swap3A_576 = vector.shape_cast %add3A_571 : vector<16xf32> to vector<1x16xf32>
          tpu.vector_store %arg16[%swap3A_572, %swap3A_573], %swap3A_576 {strides = array<i32>} : memref<16x128xf32, #tpu.memory_space<vmem>>, vector<1x16xf32>,
          %get3A_577 = arith.index_cast %mul3A_236 : i32 to index
          %get3A_578 = arith.constant 48 : index
          %get3A_579 = tpu.vector_load %arg13[%get3A_577, %get3A_578] {strides = array<i32>} : memref<256x128xf32, #tpu.memory_space<vmem>>, vector<1x16xf32>,
          %get3A_580 = vector.shape_cast %get3A_579 : vector<1x16xf32> to vector<16xf32>
          %add3A_581 = arith.constant 1 : i32
          %add3A_582 = arith.addi %mul3A_236, %add3A_581 : i32
          %get3A_583 = arith.index_cast %add3A_582 : i32 to index
          %get3A_584 = arith.constant 48 : index
          %get3A_585 = tpu.vector_load %arg13[%get3A_583, %get3A_584] {strides = array<i32>} : memref<256x128xf32, #tpu.memory_space<vmem>>, vector<1x16xf32>,
          %get3A_586 = vector.shape_cast %get3A_585 : vector<1x16xf32> to vector<16xf32>
          %add3A_587 = arith.addf %get3A_580, %get3A_586 : vector<16xf32>
          %add3A_588 = arith.constant 2 : i32
          %add3A_589 = arith.addi %mul3A_236, %add3A_588 : i32
          %get3A_590 = arith.index_cast %add3A_589 : i32 to index
          %get3A_591 = arith.constant 48 : index
          %get3A_592 = tpu.vector_load %arg13[%get3A_590, %get3A_591] {strides = array<i32>} : memref<256x128xf32, #tpu.memory_space<vmem>>, vector<1x16xf32>,
          %get3A_593 = vector.shape_cast %get3A_592 : vector<1x16xf32> to vector<16xf32>
          %add3A_594 = arith.addf %add3A_587, %get3A_593 : vector<16xf32>
          %add3A_595 = arith.constant 3 : i32
          %add3A_596 = arith.addi %mul3A_236, %add3A_595 : i32
          %get3A_597 = arith.index_cast %add3A_596 : i32 to index
          %get3A_598 = arith.constant 48 : index
          %get3A_599 = tpu.vector_load %arg13[%get3A_597, %get3A_598] {strides = array<i32>} : memref<256x128xf32, #tpu.memory_space<vmem>>, vector<1x16xf32>,
          %get3A_600 = vector.shape_cast %get3A_599 : vector<1x16xf32> to vector<16xf32>
          %add3A_601 = arith.addf %add3A_594, %get3A_600 : vector<16xf32>
          %add3A_602 = arith.constant 4 : i32
          %add3A_603 = arith.addi %mul3A_236, %add3A_602 : i32
          %get3A_604 = arith.index_cast %add3A_603 : i32 to index
          %get3A_605 = arith.constant 48 : index
          %get3A_606 = tpu.vector_load %arg13[%get3A_604, %get3A_605] {strides = array<i32>} : memref<256x128xf32, #tpu.memory_space<vmem>>, vector<1x16xf32>,
          %get3A_607 = vector.shape_cast %get3A_606 : vector<1x16xf32> to vector<16xf32>
          %add3A_608 = arith.addf %add3A_601, %get3A_607 : vector<16xf32>
          %add3A_609 = arith.constant 5 : i32
          %add3A_610 = arith.addi %mul3A_236, %add3A_609 : i32
          %get3A_611 = arith.index_cast %add3A_610 : i32 to index
          %get3A_612 = arith.constant 48 : index
          %get3A_613 = tpu.vector_load %arg13[%get3A_611, %get3A_612] {strides = array<i32>} : memref<256x128xf32, #tpu.memory_space<vmem>>, vector<1x16xf32>,
          %get3A_614 = vector.shape_cast %get3A_613 : vector<1x16xf32> to vector<16xf32>
          %add3A_615 = arith.addf %add3A_608, %get3A_614 : vector<16xf32>
          %add3A_616 = arith.constant 6 : i32
          %add3A_617 = arith.addi %mul3A_236, %add3A_616 : i32
          %get3A_618 = arith.index_cast %add3A_617 : i32 to index
          %get3A_619 = arith.constant 48 : index
          %get3A_620 = tpu.vector_load %arg13[%get3A_618, %get3A_619] {strides = array<i32>} : memref<256x128xf32, #tpu.memory_space<vmem>>, vector<1x16xf32>,
          %get3A_621 = vector.shape_cast %get3A_620 : vector<1x16xf32> to vector<16xf32>
          %add3A_622 = arith.addf %add3A_615, %get3A_621 : vector<16xf32>
          %add3A_623 = arith.constant 7 : i32
          %add3A_624 = arith.addi %mul3A_236, %add3A_623 : i32
          %get3A_625 = arith.index_cast %add3A_624 : i32 to index
          %get3A_626 = arith.constant 48 : index
          %get3A_627 = tpu.vector_load %arg13[%get3A_625, %get3A_626] {strides = array<i32>} : memref<256x128xf32, #tpu.memory_space<vmem>>, vector<1x16xf32>,
          %get3A_628 = vector.shape_cast %get3A_627 : vector<1x16xf32> to vector<16xf32>
          %add3A_629 = arith.addf %add3A_622, %get3A_628 : vector<16xf32>
          %add3A_630 = arith.constant 8 : i32
          %add3A_631 = arith.addi %mul3A_236, %add3A_630 : i32
          %get3A_632 = arith.index_cast %add3A_631 : i32 to index
          %get3A_633 = arith.constant 48 : index
          %get3A_634 = tpu.vector_load %arg13[%get3A_632, %get3A_633] {strides = array<i32>} : memref<256x128xf32, #tpu.memory_space<vmem>>, vector<1x16xf32>,
          %get3A_635 = vector.shape_cast %get3A_634 : vector<1x16xf32> to vector<16xf32>
          %add3A_636 = arith.addf %add3A_629, %get3A_635 : vector<16xf32>
          %add3A_637 = arith.constant 9 : i32
          %add3A_638 = arith.addi %mul3A_236, %add3A_637 : i32
          %get3A_639 = arith.index_cast %add3A_638 : i32 to index
          %get3A_640 = arith.constant 48 : index
          %get3A_641 = tpu.vector_load %arg13[%get3A_639, %get3A_640] {strides = array<i32>} : memref<256x128xf32, #tpu.memory_space<vmem>>, vector<1x16xf32>,
          %get3A_642 = vector.shape_cast %get3A_641 : vector<1x16xf32> to vector<16xf32>
          %add3A_643 = arith.addf %add3A_636, %get3A_642 : vector<16xf32>
          %add3A_644 = arith.constant 10 : i32
          %add3A_645 = arith.addi %mul3A_236, %add3A_644 : i32
          %get3A_646 = arith.index_cast %add3A_645 : i32 to index
          %get3A_647 = arith.constant 48 : index
          %get3A_648 = tpu.vector_load %arg13[%get3A_646, %get3A_647] {strides = array<i32>} : memref<256x128xf32, #tpu.memory_space<vmem>>, vector<1x16xf32>,
          %get3A_649 = vector.shape_cast %get3A_648 : vector<1x16xf32> to vector<16xf32>
          %add3A_650 = arith.addf %add3A_643, %get3A_649 : vector<16xf32>
          %add3A_651 = arith.constant 11 : i32
          %add3A_652 = arith.addi %mul3A_236, %add3A_651 : i32
          %get3A_653 = arith.index_cast %add3A_652 : i32 to index
          %get3A_654 = arith.constant 48 : index
          %get3A_655 = tpu.vector_load %arg13[%get3A_653, %get3A_654] {strides = array<i32>} : memref<256x128xf32, #tpu.memory_space<vmem>>, vector<1x16xf32>,
          %get3A_656 = vector.shape_cast %get3A_655 : vector<1x16xf32> to vector<16xf32>
          %add3A_657 = arith.addf %add3A_650, %get3A_656 : vector<16xf32>
          %add3A_658 = arith.constant 12 : i32
          %add3A_659 = arith.addi %mul3A_236, %add3A_658 : i32
          %get3A_660 = arith.index_cast %add3A_659 : i32 to index
          %get3A_661 = arith.constant 48 : index
          %get3A_662 = tpu.vector_load %arg13[%get3A_660, %get3A_661] {strides = array<i32>} : memref<256x128xf32, #tpu.memory_space<vmem>>, vector<1x16xf32>,
          %get3A_663 = vector.shape_cast %get3A_662 : vector<1x16xf32> to vector<16xf32>
          %add3A_664 = arith.addf %add3A_657, %get3A_663 : vector<16xf32>
          %add3A_665 = arith.constant 13 : i32
          %add3A_666 = arith.addi %mul3A_236, %add3A_665 : i32
          %get3A_667 = arith.index_cast %add3A_666 : i32 to index
          %get3A_668 = arith.constant 48 : index
          %get3A_669 = tpu.vector_load %arg13[%get3A_667, %get3A_668] {strides = array<i32>} : memref<256x128xf32, #tpu.memory_space<vmem>>, vector<1x16xf32>,
          %get3A_670 = vector.shape_cast %get3A_669 : vector<1x16xf32> to vector<16xf32>
          %add3A_671 = arith.addf %add3A_664, %get3A_670 : vector<16xf32>
          %add3A_672 = arith.constant 14 : i32
          %add3A_673 = arith.addi %mul3A_236, %add3A_672 : i32
          %get3A_674 = arith.index_cast %add3A_673 : i32 to index
          %get3A_675 = arith.constant 48 : index
          %get3A_676 = tpu.vector_load %arg13[%get3A_674, %get3A_675] {strides = array<i32>} : memref<256x128xf32, #tpu.memory_space<vmem>>, vector<1x16xf32>,
          %get3A_677 = vector.shape_cast %get3A_676 : vector<1x16xf32> to vector<16xf32>
          %add3A_678 = arith.addf %add3A_671, %get3A_677 : vector<16xf32>
          %add3A_679 = arith.constant 15 : i32
          %add3A_680 = arith.addi %mul3A_236, %add3A_679 : i32
          %get3A_681 = arith.index_cast %add3A_680 : i32 to index
          %get3A_682 = arith.constant 48 : index
          %get3A_683 = tpu.vector_load %arg13[%get3A_681, %get3A_682] {strides = array<i32>} : memref<256x128xf32, #tpu.memory_space<vmem>>, vector<1x16xf32>,
          %get3A_684 = vector.shape_cast %get3A_683 : vector<1x16xf32> to vector<16xf32>
          %add3A_685 = arith.addf %add3A_678, %get3A_684 : vector<16xf32>
          %swap3A_686 = arith.index_cast %scan3A_234 : i32 to index
          %swap3A_687 = arith.constant 48 : index
          %swap3A_688 = tpu.vector_load %arg16[%swap3A_686, %swap3A_687] {strides = array<i32>} : memref<16x128xf32, #tpu.memory_space<vmem>>, vector<1x16xf32>,
          %swap3A_689 = vector.shape_cast %swap3A_688 : vector<1x16xf32> to vector<16xf32>
          %swap3A_690 = vector.shape_cast %add3A_685 : vector<16xf32> to vector<1x16xf32>
          tpu.vector_store %arg16[%swap3A_686, %swap3A_687], %swap3A_690 {strides = array<i32>} : memref<16x128xf32, #tpu.memory_space<vmem>>, vector<1x16xf32>,
          %get3A_691 = arith.index_cast %mul3A_236 : i32 to index
          %get3A_692 = arith.constant 64 : index
          %get3A_693 = tpu.vector_load %arg13[%get3A_691, %get3A_692] {strides = array<i32>} : memref<256x128xf32, #tpu.memory_space<vmem>>, vector<1x16xf32>,
          %get3A_694 = vector.shape_cast %get3A_693 : vector<1x16xf32> to vector<16xf32>
          %add3A_695 = arith.constant 1 : i32
          %add3A_696 = arith.addi %mul3A_236, %add3A_695 : i32
          %get3A_697 = arith.index_cast %add3A_696 : i32 to index
          %get3A_698 = arith.constant 64 : index
          %get3A_699 = tpu.vector_load %arg13[%get3A_697, %get3A_698] {strides = array<i32>} : memref<256x128xf32, #tpu.memory_space<vmem>>, vector<1x16xf32>,
          %get3A_700 = vector.shape_cast %get3A_699 : vector<1x16xf32> to vector<16xf32>
          %add3A_701 = arith.addf %get3A_694, %get3A_700 : vector<16xf32>
          %add3A_702 = arith.constant 2 : i32
          %add3A_703 = arith.addi %mul3A_236, %add3A_702 : i32
          %get3A_704 = arith.index_cast %add3A_703 : i32 to index
          %get3A_705 = arith.constant 64 : index
          %get3A_706 = tpu.vector_load %arg13[%get3A_704, %get3A_705] {strides = array<i32>} : memref<256x128xf32, #tpu.memory_space<vmem>>, vector<1x16xf32>,
          %get3A_707 = vector.shape_cast %get3A_706 : vector<1x16xf32> to vector<16xf32>
          %add3A_708 = arith.addf %add3A_701, %get3A_707 : vector<16xf32>
          %add3A_709 = arith.constant 3 : i32
          %add3A_710 = arith.addi %mul3A_236, %add3A_709 : i32
          %get3A_711 = arith.index_cast %add3A_710 : i32 to index
          %get3A_712 = arith.constant 64 : index
          %get3A_713 = tpu.vector_load %arg13[%get3A_711, %get3A_712] {strides = array<i32>} : memref<256x128xf32, #tpu.memory_space<vmem>>, vector<1x16xf32>,
          %get3A_714 = vector.shape_cast %get3A_713 : vector<1x16xf32> to vector<16xf32>
          %add3A_715 = arith.addf %add3A_708, %get3A_714 : vector<16xf32>
          %add3A_716 = arith.constant 4 : i32
          %add3A_717 = arith.addi %mul3A_236, %add3A_716 : i32
          %get3A_718 = arith.index_cast %add3A_717 : i32 to index
          %get3A_719 = arith.constant 64 : index
          %get3A_720 = tpu.vector_load %arg13[%get3A_718, %get3A_719] {strides = array<i32>} : memref<256x128xf32, #tpu.memory_space<vmem>>, vector<1x16xf32>,
          %get3A_721 = vector.shape_cast %get3A_720 : vector<1x16xf32> to vector<16xf32>
          %add3A_722 = arith.addf %add3A_715, %get3A_721 : vector<16xf32>
          %add3A_723 = arith.constant 5 : i32
          %add3A_724 = arith.addi %mul3A_236, %add3A_723 : i32
          %get3A_725 = arith.index_cast %add3A_724 : i32 to index
          %get3A_726 = arith.constant 64 : index
          %get3A_727 = tpu.vector_load %arg13[%get3A_725, %get3A_726] {strides = array<i32>} : memref<256x128xf32, #tpu.memory_space<vmem>>, vector<1x16xf32>,
          %get3A_728 = vector.shape_cast %get3A_727 : vector<1x16xf32> to vector<16xf32>
          %add3A_729 = arith.addf %add3A_722, %get3A_728 : vector<16xf32>
          %add3A_730 = arith.constant 6 : i32
          %add3A_731 = arith.addi %mul3A_236, %add3A_730 : i32
          %get3A_732 = arith.index_cast %add3A_731 : i32 to index
          %get3A_733 = arith.constant 64 : index
          %get3A_734 = tpu.vector_load %arg13[%get3A_732, %get3A_733] {strides = array<i32>} : memref<256x128xf32, #tpu.memory_space<vmem>>, vector<1x16xf32>,
          %get3A_735 = vector.shape_cast %get3A_734 : vector<1x16xf32> to vector<16xf32>
          %add3A_736 = arith.addf %add3A_729, %get3A_735 : vector<16xf32>
          %add3A_737 = arith.constant 7 : i32
          %add3A_738 = arith.addi %mul3A_236, %add3A_737 : i32
          %get3A_739 = arith.index_cast %add3A_738 : i32 to index
          %get3A_740 = arith.constant 64 : index
          %get3A_741 = tpu.vector_load %arg13[%get3A_739, %get3A_740] {strides = array<i32>} : memref<256x128xf32, #tpu.memory_space<vmem>>, vector<1x16xf32>,
          %get3A_742 = vector.shape_cast %get3A_741 : vector<1x16xf32> to vector<16xf32>
          %add3A_743 = arith.addf %add3A_736, %get3A_742 : vector<16xf32>
          %add3A_744 = arith.constant 8 : i32
          %add3A_745 = arith.addi %mul3A_236, %add3A_744 : i32
          %get3A_746 = arith.index_cast %add3A_745 : i32 to index
          %get3A_747 = arith.constant 64 : index
          %get3A_748 = tpu.vector_load %arg13[%get3A_746, %get3A_747] {strides = array<i32>} : memref<256x128xf32, #tpu.memory_space<vmem>>, vector<1x16xf32>,
          %get3A_749 = vector.shape_cast %get3A_748 : vector<1x16xf32> to vector<16xf32>
          %add3A_750 = arith.addf %add3A_743, %get3A_749 : vector<16xf32>
          %add3A_751 = arith.constant 9 : i32
          %add3A_752 = arith.addi %mul3A_236, %add3A_751 : i32
          %get3A_753 = arith.index_cast %add3A_752 : i32 to index
          %get3A_754 = arith.constant 64 : index
          %get3A_755 = tpu.vector_load %arg13[%get3A_753, %get3A_754] {strides = array<i32>} : memref<256x128xf32, #tpu.memory_space<vmem>>, vector<1x16xf32>,
          %get3A_756 = vector.shape_cast %get3A_755 : vector<1x16xf32> to vector<16xf32>
          %add3A_757 = arith.addf %add3A_750, %get3A_756 : vector<16xf32>
          %add3A_758 = arith.constant 10 : i32
          %add3A_759 = arith.addi %mul3A_236, %add3A_758 : i32
          %get3A_760 = arith.index_cast %add3A_759 : i32 to index
          %get3A_761 = arith.constant 64 : index
          %get3A_762 = tpu.vector_load %arg13[%get3A_760, %get3A_761] {strides = array<i32>} : memref<256x128xf32, #tpu.memory_space<vmem>>, vector<1x16xf32>,
          %get3A_763 = vector.shape_cast %get3A_762 : vector<1x16xf32> to vector<16xf32>
          %add3A_764 = arith.addf %add3A_757, %get3A_763 : vector<16xf32>
          %add3A_765 = arith.constant 11 : i32
          %add3A_766 = arith.addi %mul3A_236, %add3A_765 : i32
          %get3A_767 = arith.index_cast %add3A_766 : i32 to index
          %get3A_768 = arith.constant 64 : index
          %get3A_769 = tpu.vector_load %arg13[%get3A_767, %get3A_768] {strides = array<i32>} : memref<256x128xf32, #tpu.memory_space<vmem>>, vector<1x16xf32>,
          %get3A_770 = vector.shape_cast %get3A_769 : vector<1x16xf32> to vector<16xf32>
          %add3A_771 = arith.addf %add3A_764, %get3A_770 : vector<16xf32>
          %add3A_772 = arith.constant 12 : i32
          %add3A_773 = arith.addi %mul3A_236, %add3A_772 : i32
          %get3A_774 = arith.index_cast %add3A_773 : i32 to index
          %get3A_775 = arith.constant 64 : index
          %get3A_776 = tpu.vector_load %arg13[%get3A_774, %get3A_775] {strides = array<i32>} : memref<256x128xf32, #tpu.memory_space<vmem>>, vector<1x16xf32>,
          %get3A_777 = vector.shape_cast %get3A_776 : vector<1x16xf32> to vector<16xf32>
          %add3A_778 = arith.addf %add3A_771, %get3A_777 : vector<16xf32>
          %add3A_779 = arith.constant 13 : i32
          %add3A_780 = arith.addi %mul3A_236, %add3A_779 : i32
          %get3A_781 = arith.index_cast %add3A_780 : i32 to index
          %get3A_782 = arith.constant 64 : index
          %get3A_783 = tpu.vector_load %arg13[%get3A_781, %get3A_782] {strides = array<i32>} : memref<256x128xf32, #tpu.memory_space<vmem>>, vector<1x16xf32>,
          %get3A_784 = vector.shape_cast %get3A_783 : vector<1x16xf32> to vector<16xf32>
          %add3A_785 = arith.addf %add3A_778, %get3A_784 : vector<16xf32>
          %add3A_786 = arith.constant 14 : i32
          %add3A_787 = arith.addi %mul3A_236, %add3A_786 : i32
          %get3A_788 = arith.index_cast %add3A_787 : i32 to index
          %get3A_789 = arith.constant 64 : index
          %get3A_790 = tpu.vector_load %arg13[%get3A_788, %get3A_789] {strides = array<i32>} : memref<256x128xf32, #tpu.memory_space<vmem>>, vector<1x16xf32>,
          %get3A_791 = vector.shape_cast %get3A_790 : vector<1x16xf32> to vector<16xf32>
          %add3A_792 = arith.addf %add3A_785, %get3A_791 : vector<16xf32>
          %add3A_793 = arith.constant 15 : i32
          %add3A_794 = arith.addi %mul3A_236, %add3A_793 : i32
          %get3A_795 = arith.index_cast %add3A_794 : i32 to index
          %get3A_796 = arith.constant 64 : index
          %get3A_797 = tpu.vector_load %arg13[%get3A_795, %get3A_796] {strides = array<i32>} : memref<256x128xf32, #tpu.memory_space<vmem>>, vector<1x16xf32>,
          %get3A_798 = vector.shape_cast %get3A_797 : vector<1x16xf32> to vector<16xf32>
          %add3A_799 = arith.addf %add3A_792, %get3A_798 : vector<16xf32>
          %swap3A_800 = arith.index_cast %scan3A_234 : i32 to index
          %swap3A_801 = arith.constant 64 : index
          %swap3A_802 = tpu.vector_load %arg16[%swap3A_800, %swap3A_801] {strides = array<i32>} : memref<16x128xf32, #tpu.memory_space<vmem>>, vector<1x16xf32>,
          %swap3A_803 = vector.shape_cast %swap3A_802 : vector<1x16xf32> to vector<16xf32>
          %swap3A_804 = vector.shape_cast %add3A_799 : vector<16xf32> to vector<1x16xf32>
          tpu.vector_store %arg16[%swap3A_800, %swap3A_801], %swap3A_804 {strides = array<i32>} : memref<16x128xf32, #tpu.memory_space<vmem>>, vector<1x16xf32>,
          %get3A_805 = arith.index_cast %mul3A_236 : i32 to index
          %get3A_806 = arith.constant 80 : index
          %get3A_807 = tpu.vector_load %arg13[%get3A_805, %get3A_806] {strides = array<i32>} : memref<256x128xf32, #tpu.memory_space<vmem>>, vector<1x16xf32>,
          %get3A_808 = vector.shape_cast %get3A_807 : vector<1x16xf32> to vector<16xf32>
          %add3A_809 = arith.constant 1 : i32
          %add3A_810 = arith.addi %mul3A_236, %add3A_809 : i32
          %get3A_811 = arith.index_cast %add3A_810 : i32 to index
          %get3A_812 = arith.constant 80 : index
          %get3A_813 = tpu.vector_load %arg13[%get3A_811, %get3A_812] {strides = array<i32>} : memref<256x128xf32, #tpu.memory_space<vmem>>, vector<1x16xf32>,
          %get3A_814 = vector.shape_cast %get3A_813 : vector<1x16xf32> to vector<16xf32>
          %add3A_815 = arith.addf %get3A_808, %get3A_814 : vector<16xf32>
          %add3A_816 = arith.constant 2 : i32
          %add3A_817 = arith.addi %mul3A_236, %add3A_816 : i32
          %get3A_818 = arith.index_cast %add3A_817 : i32 to index
          %get3A_819 = arith.constant 80 : index
          %get3A_820 = tpu.vector_load %arg13[%get3A_818, %get3A_819] {strides = array<i32>} : memref<256x128xf32, #tpu.memory_space<vmem>>, vector<1x16xf32>,
          %get3A_821 = vector.shape_cast %get3A_820 : vector<1x16xf32> to vector<16xf32>
          %add3A_822 = arith.addf %add3A_815, %get3A_821 : vector<16xf32>
          %add3A_823 = arith.constant 3 : i32
          %add3A_824 = arith.addi %mul3A_236, %add3A_823 : i32
          %get3A_825 = arith.index_cast %add3A_824 : i32 to index
          %get3A_826 = arith.constant 80 : index
          %get3A_827 = tpu.vector_load %arg13[%get3A_825, %get3A_826] {strides = array<i32>} : memref<256x128xf32, #tpu.memory_space<vmem>>, vector<1x16xf32>,
          %get3A_828 = vector.shape_cast %get3A_827 : vector<1x16xf32> to vector<16xf32>
          %add3A_829 = arith.addf %add3A_822, %get3A_828 : vector<16xf32>
          %add3A_830 = arith.constant 4 : i32
          %add3A_831 = arith.addi %mul3A_236, %add3A_830 : i32
          %get3A_832 = arith.index_cast %add3A_831 : i32 to index
          %get3A_833 = arith.constant 80 : index
          %get3A_834 = tpu.vector_load %arg13[%get3A_832, %get3A_833] {strides = array<i32>} : memref<256x128xf32, #tpu.memory_space<vmem>>, vector<1x16xf32>,
          %get3A_835 = vector.shape_cast %get3A_834 : vector<1x16xf32> to vector<16xf32>
          %add3A_836 = arith.addf %add3A_829, %get3A_835 : vector<16xf32>
          %add3A_837 = arith.constant 5 : i32
          %add3A_838 = arith.addi %mul3A_236, %add3A_837 : i32
          %get3A_839 = arith.index_cast %add3A_838 : i32 to index
          %get3A_840 = arith.constant 80 : index
          %get3A_841 = tpu.vector_load %arg13[%get3A_839, %get3A_840] {strides = array<i32>} : memref<256x128xf32, #tpu.memory_space<vmem>>, vector<1x16xf32>,
          %get3A_842 = vector.shape_cast %get3A_841 : vector<1x16xf32> to vector<16xf32>
          %add3A_843 = arith.addf %add3A_836, %get3A_842 : vector<16xf32>
          %add3A_844 = arith.constant 6 : i32
          %add3A_845 = arith.addi %mul3A_236, %add3A_844 : i32
          %get3A_846 = arith.index_cast %add3A_845 : i32 to index
          %get3A_847 = arith.constant 80 : index
          %get3A_848 = tpu.vector_load %arg13[%get3A_846, %get3A_847] {strides = array<i32>} : memref<256x128xf32, #tpu.memory_space<vmem>>, vector<1x16xf32>,
          %get3A_849 = vector.shape_cast %get3A_848 : vector<1x16xf32> to vector<16xf32>
          %add3A_850 = arith.addf %add3A_843, %get3A_849 : vector<16xf32>
          %add3A_851 = arith.constant 7 : i32
          %add3A_852 = arith.addi %mul3A_236, %add3A_851 : i32
          %get3A_853 = arith.index_cast %add3A_852 : i32 to index
          %get3A_854 = arith.constant 80 : index
          %get3A_855 = tpu.vector_load %arg13[%get3A_853, %get3A_854] {strides = array<i32>} : memref<256x128xf32, #tpu.memory_space<vmem>>, vector<1x16xf32>,
          %get3A_856 = vector.shape_cast %get3A_855 : vector<1x16xf32> to vector<16xf32>
          %add3A_857 = arith.addf %add3A_850, %get3A_856 : vector<16xf32>
          %add3A_858 = arith.constant 8 : i32
          %add3A_859 = arith.addi %mul3A_236, %add3A_858 : i32
          %get3A_860 = arith.index_cast %add3A_859 : i32 to index
          %get3A_861 = arith.constant 80 : index
          %get3A_862 = tpu.vector_load %arg13[%get3A_860, %get3A_861] {strides = array<i32>} : memref<256x128xf32, #tpu.memory_space<vmem>>, vector<1x16xf32>,
          %get3A_863 = vector.shape_cast %get3A_862 : vector<1x16xf32> to vector<16xf32>
          %add3A_864 = arith.addf %add3A_857, %get3A_863 : vector<16xf32>
          %add3A_865 = arith.constant 9 : i32
          %add3A_866 = arith.addi %mul3A_236, %add3A_865 : i32
          %get3A_867 = arith.index_cast %add3A_866 : i32 to index
          %get3A_868 = arith.constant 80 : index
          %get3A_869 = tpu.vector_load %arg13[%get3A_867, %get3A_868] {strides = array<i32>} : memref<256x128xf32, #tpu.memory_space<vmem>>, vector<1x16xf32>,
          %get3A_870 = vector.shape_cast %get3A_869 : vector<1x16xf32> to vector<16xf32>
          %add3A_871 = arith.addf %add3A_864, %get3A_870 : vector<16xf32>
          %add3A_872 = arith.constant 10 : i32
          %add3A_873 = arith.addi %mul3A_236, %add3A_872 : i32
          %get3A_874 = arith.index_cast %add3A_873 : i32 to index
          %get3A_875 = arith.constant 80 : index
          %get3A_876 = tpu.vector_load %arg13[%get3A_874, %get3A_875] {strides = array<i32>} : memref<256x128xf32, #tpu.memory_space<vmem>>, vector<1x16xf32>,
          %get3A_877 = vector.shape_cast %get3A_876 : vector<1x16xf32> to vector<16xf32>
          %add3A_878 = arith.addf %add3A_871, %get3A_877 : vector<16xf32>
          %add3A_879 = arith.constant 11 : i32
          %add3A_880 = arith.addi %mul3A_236, %add3A_879 : i32
          %get3A_881 = arith.index_cast %add3A_880 : i32 to index
          %get3A_882 = arith.constant 80 : index
          %get3A_883 = tpu.vector_load %arg13[%get3A_881, %get3A_882] {strides = array<i32>} : memref<256x128xf32, #tpu.memory_space<vmem>>, vector<1x16xf32>,
          %get3A_884 = vector.shape_cast %get3A_883 : vector<1x16xf32> to vector<16xf32>
          %add3A_885 = arith.addf %add3A_878, %get3A_884 : vector<16xf32>
          %add3A_886 = arith.constant 12 : i32
          %add3A_887 = arith.addi %mul3A_236, %add3A_886 : i32
          %get3A_888 = arith.index_cast %add3A_887 : i32 to index
          %get3A_889 = arith.constant 80 : index
          %get3A_890 = tpu.vector_load %arg13[%get3A_888, %get3A_889] {strides = array<i32>} : memref<256x128xf32, #tpu.memory_space<vmem>>, vector<1x16xf32>,
          %get3A_891 = vector.shape_cast %get3A_890 : vector<1x16xf32> to vector<16xf32>
          %add3A_892 = arith.addf %add3A_885, %get3A_891 : vector<16xf32>
          %add3A_893 = arith.constant 13 : i32
          %add3A_894 = arith.addi %mul3A_236, %add3A_893 : i32
          %get3A_895 = arith.index_cast %add3A_894 : i32 to index
          %get3A_896 = arith.constant 80 : index
          %get3A_897 = tpu.vector_load %arg13[%get3A_895, %get3A_896] {strides = array<i32>} : memref<256x128xf32, #tpu.memory_space<vmem>>, vector<1x16xf32>,
          %get3A_898 = vector.shape_cast %get3A_897 : vector<1x16xf32> to vector<16xf32>
          %add3A_899 = arith.addf %add3A_892, %get3A_898 : vector<16xf32>
          %add3A_900 = arith.constant 14 : i32
          %add3A_901 = arith.addi %mul3A_236, %add3A_900 : i32
          %get3A_902 = arith.index_cast %add3A_901 : i32 to index
          %get3A_903 = arith.constant 80 : index
          %get3A_904 = tpu.vector_load %arg13[%get3A_902, %get3A_903] {strides = array<i32>} : memref<256x128xf32, #tpu.memory_space<vmem>>, vector<1x16xf32>,
          %get3A_905 = vector.shape_cast %get3A_904 : vector<1x16xf32> to vector<16xf32>
          %add3A_906 = arith.addf %add3A_899, %get3A_905 : vector<16xf32>
          %add3A_907 = arith.constant 15 : i32
          %add3A_908 = arith.addi %mul3A_236, %add3A_907 : i32
          %get3A_909 = arith.index_cast %add3A_908 : i32 to index
          %get3A_910 = arith.constant 80 : index
          %get3A_911 = tpu.vector_load %arg13[%get3A_909, %get3A_910] {strides = array<i32>} : memref<256x128xf32, #tpu.memory_space<vmem>>, vector<1x16xf32>,
          %get3A_912 = vector.shape_cast %get3A_911 : vector<1x16xf32> to vector<16xf32>
          %add3A_913 = arith.addf %add3A_906, %get3A_912 : vector<16xf32>
          %swap3A_914 = arith.index_cast %scan3A_234 : i32 to index
          %swap3A_915 = arith.constant 80 : index
          %swap3A_916 = tpu.vector_load %arg16[%swap3A_914, %swap3A_915] {strides = array<i32>} : memref<16x128xf32, #tpu.memory_space<vmem>>, vector<1x16xf32>,
          %swap3A_917 = vector.shape_cast %swap3A_916 : vector<1x16xf32> to vector<16xf32>
          %swap3A_918 = vector.shape_cast %add3A_913 : vector<16xf32> to vector<1x16xf32>
          tpu.vector_store %arg16[%swap3A_914, %swap3A_915], %swap3A_918 {strides = array<i32>} : memref<16x128xf32, #tpu.memory_space<vmem>>, vector<1x16xf32>,
          %get3A_919 = arith.index_cast %mul3A_236 : i32 to index
          %get3A_920 = arith.constant 96 : index
          %get3A_921 = tpu.vector_load %arg13[%get3A_919, %get3A_920] {strides = array<i32>} : memref<256x128xf32, #tpu.memory_space<vmem>>, vector<1x16xf32>,
          %get3A_922 = vector.shape_cast %get3A_921 : vector<1x16xf32> to vector<16xf32>
          %add3A_923 = arith.constant 1 : i32
          %add3A_924 = arith.addi %mul3A_236, %add3A_923 : i32
          %get3A_925 = arith.index_cast %add3A_924 : i32 to index
          %get3A_926 = arith.constant 96 : index
          %get3A_927 = tpu.vector_load %arg13[%get3A_925, %get3A_926] {strides = array<i32>} : memref<256x128xf32, #tpu.memory_space<vmem>>, vector<1x16xf32>,
          %get3A_928 = vector.shape_cast %get3A_927 : vector<1x16xf32> to vector<16xf32>
          %add3A_929 = arith.addf %get3A_922, %get3A_928 : vector<16xf32>
          %add3A_930 = arith.constant 2 : i32
          %add3A_931 = arith.addi %mul3A_236, %add3A_930 : i32
          %get3A_932 = arith.index_cast %add3A_931 : i32 to index
          %get3A_933 = arith.constant 96 : index
          %get3A_934 = tpu.vector_load %arg13[%get3A_932, %get3A_933] {strides = array<i32>} : memref<256x128xf32, #tpu.memory_space<vmem>>, vector<1x16xf32>,
          %get3A_935 = vector.shape_cast %get3A_934 : vector<1x16xf32> to vector<16xf32>
          %add3A_936 = arith.addf %add3A_929, %get3A_935 : vector<16xf32>
          %add3A_937 = arith.constant 3 : i32
          %add3A_938 = arith.addi %mul3A_236, %add3A_937 : i32
          %get3A_939 = arith.index_cast %add3A_938 : i32 to index
          %get3A_940 = arith.constant 96 : index
          %get3A_941 = tpu.vector_load %arg13[%get3A_939, %get3A_940] {strides = array<i32>} : memref<256x128xf32, #tpu.memory_space<vmem>>, vector<1x16xf32>,
          %get3A_942 = vector.shape_cast %get3A_941 : vector<1x16xf32> to vector<16xf32>
          %add3A_943 = arith.addf %add3A_936, %get3A_942 : vector<16xf32>
          %add3A_944 = arith.constant 4 : i32
          %add3A_945 = arith.addi %mul3A_236, %add3A_944 : i32
          %get3A_946 = arith.index_cast %add3A_945 : i32 to index
          %get3A_947 = arith.constant 96 : index
          %get3A_948 = tpu.vector_load %arg13[%get3A_946, %get3A_947] {strides = array<i32>} : memref<256x128xf32, #tpu.memory_space<vmem>>, vector<1x16xf32>,
          %get3A_949 = vector.shape_cast %get3A_948 : vector<1x16xf32> to vector<16xf32>
          %add3A_950 = arith.addf %add3A_943, %get3A_949 : vector<16xf32>
          %add3A_951 = arith.constant 5 : i32
          %add3A_952 = arith.addi %mul3A_236, %add3A_951 : i32
          %get3A_953 = arith.index_cast %add3A_952 : i32 to index
          %get3A_954 = arith.constant 96 : index
          %get3A_955 = tpu.vector_load %arg13[%get3A_953, %get3A_954] {strides = array<i32>} : memref<256x128xf32, #tpu.memory_space<vmem>>, vector<1x16xf32>,
          %get3A_956 = vector.shape_cast %get3A_955 : vector<1x16xf32> to vector<16xf32>
          %add3A_957 = arith.addf %add3A_950, %get3A_956 : vector<16xf32>
          %add3A_958 = arith.constant 6 : i32
          %add3A_959 = arith.addi %mul3A_236, %add3A_958 : i32
          %get3A_960 = arith.index_cast %add3A_959 : i32 to index
          %get3A_961 = arith.constant 96 : index
          %get3A_962 = tpu.vector_load %arg13[%get3A_960, %get3A_961] {strides = array<i32>} : memref<256x128xf32, #tpu.memory_space<vmem>>, vector<1x16xf32>,
          %get3A_963 = vector.shape_cast %get3A_962 : vector<1x16xf32> to vector<16xf32>
          %add3A_964 = arith.addf %add3A_957, %get3A_963 : vector<16xf32>
          %add3A_965 = arith.constant 7 : i32
          %add3A_966 = arith.addi %mul3A_236, %add3A_965 : i32
          %get3A_967 = arith.index_cast %add3A_966 : i32 to index
          %get3A_968 = arith.constant 96 : index
          %get3A_969 = tpu.vector_load %arg13[%get3A_967, %get3A_968] {strides = array<i32>} : memref<256x128xf32, #tpu.memory_space<vmem>>, vector<1x16xf32>,
          %get3A_970 = vector.shape_cast %get3A_969 : vector<1x16xf32> to vector<16xf32>
          %add3A_971 = arith.addf %add3A_964, %get3A_970 : vector<16xf32>
          %add3A_972 = arith.constant 8 : i32
          %add3A_973 = arith.addi %mul3A_236, %add3A_972 : i32
          %get3A_974 = arith.index_cast %add3A_973 : i32 to index
          %get3A_975 = arith.constant 96 : index
          %get3A_976 = tpu.vector_load %arg13[%get3A_974, %get3A_975] {strides = array<i32>} : memref<256x128xf32, #tpu.memory_space<vmem>>, vector<1x16xf32>,
          %get3A_977 = vector.shape_cast %get3A_976 : vector<1x16xf32> to vector<16xf32>
          %add3A_978 = arith.addf %add3A_971, %get3A_977 : vector<16xf32>
          %add3A_979 = arith.constant 9 : i32
          %add3A_980 = arith.addi %mul3A_236, %add3A_979 : i32
          %get3A_981 = arith.index_cast %add3A_980 : i32 to index
          %get3A_982 = arith.constant 96 : index
          %get3A_983 = tpu.vector_load %arg13[%get3A_981, %get3A_982] {strides = array<i32>} : memref<256x128xf32, #tpu.memory_space<vmem>>, vector<1x16xf32>,
          %get3A_984 = vector.shape_cast %get3A_983 : vector<1x16xf32> to vector<16xf32>
          %add3A_985 = arith.addf %add3A_978, %get3A_984 : vector<16xf32>
          %add3A_986 = arith.constant 10 : i32
          %add3A_987 = arith.addi %mul3A_236, %add3A_986 : i32
          %get3A_988 = arith.index_cast %add3A_987 : i32 to index
          %get3A_989 = arith.constant 96 : index
          %get3A_990 = tpu.vector_load %arg13[%get3A_988, %get3A_989] {strides = array<i32>} : memref<256x128xf32, #tpu.memory_space<vmem>>, vector<1x16xf32>,
          %get3A_991 = vector.shape_cast %get3A_990 : vector<1x16xf32> to vector<16xf32>
          %add3A_992 = arith.addf %add3A_985, %get3A_991 : vector<16xf32>
          %add3A_993 = arith.constant 11 : i32
          %add3A_994 = arith.addi %mul3A_236, %add3A_993 : i32
          %get3A_995 = arith.index_cast %add3A_994 : i32 to index
          %get3A_996 = arith.constant 96 : index
          %get3A_997 = tpu.vector_load %arg13[%get3A_995, %get3A_996] {strides = array<i32>} : memref<256x128xf32, #tpu.memory_space<vmem>>, vector<1x16xf32>,
          %get3A_998 = vector.shape_cast %get3A_997 : vector<1x16xf32> to vector<16xf32>
          %add3A_999 = arith.addf %add3A_992, %get3A_998 : vector<16xf32>
          %add3A_1000 = arith.constant 12 : i32
          %add3A_1001 = arith.addi %mul3A_236, %add3A_1000 : i32
          %get3A_1002 = arith.index_cast %add3A_1001 : i32 to index
          %get3A_1003 = arith.constant 96 : index
          %get3A_1004 = tpu.vector_load %arg13[%get3A_1002, %get3A_1003] {strides = array<i32>} : memref<256x128xf32, #tpu.memory_space<vmem>>, vector<1x16xf32>,
          %get3A_1005 = vector.shape_cast %get3A_1004 : vector<1x16xf32> to vector<16xf32>
          %add3A_1006 = arith.addf %add3A_999, %get3A_1005 : vector<16xf32>
          %add3A_1007 = arith.constant 13 : i32
          %add3A_1008 = arith.addi %mul3A_236, %add3A_1007 : i32
          %get3A_1009 = arith.index_cast %add3A_1008 : i32 to index
          %get3A_1010 = arith.constant 96 : index
          %get3A_1011 = tpu.vector_load %arg13[%get3A_1009, %get3A_1010] {strides = array<i32>} : memref<256x128xf32, #tpu.memory_space<vmem>>, vector<1x16xf32>,
          %get3A_1012 = vector.shape_cast %get3A_1011 : vector<1x16xf32> to vector<16xf32>
          %add3A_1013 = arith.addf %add3A_1006, %get3A_1012 : vector<16xf32>
          %add3A_1014 = arith.constant 14 : i32
          %add3A_1015 = arith.addi %mul3A_236, %add3A_1014 : i32
          %get3A_1016 = arith.index_cast %add3A_1015 : i32 to index
          %get3A_1017 = arith.constant 96 : index
          %get3A_1018 = tpu.vector_load %arg13[%get3A_1016, %get3A_1017] {strides = array<i32>} : memref<256x128xf32, #tpu.memory_space<vmem>>, vector<1x16xf32>,
          %get3A_1019 = vector.shape_cast %get3A_1018 : vector<1x16xf32> to vector<16xf32>
          %add3A_1020 = arith.addf %add3A_1013, %get3A_1019 : vector<16xf32>
          %add3A_1021 = arith.constant 15 : i32
          %add3A_1022 = arith.addi %mul3A_236, %add3A_1021 : i32
          %get3A_1023 = arith.index_cast %add3A_1022 : i32 to index
          %get3A_1024 = arith.constant 96 : index
          %get3A_1025 = tpu.vector_load %arg13[%get3A_1023, %get3A_1024] {strides = array<i32>} : memref<256x128xf32, #tpu.memory_space<vmem>>, vector<1x16xf32>,
          %get3A_1026 = vector.shape_cast %get3A_1025 : vector<1x16xf32> to vector<16xf32>
          %add3A_1027 = arith.addf %add3A_1020, %get3A_1026 : vector<16xf32>
          %swap3A_1028 = arith.index_cast %scan3A_234 : i32 to index
          %swap3A_1029 = arith.constant 96 : index
          %swap3A_1030 = tpu.vector_load %arg16[%swap3A_1028, %swap3A_1029] {strides = array<i32>} : memref<16x128xf32, #tpu.memory_space<vmem>>, vector<1x16xf32>,
          %swap3A_1031 = vector.shape_cast %swap3A_1030 : vector<1x16xf32> to vector<16xf32>
          %swap3A_1032 = vector.shape_cast %add3A_1027 : vector<16xf32> to vector<1x16xf32>
          tpu.vector_store %arg16[%swap3A_1028, %swap3A_1029], %swap3A_1032 {strides = array<i32>} : memref<16x128xf32, #tpu.memory_space<vmem>>, vector<1x16xf32>,
          %get3A_1033 = arith.index_cast %mul3A_236 : i32 to index
          %get3A_1034 = arith.constant 112 : index
          %get3A_1035 = tpu.vector_load %arg13[%get3A_1033, %get3A_1034] {strides = array<i32>} : memref<256x128xf32, #tpu.memory_space<vmem>>, vector<1x16xf32>,
          %get3A_1036 = vector.shape_cast %get3A_1035 : vector<1x16xf32> to vector<16xf32>
          %add3A_1037 = arith.constant 1 : i32
          %add3A_1038 = arith.addi %mul3A_236, %add3A_1037 : i32
          %get3A_1039 = arith.index_cast %add3A_1038 : i32 to index
          %get3A_1040 = arith.constant 112 : index
          %get3A_1041 = tpu.vector_load %arg13[%get3A_1039, %get3A_1040] {strides = array<i32>} : memref<256x128xf32, #tpu.memory_space<vmem>>, vector<1x16xf32>,
          %get3A_1042 = vector.shape_cast %get3A_1041 : vector<1x16xf32> to vector<16xf32>
          %add3A_1043 = arith.addf %get3A_1036, %get3A_1042 : vector<16xf32>
          %add3A_1044 = arith.constant 2 : i32
          %add3A_1045 = arith.addi %mul3A_236, %add3A_1044 : i32
          %get3A_1046 = arith.index_cast %add3A_1045 : i32 to index
          %get3A_1047 = arith.constant 112 : index
          %get3A_1048 = tpu.vector_load %arg13[%get3A_1046, %get3A_1047] {strides = array<i32>} : memref<256x128xf32, #tpu.memory_space<vmem>>, vector<1x16xf32>,
          %get3A_1049 = vector.shape_cast %get3A_1048 : vector<1x16xf32> to vector<16xf32>
          %add3A_1050 = arith.addf %add3A_1043, %get3A_1049 : vector<16xf32>
          %add3A_1051 = arith.constant 3 : i32
          %add3A_1052 = arith.addi %mul3A_236, %add3A_1051 : i32
          %get3A_1053 = arith.index_cast %add3A_1052 : i32 to index
          %get3A_1054 = arith.constant 112 : index
          %get3A_1055 = tpu.vector_load %arg13[%get3A_1053, %get3A_1054] {strides = array<i32>} : memref<256x128xf32, #tpu.memory_space<vmem>>, vector<1x16xf32>,
          %get3A_1056 = vector.shape_cast %get3A_1055 : vector<1x16xf32> to vector<16xf32>
          %add3A_1057 = arith.addf %add3A_1050, %get3A_1056 : vector<16xf32>
          %add3A_1058 = arith.constant 4 : i32
          %add3A_1059 = arith.addi %mul3A_236, %add3A_1058 : i32
          %get3A_1060 = arith.index_cast %add3A_1059 : i32 to index
          %get3A_1061 = arith.constant 112 : index
          %get3A_1062 = tpu.vector_load %arg13[%get3A_1060, %get3A_1061] {strides = array<i32>} : memref<256x128xf32, #tpu.memory_space<vmem>>, vector<1x16xf32>,
          %get3A_1063 = vector.shape_cast %get3A_1062 : vector<1x16xf32> to vector<16xf32>
          %add3A_1064 = arith.addf %add3A_1057, %get3A_1063 : vector<16xf32>
          %add3A_1065 = arith.constant 5 : i32
          %add3A_1066 = arith.addi %mul3A_236, %add3A_1065 : i32
          %get3A_1067 = arith.index_cast %add3A_1066 : i32 to index
          %get3A_1068 = arith.constant 112 : index
          %get3A_1069 = tpu.vector_load %arg13[%get3A_1067, %get3A_1068] {strides = array<i32>} : memref<256x128xf32, #tpu.memory_space<vmem>>, vector<1x16xf32>,
          %get3A_1070 = vector.shape_cast %get3A_1069 : vector<1x16xf32> to vector<16xf32>
          %add3A_1071 = arith.addf %add3A_1064, %get3A_1070 : vector<16xf32>
          %add3A_1072 = arith.constant 6 : i32
          %add3A_1073 = arith.addi %mul3A_236, %add3A_1072 : i32
          %get3A_1074 = arith.index_cast %add3A_1073 : i32 to index
          %get3A_1075 = arith.constant 112 : index
          %get3A_1076 = tpu.vector_load %arg13[%get3A_1074, %get3A_1075] {strides = array<i32>} : memref<256x128xf32, #tpu.memory_space<vmem>>, vector<1x16xf32>,
          %get3A_1077 = vector.shape_cast %get3A_1076 : vector<1x16xf32> to vector<16xf32>
          %add3A_1078 = arith.addf %add3A_1071, %get3A_1077 : vector<16xf32>
          %add3A_1079 = arith.constant 7 : i32
          %add3A_1080 = arith.addi %mul3A_236, %add3A_1079 : i32
          %get3A_1081 = arith.index_cast %add3A_1080 : i32 to index
          %get3A_1082 = arith.constant 112 : index
          %get3A_1083 = tpu.vector_load %arg13[%get3A_1081, %get3A_1082] {strides = array<i32>} : memref<256x128xf32, #tpu.memory_space<vmem>>, vector<1x16xf32>,
          %get3A_1084 = vector.shape_cast %get3A_1083 : vector<1x16xf32> to vector<16xf32>
          %add3A_1085 = arith.addf %add3A_1078, %get3A_1084 : vector<16xf32>
          %add3A_1086 = arith.constant 8 : i32
          %add3A_1087 = arith.addi %mul3A_236, %add3A_1086 : i32
          %get3A_1088 = arith.index_cast %add3A_1087 : i32 to index
          %get3A_1089 = arith.constant 112 : index
          %get3A_1090 = tpu.vector_load %arg13[%get3A_1088, %get3A_1089] {strides = array<i32>} : memref<256x128xf32, #tpu.memory_space<vmem>>, vector<1x16xf32>,
          %get3A_1091 = vector.shape_cast %get3A_1090 : vector<1x16xf32> to vector<16xf32>
          %add3A_1092 = arith.addf %add3A_1085, %get3A_1091 : vector<16xf32>
          %add3A_1093 = arith.constant 9 : i32
          %add3A_1094 = arith.addi %mul3A_236, %add3A_1093 : i32
          %get3A_1095 = arith.index_cast %add3A_1094 : i32 to index
          %get3A_1096 = arith.constant 112 : index
          %get3A_1097 = tpu.vector_load %arg13[%get3A_1095, %get3A_1096] {strides = array<i32>} : memref<256x128xf32, #tpu.memory_space<vmem>>, vector<1x16xf32>,
          %get3A_1098 = vector.shape_cast %get3A_1097 : vector<1x16xf32> to vector<16xf32>
          %add3A_1099 = arith.addf %add3A_1092, %get3A_1098 : vector<16xf32>
          %add3A_1100 = arith.constant 10 : i32
          %add3A_1101 = arith.addi %mul3A_236, %add3A_1100 : i32
          %get3A_1102 = arith.index_cast %add3A_1101 : i32 to index
          %get3A_1103 = arith.constant 112 : index
          %get3A_1104 = tpu.vector_load %arg13[%get3A_1102, %get3A_1103] {strides = array<i32>} : memref<256x128xf32, #tpu.memory_space<vmem>>, vector<1x16xf32>,
          %get3A_1105 = vector.shape_cast %get3A_1104 : vector<1x16xf32> to vector<16xf32>
          %add3A_1106 = arith.addf %add3A_1099, %get3A_1105 : vector<16xf32>
          %add3A_1107 = arith.constant 11 : i32
          %add3A_1108 = arith.addi %mul3A_236, %add3A_1107 : i32
          %get3A_1109 = arith.index_cast %add3A_1108 : i32 to index
          %get3A_1110 = arith.constant 112 : index
          %get3A_1111 = tpu.vector_load %arg13[%get3A_1109, %get3A_1110] {strides = array<i32>} : memref<256x128xf32, #tpu.memory_space<vmem>>, vector<1x16xf32>,
          %get3A_1112 = vector.shape_cast %get3A_1111 : vector<1x16xf32> to vector<16xf32>
          %add3A_1113 = arith.addf %add3A_1106, %get3A_1112 : vector<16xf32>
          %add3A_1114 = arith.constant 12 : i32
          %add3A_1115 = arith.addi %mul3A_236, %add3A_1114 : i32
          %get3A_1116 = arith.index_cast %add3A_1115 : i32 to index
          %get3A_1117 = arith.constant 112 : index
          %get3A_1118 = tpu.vector_load %arg13[%get3A_1116, %get3A_1117] {strides = array<i32>} : memref<256x128xf32, #tpu.memory_space<vmem>>, vector<1x16xf32>,
          %get3A_1119 = vector.shape_cast %get3A_1118 : vector<1x16xf32> to vector<16xf32>
          %add3A_1120 = arith.addf %add3A_1113, %get3A_1119 : vector<16xf32>
          %add3A_1121 = arith.constant 13 : i32
          %add3A_1122 = arith.addi %mul3A_236, %add3A_1121 : i32
          %get3A_1123 = arith.index_cast %add3A_1122 : i32 to index
          %get3A_1124 = arith.constant 112 : index
          %get3A_1125 = tpu.vector_load %arg13[%get3A_1123, %get3A_1124] {strides = array<i32>} : memref<256x128xf32, #tpu.memory_space<vmem>>, vector<1x16xf32>,
          %get3A_1126 = vector.shape_cast %get3A_1125 : vector<1x16xf32> to vector<16xf32>
          %add3A_1127 = arith.addf %add3A_1120, %get3A_1126 : vector<16xf32>
          %add3A_1128 = arith.constant 14 : i32
          %add3A_1129 = arith.addi %mul3A_236, %add3A_1128 : i32
          %get3A_1130 = arith.index_cast %add3A_1129 : i32 to index
          %get3A_1131 = arith.constant 112 : index
          %get3A_1132 = tpu.vector_load %arg13[%get3A_1130, %get3A_1131] {strides = array<i32>} : memref<256x128xf32, #tpu.memory_space<vmem>>, vector<1x16xf32>,
          %get3A_1133 = vector.shape_cast %get3A_1132 : vector<1x16xf32> to vector<16xf32>
          %add3A_1134 = arith.addf %add3A_1127, %get3A_1133 : vector<16xf32>
          %add3A_1135 = arith.constant 15 : i32
          %add3A_1136 = arith.addi %mul3A_236, %add3A_1135 : i32
          %get3A_1137 = arith.index_cast %add3A_1136 : i32 to index
          %get3A_1138 = arith.constant 112 : index
          %get3A_1139 = tpu.vector_load %arg13[%get3A_1137, %get3A_1138] {strides = array<i32>} : memref<256x128xf32, #tpu.memory_space<vmem>>, vector<1x16xf32>,
          %get3A_1140 = vector.shape_cast %get3A_1139 : vector<1x16xf32> to vector<16xf32>
          %add3A_1141 = arith.addf %add3A_1134, %get3A_1140 : vector<16xf32>
          %swap3A_1142 = arith.index_cast %scan3A_234 : i32 to index
          %swap3A_1143 = arith.constant 112 : index
          %swap3A_1144 = tpu.vector_load %arg16[%swap3A_1142, %swap3A_1143] {strides = array<i32>} : memref<16x128xf32, #tpu.memory_space<vmem>>, vector<1x16xf32>,
          %swap3A_1145 = vector.shape_cast %swap3A_1144 : vector<1x16xf32> to vector<16xf32>
          %swap3A_1146 = vector.shape_cast %add3A_1141 : vector<16xf32> to vector<1x16xf32>
          tpu.vector_store %arg16[%swap3A_1142, %swap3A_1143], %swap3A_1146 {strides = array<i32>} : memref<16x128xf32, #tpu.memory_space<vmem>>, vector<1x16xf32>,
        }
        %scan3A_223 = arith.constant 16 : i32
        %lt3A_224 = arith.constant 32 : i32
        %lt3A_225 = arith.cmpi slt, %add3A_124, %lt3A_224 : i32
        %convert_element_type3A_226 = arith.extui %lt3A_225 : i1 to i32
        %cond3A_227 = arith.constant 0 : i32
        %cond3A_228 = arith.cmpi ne, %convert_element_type3A_226, %cond3A_227 : i32
        scf.if %cond3A_228 {
          %mul3A_234 = arith.constant 16 : i32
          %mul3A_235 = arith.muli %add3A_124, %mul3A_234 : i32
          %add3A_236 = arith.addi %mul3A_2, %mul3A_235 : i32
          %dma_start3A_237 = arith.constant 0 : i32
          %dma_start3A_238 = tpu.memref_slice %arg7[%add3A_236, %dma_start3A_237] : memref<16384x128xf32, #tpu.memory_space<hbm>> -> memref<16x128xf32, #tpu.memory_space<hbm>>
          %dma_start3A_239 = arith.constant 0 : i32
          %dma_start3A_240 = tpu.memref_slice %arg7[%add3A_236, %dma_start3A_239] : memref<16384x128xf32, #tpu.memory_space<hbm>> -> memref<16x128xf32, #tpu.memory_space<hbm>>
          tpu.enqueue_dma source(%arg16 : memref<16x128xf32, #tpu.memory_space<vmem>>) target(%dma_start3A_240 : memref<16x128xf32, #tpu.memory_space<hbm>>) target_semaphore(%arg21 : memref<!tpu.dma_semaphore, #tpu.memory_space<semaphore_mem>>)
        } else {
        }
        %ge3A_229 = arith.constant 32 : i32
        %ge3A_230 = arith.cmpi sge, %add3A_124, %ge3A_229 : i32
        %convert_element_type3A_231 = arith.extui %ge3A_230 : i1 to i32
        %cond3A_232 = arith.constant 0 : i32
        %cond3A_233 = arith.cmpi ne, %convert_element_type3A_231, %cond3A_232 : i32
        scf.if %cond3A_233 {
          %sub3A_234 = arith.constant 32 : i32
          %sub3A_235 = arith.subi %add3A_124, %sub3A_234 : i32
          %mul3A_236 = arith.constant 16 : i32
          %mul3A_237 = arith.muli %sub3A_235, %mul3A_236 : i32
          %add3A_238 = arith.addi %mul3A_2, %mul3A_237 : i32
          %dma_start3A_239 = arith.constant 0 : i32
          %dma_start3A_240 = tpu.memref_slice %arg8[%add3A_238, %dma_start3A_239] : memref<16384x128xf32, #tpu.memory_space<hbm>> -> memref<16x128xf32, #tpu.memory_space<hbm>>
          %dma_start3A_241 = arith.constant 0 : i32
          %dma_start3A_242 = tpu.memref_slice %arg8[%add3A_238, %dma_start3A_241] : memref<16384x128xf32, #tpu.memory_space<hbm>> -> memref<16x128xf32, #tpu.memory_space<hbm>>
          tpu.enqueue_dma source(%arg16 : memref<16x128xf32, #tpu.memory_space<vmem>>) target(%dma_start3A_242 : memref<16x128xf32, #tpu.memory_space<hbm>>) target_semaphore(%arg21 : memref<!tpu.dma_semaphore, #tpu.memory_space<semaphore_mem>>)
        } else {
        }
      } else {
      }
      %ge3A_160 = arith.constant 64 : i32
      %ge3A_161 = arith.cmpi sge, %add3A_124, %ge3A_160 : i32
      %lt3A_162 = arith.constant 66 : i32
      %lt3A_163 = arith.cmpi slt, %add3A_124, %lt3A_162 : i32
      %and3A_164 = arith.andi %ge3A_161, %lt3A_163 : i1
      %convert_element_type3A_165 = arith.extui %and3A_164 : i1 to i32
      %cond3A_166 = arith.constant 0 : i32
      %cond3A_167 = arith.cmpi ne, %convert_element_type3A_165, %cond3A_166 : i32
      scf.if %cond3A_167 {
        %sub3A_213 = arith.constant 64 : i32
        %sub3A_214 = arith.subi %add3A_124, %sub3A_213 : i32
        %mul3A_215 = arith.constant 256 : i32
        %mul3A_216 = arith.muli %sub3A_214, %mul3A_215 : i32
        %add3A_217 = arith.addi %mul3A_2, %mul3A_216 : i32
        %dma_start3A_218 = arith.constant 0 : i32
        %dma_start3A_219 = tpu.memref_slice %arg6[%add3A_217, %dma_start3A_218] : memref<16384x128xf32, #tpu.memory_space<hbm>> -> memref<256x128xf32, #tpu.memory_space<hbm>>
        %dma_start3A_220 = arith.constant 0 : i32
        %dma_start3A_221 = tpu.memref_slice %arg6[%add3A_217, %dma_start3A_220] : memref<16384x128xf32, #tpu.memory_space<hbm>> -> memref<256x128xf32, #tpu.memory_space<hbm>>
        tpu.enqueue_dma source(%arg13 : memref<256x128xf32, #tpu.memory_space<vmem>>) target(%dma_start3A_221 : memref<256x128xf32, #tpu.memory_space<hbm>>) target_semaphore(%arg22 : memref<!tpu.dma_semaphore, #tpu.memory_space<semaphore_mem>>)
      } else {
      }
      %add3A_168 = arith.constant 2 : i32
      %add3A_169 = arith.addi %add3A_80, %add3A_168 : i32
      %add3A_170 = arith.constant 3 : i32
      %add3A_171 = arith.addi %add3A_169, %add3A_170 : i32
      %sub3A_172 = arith.constant 1 : i32
      %sub3A_173 = arith.subi %add3A_171, %sub3A_172 : i32
      %lt3A_174 = arith.constant 32 : i32
      %lt3A_175 = arith.cmpi slt, %sub3A_173, %lt3A_174 : i32
      %convert_element_type3A_176 = arith.extui %lt3A_175 : i1 to i32
      %cond3A_177 = arith.constant 0 : i32
      %cond3A_178 = arith.cmpi ne, %convert_element_type3A_176, %cond3A_177 : i32
      scf.if %cond3A_178 {
        %mul3A_213 = arith.constant 16 : i32
        %mul3A_214 = arith.muli %sub3A_173, %mul3A_213 : i32
        %mul3A_215 = arith.constant 16 : i32
        %mul3A_216 = arith.muli %mul3A_214, %mul3A_215 : i32
        %dma_start3A_217 = tpu.memref_slice %arg9[%mul3A_216] : memref<8192xi32, #tpu.memory_space<vmem>> -> memref<256xi32, #tpu.memory_space<vmem>>
        %dma_start3A_218 = arith.constant 0 : i32
        %dma_start3A_219 = arith.constant 0 : i32
        %dma_start3A_220 = tpu.memref_slice %arg5[%dma_start3A_218, %dma_start3A_219] : memref<100000x128xf32, #tpu.memory_space<hbm>> -> memref<100000x128xf32, #tpu.memory_space<hbm>>
        tpu.enqueue_indirect_dma source(%dma_start3A_220 : memref<100000x128xf32, #tpu.memory_space<hbm>>) target(%arg13 : memref<256x128xf32, #tpu.memory_space<vmem>>) offsets(%dma_start3A_217 : memref<256xi32, #tpu.memory_space<vmem>>) semaphore(%arg18 : memref<!tpu.dma_semaphore, #tpu.memory_space<semaphore_mem>>)
      } else {
      }
      %ge3A_179 = arith.constant 32 : i32
      %ge3A_180 = arith.cmpi sge, %sub3A_173, %ge3A_179 : i32
      %lt3A_181 = arith.constant 64 : i32
      %lt3A_182 = arith.cmpi slt, %sub3A_173, %lt3A_181 : i32
      %and3A_183 = arith.andi %ge3A_180, %lt3A_182 : i1
      %convert_element_type3A_184 = arith.extui %and3A_183 : i1 to i32
      %cond3A_185 = arith.constant 0 : i32
      %cond3A_186 = arith.cmpi ne, %convert_element_type3A_184, %cond3A_185 : i32
      scf.if %cond3A_186 {
        %sub3A_213 = arith.constant 32 : i32
        %sub3A_214 = arith.subi %sub3A_173, %sub3A_213 : i32
        %mul3A_215 = arith.constant 16 : i32
        %mul3A_216 = arith.muli %sub3A_214, %mul3A_215 : i32
        %mul3A_217 = arith.constant 16 : i32
        %mul3A_218 = arith.muli %mul3A_216, %mul3A_217 : i32
        %dma_start3A_219 = tpu.memref_slice %arg10[%mul3A_218] : memref<8192xi32, #tpu.memory_space<vmem>> -> memref<256xi32, #tpu.memory_space<vmem>>
        %dma_start3A_220 = arith.constant 0 : i32
        %dma_start3A_221 = arith.constant 0 : i32
        %dma_start3A_222 = tpu.memref_slice %arg5[%dma_start3A_220, %dma_start3A_221] : memref<100000x128xf32, #tpu.memory_space<hbm>> -> memref<100000x128xf32, #tpu.memory_space<hbm>>
        tpu.enqueue_indirect_dma source(%dma_start3A_222 : memref<100000x128xf32, #tpu.memory_space<hbm>>) target(%arg13 : memref<256x128xf32, #tpu.memory_space<vmem>>) offsets(%dma_start3A_219 : memref<256xi32, #tpu.memory_space<vmem>>) semaphore(%arg18 : memref<!tpu.dma_semaphore, #tpu.memory_space<semaphore_mem>>)
      } else {
      }
      %ge3A_187 = arith.constant 64 : i32
      %ge3A_188 = arith.cmpi sge, %sub3A_173, %ge3A_187 : i32
      %lt3A_189 = arith.constant 66 : i32
      %lt3A_190 = arith.cmpi slt, %sub3A_173, %lt3A_189 : i32
      %and3A_191 = arith.andi %ge3A_188, %lt3A_190 : i1
      %convert_element_type3A_192 = arith.extui %and3A_191 : i1 to i32
      %cond3A_193 = arith.constant 0 : i32
      %cond3A_194 = arith.cmpi ne, %convert_element_type3A_192, %cond3A_193 : i32
      scf.if %cond3A_194 {
        %sub3A_213 = arith.constant 64 : i32
        %sub3A_214 = arith.subi %sub3A_173, %sub3A_213 : i32
        %mul3A_215 = arith.constant 256 : i32
        %mul3A_216 = arith.muli %sub3A_214, %mul3A_215 : i32
        %dma_start3A_217 = tpu.memref_slice %arg11[%mul3A_216] : memref<512xi32, #tpu.memory_space<vmem>> -> memref<256xi32, #tpu.memory_space<vmem>>
        %dma_start3A_218 = arith.constant 0 : i32
        %dma_start3A_219 = arith.constant 0 : i32
        %dma_start3A_220 = tpu.memref_slice %arg5[%dma_start3A_218, %dma_start3A_219] : memref<100000x128xf32, #tpu.memory_space<hbm>> -> memref<100000x128xf32, #tpu.memory_space<hbm>>
        tpu.enqueue_indirect_dma source(%dma_start3A_220 : memref<100000x128xf32, #tpu.memory_space<hbm>>) target(%arg13 : memref<256x128xf32, #tpu.memory_space<vmem>>) offsets(%dma_start3A_217 : memref<256xi32, #tpu.memory_space<vmem>>) semaphore(%arg18 : memref<!tpu.dma_semaphore, #tpu.memory_space<semaphore_mem>>)
      } else {
      }
      %dma_wait3A_195 = arith.constant 0 : i32
      %dma_wait3A_196 = tpu.memref_slice %arg9[%dma_wait3A_195] : memref<8192xi32, #tpu.memory_space<vmem>> -> memref<256xi32, #tpu.memory_space<vmem>>
      %dma_wait3A_197 = arith.constant 0 : i32
      %dma_wait3A_198 = arith.constant 0 : i32
      %dma_wait3A_199 = tpu.memref_slice %arg5[%dma_wait3A_197, %dma_wait3A_198] : memref<100000x128xf32, #tpu.memory_space<hbm>> -> memref<100000x128xf32, #tpu.memory_space<hbm>>
      tpu.wait_indirect_dma semaphore(%arg19 : memref<!tpu.dma_semaphore, #tpu.memory_space<semaphore_mem>>) src(%dma_wait3A_199 : memref<100000x128xf32, #tpu.memory_space<hbm>>) dst(%arg14 : memref<256x128xf32, #tpu.memory_space<vmem>>)
      %lt3A_200 = arith.constant 64 : i32
      %lt3A_201 = arith.cmpi slt, %add3A_169, %lt3A_200 : i32
      %convert_element_type3A_202 = arith.extui %lt3A_201 : i1 to i32
      %cond3A_203 = arith.constant 0 : i32
      %cond3A_204 = arith.cmpi ne, %convert_element_type3A_202, %cond3A_203 : i32
      scf.if %cond3A_204 {
        %ge3A_213 = arith.constant 2 : i32
        %ge3A_214 = arith.cmpi sge, %add3A_169, %ge3A_213 : i32
        %convert_element_type3A_215 = arith.extui %ge3A_214 : i1 to i32
        %cond3A_216 = arith.constant 0 : i32
        %cond3A_217 = arith.cmpi ne, %convert_element_type3A_215, %cond3A_216 : i32
        scf.if %cond3A_217 {
          %dma_wait3A_234 = arith.constant 0 : i32
          %dma_wait3A_235 = arith.constant 0 : i32
          %dma_wait3A_236 = tpu.memref_slice %arg7[%dma_wait3A_234, %dma_wait3A_235] : memref<16384x128xf32, #tpu.memory_space<hbm>> -> memref<16x128xf32, #tpu.memory_space<hbm>>
          %dma_wait3A_237 = arith.constant 0 : i32
          %dma_wait3A_238 = arith.constant 0 : i32
          %dma_wait3A_239 = tpu.memref_slice %arg7[%dma_wait3A_237, %dma_wait3A_238] : memref<16384x128xf32, #tpu.memory_space<hbm>> -> memref<16x128xf32, #tpu.memory_space<hbm>>
          tpu.wait_dma2 semaphore(%arg20 : memref<!tpu.dma_semaphore, #tpu.memory_space<semaphore_mem>>) src(%arg15 : memref<16x128xf32, #tpu.memory_space<vmem>>) dst(%dma_wait3A_239 : memref<16x128xf32, #tpu.memory_space<hbm>>)
        } else {
        }
        %scan3A_218 = arith.constant 0 : i32
        %scan3A_219 = arith.constant 0 : i32
        %scan3A_220 = arith.constant 16 : i32
        %scan3A_221 = arith.addi %scan3A_219, %scan3A_220 : i32
        %scan3A_222 = arith.constant 1 : i32
        scf.for %scan3A_234 = %scan3A_219 to %scan3A_221 step %scan3A_222  : i32 {
          %mul3A_235 = arith.constant 16 : i32
          %mul3A_236 = arith.muli %scan3A_234, %mul3A_235 : i32
          %get3A = arith.index_cast %mul3A_236 : i32 to index
          %get3A_237 = arith.constant 0 : index
          %get3A_238 = tpu.vector_load %arg14[%get3A, %get3A_237] {strides = array<i32>} : memref<256x128xf32, #tpu.memory_space<vmem>>, vector<1x16xf32>,
          %get3A_239 = vector.shape_cast %get3A_238 : vector<1x16xf32> to vector<16xf32>
          %add3A_240 = arith.constant 1 : i32
          %add3A_241 = arith.addi %mul3A_236, %add3A_240 : i32
          %get3A_242 = arith.index_cast %add3A_241 : i32 to index
          %get3A_243 = arith.constant 0 : index
          %get3A_244 = tpu.vector_load %arg14[%get3A_242, %get3A_243] {strides = array<i32>} : memref<256x128xf32, #tpu.memory_space<vmem>>, vector<1x16xf32>,
          %get3A_245 = vector.shape_cast %get3A_244 : vector<1x16xf32> to vector<16xf32>
          %add3A_246 = arith.addf %get3A_239, %get3A_245 : vector<16xf32>
          %add3A_247 = arith.constant 2 : i32
          %add3A_248 = arith.addi %mul3A_236, %add3A_247 : i32
          %get3A_249 = arith.index_cast %add3A_248 : i32 to index
          %get3A_250 = arith.constant 0 : index
          %get3A_251 = tpu.vector_load %arg14[%get3A_249, %get3A_250] {strides = array<i32>} : memref<256x128xf32, #tpu.memory_space<vmem>>, vector<1x16xf32>,
          %get3A_252 = vector.shape_cast %get3A_251 : vector<1x16xf32> to vector<16xf32>
          %add3A_253 = arith.addf %add3A_246, %get3A_252 : vector<16xf32>
          %add3A_254 = arith.constant 3 : i32
          %add3A_255 = arith.addi %mul3A_236, %add3A_254 : i32
          %get3A_256 = arith.index_cast %add3A_255 : i32 to index
          %get3A_257 = arith.constant 0 : index
          %get3A_258 = tpu.vector_load %arg14[%get3A_256, %get3A_257] {strides = array<i32>} : memref<256x128xf32, #tpu.memory_space<vmem>>, vector<1x16xf32>,
          %get3A_259 = vector.shape_cast %get3A_258 : vector<1x16xf32> to vector<16xf32>
          %add3A_260 = arith.addf %add3A_253, %get3A_259 : vector<16xf32>
          %add3A_261 = arith.constant 4 : i32
          %add3A_262 = arith.addi %mul3A_236, %add3A_261 : i32
          %get3A_263 = arith.index_cast %add3A_262 : i32 to index
          %get3A_264 = arith.constant 0 : index
          %get3A_265 = tpu.vector_load %arg14[%get3A_263, %get3A_264] {strides = array<i32>} : memref<256x128xf32, #tpu.memory_space<vmem>>, vector<1x16xf32>,
          %get3A_266 = vector.shape_cast %get3A_265 : vector<1x16xf32> to vector<16xf32>
          %add3A_267 = arith.addf %add3A_260, %get3A_266 : vector<16xf32>
          %add3A_268 = arith.constant 5 : i32
          %add3A_269 = arith.addi %mul3A_236, %add3A_268 : i32
          %get3A_270 = arith.index_cast %add3A_269 : i32 to index
          %get3A_271 = arith.constant 0 : index
          %get3A_272 = tpu.vector_load %arg14[%get3A_270, %get3A_271] {strides = array<i32>} : memref<256x128xf32, #tpu.memory_space<vmem>>, vector<1x16xf32>,
          %get3A_273 = vector.shape_cast %get3A_272 : vector<1x16xf32> to vector<16xf32>
          %add3A_274 = arith.addf %add3A_267, %get3A_273 : vector<16xf32>
          %add3A_275 = arith.constant 6 : i32
          %add3A_276 = arith.addi %mul3A_236, %add3A_275 : i32
          %get3A_277 = arith.index_cast %add3A_276 : i32 to index
          %get3A_278 = arith.constant 0 : index
          %get3A_279 = tpu.vector_load %arg14[%get3A_277, %get3A_278] {strides = array<i32>} : memref<256x128xf32, #tpu.memory_space<vmem>>, vector<1x16xf32>,
          %get3A_280 = vector.shape_cast %get3A_279 : vector<1x16xf32> to vector<16xf32>
          %add3A_281 = arith.addf %add3A_274, %get3A_280 : vector<16xf32>
          %add3A_282 = arith.constant 7 : i32
          %add3A_283 = arith.addi %mul3A_236, %add3A_282 : i32
          %get3A_284 = arith.index_cast %add3A_283 : i32 to index
          %get3A_285 = arith.constant 0 : index
          %get3A_286 = tpu.vector_load %arg14[%get3A_284, %get3A_285] {strides = array<i32>} : memref<256x128xf32, #tpu.memory_space<vmem>>, vector<1x16xf32>,
          %get3A_287 = vector.shape_cast %get3A_286 : vector<1x16xf32> to vector<16xf32>
          %add3A_288 = arith.addf %add3A_281, %get3A_287 : vector<16xf32>
          %add3A_289 = arith.constant 8 : i32
          %add3A_290 = arith.addi %mul3A_236, %add3A_289 : i32
          %get3A_291 = arith.index_cast %add3A_290 : i32 to index
          %get3A_292 = arith.constant 0 : index
          %get3A_293 = tpu.vector_load %arg14[%get3A_291, %get3A_292] {strides = array<i32>} : memref<256x128xf32, #tpu.memory_space<vmem>>, vector<1x16xf32>,
          %get3A_294 = vector.shape_cast %get3A_293 : vector<1x16xf32> to vector<16xf32>
          %add3A_295 = arith.addf %add3A_288, %get3A_294 : vector<16xf32>
          %add3A_296 = arith.constant 9 : i32
          %add3A_297 = arith.addi %mul3A_236, %add3A_296 : i32
          %get3A_298 = arith.index_cast %add3A_297 : i32 to index
          %get3A_299 = arith.constant 0 : index
          %get3A_300 = tpu.vector_load %arg14[%get3A_298, %get3A_299] {strides = array<i32>} : memref<256x128xf32, #tpu.memory_space<vmem>>, vector<1x16xf32>,
          %get3A_301 = vector.shape_cast %get3A_300 : vector<1x16xf32> to vector<16xf32>
          %add3A_302 = arith.addf %add3A_295, %get3A_301 : vector<16xf32>
          %add3A_303 = arith.constant 10 : i32
          %add3A_304 = arith.addi %mul3A_236, %add3A_303 : i32
          %get3A_305 = arith.index_cast %add3A_304 : i32 to index
          %get3A_306 = arith.constant 0 : index
          %get3A_307 = tpu.vector_load %arg14[%get3A_305, %get3A_306] {strides = array<i32>} : memref<256x128xf32, #tpu.memory_space<vmem>>, vector<1x16xf32>,
          %get3A_308 = vector.shape_cast %get3A_307 : vector<1x16xf32> to vector<16xf32>
          %add3A_309 = arith.addf %add3A_302, %get3A_308 : vector<16xf32>
          %add3A_310 = arith.constant 11 : i32
          %add3A_311 = arith.addi %mul3A_236, %add3A_310 : i32
          %get3A_312 = arith.index_cast %add3A_311 : i32 to index
          %get3A_313 = arith.constant 0 : index
          %get3A_314 = tpu.vector_load %arg14[%get3A_312, %get3A_313] {strides = array<i32>} : memref<256x128xf32, #tpu.memory_space<vmem>>, vector<1x16xf32>,
          %get3A_315 = vector.shape_cast %get3A_314 : vector<1x16xf32> to vector<16xf32>
          %add3A_316 = arith.addf %add3A_309, %get3A_315 : vector<16xf32>
          %add3A_317 = arith.constant 12 : i32
          %add3A_318 = arith.addi %mul3A_236, %add3A_317 : i32
          %get3A_319 = arith.index_cast %add3A_318 : i32 to index
          %get3A_320 = arith.constant 0 : index
          %get3A_321 = tpu.vector_load %arg14[%get3A_319, %get3A_320] {strides = array<i32>} : memref<256x128xf32, #tpu.memory_space<vmem>>, vector<1x16xf32>,
          %get3A_322 = vector.shape_cast %get3A_321 : vector<1x16xf32> to vector<16xf32>
          %add3A_323 = arith.addf %add3A_316, %get3A_322 : vector<16xf32>
          %add3A_324 = arith.constant 13 : i32
          %add3A_325 = arith.addi %mul3A_236, %add3A_324 : i32
          %get3A_326 = arith.index_cast %add3A_325 : i32 to index
          %get3A_327 = arith.constant 0 : index
          %get3A_328 = tpu.vector_load %arg14[%get3A_326, %get3A_327] {strides = array<i32>} : memref<256x128xf32, #tpu.memory_space<vmem>>, vector<1x16xf32>,
          %get3A_329 = vector.shape_cast %get3A_328 : vector<1x16xf32> to vector<16xf32>
          %add3A_330 = arith.addf %add3A_323, %get3A_329 : vector<16xf32>
          %add3A_331 = arith.constant 14 : i32
          %add3A_332 = arith.addi %mul3A_236, %add3A_331 : i32
          %get3A_333 = arith.index_cast %add3A_332 : i32 to index
          %get3A_334 = arith.constant 0 : index
          %get3A_335 = tpu.vector_load %arg14[%get3A_333, %get3A_334] {strides = array<i32>} : memref<256x128xf32, #tpu.memory_space<vmem>>, vector<1x16xf32>,
          %get3A_336 = vector.shape_cast %get3A_335 : vector<1x16xf32> to vector<16xf32>
          %add3A_337 = arith.addf %add3A_330, %get3A_336 : vector<16xf32>
          %add3A_338 = arith.constant 15 : i32
          %add3A_339 = arith.addi %mul3A_236, %add3A_338 : i32
          %get3A_340 = arith.index_cast %add3A_339 : i32 to index
          %get3A_341 = arith.constant 0 : index
          %get3A_342 = tpu.vector_load %arg14[%get3A_340, %get3A_341] {strides = array<i32>} : memref<256x128xf32, #tpu.memory_space<vmem>>, vector<1x16xf32>,
          %get3A_343 = vector.shape_cast %get3A_342 : vector<1x16xf32> to vector<16xf32>
          %add3A_344 = arith.addf %add3A_337, %get3A_343 : vector<16xf32>
          %swap3A = arith.index_cast %scan3A_234 : i32 to index
          %swap3A_345 = arith.constant 0 : index
          %swap3A_346 = tpu.vector_load %arg15[%swap3A, %swap3A_345] {strides = array<i32>} : memref<16x128xf32, #tpu.memory_space<vmem>>, vector<1x16xf32>,
          %swap3A_347 = vector.shape_cast %swap3A_346 : vector<1x16xf32> to vector<16xf32>
          %swap3A_348 = vector.shape_cast %add3A_344 : vector<16xf32> to vector<1x16xf32>
          tpu.vector_store %arg15[%swap3A, %swap3A_345], %swap3A_348 {strides = array<i32>} : memref<16x128xf32, #tpu.memory_space<vmem>>, vector<1x16xf32>,
          %get3A_349 = arith.index_cast %mul3A_236 : i32 to index
          %get3A_350 = arith.constant 16 : index
          %get3A_351 = tpu.vector_load %arg14[%get3A_349, %get3A_350] {strides = array<i32>} : memref<256x128xf32, #tpu.memory_space<vmem>>, vector<1x16xf32>,
          %get3A_352 = vector.shape_cast %get3A_351 : vector<1x16xf32> to vector<16xf32>
          %add3A_353 = arith.constant 1 : i32
          %add3A_354 = arith.addi %mul3A_236, %add3A_353 : i32
          %get3A_355 = arith.index_cast %add3A_354 : i32 to index
          %get3A_356 = arith.constant 16 : index
          %get3A_357 = tpu.vector_load %arg14[%get3A_355, %get3A_356] {strides = array<i32>} : memref<256x128xf32, #tpu.memory_space<vmem>>, vector<1x16xf32>,
          %get3A_358 = vector.shape_cast %get3A_357 : vector<1x16xf32> to vector<16xf32>
          %add3A_359 = arith.addf %get3A_352, %get3A_358 : vector<16xf32>
          %add3A_360 = arith.constant 2 : i32
          %add3A_361 = arith.addi %mul3A_236, %add3A_360 : i32
          %get3A_362 = arith.index_cast %add3A_361 : i32 to index
          %get3A_363 = arith.constant 16 : index
          %get3A_364 = tpu.vector_load %arg14[%get3A_362, %get3A_363] {strides = array<i32>} : memref<256x128xf32, #tpu.memory_space<vmem>>, vector<1x16xf32>,
          %get3A_365 = vector.shape_cast %get3A_364 : vector<1x16xf32> to vector<16xf32>
          %add3A_366 = arith.addf %add3A_359, %get3A_365 : vector<16xf32>
          %add3A_367 = arith.constant 3 : i32
          %add3A_368 = arith.addi %mul3A_236, %add3A_367 : i32
          %get3A_369 = arith.index_cast %add3A_368 : i32 to index
          %get3A_370 = arith.constant 16 : index
          %get3A_371 = tpu.vector_load %arg14[%get3A_369, %get3A_370] {strides = array<i32>} : memref<256x128xf32, #tpu.memory_space<vmem>>, vector<1x16xf32>,
          %get3A_372 = vector.shape_cast %get3A_371 : vector<1x16xf32> to vector<16xf32>
          %add3A_373 = arith.addf %add3A_366, %get3A_372 : vector<16xf32>
          %add3A_374 = arith.constant 4 : i32
          %add3A_375 = arith.addi %mul3A_236, %add3A_374 : i32
          %get3A_376 = arith.index_cast %add3A_375 : i32 to index
          %get3A_377 = arith.constant 16 : index
          %get3A_378 = tpu.vector_load %arg14[%get3A_376, %get3A_377] {strides = array<i32>} : memref<256x128xf32, #tpu.memory_space<vmem>>, vector<1x16xf32>,
          %get3A_379 = vector.shape_cast %get3A_378 : vector<1x16xf32> to vector<16xf32>
          %add3A_380 = arith.addf %add3A_373, %get3A_379 : vector<16xf32>
          %add3A_381 = arith.constant 5 : i32
          %add3A_382 = arith.addi %mul3A_236, %add3A_381 : i32
          %get3A_383 = arith.index_cast %add3A_382 : i32 to index
          %get3A_384 = arith.constant 16 : index
          %get3A_385 = tpu.vector_load %arg14[%get3A_383, %get3A_384] {strides = array<i32>} : memref<256x128xf32, #tpu.memory_space<vmem>>, vector<1x16xf32>,
          %get3A_386 = vector.shape_cast %get3A_385 : vector<1x16xf32> to vector<16xf32>
          %add3A_387 = arith.addf %add3A_380, %get3A_386 : vector<16xf32>
          %add3A_388 = arith.constant 6 : i32
          %add3A_389 = arith.addi %mul3A_236, %add3A_388 : i32
          %get3A_390 = arith.index_cast %add3A_389 : i32 to index
          %get3A_391 = arith.constant 16 : index
          %get3A_392 = tpu.vector_load %arg14[%get3A_390, %get3A_391] {strides = array<i32>} : memref<256x128xf32, #tpu.memory_space<vmem>>, vector<1x16xf32>,
          %get3A_393 = vector.shape_cast %get3A_392 : vector<1x16xf32> to vector<16xf32>
          %add3A_394 = arith.addf %add3A_387, %get3A_393 : vector<16xf32>
          %add3A_395 = arith.constant 7 : i32
          %add3A_396 = arith.addi %mul3A_236, %add3A_395 : i32
          %get3A_397 = arith.index_cast %add3A_396 : i32 to index
          %get3A_398 = arith.constant 16 : index
          %get3A_399 = tpu.vector_load %arg14[%get3A_397, %get3A_398] {strides = array<i32>} : memref<256x128xf32, #tpu.memory_space<vmem>>, vector<1x16xf32>,
          %get3A_400 = vector.shape_cast %get3A_399 : vector<1x16xf32> to vector<16xf32>
          %add3A_401 = arith.addf %add3A_394, %get3A_400 : vector<16xf32>
          %add3A_402 = arith.constant 8 : i32
          %add3A_403 = arith.addi %mul3A_236, %add3A_402 : i32
          %get3A_404 = arith.index_cast %add3A_403 : i32 to index
          %get3A_405 = arith.constant 16 : index
          %get3A_406 = tpu.vector_load %arg14[%get3A_404, %get3A_405] {strides = array<i32>} : memref<256x128xf32, #tpu.memory_space<vmem>>, vector<1x16xf32>,
          %get3A_407 = vector.shape_cast %get3A_406 : vector<1x16xf32> to vector<16xf32>
          %add3A_408 = arith.addf %add3A_401, %get3A_407 : vector<16xf32>
          %add3A_409 = arith.constant 9 : i32
          %add3A_410 = arith.addi %mul3A_236, %add3A_409 : i32
          %get3A_411 = arith.index_cast %add3A_410 : i32 to index
          %get3A_412 = arith.constant 16 : index
          %get3A_413 = tpu.vector_load %arg14[%get3A_411, %get3A_412] {strides = array<i32>} : memref<256x128xf32, #tpu.memory_space<vmem>>, vector<1x16xf32>,
          %get3A_414 = vector.shape_cast %get3A_413 : vector<1x16xf32> to vector<16xf32>
          %add3A_415 = arith.addf %add3A_408, %get3A_414 : vector<16xf32>
          %add3A_416 = arith.constant 10 : i32
          %add3A_417 = arith.addi %mul3A_236, %add3A_416 : i32
          %get3A_418 = arith.index_cast %add3A_417 : i32 to index
          %get3A_419 = arith.constant 16 : index
          %get3A_420 = tpu.vector_load %arg14[%get3A_418, %get3A_419] {strides = array<i32>} : memref<256x128xf32, #tpu.memory_space<vmem>>, vector<1x16xf32>,
          %get3A_421 = vector.shape_cast %get3A_420 : vector<1x16xf32> to vector<16xf32>
          %add3A_422 = arith.addf %add3A_415, %get3A_421 : vector<16xf32>
          %add3A_423 = arith.constant 11 : i32
          %add3A_424 = arith.addi %mul3A_236, %add3A_423 : i32
          %get3A_425 = arith.index_cast %add3A_424 : i32 to index
          %get3A_426 = arith.constant 16 : index
          %get3A_427 = tpu.vector_load %arg14[%get3A_425, %get3A_426] {strides = array<i32>} : memref<256x128xf32, #tpu.memory_space<vmem>>, vector<1x16xf32>,
          %get3A_428 = vector.shape_cast %get3A_427 : vector<1x16xf32> to vector<16xf32>
          %add3A_429 = arith.addf %add3A_422, %get3A_428 : vector<16xf32>
          %add3A_430 = arith.constant 12 : i32
          %add3A_431 = arith.addi %mul3A_236, %add3A_430 : i32
          %get3A_432 = arith.index_cast %add3A_431 : i32 to index
          %get3A_433 = arith.constant 16 : index
          %get3A_434 = tpu.vector_load %arg14[%get3A_432, %get3A_433] {strides = array<i32>} : memref<256x128xf32, #tpu.memory_space<vmem>>, vector<1x16xf32>,
          %get3A_435 = vector.shape_cast %get3A_434 : vector<1x16xf32> to vector<16xf32>
          %add3A_436 = arith.addf %add3A_429, %get3A_435 : vector<16xf32>
          %add3A_437 = arith.constant 13 : i32
          %add3A_438 = arith.addi %mul3A_236, %add3A_437 : i32
          %get3A_439 = arith.index_cast %add3A_438 : i32 to index
          %get3A_440 = arith.constant 16 : index
          %get3A_441 = tpu.vector_load %arg14[%get3A_439, %get3A_440] {strides = array<i32>} : memref<256x128xf32, #tpu.memory_space<vmem>>, vector<1x16xf32>,
          %get3A_442 = vector.shape_cast %get3A_441 : vector<1x16xf32> to vector<16xf32>
          %add3A_443 = arith.addf %add3A_436, %get3A_442 : vector<16xf32>
          %add3A_444 = arith.constant 14 : i32
          %add3A_445 = arith.addi %mul3A_236, %add3A_444 : i32
          %get3A_446 = arith.index_cast %add3A_445 : i32 to index
          %get3A_447 = arith.constant 16 : index
          %get3A_448 = tpu.vector_load %arg14[%get3A_446, %get3A_447] {strides = array<i32>} : memref<256x128xf32, #tpu.memory_space<vmem>>, vector<1x16xf32>,
          %get3A_449 = vector.shape_cast %get3A_448 : vector<1x16xf32> to vector<16xf32>
          %add3A_450 = arith.addf %add3A_443, %get3A_449 : vector<16xf32>
          %add3A_451 = arith.constant 15 : i32
          %add3A_452 = arith.addi %mul3A_236, %add3A_451 : i32
          %get3A_453 = arith.index_cast %add3A_452 : i32 to index
          %get3A_454 = arith.constant 16 : index
          %get3A_455 = tpu.vector_load %arg14[%get3A_453, %get3A_454] {strides = array<i32>} : memref<256x128xf32, #tpu.memory_space<vmem>>, vector<1x16xf32>,
          %get3A_456 = vector.shape_cast %get3A_455 : vector<1x16xf32> to vector<16xf32>
          %add3A_457 = arith.addf %add3A_450, %get3A_456 : vector<16xf32>
          %swap3A_458 = arith.index_cast %scan3A_234 : i32 to index
          %swap3A_459 = arith.constant 16 : index
          %swap3A_460 = tpu.vector_load %arg15[%swap3A_458, %swap3A_459] {strides = array<i32>} : memref<16x128xf32, #tpu.memory_space<vmem>>, vector<1x16xf32>,
          %swap3A_461 = vector.shape_cast %swap3A_460 : vector<1x16xf32> to vector<16xf32>
          %swap3A_462 = vector.shape_cast %add3A_457 : vector<16xf32> to vector<1x16xf32>
          tpu.vector_store %arg15[%swap3A_458, %swap3A_459], %swap3A_462 {strides = array<i32>} : memref<16x128xf32, #tpu.memory_space<vmem>>, vector<1x16xf32>,
          %get3A_463 = arith.index_cast %mul3A_236 : i32 to index
          %get3A_464 = arith.constant 32 : index
          %get3A_465 = tpu.vector_load %arg14[%get3A_463, %get3A_464] {strides = array<i32>} : memref<256x128xf32, #tpu.memory_space<vmem>>, vector<1x16xf32>,
          %get3A_466 = vector.shape_cast %get3A_465 : vector<1x16xf32> to vector<16xf32>
          %add3A_467 = arith.constant 1 : i32
          %add3A_468 = arith.addi %mul3A_236, %add3A_467 : i32
          %get3A_469 = arith.index_cast %add3A_468 : i32 to index
          %get3A_470 = arith.constant 32 : index
          %get3A_471 = tpu.vector_load %arg14[%get3A_469, %get3A_470] {strides = array<i32>} : memref<256x128xf32, #tpu.memory_space<vmem>>, vector<1x16xf32>,
          %get3A_472 = vector.shape_cast %get3A_471 : vector<1x16xf32> to vector<16xf32>
          %add3A_473 = arith.addf %get3A_466, %get3A_472 : vector<16xf32>
          %add3A_474 = arith.constant 2 : i32
          %add3A_475 = arith.addi %mul3A_236, %add3A_474 : i32
          %get3A_476 = arith.index_cast %add3A_475 : i32 to index
          %get3A_477 = arith.constant 32 : index
          %get3A_478 = tpu.vector_load %arg14[%get3A_476, %get3A_477] {strides = array<i32>} : memref<256x128xf32, #tpu.memory_space<vmem>>, vector<1x16xf32>,
          %get3A_479 = vector.shape_cast %get3A_478 : vector<1x16xf32> to vector<16xf32>
          %add3A_480 = arith.addf %add3A_473, %get3A_479 : vector<16xf32>
          %add3A_481 = arith.constant 3 : i32
          %add3A_482 = arith.addi %mul3A_236, %add3A_481 : i32
          %get3A_483 = arith.index_cast %add3A_482 : i32 to index
          %get3A_484 = arith.constant 32 : index
          %get3A_485 = tpu.vector_load %arg14[%get3A_483, %get3A_484] {strides = array<i32>} : memref<256x128xf32, #tpu.memory_space<vmem>>, vector<1x16xf32>,
          %get3A_486 = vector.shape_cast %get3A_485 : vector<1x16xf32> to vector<16xf32>
          %add3A_487 = arith.addf %add3A_480, %get3A_486 : vector<16xf32>
          %add3A_488 = arith.constant 4 : i32
          %add3A_489 = arith.addi %mul3A_236, %add3A_488 : i32
          %get3A_490 = arith.index_cast %add3A_489 : i32 to index
          %get3A_491 = arith.constant 32 : index
          %get3A_492 = tpu.vector_load %arg14[%get3A_490, %get3A_491] {strides = array<i32>} : memref<256x128xf32, #tpu.memory_space<vmem>>, vector<1x16xf32>,
          %get3A_493 = vector.shape_cast %get3A_492 : vector<1x16xf32> to vector<16xf32>
          %add3A_494 = arith.addf %add3A_487, %get3A_493 : vector<16xf32>
          %add3A_495 = arith.constant 5 : i32
          %add3A_496 = arith.addi %mul3A_236, %add3A_495 : i32
          %get3A_497 = arith.index_cast %add3A_496 : i32 to index
          %get3A_498 = arith.constant 32 : index
          %get3A_499 = tpu.vector_load %arg14[%get3A_497, %get3A_498] {strides = array<i32>} : memref<256x128xf32, #tpu.memory_space<vmem>>, vector<1x16xf32>,
          %get3A_500 = vector.shape_cast %get3A_499 : vector<1x16xf32> to vector<16xf32>
          %add3A_501 = arith.addf %add3A_494, %get3A_500 : vector<16xf32>
          %add3A_502 = arith.constant 6 : i32
          %add3A_503 = arith.addi %mul3A_236, %add3A_502 : i32
          %get3A_504 = arith.index_cast %add3A_503 : i32 to index
          %get3A_505 = arith.constant 32 : index
          %get3A_506 = tpu.vector_load %arg14[%get3A_504, %get3A_505] {strides = array<i32>} : memref<256x128xf32, #tpu.memory_space<vmem>>, vector<1x16xf32>,
          %get3A_507 = vector.shape_cast %get3A_506 : vector<1x16xf32> to vector<16xf32>
          %add3A_508 = arith.addf %add3A_501, %get3A_507 : vector<16xf32>
          %add3A_509 = arith.constant 7 : i32
          %add3A_510 = arith.addi %mul3A_236, %add3A_509 : i32
          %get3A_511 = arith.index_cast %add3A_510 : i32 to index
          %get3A_512 = arith.constant 32 : index
          %get3A_513 = tpu.vector_load %arg14[%get3A_511, %get3A_512] {strides = array<i32>} : memref<256x128xf32, #tpu.memory_space<vmem>>, vector<1x16xf32>,
          %get3A_514 = vector.shape_cast %get3A_513 : vector<1x16xf32> to vector<16xf32>
          %add3A_515 = arith.addf %add3A_508, %get3A_514 : vector<16xf32>
          %add3A_516 = arith.constant 8 : i32
          %add3A_517 = arith.addi %mul3A_236, %add3A_516 : i32
          %get3A_518 = arith.index_cast %add3A_517 : i32 to index
          %get3A_519 = arith.constant 32 : index
          %get3A_520 = tpu.vector_load %arg14[%get3A_518, %get3A_519] {strides = array<i32>} : memref<256x128xf32, #tpu.memory_space<vmem>>, vector<1x16xf32>,
          %get3A_521 = vector.shape_cast %get3A_520 : vector<1x16xf32> to vector<16xf32>
          %add3A_522 = arith.addf %add3A_515, %get3A_521 : vector<16xf32>
          %add3A_523 = arith.constant 9 : i32
          %add3A_524 = arith.addi %mul3A_236, %add3A_523 : i32
          %get3A_525 = arith.index_cast %add3A_524 : i32 to index
          %get3A_526 = arith.constant 32 : index
          %get3A_527 = tpu.vector_load %arg14[%get3A_525, %get3A_526] {strides = array<i32>} : memref<256x128xf32, #tpu.memory_space<vmem>>, vector<1x16xf32>,
          %get3A_528 = vector.shape_cast %get3A_527 : vector<1x16xf32> to vector<16xf32>
          %add3A_529 = arith.addf %add3A_522, %get3A_528 : vector<16xf32>
          %add3A_530 = arith.constant 10 : i32
          %add3A_531 = arith.addi %mul3A_236, %add3A_530 : i32
          %get3A_532 = arith.index_cast %add3A_531 : i32 to index
          %get3A_533 = arith.constant 32 : index
          %get3A_534 = tpu.vector_load %arg14[%get3A_532, %get3A_533] {strides = array<i32>} : memref<256x128xf32, #tpu.memory_space<vmem>>, vector<1x16xf32>,
          %get3A_535 = vector.shape_cast %get3A_534 : vector<1x16xf32> to vector<16xf32>
          %add3A_536 = arith.addf %add3A_529, %get3A_535 : vector<16xf32>
          %add3A_537 = arith.constant 11 : i32
          %add3A_538 = arith.addi %mul3A_236, %add3A_537 : i32
          %get3A_539 = arith.index_cast %add3A_538 : i32 to index
          %get3A_540 = arith.constant 32 : index
          %get3A_541 = tpu.vector_load %arg14[%get3A_539, %get3A_540] {strides = array<i32>} : memref<256x128xf32, #tpu.memory_space<vmem>>, vector<1x16xf32>,
          %get3A_542 = vector.shape_cast %get3A_541 : vector<1x16xf32> to vector<16xf32>
          %add3A_543 = arith.addf %add3A_536, %get3A_542 : vector<16xf32>
          %add3A_544 = arith.constant 12 : i32
          %add3A_545 = arith.addi %mul3A_236, %add3A_544 : i32
          %get3A_546 = arith.index_cast %add3A_545 : i32 to index
          %get3A_547 = arith.constant 32 : index
          %get3A_548 = tpu.vector_load %arg14[%get3A_546, %get3A_547] {strides = array<i32>} : memref<256x128xf32, #tpu.memory_space<vmem>>, vector<1x16xf32>,
          %get3A_549 = vector.shape_cast %get3A_548 : vector<1x16xf32> to vector<16xf32>
          %add3A_550 = arith.addf %add3A_543, %get3A_549 : vector<16xf32>
          %add3A_551 = arith.constant 13 : i32
          %add3A_552 = arith.addi %mul3A_236, %add3A_551 : i32
          %get3A_553 = arith.index_cast %add3A_552 : i32 to index
          %get3A_554 = arith.constant 32 : index
          %get3A_555 = tpu.vector_load %arg14[%get3A_553, %get3A_554] {strides = array<i32>} : memref<256x128xf32, #tpu.memory_space<vmem>>, vector<1x16xf32>,
          %get3A_556 = vector.shape_cast %get3A_555 : vector<1x16xf32> to vector<16xf32>
          %add3A_557 = arith.addf %add3A_550, %get3A_556 : vector<16xf32>
          %add3A_558 = arith.constant 14 : i32
          %add3A_559 = arith.addi %mul3A_236, %add3A_558 : i32
          %get3A_560 = arith.index_cast %add3A_559 : i32 to index
          %get3A_561 = arith.constant 32 : index
          %get3A_562 = tpu.vector_load %arg14[%get3A_560, %get3A_561] {strides = array<i32>} : memref<256x128xf32, #tpu.memory_space<vmem>>, vector<1x16xf32>,
          %get3A_563 = vector.shape_cast %get3A_562 : vector<1x16xf32> to vector<16xf32>
          %add3A_564 = arith.addf %add3A_557, %get3A_563 : vector<16xf32>
          %add3A_565 = arith.constant 15 : i32
          %add3A_566 = arith.addi %mul3A_236, %add3A_565 : i32
          %get3A_567 = arith.index_cast %add3A_566 : i32 to index
          %get3A_568 = arith.constant 32 : index
          %get3A_569 = tpu.vector_load %arg14[%get3A_567, %get3A_568] {strides = array<i32>} : memref<256x128xf32, #tpu.memory_space<vmem>>, vector<1x16xf32>,
          %get3A_570 = vector.shape_cast %get3A_569 : vector<1x16xf32> to vector<16xf32>
          %add3A_571 = arith.addf %add3A_564, %get3A_570 : vector<16xf32>
          %swap3A_572 = arith.index_cast %scan3A_234 : i32 to index
          %swap3A_573 = arith.constant 32 : index
          %swap3A_574 = tpu.vector_load %arg15[%swap3A_572, %swap3A_573] {strides = array<i32>} : memref<16x128xf32, #tpu.memory_space<vmem>>, vector<1x16xf32>,
          %swap3A_575 = vector.shape_cast %swap3A_574 : vector<1x16xf32> to vector<16xf32>
          %swap3A_576 = vector.shape_cast %add3A_571 : vector<16xf32> to vector<1x16xf32>
          tpu.vector_store %arg15[%swap3A_572, %swap3A_573], %swap3A_576 {strides = array<i32>} : memref<16x128xf32, #tpu.memory_space<vmem>>, vector<1x16xf32>,
          %get3A_577 = arith.index_cast %mul3A_236 : i32 to index
          %get3A_578 = arith.constant 48 : index
          %get3A_579 = tpu.vector_load %arg14[%get3A_577, %get3A_578] {strides = array<i32>} : memref<256x128xf32, #tpu.memory_space<vmem>>, vector<1x16xf32>,
          %get3A_580 = vector.shape_cast %get3A_579 : vector<1x16xf32> to vector<16xf32>
          %add3A_581 = arith.constant 1 : i32
          %add3A_582 = arith.addi %mul3A_236, %add3A_581 : i32
          %get3A_583 = arith.index_cast %add3A_582 : i32 to index
          %get3A_584 = arith.constant 48 : index
          %get3A_585 = tpu.vector_load %arg14[%get3A_583, %get3A_584] {strides = array<i32>} : memref<256x128xf32, #tpu.memory_space<vmem>>, vector<1x16xf32>,
          %get3A_586 = vector.shape_cast %get3A_585 : vector<1x16xf32> to vector<16xf32>
          %add3A_587 = arith.addf %get3A_580, %get3A_586 : vector<16xf32>
          %add3A_588 = arith.constant 2 : i32
          %add3A_589 = arith.addi %mul3A_236, %add3A_588 : i32
          %get3A_590 = arith.index_cast %add3A_589 : i32 to index
          %get3A_591 = arith.constant 48 : index
          %get3A_592 = tpu.vector_load %arg14[%get3A_590, %get3A_591] {strides = array<i32>} : memref<256x128xf32, #tpu.memory_space<vmem>>, vector<1x16xf32>,
          %get3A_593 = vector.shape_cast %get3A_592 : vector<1x16xf32> to vector<16xf32>
          %add3A_594 = arith.addf %add3A_587, %get3A_593 : vector<16xf32>
          %add3A_595 = arith.constant 3 : i32
          %add3A_596 = arith.addi %mul3A_236, %add3A_595 : i32
          %get3A_597 = arith.index_cast %add3A_596 : i32 to index
          %get3A_598 = arith.constant 48 : index
          %get3A_599 = tpu.vector_load %arg14[%get3A_597, %get3A_598] {strides = array<i32>} : memref<256x128xf32, #tpu.memory_space<vmem>>, vector<1x16xf32>,
          %get3A_600 = vector.shape_cast %get3A_599 : vector<1x16xf32> to vector<16xf32>
          %add3A_601 = arith.addf %add3A_594, %get3A_600 : vector<16xf32>
          %add3A_602 = arith.constant 4 : i32
          %add3A_603 = arith.addi %mul3A_236, %add3A_602 : i32
          %get3A_604 = arith.index_cast %add3A_603 : i32 to index
          %get3A_605 = arith.constant 48 : index
          %get3A_606 = tpu.vector_load %arg14[%get3A_604, %get3A_605] {strides = array<i32>} : memref<256x128xf32, #tpu.memory_space<vmem>>, vector<1x16xf32>,
          %get3A_607 = vector.shape_cast %get3A_606 : vector<1x16xf32> to vector<16xf32>
          %add3A_608 = arith.addf %add3A_601, %get3A_607 : vector<16xf32>
          %add3A_609 = arith.constant 5 : i32
          %add3A_610 = arith.addi %mul3A_236, %add3A_609 : i32
          %get3A_611 = arith.index_cast %add3A_610 : i32 to index
          %get3A_612 = arith.constant 48 : index
          %get3A_613 = tpu.vector_load %arg14[%get3A_611, %get3A_612] {strides = array<i32>} : memref<256x128xf32, #tpu.memory_space<vmem>>, vector<1x16xf32>,
          %get3A_614 = vector.shape_cast %get3A_613 : vector<1x16xf32> to vector<16xf32>
          %add3A_615 = arith.addf %add3A_608, %get3A_614 : vector<16xf32>
          %add3A_616 = arith.constant 6 : i32
          %add3A_617 = arith.addi %mul3A_236, %add3A_616 : i32
          %get3A_618 = arith.index_cast %add3A_617 : i32 to index
          %get3A_619 = arith.constant 48 : index
          %get3A_620 = tpu.vector_load %arg14[%get3A_618, %get3A_619] {strides = array<i32>} : memref<256x128xf32, #tpu.memory_space<vmem>>, vector<1x16xf32>,
          %get3A_621 = vector.shape_cast %get3A_620 : vector<1x16xf32> to vector<16xf32>
          %add3A_622 = arith.addf %add3A_615, %get3A_621 : vector<16xf32>
          %add3A_623 = arith.constant 7 : i32
          %add3A_624 = arith.addi %mul3A_236, %add3A_623 : i32
          %get3A_625 = arith.index_cast %add3A_624 : i32 to index
          %get3A_626 = arith.constant 48 : index
          %get3A_627 = tpu.vector_load %arg14[%get3A_625, %get3A_626] {strides = array<i32>} : memref<256x128xf32, #tpu.memory_space<vmem>>, vector<1x16xf32>,
          %get3A_628 = vector.shape_cast %get3A_627 : vector<1x16xf32> to vector<16xf32>
          %add3A_629 = arith.addf %add3A_622, %get3A_628 : vector<16xf32>
          %add3A_630 = arith.constant 8 : i32
          %add3A_631 = arith.addi %mul3A_236, %add3A_630 : i32
          %get3A_632 = arith.index_cast %add3A_631 : i32 to index
          %get3A_633 = arith.constant 48 : index
          %get3A_634 = tpu.vector_load %arg14[%get3A_632, %get3A_633] {strides = array<i32>} : memref<256x128xf32, #tpu.memory_space<vmem>>, vector<1x16xf32>,
          %get3A_635 = vector.shape_cast %get3A_634 : vector<1x16xf32> to vector<16xf32>
          %add3A_636 = arith.addf %add3A_629, %get3A_635 : vector<16xf32>
          %add3A_637 = arith.constant 9 : i32
          %add3A_638 = arith.addi %mul3A_236, %add3A_637 : i32
          %get3A_639 = arith.index_cast %add3A_638 : i32 to index
          %get3A_640 = arith.constant 48 : index
          %get3A_641 = tpu.vector_load %arg14[%get3A_639, %get3A_640] {strides = array<i32>} : memref<256x128xf32, #tpu.memory_space<vmem>>, vector<1x16xf32>,
          %get3A_642 = vector.shape_cast %get3A_641 : vector<1x16xf32> to vector<16xf32>
          %add3A_643 = arith.addf %add3A_636, %get3A_642 : vector<16xf32>
          %add3A_644 = arith.constant 10 : i32
          %add3A_645 = arith.addi %mul3A_236, %add3A_644 : i32
          %get3A_646 = arith.index_cast %add3A_645 : i32 to index
          %get3A_647 = arith.constant 48 : index
          %get3A_648 = tpu.vector_load %arg14[%get3A_646, %get3A_647] {strides = array<i32>} : memref<256x128xf32, #tpu.memory_space<vmem>>, vector<1x16xf32>,
          %get3A_649 = vector.shape_cast %get3A_648 : vector<1x16xf32> to vector<16xf32>
          %add3A_650 = arith.addf %add3A_643, %get3A_649 : vector<16xf32>
          %add3A_651 = arith.constant 11 : i32
          %add3A_652 = arith.addi %mul3A_236, %add3A_651 : i32
          %get3A_653 = arith.index_cast %add3A_652 : i32 to index
          %get3A_654 = arith.constant 48 : index
          %get3A_655 = tpu.vector_load %arg14[%get3A_653, %get3A_654] {strides = array<i32>} : memref<256x128xf32, #tpu.memory_space<vmem>>, vector<1x16xf32>,
          %get3A_656 = vector.shape_cast %get3A_655 : vector<1x16xf32> to vector<16xf32>
          %add3A_657 = arith.addf %add3A_650, %get3A_656 : vector<16xf32>
          %add3A_658 = arith.constant 12 : i32
          %add3A_659 = arith.addi %mul3A_236, %add3A_658 : i32
          %get3A_660 = arith.index_cast %add3A_659 : i32 to index
          %get3A_661 = arith.constant 48 : index
          %get3A_662 = tpu.vector_load %arg14[%get3A_660, %get3A_661] {strides = array<i32>} : memref<256x128xf32, #tpu.memory_space<vmem>>, vector<1x16xf32>,
          %get3A_663 = vector.shape_cast %get3A_662 : vector<1x16xf32> to vector<16xf32>
          %add3A_664 = arith.addf %add3A_657, %get3A_663 : vector<16xf32>
          %add3A_665 = arith.constant 13 : i32
          %add3A_666 = arith.addi %mul3A_236, %add3A_665 : i32
          %get3A_667 = arith.index_cast %add3A_666 : i32 to index
          %get3A_668 = arith.constant 48 : index
          %get3A_669 = tpu.vector_load %arg14[%get3A_667, %get3A_668] {strides = array<i32>} : memref<256x128xf32, #tpu.memory_space<vmem>>, vector<1x16xf32>,
          %get3A_670 = vector.shape_cast %get3A_669 : vector<1x16xf32> to vector<16xf32>
          %add3A_671 = arith.addf %add3A_664, %get3A_670 : vector<16xf32>
          %add3A_672 = arith.constant 14 : i32
          %add3A_673 = arith.addi %mul3A_236, %add3A_672 : i32
          %get3A_674 = arith.index_cast %add3A_673 : i32 to index
          %get3A_675 = arith.constant 48 : index
          %get3A_676 = tpu.vector_load %arg14[%get3A_674, %get3A_675] {strides = array<i32>} : memref<256x128xf32, #tpu.memory_space<vmem>>, vector<1x16xf32>,
          %get3A_677 = vector.shape_cast %get3A_676 : vector<1x16xf32> to vector<16xf32>
          %add3A_678 = arith.addf %add3A_671, %get3A_677 : vector<16xf32>
          %add3A_679 = arith.constant 15 : i32
          %add3A_680 = arith.addi %mul3A_236, %add3A_679 : i32
          %get3A_681 = arith.index_cast %add3A_680 : i32 to index
          %get3A_682 = arith.constant 48 : index
          %get3A_683 = tpu.vector_load %arg14[%get3A_681, %get3A_682] {strides = array<i32>} : memref<256x128xf32, #tpu.memory_space<vmem>>, vector<1x16xf32>,
          %get3A_684 = vector.shape_cast %get3A_683 : vector<1x16xf32> to vector<16xf32>
          %add3A_685 = arith.addf %add3A_678, %get3A_684 : vector<16xf32>
          %swap3A_686 = arith.index_cast %scan3A_234 : i32 to index
          %swap3A_687 = arith.constant 48 : index
          %swap3A_688 = tpu.vector_load %arg15[%swap3A_686, %swap3A_687] {strides = array<i32>} : memref<16x128xf32, #tpu.memory_space<vmem>>, vector<1x16xf32>,
          %swap3A_689 = vector.shape_cast %swap3A_688 : vector<1x16xf32> to vector<16xf32>
          %swap3A_690 = vector.shape_cast %add3A_685 : vector<16xf32> to vector<1x16xf32>
          tpu.vector_store %arg15[%swap3A_686, %swap3A_687], %swap3A_690 {strides = array<i32>} : memref<16x128xf32, #tpu.memory_space<vmem>>, vector<1x16xf32>,
          %get3A_691 = arith.index_cast %mul3A_236 : i32 to index
          %get3A_692 = arith.constant 64 : index
          %get3A_693 = tpu.vector_load %arg14[%get3A_691, %get3A_692] {strides = array<i32>} : memref<256x128xf32, #tpu.memory_space<vmem>>, vector<1x16xf32>,
          %get3A_694 = vector.shape_cast %get3A_693 : vector<1x16xf32> to vector<16xf32>
          %add3A_695 = arith.constant 1 : i32
          %add3A_696 = arith.addi %mul3A_236, %add3A_695 : i32
          %get3A_697 = arith.index_cast %add3A_696 : i32 to index
          %get3A_698 = arith.constant 64 : index
          %get3A_699 = tpu.vector_load %arg14[%get3A_697, %get3A_698] {strides = array<i32>} : memref<256x128xf32, #tpu.memory_space<vmem>>, vector<1x16xf32>,
          %get3A_700 = vector.shape_cast %get3A_699 : vector<1x16xf32> to vector<16xf32>
          %add3A_701 = arith.addf %get3A_694, %get3A_700 : vector<16xf32>
          %add3A_702 = arith.constant 2 : i32
          %add3A_703 = arith.addi %mul3A_236, %add3A_702 : i32
          %get3A_704 = arith.index_cast %add3A_703 : i32 to index
          %get3A_705 = arith.constant 64 : index
          %get3A_706 = tpu.vector_load %arg14[%get3A_704, %get3A_705] {strides = array<i32>} : memref<256x128xf32, #tpu.memory_space<vmem>>, vector<1x16xf32>,
          %get3A_707 = vector.shape_cast %get3A_706 : vector<1x16xf32> to vector<16xf32>
          %add3A_708 = arith.addf %add3A_701, %get3A_707 : vector<16xf32>
          %add3A_709 = arith.constant 3 : i32
          %add3A_710 = arith.addi %mul3A_236, %add3A_709 : i32
          %get3A_711 = arith.index_cast %add3A_710 : i32 to index
          %get3A_712 = arith.constant 64 : index
          %get3A_713 = tpu.vector_load %arg14[%get3A_711, %get3A_712] {strides = array<i32>} : memref<256x128xf32, #tpu.memory_space<vmem>>, vector<1x16xf32>,
          %get3A_714 = vector.shape_cast %get3A_713 : vector<1x16xf32> to vector<16xf32>
          %add3A_715 = arith.addf %add3A_708, %get3A_714 : vector<16xf32>
          %add3A_716 = arith.constant 4 : i32
          %add3A_717 = arith.addi %mul3A_236, %add3A_716 : i32
          %get3A_718 = arith.index_cast %add3A_717 : i32 to index
          %get3A_719 = arith.constant 64 : index
          %get3A_720 = tpu.vector_load %arg14[%get3A_718, %get3A_719] {strides = array<i32>} : memref<256x128xf32, #tpu.memory_space<vmem>>, vector<1x16xf32>,
          %get3A_721 = vector.shape_cast %get3A_720 : vector<1x16xf32> to vector<16xf32>
          %add3A_722 = arith.addf %add3A_715, %get3A_721 : vector<16xf32>
          %add3A_723 = arith.constant 5 : i32
          %add3A_724 = arith.addi %mul3A_236, %add3A_723 : i32
          %get3A_725 = arith.index_cast %add3A_724 : i32 to index
          %get3A_726 = arith.constant 64 : index
          %get3A_727 = tpu.vector_load %arg14[%get3A_725, %get3A_726] {strides = array<i32>} : memref<256x128xf32, #tpu.memory_space<vmem>>, vector<1x16xf32>,
          %get3A_728 = vector.shape_cast %get3A_727 : vector<1x16xf32> to vector<16xf32>
          %add3A_729 = arith.addf %add3A_722, %get3A_728 : vector<16xf32>
          %add3A_730 = arith.constant 6 : i32
          %add3A_731 = arith.addi %mul3A_236, %add3A_730 : i32
          %get3A_732 = arith.index_cast %add3A_731 : i32 to index
          %get3A_733 = arith.constant 64 : index
          %get3A_734 = tpu.vector_load %arg14[%get3A_732, %get3A_733] {strides = array<i32>} : memref<256x128xf32, #tpu.memory_space<vmem>>, vector<1x16xf32>,
          %get3A_735 = vector.shape_cast %get3A_734 : vector<1x16xf32> to vector<16xf32>
          %add3A_736 = arith.addf %add3A_729, %get3A_735 : vector<16xf32>
          %add3A_737 = arith.constant 7 : i32
          %add3A_738 = arith.addi %mul3A_236, %add3A_737 : i32
          %get3A_739 = arith.index_cast %add3A_738 : i32 to index
          %get3A_740 = arith.constant 64 : index
          %get3A_741 = tpu.vector_load %arg14[%get3A_739, %get3A_740] {strides = array<i32>} : memref<256x128xf32, #tpu.memory_space<vmem>>, vector<1x16xf32>,
          %get3A_742 = vector.shape_cast %get3A_741 : vector<1x16xf32> to vector<16xf32>
          %add3A_743 = arith.addf %add3A_736, %get3A_742 : vector<16xf32>
          %add3A_744 = arith.constant 8 : i32
          %add3A_745 = arith.addi %mul3A_236, %add3A_744 : i32
          %get3A_746 = arith.index_cast %add3A_745 : i32 to index
          %get3A_747 = arith.constant 64 : index
          %get3A_748 = tpu.vector_load %arg14[%get3A_746, %get3A_747] {strides = array<i32>} : memref<256x128xf32, #tpu.memory_space<vmem>>, vector<1x16xf32>,
          %get3A_749 = vector.shape_cast %get3A_748 : vector<1x16xf32> to vector<16xf32>
          %add3A_750 = arith.addf %add3A_743, %get3A_749 : vector<16xf32>
          %add3A_751 = arith.constant 9 : i32
          %add3A_752 = arith.addi %mul3A_236, %add3A_751 : i32
          %get3A_753 = arith.index_cast %add3A_752 : i32 to index
          %get3A_754 = arith.constant 64 : index
          %get3A_755 = tpu.vector_load %arg14[%get3A_753, %get3A_754] {strides = array<i32>} : memref<256x128xf32, #tpu.memory_space<vmem>>, vector<1x16xf32>,
          %get3A_756 = vector.shape_cast %get3A_755 : vector<1x16xf32> to vector<16xf32>
          %add3A_757 = arith.addf %add3A_750, %get3A_756 : vector<16xf32>
          %add3A_758 = arith.constant 10 : i32
          %add3A_759 = arith.addi %mul3A_236, %add3A_758 : i32
          %get3A_760 = arith.index_cast %add3A_759 : i32 to index
          %get3A_761 = arith.constant 64 : index
          %get3A_762 = tpu.vector_load %arg14[%get3A_760, %get3A_761] {strides = array<i32>} : memref<256x128xf32, #tpu.memory_space<vmem>>, vector<1x16xf32>,
          %get3A_763 = vector.shape_cast %get3A_762 : vector<1x16xf32> to vector<16xf32>
          %add3A_764 = arith.addf %add3A_757, %get3A_763 : vector<16xf32>
          %add3A_765 = arith.constant 11 : i32
          %add3A_766 = arith.addi %mul3A_236, %add3A_765 : i32
          %get3A_767 = arith.index_cast %add3A_766 : i32 to index
          %get3A_768 = arith.constant 64 : index
          %get3A_769 = tpu.vector_load %arg14[%get3A_767, %get3A_768] {strides = array<i32>} : memref<256x128xf32, #tpu.memory_space<vmem>>, vector<1x16xf32>,
          %get3A_770 = vector.shape_cast %get3A_769 : vector<1x16xf32> to vector<16xf32>
          %add3A_771 = arith.addf %add3A_764, %get3A_770 : vector<16xf32>
          %add3A_772 = arith.constant 12 : i32
          %add3A_773 = arith.addi %mul3A_236, %add3A_772 : i32
          %get3A_774 = arith.index_cast %add3A_773 : i32 to index
          %get3A_775 = arith.constant 64 : index
          %get3A_776 = tpu.vector_load %arg14[%get3A_774, %get3A_775] {strides = array<i32>} : memref<256x128xf32, #tpu.memory_space<vmem>>, vector<1x16xf32>,
          %get3A_777 = vector.shape_cast %get3A_776 : vector<1x16xf32> to vector<16xf32>
          %add3A_778 = arith.addf %add3A_771, %get3A_777 : vector<16xf32>
          %add3A_779 = arith.constant 13 : i32
          %add3A_780 = arith.addi %mul3A_236, %add3A_779 : i32
          %get3A_781 = arith.index_cast %add3A_780 : i32 to index
          %get3A_782 = arith.constant 64 : index
          %get3A_783 = tpu.vector_load %arg14[%get3A_781, %get3A_782] {strides = array<i32>} : memref<256x128xf32, #tpu.memory_space<vmem>>, vector<1x16xf32>,
          %get3A_784 = vector.shape_cast %get3A_783 : vector<1x16xf32> to vector<16xf32>
          %add3A_785 = arith.addf %add3A_778, %get3A_784 : vector<16xf32>
          %add3A_786 = arith.constant 14 : i32
          %add3A_787 = arith.addi %mul3A_236, %add3A_786 : i32
          %get3A_788 = arith.index_cast %add3A_787 : i32 to index
          %get3A_789 = arith.constant 64 : index
          %get3A_790 = tpu.vector_load %arg14[%get3A_788, %get3A_789] {strides = array<i32>} : memref<256x128xf32, #tpu.memory_space<vmem>>, vector<1x16xf32>,
          %get3A_791 = vector.shape_cast %get3A_790 : vector<1x16xf32> to vector<16xf32>
          %add3A_792 = arith.addf %add3A_785, %get3A_791 : vector<16xf32>
          %add3A_793 = arith.constant 15 : i32
          %add3A_794 = arith.addi %mul3A_236, %add3A_793 : i32
          %get3A_795 = arith.index_cast %add3A_794 : i32 to index
          %get3A_796 = arith.constant 64 : index
          %get3A_797 = tpu.vector_load %arg14[%get3A_795, %get3A_796] {strides = array<i32>} : memref<256x128xf32, #tpu.memory_space<vmem>>, vector<1x16xf32>,
          %get3A_798 = vector.shape_cast %get3A_797 : vector<1x16xf32> to vector<16xf32>
          %add3A_799 = arith.addf %add3A_792, %get3A_798 : vector<16xf32>
          %swap3A_800 = arith.index_cast %scan3A_234 : i32 to index
          %swap3A_801 = arith.constant 64 : index
          %swap3A_802 = tpu.vector_load %arg15[%swap3A_800, %swap3A_801] {strides = array<i32>} : memref<16x128xf32, #tpu.memory_space<vmem>>, vector<1x16xf32>,
          %swap3A_803 = vector.shape_cast %swap3A_802 : vector<1x16xf32> to vector<16xf32>
          %swap3A_804 = vector.shape_cast %add3A_799 : vector<16xf32> to vector<1x16xf32>
          tpu.vector_store %arg15[%swap3A_800, %swap3A_801], %swap3A_804 {strides = array<i32>} : memref<16x128xf32, #tpu.memory_space<vmem>>, vector<1x16xf32>,
          %get3A_805 = arith.index_cast %mul3A_236 : i32 to index
          %get3A_806 = arith.constant 80 : index
          %get3A_807 = tpu.vector_load %arg14[%get3A_805, %get3A_806] {strides = array<i32>} : memref<256x128xf32, #tpu.memory_space<vmem>>, vector<1x16xf32>,
          %get3A_808 = vector.shape_cast %get3A_807 : vector<1x16xf32> to vector<16xf32>
          %add3A_809 = arith.constant 1 : i32
          %add3A_810 = arith.addi %mul3A_236, %add3A_809 : i32
          %get3A_811 = arith.index_cast %add3A_810 : i32 to index
          %get3A_812 = arith.constant 80 : index
          %get3A_813 = tpu.vector_load %arg14[%get3A_811, %get3A_812] {strides = array<i32>} : memref<256x128xf32, #tpu.memory_space<vmem>>, vector<1x16xf32>,
          %get3A_814 = vector.shape_cast %get3A_813 : vector<1x16xf32> to vector<16xf32>
          %add3A_815 = arith.addf %get3A_808, %get3A_814 : vector<16xf32>
          %add3A_816 = arith.constant 2 : i32
          %add3A_817 = arith.addi %mul3A_236, %add3A_816 : i32
          %get3A_818 = arith.index_cast %add3A_817 : i32 to index
          %get3A_819 = arith.constant 80 : index
          %get3A_820 = tpu.vector_load %arg14[%get3A_818, %get3A_819] {strides = array<i32>} : memref<256x128xf32, #tpu.memory_space<vmem>>, vector<1x16xf32>,
          %get3A_821 = vector.shape_cast %get3A_820 : vector<1x16xf32> to vector<16xf32>
          %add3A_822 = arith.addf %add3A_815, %get3A_821 : vector<16xf32>
          %add3A_823 = arith.constant 3 : i32
          %add3A_824 = arith.addi %mul3A_236, %add3A_823 : i32
          %get3A_825 = arith.index_cast %add3A_824 : i32 to index
          %get3A_826 = arith.constant 80 : index
          %get3A_827 = tpu.vector_load %arg14[%get3A_825, %get3A_826] {strides = array<i32>} : memref<256x128xf32, #tpu.memory_space<vmem>>, vector<1x16xf32>,
          %get3A_828 = vector.shape_cast %get3A_827 : vector<1x16xf32> to vector<16xf32>
          %add3A_829 = arith.addf %add3A_822, %get3A_828 : vector<16xf32>
          %add3A_830 = arith.constant 4 : i32
          %add3A_831 = arith.addi %mul3A_236, %add3A_830 : i32
          %get3A_832 = arith.index_cast %add3A_831 : i32 to index
          %get3A_833 = arith.constant 80 : index
          %get3A_834 = tpu.vector_load %arg14[%get3A_832, %get3A_833] {strides = array<i32>} : memref<256x128xf32, #tpu.memory_space<vmem>>, vector<1x16xf32>,
          %get3A_835 = vector.shape_cast %get3A_834 : vector<1x16xf32> to vector<16xf32>
          %add3A_836 = arith.addf %add3A_829, %get3A_835 : vector<16xf32>
          %add3A_837 = arith.constant 5 : i32
          %add3A_838 = arith.addi %mul3A_236, %add3A_837 : i32
          %get3A_839 = arith.index_cast %add3A_838 : i32 to index
          %get3A_840 = arith.constant 80 : index
          %get3A_841 = tpu.vector_load %arg14[%get3A_839, %get3A_840] {strides = array<i32>} : memref<256x128xf32, #tpu.memory_space<vmem>>, vector<1x16xf32>,
          %get3A_842 = vector.shape_cast %get3A_841 : vector<1x16xf32> to vector<16xf32>
          %add3A_843 = arith.addf %add3A_836, %get3A_842 : vector<16xf32>
          %add3A_844 = arith.constant 6 : i32
          %add3A_845 = arith.addi %mul3A_236, %add3A_844 : i32
          %get3A_846 = arith.index_cast %add3A_845 : i32 to index
          %get3A_847 = arith.constant 80 : index
          %get3A_848 = tpu.vector_load %arg14[%get3A_846, %get3A_847] {strides = array<i32>} : memref<256x128xf32, #tpu.memory_space<vmem>>, vector<1x16xf32>,
          %get3A_849 = vector.shape_cast %get3A_848 : vector<1x16xf32> to vector<16xf32>
          %add3A_850 = arith.addf %add3A_843, %get3A_849 : vector<16xf32>
          %add3A_851 = arith.constant 7 : i32
          %add3A_852 = arith.addi %mul3A_236, %add3A_851 : i32
          %get3A_853 = arith.index_cast %add3A_852 : i32 to index
          %get3A_854 = arith.constant 80 : index
          %get3A_855 = tpu.vector_load %arg14[%get3A_853, %get3A_854] {strides = array<i32>} : memref<256x128xf32, #tpu.memory_space<vmem>>, vector<1x16xf32>,
          %get3A_856 = vector.shape_cast %get3A_855 : vector<1x16xf32> to vector<16xf32>
          %add3A_857 = arith.addf %add3A_850, %get3A_856 : vector<16xf32>
          %add3A_858 = arith.constant 8 : i32
          %add3A_859 = arith.addi %mul3A_236, %add3A_858 : i32
          %get3A_860 = arith.index_cast %add3A_859 : i32 to index
          %get3A_861 = arith.constant 80 : index
          %get3A_862 = tpu.vector_load %arg14[%get3A_860, %get3A_861] {strides = array<i32>} : memref<256x128xf32, #tpu.memory_space<vmem>>, vector<1x16xf32>,
          %get3A_863 = vector.shape_cast %get3A_862 : vector<1x16xf32> to vector<16xf32>
          %add3A_864 = arith.addf %add3A_857, %get3A_863 : vector<16xf32>
          %add3A_865 = arith.constant 9 : i32
          %add3A_866 = arith.addi %mul3A_236, %add3A_865 : i32
          %get3A_867 = arith.index_cast %add3A_866 : i32 to index
          %get3A_868 = arith.constant 80 : index
          %get3A_869 = tpu.vector_load %arg14[%get3A_867, %get3A_868] {strides = array<i32>} : memref<256x128xf32, #tpu.memory_space<vmem>>, vector<1x16xf32>,
          %get3A_870 = vector.shape_cast %get3A_869 : vector<1x16xf32> to vector<16xf32>
          %add3A_871 = arith.addf %add3A_864, %get3A_870 : vector<16xf32>
          %add3A_872 = arith.constant 10 : i32
          %add3A_873 = arith.addi %mul3A_236, %add3A_872 : i32
          %get3A_874 = arith.index_cast %add3A_873 : i32 to index
          %get3A_875 = arith.constant 80 : index
          %get3A_876 = tpu.vector_load %arg14[%get3A_874, %get3A_875] {strides = array<i32>} : memref<256x128xf32, #tpu.memory_space<vmem>>, vector<1x16xf32>,
          %get3A_877 = vector.shape_cast %get3A_876 : vector<1x16xf32> to vector<16xf32>
          %add3A_878 = arith.addf %add3A_871, %get3A_877 : vector<16xf32>
          %add3A_879 = arith.constant 11 : i32
          %add3A_880 = arith.addi %mul3A_236, %add3A_879 : i32
          %get3A_881 = arith.index_cast %add3A_880 : i32 to index
          %get3A_882 = arith.constant 80 : index
          %get3A_883 = tpu.vector_load %arg14[%get3A_881, %get3A_882] {strides = array<i32>} : memref<256x128xf32, #tpu.memory_space<vmem>>, vector<1x16xf32>,
          %get3A_884 = vector.shape_cast %get3A_883 : vector<1x16xf32> to vector<16xf32>
          %add3A_885 = arith.addf %add3A_878, %get3A_884 : vector<16xf32>
          %add3A_886 = arith.constant 12 : i32
          %add3A_887 = arith.addi %mul3A_236, %add3A_886 : i32
          %get3A_888 = arith.index_cast %add3A_887 : i32 to index
          %get3A_889 = arith.constant 80 : index
          %get3A_890 = tpu.vector_load %arg14[%get3A_888, %get3A_889] {strides = array<i32>} : memref<256x128xf32, #tpu.memory_space<vmem>>, vector<1x16xf32>,
          %get3A_891 = vector.shape_cast %get3A_890 : vector<1x16xf32> to vector<16xf32>
          %add3A_892 = arith.addf %add3A_885, %get3A_891 : vector<16xf32>
          %add3A_893 = arith.constant 13 : i32
          %add3A_894 = arith.addi %mul3A_236, %add3A_893 : i32
          %get3A_895 = arith.index_cast %add3A_894 : i32 to index
          %get3A_896 = arith.constant 80 : index
          %get3A_897 = tpu.vector_load %arg14[%get3A_895, %get3A_896] {strides = array<i32>} : memref<256x128xf32, #tpu.memory_space<vmem>>, vector<1x16xf32>,
          %get3A_898 = vector.shape_cast %get3A_897 : vector<1x16xf32> to vector<16xf32>
          %add3A_899 = arith.addf %add3A_892, %get3A_898 : vector<16xf32>
          %add3A_900 = arith.constant 14 : i32
          %add3A_901 = arith.addi %mul3A_236, %add3A_900 : i32
          %get3A_902 = arith.index_cast %add3A_901 : i32 to index
          %get3A_903 = arith.constant 80 : index
          %get3A_904 = tpu.vector_load %arg14[%get3A_902, %get3A_903] {strides = array<i32>} : memref<256x128xf32, #tpu.memory_space<vmem>>, vector<1x16xf32>,
          %get3A_905 = vector.shape_cast %get3A_904 : vector<1x16xf32> to vector<16xf32>
          %add3A_906 = arith.addf %add3A_899, %get3A_905 : vector<16xf32>
          %add3A_907 = arith.constant 15 : i32
          %add3A_908 = arith.addi %mul3A_236, %add3A_907 : i32
          %get3A_909 = arith.index_cast %add3A_908 : i32 to index
          %get3A_910 = arith.constant 80 : index
          %get3A_911 = tpu.vector_load %arg14[%get3A_909, %get3A_910] {strides = array<i32>} : memref<256x128xf32, #tpu.memory_space<vmem>>, vector<1x16xf32>,
          %get3A_912 = vector.shape_cast %get3A_911 : vector<1x16xf32> to vector<16xf32>
          %add3A_913 = arith.addf %add3A_906, %get3A_912 : vector<16xf32>
          %swap3A_914 = arith.index_cast %scan3A_234 : i32 to index
          %swap3A_915 = arith.constant 80 : index
          %swap3A_916 = tpu.vector_load %arg15[%swap3A_914, %swap3A_915] {strides = array<i32>} : memref<16x128xf32, #tpu.memory_space<vmem>>, vector<1x16xf32>,
          %swap3A_917 = vector.shape_cast %swap3A_916 : vector<1x16xf32> to vector<16xf32>
          %swap3A_918 = vector.shape_cast %add3A_913 : vector<16xf32> to vector<1x16xf32>
          tpu.vector_store %arg15[%swap3A_914, %swap3A_915], %swap3A_918 {strides = array<i32>} : memref<16x128xf32, #tpu.memory_space<vmem>>, vector<1x16xf32>,
          %get3A_919 = arith.index_cast %mul3A_236 : i32 to index
          %get3A_920 = arith.constant 96 : index
          %get3A_921 = tpu.vector_load %arg14[%get3A_919, %get3A_920] {strides = array<i32>} : memref<256x128xf32, #tpu.memory_space<vmem>>, vector<1x16xf32>,
          %get3A_922 = vector.shape_cast %get3A_921 : vector<1x16xf32> to vector<16xf32>
          %add3A_923 = arith.constant 1 : i32
          %add3A_924 = arith.addi %mul3A_236, %add3A_923 : i32
          %get3A_925 = arith.index_cast %add3A_924 : i32 to index
          %get3A_926 = arith.constant 96 : index
          %get3A_927 = tpu.vector_load %arg14[%get3A_925, %get3A_926] {strides = array<i32>} : memref<256x128xf32, #tpu.memory_space<vmem>>, vector<1x16xf32>,
          %get3A_928 = vector.shape_cast %get3A_927 : vector<1x16xf32> to vector<16xf32>
          %add3A_929 = arith.addf %get3A_922, %get3A_928 : vector<16xf32>
          %add3A_930 = arith.constant 2 : i32
          %add3A_931 = arith.addi %mul3A_236, %add3A_930 : i32
          %get3A_932 = arith.index_cast %add3A_931 : i32 to index
          %get3A_933 = arith.constant 96 : index
          %get3A_934 = tpu.vector_load %arg14[%get3A_932, %get3A_933] {strides = array<i32>} : memref<256x128xf32, #tpu.memory_space<vmem>>, vector<1x16xf32>,
          %get3A_935 = vector.shape_cast %get3A_934 : vector<1x16xf32> to vector<16xf32>
          %add3A_936 = arith.addf %add3A_929, %get3A_935 : vector<16xf32>
          %add3A_937 = arith.constant 3 : i32
          %add3A_938 = arith.addi %mul3A_236, %add3A_937 : i32
          %get3A_939 = arith.index_cast %add3A_938 : i32 to index
          %get3A_940 = arith.constant 96 : index
          %get3A_941 = tpu.vector_load %arg14[%get3A_939, %get3A_940] {strides = array<i32>} : memref<256x128xf32, #tpu.memory_space<vmem>>, vector<1x16xf32>,
          %get3A_942 = vector.shape_cast %get3A_941 : vector<1x16xf32> to vector<16xf32>
          %add3A_943 = arith.addf %add3A_936, %get3A_942 : vector<16xf32>
          %add3A_944 = arith.constant 4 : i32
          %add3A_945 = arith.addi %mul3A_236, %add3A_944 : i32
          %get3A_946 = arith.index_cast %add3A_945 : i32 to index
          %get3A_947 = arith.constant 96 : index
          %get3A_948 = tpu.vector_load %arg14[%get3A_946, %get3A_947] {strides = array<i32>} : memref<256x128xf32, #tpu.memory_space<vmem>>, vector<1x16xf32>,
          %get3A_949 = vector.shape_cast %get3A_948 : vector<1x16xf32> to vector<16xf32>
          %add3A_950 = arith.addf %add3A_943, %get3A_949 : vector<16xf32>
          %add3A_951 = arith.constant 5 : i32
          %add3A_952 = arith.addi %mul3A_236, %add3A_951 : i32
          %get3A_953 = arith.index_cast %add3A_952 : i32 to index
          %get3A_954 = arith.constant 96 : index
          %get3A_955 = tpu.vector_load %arg14[%get3A_953, %get3A_954] {strides = array<i32>} : memref<256x128xf32, #tpu.memory_space<vmem>>, vector<1x16xf32>,
          %get3A_956 = vector.shape_cast %get3A_955 : vector<1x16xf32> to vector<16xf32>
          %add3A_957 = arith.addf %add3A_950, %get3A_956 : vector<16xf32>
          %add3A_958 = arith.constant 6 : i32
          %add3A_959 = arith.addi %mul3A_236, %add3A_958 : i32
          %get3A_960 = arith.index_cast %add3A_959 : i32 to index
          %get3A_961 = arith.constant 96 : index
          %get3A_962 = tpu.vector_load %arg14[%get3A_960, %get3A_961] {strides = array<i32>} : memref<256x128xf32, #tpu.memory_space<vmem>>, vector<1x16xf32>,
          %get3A_963 = vector.shape_cast %get3A_962 : vector<1x16xf32> to vector<16xf32>
          %add3A_964 = arith.addf %add3A_957, %get3A_963 : vector<16xf32>
          %add3A_965 = arith.constant 7 : i32
          %add3A_966 = arith.addi %mul3A_236, %add3A_965 : i32
          %get3A_967 = arith.index_cast %add3A_966 : i32 to index
          %get3A_968 = arith.constant 96 : index
          %get3A_969 = tpu.vector_load %arg14[%get3A_967, %get3A_968] {strides = array<i32>} : memref<256x128xf32, #tpu.memory_space<vmem>>, vector<1x16xf32>,
          %get3A_970 = vector.shape_cast %get3A_969 : vector<1x16xf32> to vector<16xf32>
          %add3A_971 = arith.addf %add3A_964, %get3A_970 : vector<16xf32>
          %add3A_972 = arith.constant 8 : i32
          %add3A_973 = arith.addi %mul3A_236, %add3A_972 : i32
          %get3A_974 = arith.index_cast %add3A_973 : i32 to index
          %get3A_975 = arith.constant 96 : index
          %get3A_976 = tpu.vector_load %arg14[%get3A_974, %get3A_975] {strides = array<i32>} : memref<256x128xf32, #tpu.memory_space<vmem>>, vector<1x16xf32>,
          %get3A_977 = vector.shape_cast %get3A_976 : vector<1x16xf32> to vector<16xf32>
          %add3A_978 = arith.addf %add3A_971, %get3A_977 : vector<16xf32>
          %add3A_979 = arith.constant 9 : i32
          %add3A_980 = arith.addi %mul3A_236, %add3A_979 : i32
          %get3A_981 = arith.index_cast %add3A_980 : i32 to index
          %get3A_982 = arith.constant 96 : index
          %get3A_983 = tpu.vector_load %arg14[%get3A_981, %get3A_982] {strides = array<i32>} : memref<256x128xf32, #tpu.memory_space<vmem>>, vector<1x16xf32>,
          %get3A_984 = vector.shape_cast %get3A_983 : vector<1x16xf32> to vector<16xf32>
          %add3A_985 = arith.addf %add3A_978, %get3A_984 : vector<16xf32>
          %add3A_986 = arith.constant 10 : i32
          %add3A_987 = arith.addi %mul3A_236, %add3A_986 : i32
          %get3A_988 = arith.index_cast %add3A_987 : i32 to index
          %get3A_989 = arith.constant 96 : index
          %get3A_990 = tpu.vector_load %arg14[%get3A_988, %get3A_989] {strides = array<i32>} : memref<256x128xf32, #tpu.memory_space<vmem>>, vector<1x16xf32>,
          %get3A_991 = vector.shape_cast %get3A_990 : vector<1x16xf32> to vector<16xf32>
          %add3A_992 = arith.addf %add3A_985, %get3A_991 : vector<16xf32>
          %add3A_993 = arith.constant 11 : i32
          %add3A_994 = arith.addi %mul3A_236, %add3A_993 : i32
          %get3A_995 = arith.index_cast %add3A_994 : i32 to index
          %get3A_996 = arith.constant 96 : index
          %get3A_997 = tpu.vector_load %arg14[%get3A_995, %get3A_996] {strides = array<i32>} : memref<256x128xf32, #tpu.memory_space<vmem>>, vector<1x16xf32>,
          %get3A_998 = vector.shape_cast %get3A_997 : vector<1x16xf32> to vector<16xf32>
          %add3A_999 = arith.addf %add3A_992, %get3A_998 : vector<16xf32>
          %add3A_1000 = arith.constant 12 : i32
          %add3A_1001 = arith.addi %mul3A_236, %add3A_1000 : i32
          %get3A_1002 = arith.index_cast %add3A_1001 : i32 to index
          %get3A_1003 = arith.constant 96 : index
          %get3A_1004 = tpu.vector_load %arg14[%get3A_1002, %get3A_1003] {strides = array<i32>} : memref<256x128xf32, #tpu.memory_space<vmem>>, vector<1x16xf32>,
          %get3A_1005 = vector.shape_cast %get3A_1004 : vector<1x16xf32> to vector<16xf32>
          %add3A_1006 = arith.addf %add3A_999, %get3A_1005 : vector<16xf32>
          %add3A_1007 = arith.constant 13 : i32
          %add3A_1008 = arith.addi %mul3A_236, %add3A_1007 : i32
          %get3A_1009 = arith.index_cast %add3A_1008 : i32 to index
          %get3A_1010 = arith.constant 96 : index
          %get3A_1011 = tpu.vector_load %arg14[%get3A_1009, %get3A_1010] {strides = array<i32>} : memref<256x128xf32, #tpu.memory_space<vmem>>, vector<1x16xf32>,
          %get3A_1012 = vector.shape_cast %get3A_1011 : vector<1x16xf32> to vector<16xf32>
          %add3A_1013 = arith.addf %add3A_1006, %get3A_1012 : vector<16xf32>
          %add3A_1014 = arith.constant 14 : i32
          %add3A_1015 = arith.addi %mul3A_236, %add3A_1014 : i32
          %get3A_1016 = arith.index_cast %add3A_1015 : i32 to index
          %get3A_1017 = arith.constant 96 : index
          %get3A_1018 = tpu.vector_load %arg14[%get3A_1016, %get3A_1017] {strides = array<i32>} : memref<256x128xf32, #tpu.memory_space<vmem>>, vector<1x16xf32>,
          %get3A_1019 = vector.shape_cast %get3A_1018 : vector<1x16xf32> to vector<16xf32>
          %add3A_1020 = arith.addf %add3A_1013, %get3A_1019 : vector<16xf32>
          %add3A_1021 = arith.constant 15 : i32
          %add3A_1022 = arith.addi %mul3A_236, %add3A_1021 : i32
          %get3A_1023 = arith.index_cast %add3A_1022 : i32 to index
          %get3A_1024 = arith.constant 96 : index
          %get3A_1025 = tpu.vector_load %arg14[%get3A_1023, %get3A_1024] {strides = array<i32>} : memref<256x128xf32, #tpu.memory_space<vmem>>, vector<1x16xf32>,
          %get3A_1026 = vector.shape_cast %get3A_1025 : vector<1x16xf32> to vector<16xf32>
          %add3A_1027 = arith.addf %add3A_1020, %get3A_1026 : vector<16xf32>
          %swap3A_1028 = arith.index_cast %scan3A_234 : i32 to index
          %swap3A_1029 = arith.constant 96 : index
          %swap3A_1030 = tpu.vector_load %arg15[%swap3A_1028, %swap3A_1029] {strides = array<i32>} : memref<16x128xf32, #tpu.memory_space<vmem>>, vector<1x16xf32>,
          %swap3A_1031 = vector.shape_cast %swap3A_1030 : vector<1x16xf32> to vector<16xf32>
          %swap3A_1032 = vector.shape_cast %add3A_1027 : vector<16xf32> to vector<1x16xf32>
          tpu.vector_store %arg15[%swap3A_1028, %swap3A_1029], %swap3A_1032 {strides = array<i32>} : memref<16x128xf32, #tpu.memory_space<vmem>>, vector<1x16xf32>,
          %get3A_1033 = arith.index_cast %mul3A_236 : i32 to index
          %get3A_1034 = arith.constant 112 : index
          %get3A_1035 = tpu.vector_load %arg14[%get3A_1033, %get3A_1034] {strides = array<i32>} : memref<256x128xf32, #tpu.memory_space<vmem>>, vector<1x16xf32>,
          %get3A_1036 = vector.shape_cast %get3A_1035 : vector<1x16xf32> to vector<16xf32>
          %add3A_1037 = arith.constant 1 : i32
          %add3A_1038 = arith.addi %mul3A_236, %add3A_1037 : i32
          %get3A_1039 = arith.index_cast %add3A_1038 : i32 to index
          %get3A_1040 = arith.constant 112 : index
          %get3A_1041 = tpu.vector_load %arg14[%get3A_1039, %get3A_1040] {strides = array<i32>} : memref<256x128xf32, #tpu.memory_space<vmem>>, vector<1x16xf32>,
          %get3A_1042 = vector.shape_cast %get3A_1041 : vector<1x16xf32> to vector<16xf32>
          %add3A_1043 = arith.addf %get3A_1036, %get3A_1042 : vector<16xf32>
          %add3A_1044 = arith.constant 2 : i32
          %add3A_1045 = arith.addi %mul3A_236, %add3A_1044 : i32
          %get3A_1046 = arith.index_cast %add3A_1045 : i32 to index
          %get3A_1047 = arith.constant 112 : index
          %get3A_1048 = tpu.vector_load %arg14[%get3A_1046, %get3A_1047] {strides = array<i32>} : memref<256x128xf32, #tpu.memory_space<vmem>>, vector<1x16xf32>,
          %get3A_1049 = vector.shape_cast %get3A_1048 : vector<1x16xf32> to vector<16xf32>
          %add3A_1050 = arith.addf %add3A_1043, %get3A_1049 : vector<16xf32>
          %add3A_1051 = arith.constant 3 : i32
          %add3A_1052 = arith.addi %mul3A_236, %add3A_1051 : i32
          %get3A_1053 = arith.index_cast %add3A_1052 : i32 to index
          %get3A_1054 = arith.constant 112 : index
          %get3A_1055 = tpu.vector_load %arg14[%get3A_1053, %get3A_1054] {strides = array<i32>} : memref<256x128xf32, #tpu.memory_space<vmem>>, vector<1x16xf32>,
          %get3A_1056 = vector.shape_cast %get3A_1055 : vector<1x16xf32> to vector<16xf32>
          %add3A_1057 = arith.addf %add3A_1050, %get3A_1056 : vector<16xf32>
          %add3A_1058 = arith.constant 4 : i32
          %add3A_1059 = arith.addi %mul3A_236, %add3A_1058 : i32
          %get3A_1060 = arith.index_cast %add3A_1059 : i32 to index
          %get3A_1061 = arith.constant 112 : index
          %get3A_1062 = tpu.vector_load %arg14[%get3A_1060, %get3A_1061] {strides = array<i32>} : memref<256x128xf32, #tpu.memory_space<vmem>>, vector<1x16xf32>,
          %get3A_1063 = vector.shape_cast %get3A_1062 : vector<1x16xf32> to vector<16xf32>
          %add3A_1064 = arith.addf %add3A_1057, %get3A_1063 : vector<16xf32>
          %add3A_1065 = arith.constant 5 : i32
          %add3A_1066 = arith.addi %mul3A_236, %add3A_1065 : i32
          %get3A_1067 = arith.index_cast %add3A_1066 : i32 to index
          %get3A_1068 = arith.constant 112 : index
          %get3A_1069 = tpu.vector_load %arg14[%get3A_1067, %get3A_1068] {strides = array<i32>} : memref<256x128xf32, #tpu.memory_space<vmem>>, vector<1x16xf32>,
          %get3A_1070 = vector.shape_cast %get3A_1069 : vector<1x16xf32> to vector<16xf32>
          %add3A_1071 = arith.addf %add3A_1064, %get3A_1070 : vector<16xf32>
          %add3A_1072 = arith.constant 6 : i32
          %add3A_1073 = arith.addi %mul3A_236, %add3A_1072 : i32
          %get3A_1074 = arith.index_cast %add3A_1073 : i32 to index
          %get3A_1075 = arith.constant 112 : index
          %get3A_1076 = tpu.vector_load %arg14[%get3A_1074, %get3A_1075] {strides = array<i32>} : memref<256x128xf32, #tpu.memory_space<vmem>>, vector<1x16xf32>,
          %get3A_1077 = vector.shape_cast %get3A_1076 : vector<1x16xf32> to vector<16xf32>
          %add3A_1078 = arith.addf %add3A_1071, %get3A_1077 : vector<16xf32>
          %add3A_1079 = arith.constant 7 : i32
          %add3A_1080 = arith.addi %mul3A_236, %add3A_1079 : i32
          %get3A_1081 = arith.index_cast %add3A_1080 : i32 to index
          %get3A_1082 = arith.constant 112 : index
          %get3A_1083 = tpu.vector_load %arg14[%get3A_1081, %get3A_1082] {strides = array<i32>} : memref<256x128xf32, #tpu.memory_space<vmem>>, vector<1x16xf32>,
          %get3A_1084 = vector.shape_cast %get3A_1083 : vector<1x16xf32> to vector<16xf32>
          %add3A_1085 = arith.addf %add3A_1078, %get3A_1084 : vector<16xf32>
          %add3A_1086 = arith.constant 8 : i32
          %add3A_1087 = arith.addi %mul3A_236, %add3A_1086 : i32
          %get3A_1088 = arith.index_cast %add3A_1087 : i32 to index
          %get3A_1089 = arith.constant 112 : index
          %get3A_1090 = tpu.vector_load %arg14[%get3A_1088, %get3A_1089] {strides = array<i32>} : memref<256x128xf32, #tpu.memory_space<vmem>>, vector<1x16xf32>,
          %get3A_1091 = vector.shape_cast %get3A_1090 : vector<1x16xf32> to vector<16xf32>
          %add3A_1092 = arith.addf %add3A_1085, %get3A_1091 : vector<16xf32>
          %add3A_1093 = arith.constant 9 : i32
          %add3A_1094 = arith.addi %mul3A_236, %add3A_1093 : i32
          %get3A_1095 = arith.index_cast %add3A_1094 : i32 to index
          %get3A_1096 = arith.constant 112 : index
          %get3A_1097 = tpu.vector_load %arg14[%get3A_1095, %get3A_1096] {strides = array<i32>} : memref<256x128xf32, #tpu.memory_space<vmem>>, vector<1x16xf32>,
          %get3A_1098 = vector.shape_cast %get3A_1097 : vector<1x16xf32> to vector<16xf32>
          %add3A_1099 = arith.addf %add3A_1092, %get3A_1098 : vector<16xf32>
          %add3A_1100 = arith.constant 10 : i32
          %add3A_1101 = arith.addi %mul3A_236, %add3A_1100 : i32
          %get3A_1102 = arith.index_cast %add3A_1101 : i32 to index
          %get3A_1103 = arith.constant 112 : index
          %get3A_1104 = tpu.vector_load %arg14[%get3A_1102, %get3A_1103] {strides = array<i32>} : memref<256x128xf32, #tpu.memory_space<vmem>>, vector<1x16xf32>,
          %get3A_1105 = vector.shape_cast %get3A_1104 : vector<1x16xf32> to vector<16xf32>
          %add3A_1106 = arith.addf %add3A_1099, %get3A_1105 : vector<16xf32>
          %add3A_1107 = arith.constant 11 : i32
          %add3A_1108 = arith.addi %mul3A_236, %add3A_1107 : i32
          %get3A_1109 = arith.index_cast %add3A_1108 : i32 to index
          %get3A_1110 = arith.constant 112 : index
          %get3A_1111 = tpu.vector_load %arg14[%get3A_1109, %get3A_1110] {strides = array<i32>} : memref<256x128xf32, #tpu.memory_space<vmem>>, vector<1x16xf32>,
          %get3A_1112 = vector.shape_cast %get3A_1111 : vector<1x16xf32> to vector<16xf32>
          %add3A_1113 = arith.addf %add3A_1106, %get3A_1112 : vector<16xf32>
          %add3A_1114 = arith.constant 12 : i32
          %add3A_1115 = arith.addi %mul3A_236, %add3A_1114 : i32
          %get3A_1116 = arith.index_cast %add3A_1115 : i32 to index
          %get3A_1117 = arith.constant 112 : index
          %get3A_1118 = tpu.vector_load %arg14[%get3A_1116, %get3A_1117] {strides = array<i32>} : memref<256x128xf32, #tpu.memory_space<vmem>>, vector<1x16xf32>,
          %get3A_1119 = vector.shape_cast %get3A_1118 : vector<1x16xf32> to vector<16xf32>
          %add3A_1120 = arith.addf %add3A_1113, %get3A_1119 : vector<16xf32>
          %add3A_1121 = arith.constant 13 : i32
          %add3A_1122 = arith.addi %mul3A_236, %add3A_1121 : i32
          %get3A_1123 = arith.index_cast %add3A_1122 : i32 to index
          %get3A_1124 = arith.constant 112 : index
          %get3A_1125 = tpu.vector_load %arg14[%get3A_1123, %get3A_1124] {strides = array<i32>} : memref<256x128xf32, #tpu.memory_space<vmem>>, vector<1x16xf32>,
          %get3A_1126 = vector.shape_cast %get3A_1125 : vector<1x16xf32> to vector<16xf32>
          %add3A_1127 = arith.addf %add3A_1120, %get3A_1126 : vector<16xf32>
          %add3A_1128 = arith.constant 14 : i32
          %add3A_1129 = arith.addi %mul3A_236, %add3A_1128 : i32
          %get3A_1130 = arith.index_cast %add3A_1129 : i32 to index
          %get3A_1131 = arith.constant 112 : index
          %get3A_1132 = tpu.vector_load %arg14[%get3A_1130, %get3A_1131] {strides = array<i32>} : memref<256x128xf32, #tpu.memory_space<vmem>>, vector<1x16xf32>,
          %get3A_1133 = vector.shape_cast %get3A_1132 : vector<1x16xf32> to vector<16xf32>
          %add3A_1134 = arith.addf %add3A_1127, %get3A_1133 : vector<16xf32>
          %add3A_1135 = arith.constant 15 : i32
          %add3A_1136 = arith.addi %mul3A_236, %add3A_1135 : i32
          %get3A_1137 = arith.index_cast %add3A_1136 : i32 to index
          %get3A_1138 = arith.constant 112 : index
          %get3A_1139 = tpu.vector_load %arg14[%get3A_1137, %get3A_1138] {strides = array<i32>} : memref<256x128xf32, #tpu.memory_space<vmem>>, vector<1x16xf32>,
          %get3A_1140 = vector.shape_cast %get3A_1139 : vector<1x16xf32> to vector<16xf32>
          %add3A_1141 = arith.addf %add3A_1134, %get3A_1140 : vector<16xf32>
          %swap3A_1142 = arith.index_cast %scan3A_234 : i32 to index
          %swap3A_1143 = arith.constant 112 : index
          %swap3A_1144 = tpu.vector_load %arg15[%swap3A_1142, %swap3A_1143] {strides = array<i32>} : memref<16x128xf32, #tpu.memory_space<vmem>>, vector<1x16xf32>,
          %swap3A_1145 = vector.shape_cast %swap3A_1144 : vector<1x16xf32> to vector<16xf32>
          %swap3A_1146 = vector.shape_cast %add3A_1141 : vector<16xf32> to vector<1x16xf32>
          tpu.vector_store %arg15[%swap3A_1142, %swap3A_1143], %swap3A_1146 {strides = array<i32>} : memref<16x128xf32, #tpu.memory_space<vmem>>, vector<1x16xf32>,
        }
        %scan3A_223 = arith.constant 16 : i32
        %lt3A_224 = arith.constant 32 : i32
        %lt3A_225 = arith.cmpi slt, %add3A_169, %lt3A_224 : i32
        %convert_element_type3A_226 = arith.extui %lt3A_225 : i1 to i32
        %cond3A_227 = arith.constant 0 : i32
        %cond3A_228 = arith.cmpi ne, %convert_element_type3A_226, %cond3A_227 : i32
        scf.if %cond3A_228 {
          %mul3A_234 = arith.constant 16 : i32
          %mul3A_235 = arith.muli %add3A_169, %mul3A_234 : i32
          %add3A_236 = arith.addi %mul3A_2, %mul3A_235 : i32
          %dma_start3A_237 = arith.constant 0 : i32
          %dma_start3A_238 = tpu.memref_slice %arg7[%add3A_236, %dma_start3A_237] : memref<16384x128xf32, #tpu.memory_space<hbm>> -> memref<16x128xf32, #tpu.memory_space<hbm>>
          %dma_start3A_239 = arith.constant 0 : i32
          %dma_start3A_240 = tpu.memref_slice %arg7[%add3A_236, %dma_start3A_239] : memref<16384x128xf32, #tpu.memory_space<hbm>> -> memref<16x128xf32, #tpu.memory_space<hbm>>
          tpu.enqueue_dma source(%arg15 : memref<16x128xf32, #tpu.memory_space<vmem>>) target(%dma_start3A_240 : memref<16x128xf32, #tpu.memory_space<hbm>>) target_semaphore(%arg20 : memref<!tpu.dma_semaphore, #tpu.memory_space<semaphore_mem>>)
        } else {
        }
        %ge3A_229 = arith.constant 32 : i32
        %ge3A_230 = arith.cmpi sge, %add3A_169, %ge3A_229 : i32
        %convert_element_type3A_231 = arith.extui %ge3A_230 : i1 to i32
        %cond3A_232 = arith.constant 0 : i32
        %cond3A_233 = arith.cmpi ne, %convert_element_type3A_231, %cond3A_232 : i32
        scf.if %cond3A_233 {
          %sub3A_234 = arith.constant 32 : i32
          %sub3A_235 = arith.subi %add3A_169, %sub3A_234 : i32
          %mul3A_236 = arith.constant 16 : i32
          %mul3A_237 = arith.muli %sub3A_235, %mul3A_236 : i32
          %add3A_238 = arith.addi %mul3A_2, %mul3A_237 : i32
          %dma_start3A_239 = arith.constant 0 : i32
          %dma_start3A_240 = tpu.memref_slice %arg8[%add3A_238, %dma_start3A_239] : memref<16384x128xf32, #tpu.memory_space<hbm>> -> memref<16x128xf32, #tpu.memory_space<hbm>>
          %dma_start3A_241 = arith.constant 0 : i32
          %dma_start3A_242 = tpu.memref_slice %arg8[%add3A_238, %dma_start3A_241] : memref<16384x128xf32, #tpu.memory_space<hbm>> -> memref<16x128xf32, #tpu.memory_space<hbm>>
          tpu.enqueue_dma source(%arg15 : memref<16x128xf32, #tpu.memory_space<vmem>>) target(%dma_start3A_242 : memref<16x128xf32, #tpu.memory_space<hbm>>) target_semaphore(%arg20 : memref<!tpu.dma_semaphore, #tpu.memory_space<semaphore_mem>>)
        } else {
        }
      } else {
      }
      %ge3A_205 = arith.constant 64 : i32
      %ge3A_206 = arith.cmpi sge, %add3A_169, %ge3A_205 : i32
      %lt3A_207 = arith.constant 66 : i32
      %lt3A_208 = arith.cmpi slt, %add3A_169, %lt3A_207 : i32
      %and3A_209 = arith.andi %ge3A_206, %lt3A_208 : i1
      %convert_element_type3A_210 = arith.extui %and3A_209 : i1 to i32
      %cond3A_211 = arith.constant 0 : i32
      %cond3A_212 = arith.cmpi ne, %convert_element_type3A_210, %cond3A_211 : i32
      scf.if %cond3A_212 {
        %sub3A_213 = arith.constant 64 : i32
        %sub3A_214 = arith.subi %add3A_169, %sub3A_213 : i32
        %mul3A_215 = arith.constant 256 : i32
        %mul3A_216 = arith.muli %sub3A_214, %mul3A_215 : i32
        %add3A_217 = arith.addi %mul3A_2, %mul3A_216 : i32
        %dma_start3A_218 = arith.constant 0 : i32
        %dma_start3A_219 = tpu.memref_slice %arg6[%add3A_217, %dma_start3A_218] : memref<16384x128xf32, #tpu.memory_space<hbm>> -> memref<256x128xf32, #tpu.memory_space<hbm>>
        %dma_start3A_220 = arith.constant 0 : i32
        %dma_start3A_221 = tpu.memref_slice %arg6[%add3A_217, %dma_start3A_220] : memref<16384x128xf32, #tpu.memory_space<hbm>> -> memref<256x128xf32, #tpu.memory_space<hbm>>
        tpu.enqueue_dma source(%arg14 : memref<256x128xf32, #tpu.memory_space<vmem>>) target(%dma_start3A_221 : memref<256x128xf32, #tpu.memory_space<hbm>>) target_semaphore(%arg22 : memref<!tpu.dma_semaphore, #tpu.memory_space<semaphore_mem>>)
      } else {
      }
    }
    %scan3A_52 = arith.constant 22 : i32
    %add3A_53 = arith.constant 480 : i32
    %add3A_54 = arith.addi %mul3A_2, %add3A_53 : i32
    %dma_wait3A = arith.constant 0 : i32
    %dma_wait3A_55 = tpu.memref_slice %arg8[%add3A_54, %dma_wait3A] : memref<16384x128xf32, #tpu.memory_space<hbm>> -> memref<16x128xf32, #tpu.memory_space<hbm>>
    %dma_wait3A_56 = arith.constant 0 : i32
    %dma_wait3A_57 = tpu.memref_slice %arg8[%add3A_54, %dma_wait3A_56] : memref<16384x128xf32, #tpu.memory_space<hbm>> -> memref<16x128xf32, #tpu.memory_space<hbm>>
    tpu.wait_dma2 semaphore(%arg20 : memref<!tpu.dma_semaphore, #tpu.memory_space<semaphore_mem>>) src(%arg15 : memref<16x128xf32, #tpu.memory_space<vmem>>) dst(%dma_wait3A_57 : memref<16x128xf32, #tpu.memory_space<hbm>>)
    %add3A_58 = arith.constant 496 : i32
    %add3A_59 = arith.addi %mul3A_2, %add3A_58 : i32
    %dma_wait3A_60 = arith.constant 0 : i32
    %dma_wait3A_61 = tpu.memref_slice %arg8[%add3A_59, %dma_wait3A_60] : memref<16384x128xf32, #tpu.memory_space<hbm>> -> memref<16x128xf32, #tpu.memory_space<hbm>>
    %dma_wait3A_62 = arith.constant 0 : i32
    %dma_wait3A_63 = tpu.memref_slice %arg8[%add3A_59, %dma_wait3A_62] : memref<16384x128xf32, #tpu.memory_space<hbm>> -> memref<16x128xf32, #tpu.memory_space<hbm>>
    tpu.wait_dma2 semaphore(%arg21 : memref<!tpu.dma_semaphore, #tpu.memory_space<semaphore_mem>>) src(%arg16 : memref<16x128xf32, #tpu.memory_space<vmem>>) dst(%dma_wait3A_63 : memref<16x128xf32, #tpu.memory_space<hbm>>)
    %add3A_64 = arith.constant 0 : i32
    %add3A_65 = arith.addi %mul3A_2, %add3A_64 : i32
    %dma_wait3A_66 = arith.constant 0 : i32
    %dma_wait3A_67 = tpu.memref_slice %arg6[%add3A_65, %dma_wait3A_66] : memref<16384x128xf32, #tpu.memory_space<hbm>> -> memref<256x128xf32, #tpu.memory_space<hbm>>
    %dma_wait3A_68 = arith.constant 0 : i32
    %dma_wait3A_69 = tpu.memref_slice %arg6[%add3A_65, %dma_wait3A_68] : memref<16384x128xf32, #tpu.memory_space<hbm>> -> memref<256x128xf32, #tpu.memory_space<hbm>>
    tpu.wait_dma2 semaphore(%arg22 : memref<!tpu.dma_semaphore, #tpu.memory_space<semaphore_mem>>) src(%arg12 : memref<256x128xf32, #tpu.memory_space<vmem>>) dst(%dma_wait3A_69 : memref<256x128xf32, #tpu.memory_space<hbm>>)
    %add3A_70 = arith.constant 256 : i32
    %add3A_71 = arith.addi %mul3A_2, %add3A_70 : i32
    %dma_wait3A_72 = arith.constant 0 : i32
    %dma_wait3A_73 = tpu.memref_slice %arg6[%add3A_71, %dma_wait3A_72] : memref<16384x128xf32, #tpu.memory_space<hbm>> -> memref<256x128xf32, #tpu.memory_space<hbm>>
    %dma_wait3A_74 = arith.constant 0 : i32
    %dma_wait3A_75 = tpu.memref_slice %arg6[%add3A_71, %dma_wait3A_74] : memref<16384x128xf32, #tpu.memory_space<hbm>> -> memref<256x128xf32, #tpu.memory_space<hbm>>
    tpu.wait_dma2 semaphore(%arg22 : memref<!tpu.dma_semaphore, #tpu.memory_space<semaphore_mem>>) src(%arg12 : memref<256x128xf32, #tpu.memory_space<vmem>>) dst(%dma_wait3A_75 : memref<256x128xf32, #tpu.memory_space<hbm>>)
    return
  }
}

module attributes {stable_mosaic.version = 14 : i64} {
  func.func @_compose_body(%arg0: memref<128x128xf32, #tpu.memory_space<vmem>>, %arg1: memref<1x128xf32, #tpu.memory_space<vmem>>, %arg2: memref<128x128xf32, #tpu.memory_space<vmem>>, %arg3: memref<1x128xf32, #tpu.memory_space<vmem>>, %arg4: memref<128x128xf32, #tpu.memory_space<vmem>>, %arg5: memref<128x128xf32, #tpu.memory_space<vmem>>, %arg6: memref<128x128xf32, #tpu.memory_space<vmem>>, %arg7: memref<384x384xf32, #tpu.memory_space<vmem>>, %arg8: memref<1x384xf32, #tpu.memory_space<vmem>>, %arg9: memref<384x384xf32, #tpu.memory_space<vmem>>, %arg10: memref<1x384xf32, #tpu.memory_space<vmem>>) attributes {dimension_semantics = [], scalar_prefetch = 0 : i64, scratch_operands = 0 : i64, tpu.core_type = #tpu.core_type<tc>} {
    %get3A = arith.constant 0 : index
    %get3A_0 = arith.constant 0 : index
    %get3A_1 = vector.load %arg5[%get3A, %get3A_0] : memref<128x128xf32, #tpu.memory_space<vmem>>, vector<128x128xf32>
    %get3A_2 = arith.constant 128 : index
    %get3A_3 = arith.constant 0 : index
    %get3A_4 = vector.load %arg7[%get3A_2, %get3A_3] : memref<384x384xf32, #tpu.memory_space<vmem>>, vector<128x384xf32>
    %dot_general3A = arith.constant dense<0.000000e+00> : vector<128x384xf32>
    %dot_general3A_5 = tpu.matmul %get3A_1, %get3A_4, %dot_general3A {dimension_numbers = #tpu.dot_dimension_numbers<[1], [0], [0], [1], [0, 0, 1, 1], [], []>, precision = #tpu.contract_precision<fp32>, transpose_lhs_hint = false} : vector<128x128xf32>, vector<128x384xf32>, vector<128x384xf32> -> vector<128x384xf32>
    %get3A_6 = arith.constant 0 : index
    %get3A_7 = arith.constant 0 : index
    %get3A_8 = vector.load %arg6[%get3A_6, %get3A_7] : memref<128x128xf32, #tpu.memory_space<vmem>>, vector<128x128xf32>
    %get3A_9 = arith.constant 256 : index
    %get3A_10 = arith.constant 0 : index
    %get3A_11 = vector.load %arg7[%get3A_9, %get3A_10] : memref<384x384xf32, #tpu.memory_space<vmem>>, vector<128x384xf32>
    %dot_general3A_12 = arith.constant dense<0.000000e+00> : vector<128x384xf32>
    %dot_general3A_13 = tpu.matmul %get3A_8, %get3A_11, %dot_general3A_12 {dimension_numbers = #tpu.dot_dimension_numbers<[1], [0], [0], [1], [0, 0, 1, 1], [], []>, precision = #tpu.contract_precision<fp32>, transpose_lhs_hint = false} : vector<128x128xf32>, vector<128x384xf32>, vector<128x384xf32> -> vector<128x384xf32>
    %get3A_14 = arith.constant 0 : index
    %get3A_15 = arith.constant 0 : index
    %get3A_16 = vector.load %arg4[%get3A_14, %get3A_15] : memref<128x128xf32, #tpu.memory_space<vmem>>, vector<128x128xf32>
    %get3A_17 = arith.constant 0 : index
    %get3A_18 = arith.constant 0 : index
    %get3A_19 = vector.load %arg7[%get3A_17, %get3A_18] : memref<384x384xf32, #tpu.memory_space<vmem>>, vector<128x384xf32>
    %dot_general3A_20 = arith.constant dense<0.000000e+00> : vector<128x384xf32>
    %dot_general3A_21 = tpu.matmul %get3A_16, %get3A_19, %dot_general3A_20 {dimension_numbers = #tpu.dot_dimension_numbers<[1], [0], [0], [1], [0, 0, 1, 1], [], []>, precision = #tpu.contract_precision<fp32>, transpose_lhs_hint = false} : vector<128x128xf32>, vector<128x384xf32>, vector<128x384xf32> -> vector<128x384xf32>
    %swap3A = arith.constant 0 : index
    %swap3A_22 = arith.constant 0 : index
    %swap3A_23 = vector.load %arg9[%swap3A, %swap3A_22] : memref<384x384xf32, #tpu.memory_space<vmem>>, vector<128x384xf32>
    tpu.vector_store %arg9[%swap3A, %swap3A_22], %dot_general3A_21 {strides = array<i32>} : memref<384x384xf32, #tpu.memory_space<vmem>>, vector<128x384xf32>,
    %get3A_24 = arith.constant 0 : index
    %get3A_25 = arith.constant 0 : index
    %get3A_26 = vector.load %arg0[%get3A_24, %get3A_25] : memref<128x128xf32, #tpu.memory_space<vmem>>, vector<128x128xf32>
    %dot_general3A_27 = arith.constant dense<0.000000e+00> : vector<128x384xf32>
    %dot_general3A_28 = tpu.matmul %get3A_26, %dot_general3A_5, %dot_general3A_27 {dimension_numbers = #tpu.dot_dimension_numbers<[1], [0], [0], [1], [0, 0, 1, 1], [], []>, precision = #tpu.contract_precision<fp32>, transpose_lhs_hint = false} : vector<128x128xf32>, vector<128x384xf32>, vector<128x384xf32> -> vector<128x384xf32>
    %mul3A = arith.constant 6.250000e-02 : f32
    %mul3A_29 = vector.broadcast %mul3A : f32 to vector<128x384xf32>
    %mul3A_30 = arith.mulf %dot_general3A_28, %mul3A_29 : vector<128x384xf32>
    %swap3A_31 = arith.constant 128 : index
    %swap3A_32 = arith.constant 0 : index
    %swap3A_33 = vector.load %arg9[%swap3A_31, %swap3A_32] : memref<384x384xf32, #tpu.memory_space<vmem>>, vector<128x384xf32>
    tpu.vector_store %arg9[%swap3A_31, %swap3A_32], %mul3A_30 {strides = array<i32>} : memref<384x384xf32, #tpu.memory_space<vmem>>, vector<128x384xf32>,
    %get3A_34 = arith.constant 0 : index
    %get3A_35 = arith.constant 0 : index
    %get3A_36 = vector.load %arg2[%get3A_34, %get3A_35] : memref<128x128xf32, #tpu.memory_space<vmem>>, vector<128x128xf32>
    %dot_general3A_37 = arith.constant dense<0.000000e+00> : vector<128x384xf32>
    %dot_general3A_38 = tpu.matmul %get3A_36, %dot_general3A_13, %dot_general3A_37 {dimension_numbers = #tpu.dot_dimension_numbers<[1], [0], [0], [1], [0, 0, 1, 1], [], []>, precision = #tpu.contract_precision<fp32>, transpose_lhs_hint = false} : vector<128x128xf32>, vector<128x384xf32>, vector<128x384xf32> -> vector<128x384xf32>
    %mul3A_39 = arith.constant 6.250000e-02 : f32
    %mul3A_40 = vector.broadcast %mul3A_39 : f32 to vector<128x384xf32>
    %mul3A_41 = arith.mulf %dot_general3A_38, %mul3A_40 : vector<128x384xf32>
    %swap3A_42 = arith.constant 256 : index
    %swap3A_43 = arith.constant 0 : index
    %swap3A_44 = vector.load %arg9[%swap3A_42, %swap3A_43] : memref<384x384xf32, #tpu.memory_space<vmem>>, vector<128x384xf32>
    tpu.vector_store %arg9[%swap3A_42, %swap3A_43], %mul3A_41 {strides = array<i32>} : memref<384x384xf32, #tpu.memory_space<vmem>>, vector<128x384xf32>,
    %get3A_45 = arith.constant 0 : index
    %get3A_46 = arith.constant 0 : index
    %get3A_47 = vector.load %arg8[%get3A_45, %get3A_46] : memref<1x384xf32, #tpu.memory_space<vmem>>, vector<1x384xf32>
    %get3A_48 = arith.constant 0 : index
    %get3A_49 = arith.constant 0 : index
    %get3A_50 = vector.load %arg1[%get3A_48, %get3A_49] : memref<1x128xf32, #tpu.memory_space<vmem>>, vector<1x128xf32>
    %dot_general3A_51 = arith.constant dense<0.000000e+00> : vector<1x384xf32>
    %dot_general3A_52 = tpu.matmul %get3A_50, %dot_general3A_5, %dot_general3A_51 {dimension_numbers = #tpu.dot_dimension_numbers<[1], [0], [0], [1], [0, 0, 1, 1], [], []>, precision = #tpu.contract_precision<fp32>, transpose_lhs_hint = false} : vector<1x128xf32>, vector<128x384xf32>, vector<1x384xf32> -> vector<1x384xf32>
    %add3A = arith.addf %get3A_47, %dot_general3A_52 : vector<1x384xf32>
    %get3A_53 = arith.constant 0 : index
    %get3A_54 = arith.constant 0 : index
    %get3A_55 = vector.load %arg3[%get3A_53, %get3A_54] : memref<1x128xf32, #tpu.memory_space<vmem>>, vector<1x128xf32>
    %dot_general3A_56 = arith.constant dense<0.000000e+00> : vector<1x384xf32>
    %dot_general3A_57 = tpu.matmul %get3A_55, %dot_general3A_13, %dot_general3A_56 {dimension_numbers = #tpu.dot_dimension_numbers<[1], [0], [0], [1], [0, 0, 1, 1], [], []>, precision = #tpu.contract_precision<fp32>, transpose_lhs_hint = false} : vector<1x128xf32>, vector<128x384xf32>, vector<1x384xf32> -> vector<1x384xf32>
    %add3A_58 = arith.addf %add3A, %dot_general3A_57 : vector<1x384xf32>
    %swap3A_59 = arith.constant 0 : index
    %swap3A_60 = arith.constant 0 : index
    %swap3A_61 = vector.load %arg10[%swap3A_59, %swap3A_60] : memref<1x384xf32, #tpu.memory_space<vmem>>, vector<1x384xf32>
    tpu.vector_store %arg10[%swap3A_59, %swap3A_60], %add3A_58 {strides = array<i32>} : memref<1x384xf32, #tpu.memory_space<vmem>>, vector<1x384xf32>,
    return
  }
}

module attributes {stable_mosaic.version = 14 : i64} {
  func.func @_tc_body(%arg0: i32, %arg1: memref<2048x128xf32, #tpu.memory_space<vmem>>, %arg2: memref<2048x128xf32, #tpu.memory_space<vmem>>, %arg3: memref<2048x128xf32, #tpu.memory_space<vmem>>, %arg4: memref<384x384xf32, #tpu.memory_space<vmem>>, %arg5: memref<1x384xf32, #tpu.memory_space<vmem>>, %arg6: memref<2048x384xf32, #tpu.memory_space<vmem>>) attributes {dimension_semantics = [#tpu.dimension_semantics<arbitrary>], iteration_bounds = array<i64: 8>, scalar_prefetch = 0 : i64, scratch_operands = 0 : i64, tpu.core_type = #tpu.core_type<tc>, window_params = [{transform_indices = @transform_0, window_bounds = array<i64: 2048, 128>}, {transform_indices = @transform_1, window_bounds = array<i64: 2048, 128>}, {transform_indices = @transform_2, window_bounds = array<i64: 2048, 128>}, {pipeline_mode = #tpu.pipeline_mode<synchronous>, transform_indices = @transform_3, window_bounds = array<i64: 384, 384>}, {pipeline_mode = #tpu.pipeline_mode<synchronous>, transform_indices = @transform_4, window_bounds = array<i64: 1, 384>}, {transform_indices = @transform_5, window_bounds = array<i64: 2048, 384>}]} {
    %get3A = arith.constant 0 : index
    %get3A_0 = arith.constant 0 : index
    %get3A_1 = vector.load %arg1[%get3A, %get3A_0] : memref<2048x128xf32, #tpu.memory_space<vmem>>, vector<2048x128xf32>
    %get3A_2 = arith.constant 0 : index
    %get3A_3 = arith.constant 0 : index
    %get3A_4 = vector.load %arg4[%get3A_2, %get3A_3] : memref<384x384xf32, #tpu.memory_space<vmem>>, vector<128x384xf32>
    %dot_general3A = arith.constant dense<0.000000e+00> : vector<2048x384xf32>
    %dot_general3A_5 = tpu.matmul %get3A_1, %get3A_4, %dot_general3A {dimension_numbers = #tpu.dot_dimension_numbers<[1], [0], [0], [1], [0, 0, 1, 1], [], []>, transpose_lhs_hint = false} : vector<2048x128xf32>, vector<128x384xf32>, vector<2048x384xf32> -> vector<2048x384xf32>
    %get3A_6 = arith.constant 0 : index
    %get3A_7 = arith.constant 0 : index
    %get3A_8 = vector.load %arg2[%get3A_6, %get3A_7] : memref<2048x128xf32, #tpu.memory_space<vmem>>, vector<2048x128xf32>
    %get3A_9 = arith.constant 128 : index
    %get3A_10 = arith.constant 0 : index
    %get3A_11 = vector.load %arg4[%get3A_9, %get3A_10] : memref<384x384xf32, #tpu.memory_space<vmem>>, vector<128x384xf32>
    %dot_general3A_12 = arith.constant dense<0.000000e+00> : vector<2048x384xf32>
    %dot_general3A_13 = tpu.matmul %get3A_8, %get3A_11, %dot_general3A_12 {dimension_numbers = #tpu.dot_dimension_numbers<[1], [0], [0], [1], [0, 0, 1, 1], [], []>, transpose_lhs_hint = false} : vector<2048x128xf32>, vector<128x384xf32>, vector<2048x384xf32> -> vector<2048x384xf32>
    %add3A = arith.addf %dot_general3A_5, %dot_general3A_13 : vector<2048x384xf32>
    %get3A_14 = arith.constant 0 : index
    %get3A_15 = arith.constant 0 : index
    %get3A_16 = vector.load %arg3[%get3A_14, %get3A_15] : memref<2048x128xf32, #tpu.memory_space<vmem>>, vector<2048x128xf32>
    %get3A_17 = arith.constant 256 : index
    %get3A_18 = arith.constant 0 : index
    %get3A_19 = vector.load %arg4[%get3A_17, %get3A_18] : memref<384x384xf32, #tpu.memory_space<vmem>>, vector<128x384xf32>
    %dot_general3A_20 = arith.constant dense<0.000000e+00> : vector<2048x384xf32>
    %dot_general3A_21 = tpu.matmul %get3A_16, %get3A_19, %dot_general3A_20 {dimension_numbers = #tpu.dot_dimension_numbers<[1], [0], [0], [1], [0, 0, 1, 1], [], []>, transpose_lhs_hint = false} : vector<2048x128xf32>, vector<128x384xf32>, vector<2048x384xf32> -> vector<2048x384xf32>
    %add3A_22 = arith.addf %add3A, %dot_general3A_21 : vector<2048x384xf32>
    %get3A_23 = arith.constant 0 : index
    %get3A_24 = arith.constant 0 : index
    %get3A_25 = vector.load %arg5[%get3A_23, %get3A_24] : memref<1x384xf32, #tpu.memory_space<vmem>>, vector<1x384xf32>
    %add3A_26 = vector.broadcast %get3A_25 : vector<1x384xf32> to vector<2048x384xf32>
    %add3A_27 = arith.addf %add3A_22, %add3A_26 : vector<2048x384xf32>
    %ge3A = arith.constant 0.000000e+00 : f32
    %ge3A_28 = vector.broadcast %ge3A : f32 to vector<2048x384xf32>
    %ge3A_29 = arith.cmpf oge, %add3A_27, %ge3A_28 : vector<2048x384xf32>
    %mul3A = arith.constant 2.000000e-01 : f32
    %mul3A_30 = vector.broadcast %mul3A : f32 to vector<2048x384xf32>
    %mul3A_31 = arith.mulf %mul3A_30, %add3A_27 : vector<2048x384xf32>
    %select_n3A = arith.select %ge3A_29, %add3A_27, %mul3A_31 : vector<2048x384xi1>, vector<2048x384xf32>
    %mul3A_32 = arith.mulf %select_n3A, %select_n3A : vector<2048x384xf32>
    %reduce_sum3A = arith.constant dense<0.000000e+00> : vector<2048xf32>
    %reduce_sum3A_33 = vector.multi_reduction <add>, %mul3A_32, %reduce_sum3A [1] : vector<2048x384xf32> to vector<2048xf32>
    %broadcast_in_dim3A = vector.shape_cast %reduce_sum3A_33 : vector<2048xf32> to vector<2048x1xf32>
    %sqrt3A = math.sqrt %broadcast_in_dim3A : vector<2048x1xf32>
    %max3A = arith.constant 9.99999996E-13 : f32
    %max3A_34 = vector.broadcast %max3A : f32 to vector<2048x1xf32>
    %max3A_35 = arith.maximumf %sqrt3A, %max3A_34 : vector<2048x1xf32>
    %div3A = vector.broadcast %max3A_35 : vector<2048x1xf32> to vector<2048x384xf32>
    %div3A_36 = arith.divf %select_n3A, %div3A : vector<2048x384xf32>
    %swap3A = arith.constant 0 : index
    %swap3A_37 = arith.constant 0 : index
    %swap3A_38 = vector.load %arg6[%swap3A, %swap3A_37] : memref<2048x384xf32, #tpu.memory_space<vmem>>, vector<2048x384xf32>
    tpu.vector_store %arg6[%swap3A, %swap3A_37], %div3A_36 {strides = array<i32>} : memref<2048x384xf32, #tpu.memory_space<vmem>>, vector<2048x384xf32>,
    return
  }
  func.func @transform_0(%arg0: i32) -> (i32, i32) {
    %c0_i32 = arith.constant 0 : i32
    %c0_i32_0 = arith.constant 0 : i32
    return %arg0, %c0_i32 : i32, i32
  }
  func.func @transform_1(%arg0: i32) -> (i32, i32) {
    %c0_i32 = arith.constant 0 : i32
    %c0_i32_0 = arith.constant 0 : i32
    return %arg0, %c0_i32 : i32, i32
  }
  func.func @transform_2(%arg0: i32) -> (i32, i32) {
    %c0_i32 = arith.constant 0 : i32
    %c0_i32_0 = arith.constant 0 : i32
    return %arg0, %c0_i32 : i32, i32
  }
  func.func @transform_3(%arg0: i32) -> (i32, i32) {
    %c0_i32 = arith.constant 0 : i32
    %c0_i32_0 = arith.constant 0 : i32
    %c0_i32_1 = arith.constant 0 : i32
    return %c0_i32, %c0_i32_0 : i32, i32
  }
  func.func @transform_4(%arg0: i32) -> (i32, i32) {
    %c0_i32 = arith.constant 0 : i32
    %c0_i32_0 = arith.constant 0 : i32
    %c0_i32_1 = arith.constant 0 : i32
    return %c0_i32, %c0_i32_0 : i32, i32
  }
  func.func @transform_5(%arg0: i32) -> (i32, i32) {
    %c0_i32 = arith.constant 0 : i32
    %c0_i32_0 = arith.constant 0 : i32
    return %arg0, %c0_i32 : i32, i32
  }
}

</mosaic_0001>

<sc_bundles>
// kernel: kernel.5.cloned.1.call-start
scs
__scs_entry_jumppad:
0x0: {  	(pc) =	sbr.rel $0x88, $3  }
0x1: {  	(tag) =	ssettag $0x0;
	lr =	simm.s32 $0x1  }
0x2: {  	[smem:$0x3F93] =	sst lr;
	_ =	strace $0xD0000000  }
0x3: {  	_ = 	snop  }
0x4: {  	_ = 	snop  }
0x5: {  	_ = 	snop  }
0x6: {  	_ = 	snop  }
0x7: {  	_ = 	snop  }
__scs_overlays_trampoline_lowered:
0x8: {  	[smem:$0x3FA2] =	sst s0  }
0x9: {  	[smem:$0x3FA3] =	sst s1  }
0xa: {  	[smem:$0x3FA4] =	sst s2  }
0xb: {  	[smem:$0x3FA5] =	sst s3  }
0xc: {  	[smem:$0x3FA6] =	sst s4  }
0xd: {  	[smem:$0x3FA7] =	sst s5  }
0xe: {  	[smem:$0x3FA8] =	sst s6  }
0xf: {  	[smem:$0x3FA9] =	sst s7  }
0x10: {  	[smem:$0x3FAA] =	sst s8  }
0x11: {  	[smem:$0x3FAB] =	sst s9;
	s0 =	simm.s32 @!p0 $0x0  }
0x12: {  	s1 =	sld [smem:$0x3F91];
	s0 =	simm.s32 @p0 $0x1  }
0x13: {  	[smem:$0x3FAC] =	sst s0;
	s0 =	simm.s32 @!p1 $0x0  }
0x14: {  	s2 =	sld [smem:$0x3F90];
	s0 =	simm.s32 @p1 $0x1  }
0x15: {  	[smem:$0x3FAD] =	sst s0;
	s0 =	simm.s32 @!p2 $0x0  }
0x16: {  	s3 =	sld [smem:$0x3FDB];
	s0 =	simm.s32 @p2 $0x1  }
0x17: {  	s4 =	simm.s32 $0x1BF5;
	[smem:$0x3FAF] =	sst s0  }
0x18: {  	s0 =	sld [smem:$0x3F92];
	_ =	swait.ge [sflag:s4], $0x0  }
0x19: {  	s7 =	sld [smem:$0x3F93]  }
0x1a: {  	s8 =	sadd.s32 $0xFFFFE003, lr  }
0x1b: {  	s9 =	sadd.s32 $0xFFFFFEF7, lr;
	s5 =	simm.s32 $0xFFFFFFFF;
	p2 =	slt.u32 s8, $0xFFFFF086  }
0x1c: {  	p1 =	slt.u32 s9, $0xF7A;
	s5 =	simm.s32 @!p2 $0x0  }
0x1d: {  	s5 =	simm.s32 @p1 $0x1;
	p0 =	seq.s32 s7, s2  }
0x1e: {  	s7 =	smul.u32 @!p0 $0xF7A, s2;
	p2 =	seq.s32 @!p0 s5, $0x0  }
0x1f: {  	s9 =	smul.u32 $0xF7A, s1;
	s8 =	simm.s32 @!p0 $0x1BF5;
	p2 =	por !p2, p0  }
0x20: {  	[sflag:s8] =	ssyncset.s32 @!p0 $0xFFFFF086;
	s6 =	sadd.s32 @!p0 s3, s7;
	s7 =	simm.s32 @!p0 $0x108  }
0x21: {  	s3 =	sadd.s32 s3, s9;
	s6 =	sadd.s32 @!p0 $0x88, s6;
	s7 =	simm.s32 @p2 $0x1082  }
0x22: {  	[simem:s7], [sflag:s8] =	dma.local @!p0 [hbm:s6], $0xF7A  }
0x23: {  	s9 =	sor.u32 $0xD0000000, s2;
	s6 =	simm.s32 $0x108;
	_ =	swait.ge @!p0 [sflag:s8], $0x0  }
0x24: {  	s3 =	sadd.s32 $0x88, s3;
	s6 =	simm.s32 @!p1 $0x1082;
	[sflag:s4] =	ssyncset.s32 $0xFFFFF086  }
0x25: {  	[simem:s6], [sflag:s4] =	dma.local [hbm:s3], $0xF7A  }
0x26: {  	[smem:$0x3F93] =	sst s1;
	(tag) =	ssettag s2;
	_ =	strace s9  }
0x27: {  	s1 =	sld [smem:$0x3FA3]  }
0x28: {  	s2 =	sld [smem:$0x3FA4]  }
0x29: {  	s4 =	sld [smem:$0x3FA6]  }
0x2a: {  	p0 =	seq.s32 s5, $0x0;
	s5 =	sld [smem:$0x3FA7]  }
0x2b: {  	s6 =	sld [smem:$0x3FA8]  }
0x2c: {  	s7 =	sld [smem:$0x3FA9]  }
0x2d: {  	s3 =	simm.s32 $0x108;
	s8 =	sld [smem:$0x3FAA]  }
0x2e: {  	s3 =	simm.s32 @!p0 $0x1082;
	s9 =	sld [smem:$0x3FAB]  }
0x2f: {  	lr =	sadd.s32 s0, s3;
	s0 =	sld [smem:$0x3FA2]  }
0x30: {  	s3 =	sld [smem:$0x3FA5]  }
0x31: {  	[smem:$0x3FAE] =	sst s10  }
0x32: {  	s10 =	sld [smem:$0x3FAC];
	_ =	sdelay $0x3  }
0x33: {  	p0 =	seq.s32 s10, $0x1;
	s10 =	sld [smem:$0x3FAE];
	_ =	sdelay $0x3  }
0x34: {  	[smem:$0x3FAE] =	sst s10  }
0x35: {  	s10 =	sld [smem:$0x3FAD];
	_ =	sdelay $0x3  }
0x36: {  	p1 =	seq.s32 s10, $0x1;
	s10 =	sld [smem:$0x3FAE];
	_ =	sdelay $0x3  }
0x37: {  	[smem:$0x3FAE] =	sst s10  }
0x38: {  	s10 =	sld [smem:$0x3FAF]  }
0x39: {  	_ = 	snop;
	(pc) =	sbr.ind lr, $3  }
0x3a: {  	_ = 	snop  }
0x3b: {  	_ = 	snop  }
0x3c: {  	p2 =	seq.s32 s10, $0x1;
	s10 =	sld [smem:$0x3FAE]  }
0x3d: {  	_ =	shalt  }
0x3e: {  	_ =	shalt  }
0x3f: {  	_ =	shalt  }
0x40: {  	_ =	shalt  }
0x41: {  	_ =	shalt  }
0x42: {  	_ =	shalt  }
0x43: {  	_ =	shalt  }
0x44: {  	_ =	shalt  }
0x45: {  	_ =	shalt  }
0x46: {  	_ =	shalt  }
0x47: {  	_ =	shalt  }
0x48: {  	_ =	shalt  }
0x49: {  	_ =	shalt  }
0x4a: {  	_ =	shalt  }
0x4b: {  	_ =	shalt  }
0x4c: {  	_ =	shalt  }
0x4d: {  	_ =	shalt  }
0x4e: {  	_ =	shalt  }
0x4f: {  	_ =	shalt  }
0x50: {  	_ =	shalt  }
0x51: {  	_ =	shalt  }
0x52: {  	_ =	shalt  }
0x53: {  	_ =	shalt  }
0x54: {  	_ =	shalt  }
0x55: {  	_ =	shalt  }
0x56: {  	_ =	shalt  }
0x57: {  	_ =	shalt  }
0x58: {  	_ =	shalt  }
0x59: {  	_ =	shalt  }
0x5a: {  	_ =	shalt  }
0x5b: {  	_ =	shalt  }
0x5c: {  	_ =	shalt  }
0x5d: {  	_ =	shalt  }
0x5e: {  	_ =	shalt  }
0x5f: {  	_ =	shalt  }
0x60: {  	_ =	shalt  }
0x61: {  	_ =	shalt  }
0x62: {  	_ =	shalt  }
0x63: {  	_ =	shalt  }
0x64: {  	_ =	shalt  }
0x65: {  	_ =	shalt  }
0x66: {  	_ =	shalt  }
0x67: {  	_ =	shalt  }
0x68: {  	_ =	shalt  }
0x69: {  	_ =	shalt  }
0x6a: {  	_ =	shalt  }
0x6b: {  	_ =	shalt  }
0x6c: {  	_ =	shalt  }
0x6d: {  	_ =	shalt  }
0x6e: {  	_ =	shalt  }
0x6f: {  	_ =	shalt  }
0x70: {  	_ =	shalt  }
0x71: {  	_ =	shalt  }
0x72: {  	_ =	shalt  }
0x73: {  	_ =	shalt  }
0x74: {  	_ =	shalt  }
0x75: {  	_ =	shalt  }
0x76: {  	_ =	shalt  }
0x77: {  	_ =	shalt  }
0x78: {  	_ =	shalt  }
0x79: {  	_ =	shalt  }
0x7a: {  	_ =	shalt  }
0x7b: {  	_ =	shalt  }
0x7c: {  	_ =	shalt  }
0x7d: {  	_ =	shalt  }
0x7e: {  	_ =	shalt  }
0x7f: {  	_ =	shalt  }
0x80: {  	_ =	shalt  }
0x81: {  	_ =	shalt  }
0x82: {  	_ =	shalt  }
0x83: {  	_ =	shalt  }
0x84: {  	_ =	shalt  }
0x85: {  	_ =	shalt  }
0x86: {  	_ =	shalt  }
0x87: {  	_ =	shalt  }
.Lfunc_end0:
.L_simem_size_0:
called_computation_lowered:
.L_overlay_start_0:
0x88: {  	s2 =	sld [smem:$0x3FD9]  }
0x89: {  	s3 =	sld [smem:$0x3FFE];
	_ =	sdelay $0x1  }
0x8a: {  	s1 =	srdreg.scid  }
0x8b: {  	s0 =	sand.u32 $0x1, s1  }
0x8c: {  	s17 =	sshll.u32 s0, $0xA;
	s2 =	sadd.s32 s3, s2  }
0x8d: {  	s2 =	sadd.s32 s2, s17  }
0x8e: {  	[smem:$0x3FBA] =	sst s2  }
0x8f: {  	_ = 	snop  }
0x90: {  	s2 =	sld [smem:$0x3FC9]  }
0x91: {  	s18 =	sld [smem:$0x3FC6]  }
0x92: {  	s4 =	sld [smem:$0x3FD0];
	(tm) =	ssettm $0x1  }
0x93: {  	s5 =	sld [smem:$0x3FFB];
	_ =	sdelay $0x3  }
0x94: {  	_ =	strace s5  }
0x95: {  	s5 =	sld [smem:$0x3FFC];
	_ =	sdelay $0x3  }
0x96: {  	_ =	strace s5  }
0x97: {  	s5 =	sld [smem:$0x3FFD];
	_ =	sdelay $0x3  }
0x98: {  	_ =	strace s5  }
0x99: {  	_ =	strace $0x8FFFFFFF  }
0x9a: {  	s19 =	sld [smem:$0x3FDB];
	_ =	sdelay $0x1  }
0x9b: {  	s6 =	simm.s32 $_scs_section_size  }
0x9c: {  	s7 =	simm.s32 $_size__tile_overlayer_lowered;
	s8 =	simm.s32 $_tile_overlayer_lowered  }
0x9d: {  	s22 =	simm.s32 $0x1BFF;
	s21 =	sshll.u32 s8, $0x1;
	s5 =	sadd.s32 s6, s19  }
0x9e: {  	s9 =	simm.s32 $0x0;
	s20 =	sshll.u32 s7, $0x1;
	s7 =	sadd.s32 s21, s5  }
0x9f: {  	[timem:s9], [sflag:s22] =	dma.local [hbm:s7], s20  }
0xa0: {  	_ =	swait.ge [sflag:s22], s20  }
0xa1: {  	s6 =	ssub.s32 $0x0, s20;
	[sflag:s22] =	ssyncset.done $0x0  }
0xa2: {  	[sflag:s22] =	ssyncadd.s32 s6;
	_ =	sdelay $0x1  }
0xa3: {  	s23 =	simm.s32 $0x1B8B  }
0xa4: {  	_ =	swait.ge [sflag:s23], $0x1  }
0xa5: {  	[sflag:s23] =	ssyncset.done $0x0  }
0xa6: {  	s25 =	simm.s32 $0x1B8E;
	s24 =	sld [smem:$0x3FFE];
	[sflag:s23] =	ssyncadd.s32 $0xFFFFFFFF  }
0xa7: {  	s26 =	simm.s32 $execute0_lowered;
	[smem:$0x3FD2] =	sst s25  }
0xa8: {  	s7 =	sshll.u32 s26, $0x1;
	_ =	strace $0x80000046;
	[dreg:$0x1] =	wrdreg $0xFFFFFFFF  }
0xa9: {  	s28 =	simm.s32 $_size_execute0_lowered;
	s5 =	sadd.s32 s5, s7;
	[dreg:$0x0] =	wrdreg $0x0  }
0xaa: {  	s7 =	sshll.u32 s28, $0x1;
	[dreg:$0x2] =	wrdreg s5  }
0xab: {  	[dreg:$0x3] =	wrdreg s7  }
0xac: {  	[dreg:$0x4] =	wrdreg $0xC0  }
0xad: {  	_ =	task [dreg:s9], $0x5FFFF  }
0xae: {  	[dreg:$0x1] =	wrdreg $0xFFFFFFFF  }
0xaf: {  	[dreg:$0x0] =	wrdreg $0x60  }
0xb0: {  	[dreg:$0x2] =	wrdreg s2  }
0xb1: {  	[dreg:$0x3] =	wrdreg s24  }
0xb2: {  	[dreg:$0x4] =	wrdreg s18  }
0xb3: {  	[dreg:$0x5] =	wrdreg s4  }
0xb4: {  	[dreg:$0x6] =	wrdreg $0x9  }
0xb5: {  	_ =	task.clear_ibuf [dreg:s9], $0x7FFFF;
	_ =	strace $0x90000046  }
0xb6: {  	s29 =	simm.s32 $0x9;
	_ =	strace $0x80000048  }
0xb7: {  	_ =	swait.ge [sflag:s29], $0x1  }
0xb8: {  	[sflag:s29] =	ssyncadd.s32 $0xFFFFFFFF  }
0xb9: {  	_ =	strace $0x90000048  }
0xba: {  	_ =	sfence  }
0xbb: {  	s30 =	sld [smem:$0x0];
	_ =	sdelay $0x2  }
0xbc: {  	s31 =	sshll.u32 s1, $0xD;
	s1 =	sshrl.u32 s1, $0x2  }
0xbd: {  	s3 =	sand.u32 $0x4000, s31;
	s1 =	sadd.s32 s1, s30  }
0xbe: {  	s0 =	sor.u32 s3, s0;
	s1 =	sshll.u32 s1, $0x11  }
0xbf: {  	s0 =	sor.u32 s1, s0  }
0xc0: {  	s0 =	sadd.s32 $0x8F2B, s0  }
0xc1: {  	[sflag:s0] =	ssyncadd.remote.s32 $0x1  }
0xc2: {  	_ =	sfence.sel $0xFFFF  }
0xc3: {  	[dreg:$0x0] =	wrdreg $0xFFFFFFFF;
	(pc) =	sbr.abs _section_cstart, $3  }
0xc4: {  	[dreg:$0x1] =	wrdreg $0xFFFFFFFF  }
0xc5: {  	_ =	task.clear_ibuf [dreg:s9], $0x2FFFF;
	_ =	strace $0x9FFFFFFF  }
0xc6: {  	(tm) =	ssettm $0x7FFFFFFF  }
0xc7: {  	_ =	shalt  }
tec
execute0_lowered:
.L_overlay_start_1:
0x0: {  	(tag) =	ssettag $0x1  }
0x1: {  	s0 =	rddreg [dreg:$0x0]  }
0x2: {  	s1 =	rddreg [dreg:$0x1]  }
0x3: {  	s2 =	rddreg [dreg:$0x2]  }
0x4: {  	s4 =	srdreg.scid;
	s6 =	stileid.u32  }
0x5: {  	s3 =	rddreg [dreg:$0x3];
	s28 =	simm.s32 $0x1C200;
	s29 =	simm.s32 $0x2  }
0x6: {  	s5 =	sand.u32 $0x1, s4;
	s6 =	sshll.u32 s6, $0x1;
	s4 =	simm.s32 $0x0  }
0x7: {  	s31 =	simm.s32 $0x3;
	s8 =	sor.u32 s5, s6;
	[smem:$0x7FF] =	sst s4  }
0x8: {  	s7 =	ssub.s32 $0x2, s5;
	s5 =	sadd.s32 $0x12400, s1;
	s6 =	sshll.u32 s8, $0xA  }
0x9: {  	_ =	strace $0x80000047;
	s10 =	sshrl.u32 s7, $0x1;
	s25 =	sshll.u32 s8, $0x6  }
0xa: {  	s26 =	sshll.u32 s8, $0xD;
	s9 =	sadd.s32 s6, s1;
	s6 =	sadd.s32 $0x52400, s1  }
0xb: {  	s23 =	ssub.s32 s7, s10;
	s7 =	sshll.u32 s8, $0x9;
	s0 =	sadd.s32 s0, s25  }
0xc: {  	s13 =	sadd.s32 s5, s26;
	s25 =	simm.s32 $0xC200;
	s26 =	simm.s32 $0x1  }
0xd: {  	s1 =	simm.s32 $0x4;
	s10 =	simm.s32 $0x0;
	s24 =	sadd.s32 $0x2400, s9  }
.Ltmp0:
0xe: {  	s9 =	sadd.s32 $0xA400, s9;
	[dreg:$0x7] =	wrdreg s0;
	(pc) =	sbr.rel .LBB2_1-.Ltmp0, $4  }
0xf: {  	s11 =	sadd.s32 $0xFFFFFE00, s7;
	s12 =	sor.u32 $0xFFFFC000, s7;
	s14 =	sadd.s32 $0x100, s13  }
0x10: {  	s15 =	sadd.s32 $0xFFFFFE10, s7;
	s16 =	sor.u32 $0xFFFFC100, s7;
	[dreg:$0x5] =	wrdreg s24  }
0x11: {  	s17 =	sadd.s32 $0xFFFFFE20, s7;
	s30 =	smax.u32 s23, $0x1;
	[dreg:$0x6] =	wrdreg s9  }
0x12: {  	s18 =	sadd.s32 $0xFFFFC200, s7;
	s0 =	simm.s32 $0x5;
	[dreg:$0x8] =	wrdreg s30  }
.LBB2_18:
0x13: {  	_ =	swait.ge [sflag:s1], $0x800  }
0x14: {  	[sflag:s1] =	ssyncset.done $0x0  }
0x15: {  	[sflag:s1] =	ssyncadd.s32 $0xFFFFF800  }
0x16: {  	_ =	swait.ge [sflag:s0], $0x800  }
0x17: {  	[sflag:s0] =	ssyncset.done $0x0  }
0x18: {  	s9 =	simm.s32 $0x6;
	[sflag:s0] =	ssyncadd.s32 $0xFFFFF800  }
0x19: {  	_ =	swait.ge [sflag:s9], $0x8000  }
0x1a: {  	[sflag:s9] =	ssyncset.done $0x0  }
0x1b: {  	[sflag:s9] =	ssyncadd.s32 $0xFFFF8000  }
0x1c: {  	_ =	swait.ge [sflag:s9], $0x8000  }
0x1d: {  	s10 =	rddreg [dreg:$0x9]  }
0x1e: {  	s8 =	rddreg [dreg:$0x8];
	s10 =	sadd.s32 $0x1, s10  }
0x1f: {  	p0 =	sne.s32 s10, s8  }
.Ltmp1:
0x20: {  	_ = 	snop;
	(pc) =	sbr.rel @!p0 .LBB2_19-.Ltmp1, $3  }
0x21: {  	_ =	sdelay $0x1  }
0x22: {  	[sflag:s9] =	ssyncset.done $0x0  }
0x23: {  	[sflag:s9] =	ssyncadd.s32 $0xFFFF8000  }
.LBB2_1:
0x24: {  	[dreg:$0x9] =	wrdreg s10  }
0x25: {  	s8 =	rddreg [dreg:$0x5];
	s9 =	simm.s32 $0x7  }
0x26: {  	[tilespmem:s4], [sflag:$0x7] =	stream.linear.gather [hbm4b:s8+s4], $0x2000, $0x38;
	[tilespmem:$0x1D200] =	vst v63  }
0x27: {  	_ =	swait.ge [sflag:s9], $0x2000  }
0x28: {  	[sflag:s9] =	ssyncset.done $0x0  }
0x29: {  	s21 =	simm.s32 $0x2000;
	s20 =	rddreg [dreg:$0x6];
	[sflag:s9] =	ssyncadd.s32 $0xFFFFE000  }
0x2a: {  	[tilespmem:s21], [sflag:$0x7] =	stream.linear.gather [hbm4b:s20+s4], $0x2000, $0x38;
	[tilespmem:$0x1D200] =	vst v63  }
0x2b: {  	_ =	swait.ge [sflag:s9], $0x2000  }
0x2c: {  	[sflag:s9] =	ssyncset.done $0x0  }
0x2d: {  	s23 =	simm.s32 $0x4000;
	s22 =	rddreg [dreg:$0x7];
	[sflag:s9] =	ssyncadd.s32 $0xFFFFE000  }
0x2e: {  	[tilespmem:s23], [sflag:$0x7] =	stream.linear.gather [hbm4b:s22+s4], $0x200, $0x38;
	[tilespmem:$0x1D200] =	vst v63  }
0x2f: {  	_ =	swait.ge [sflag:s9], $0x200  }
.Ltmp2:
0x30: {  	[sflag:s9] =	ssyncset.done $0x0;
	(pc) =	sbr.rel .LBB2_2-.Ltmp2, $4  }
0x31: {  	s24 =	simm.s32 $0x100;
	s30 =	simm.s32 $0x4200;
	[sflag:s9] =	ssyncadd.s32 $0xFFFFFE00  }
0x32: {  	[tilespmem:s30], [sflag:$0x1] =	stream.indirect.gather [hbm4b:s2+s24], $0x80, s4, s24, $0xb8;
	[tilespmem:$0x1D200] =	vst v63  }
0x33: {  	s8 =	simm.s32 $0x0  }
0x34: {  	[tilespmem:s25], [sflag:$0x2] =	stream.indirect.gather [hbm4b:s2+s24], $0x80, s24, s24, $0xb8;
	[tilespmem:$0x1D200] =	vst v63  }
.LBB2_17:
0x35: {  	s9 =	smul.u32 @!p1 $0x300, s8;
	s8 =	sadd.s32 $0x1, s8  }
0x36: {  	p0 =	sne.s32 s8, $0x16  }
.Ltmp3:
0x37: {  	_ = 	snop;
	(pc) =	sbr.rel @!p0 .LBB2_18-.Ltmp3, $4  }
0x38: {  	s9 =	sadd.s32 @!p1 s9, s18  }
0x39: {  	s9 =	sshll.u32 @!p1 s9, $0x4  }
0x3a: {  	s10 =	simm.s32 @!p1 $0x0;
	s19 =	simm.s32 @!p1 $0x14200;
	s9 =	sadd.s32 @!p1 s3, s9  }
0x3b: {  	[hbm4b:s9+s10] =	stream.linear.scatter @!p1 [tilespmem:s19], [sflag:$0x6], $0x8000, $0x38;
	[tilespmem:$0x1D200] =	vst v63  }
.LBB2_2:
0x3c: {  	s10 =	smul.u32 $0x3, s8;
	_ =	sdelay $0x1  }
0x3d: {  	p0 =	sgt.u32 s8, $0x9;
	s9 =	sadd.s32 $0x2, s10;
	s19 =	sadd.s32 $0xFFFFFFE2, s10  }
0x3e: {  	s21 =	simm.s32 @!p0 $0x14200;
	s9 =	sshll.u32 @!p0 s9, $0x8;
	p2 =	sgt.u32 s19, $0x1F  }
0x3f: {  	s19 =	simm.s32 @!p0 $0x100;
	s20 =	sand.u32 @!p0 $0x3FFFFF00, s9;
	s22 =	smul.u32 @!p2 $0xC00, s8  }
0x40: {  	[tilespmem:s21], [sflag:$0x3] =	stream.indirect.gather @!p0 [hbm4b:s2+s19], $0x80, s20, s19, $0xb8;
	[tilespmem:$0x1D200] =	vst v63  }
0x41: {  	s19 =	sand.u32 $0x7E, s10  }
0x42: {  	s21 =	simm.s32 @!p2 $0x100;
	s20 =	sshra.s32 @!p2 s22, $0x2;
	p1 =	sne.s32 s19, $0x3E  }
0x43: {  	s22 =	simm.s32 @!p2 $0x14200;
	s20 =	sadd.s32 @!p2 $0x200, s20;
	s23 =	smul.u32 @!p1 $0xC00, s8  }
0x44: {  	[tilespmem:s22], [sflag:$0x3] =	stream.indirect.gather @!p2 [hbm4b:s2+s21], $0x80, s20, s21, $0xb8;
	[tilespmem:$0x1D200] =	vst v63  }
0x45: {  	s20 =	sshra.s32 @!p1 s23, $0x2  }
0x46: {  	s21 =	simm.s32 @!p1 $0x100;
	s22 =	simm.s32 @!p1 $0x14200;
	s20 =	sadd.s32 @!p1 $0x200, s20  }
0x47: {  	[tilespmem:s22], [sflag:$0x3] =	stream.indirect.gather @!p1 [hbm4b:s2+s21], $0x80, s20, s21, $0xb8;
	[tilespmem:$0x1D200] =	vst v63  }
0x48: {  	_ =	swait.ge [sflag:s26], $0x8000  }
0x49: {  	p3 =	seq.s32 s8, $0x0;
	[sflag:s26] =	ssyncset.done $0x0  }
0x4a: {  	s20 =	simm.s32 @!p3 $0x4;
	[sflag:s26] =	ssyncadd.s32 $0xFFFF8000  }
0x4b: {  	_ =	swait.ge @!p3 [sflag:s20], $0x800  }
0x4c: {  	[sflag:s20] =	ssyncset.done @!p3 $0x0  }
0x4d: {  	[sflag:s20] =	ssyncadd.s32 @!p3 $0xFFFFF800;
	s20 =	simm.s32 $0x4600  }
0x4e: {  	v0 =	vld [tilespmem:s20+$0xFFFFFC80]  }
0x4f: {  	v1 =	vld [tilespmem:s20+$0xFFFFFC00];
	_ =	sdelay $0x1  }
0x50: {  	v2 =	vld [tilespmem:s20+$0xFFFFFD00];
	_ =	sdelay $0x1  }
0x51: {  	v3 =	vld [tilespmem:s20+$0xFFFFFD80]  }
0x52: {  	v0 =	vadd.f32 v0, v1  }
0x53: {  	v1 =	vld [tilespmem:s20+$0xFFFFFE00]  }
0x54: {  	v0 =	vadd.f32 v2, v0  }
0x55: {  	v2 =	vld [tilespmem:s20+$0xFFFFFE80]  }
0x56: {  	v0 =	vadd.f32 v3, v0  }
0x57: {  	v3 =	vld [tilespmem:s20+$0xFFFFFF00]  }
0x58: {  	v0 =	vadd.f32 v1, v0  }
0x59: {  	v1 =	vld [tilespmem:s20+$0xFFFFFF80]  }
0x5a: {  	v0 =	vadd.f32 v2, v0  }
0x5b: {  	v2 =	vld [tilespmem:s20+$0x0]  }
0x5c: {  	v0 =	vadd.f32 v3, v0  }
0x5d: {  	v3 =	vld [tilespmem:s20+$0x80]  }
0x5e: {  	v0 =	vadd.f32 v1, v0  }
0x5f: {  	v1 =	vld [tilespmem:s20+$0x100]  }
0x60: {  	v0 =	vadd.f32 v2, v0  }
0x61: {  	v2 =	vld [tilespmem:s20+$0x180]  }
0x62: {  	v0 =	vadd.f32 v3, v0  }
0x63: {  	v3 =	vld [tilespmem:s20+$0x200]  }
0x64: {  	v0 =	vadd.f32 v1, v0  }
0x65: {  	v1 =	vld [tilespmem:s20+$0x280]  }
0x66: {  	v0 =	vadd.f32 v2, v0  }
0x67: {  	v2 =	vld [tilespmem:s20+$0x300]  }
0x68: {  	v0 =	vadd.f32 v3, v0  }
0x69: {  	v3 =	vld [tilespmem:s20+$0x380]  }
0x6a: {  	v0 =	vadd.f32 v1, v0;
	_ =	sdelay $0x1  }
0x6b: {  	v0 =	vadd.f32 v2, v0;
	_ =	sdelay $0x1  }
0x6c: {  	v0 =	vadd.f32 v3, v0  }
0x6d: {  	s22 =	simm.s32 $0x0  }
0x6e: {  	[tilespmem:s22+$0x1C200] =	vst v0  }
0x6f: {  	v0 =	vld [tilespmem:s20+$0xFFFFFC10]  }
0x70: {  	v1 =	vld [tilespmem:s20+$0xFFFFFC90];
	_ =	sdelay $0x1  }
0x71: {  	v2 =	vld [tilespmem:s20+$0xFFFFFD10];
	_ =	sdelay $0x1  }
0x72: {  	v3 =	vld [tilespmem:s20+$0xFFFFFD90]  }
0x73: {  	v0 =	vadd.f32 v1, v0  }
0x74: {  	v1 =	vld [tilespmem:s20+$0xFFFFFE10]  }
0x75: {  	v0 =	vadd.f32 v2, v0  }
0x76: {  	v2 =	vld [tilespmem:s20+$0xFFFFFE90]  }
0x77: {  	v0 =	vadd.f32 v3, v0  }
0x78: {  	v3 =	vld [tilespmem:s20+$0xFFFFFF10]  }
0x79: {  	v0 =	vadd.f32 v1, v0  }
0x7a: {  	v1 =	vld [tilespmem:s20+$0xFFFFFF90]  }
0x7b: {  	v0 =	vadd.f32 v2, v0  }
0x7c: {  	v2 =	vld [tilespmem:s20+$0x10]  }
0x7d: {  	v0 =	vadd.f32 v3, v0  }
0x7e: {  	v3 =	vld [tilespmem:s20+$0x90]  }
0x7f: {  	v0 =	vadd.f32 v1, v0  }
0x80: {  	v1 =	vld [tilespmem:s20+$0x110]  }
0x81: {  	v0 =	vadd.f32 v2, v0  }
0x82: {  	v2 =	vld [tilespmem:s20+$0x190]  }
0x83: {  	v0 =	vadd.f32 v3, v0  }
0x84: {  	v3 =	vld [tilespmem:s20+$0x210]  }
0x85: {  	v0 =	vadd.f32 v1, v0  }
0x86: {  	v1 =	vld [tilespmem:s20+$0x290]  }
0x87: {  	v0 =	vadd.f32 v2, v0  }
0x88: {  	v2 =	vld [tilespmem:s20+$0x310]  }
0x89: {  	v0 =	vadd.f32 v3, v0  }
0x8a: {  	v3 =	vld [tilespmem:s20+$0x390]  }
0x8b: {  	v0 =	vadd.f32 v1, v0;
	_ =	sdelay $0x1  }
0x8c: {  	v0 =	vadd.f32 v2, v0;
	_ =	sdelay $0x1  }
0x8d: {  	v0 =	vadd.f32 v3, v0;
	_ =	sdelay $0x1  }
0x8e: {  	[tilespmem:s22+$0x1C210] =	vst v0  }
0x8f: {  	v0 =	vld [tilespmem:s20+$0xFFFFFC20]  }
0x90: {  	v1 =	vld [tilespmem:s20+$0xFFFFFCA0];
	_ =	sdelay $0x1  }
0x91: {  	v2 =	vld [tilespmem:s20+$0xFFFFFD20];
	_ =	sdelay $0x1  }
0x92: {  	v3 =	vld [tilespmem:s20+$0xFFFFFDA0]  }
0x93: {  	v0 =	vadd.f32 v1, v0  }
0x94: {  	v1 =	vld [tilespmem:s20+$0xFFFFFE20]  }
0x95: {  	v0 =	vadd.f32 v2, v0  }
0x96: {  	v2 =	vld [tilespmem:s20+$0xFFFFFEA0]  }
0x97: {  	v0 =	vadd.f32 v3, v0  }
0x98: {  	v3 =	vld [tilespmem:s20+$0xFFFFFF20]  }
0x99: {  	v0 =	vadd.f32 v1, v0  }
0x9a: {  	v1 =	vld [tilespmem:s20+$0xFFFFFFA0]  }
0x9b: {  	v0 =	vadd.f32 v2, v0  }
0x9c: {  	v2 =	vld [tilespmem:s20+$0x20]  }
0x9d: {  	v0 =	vadd.f32 v3, v0  }
0x9e: {  	v3 =	vld [tilespmem:s20+$0xA0]  }
0x9f: {  	v0 =	vadd.f32 v1, v0  }
0xa0: {  	v1 =	vld [tilespmem:s20+$0x120]  }
0xa1: {  	v0 =	vadd.f32 v2, v0  }
0xa2: {  	v2 =	vld [tilespmem:s20+$0x1A0]  }
0xa3: {  	v0 =	vadd.f32 v3, v0  }
0xa4: {  	v3 =	vld [tilespmem:s20+$0x220]  }
0xa5: {  	v0 =	vadd.f32 v1, v0  }
0xa6: {  	v1 =	vld [tilespmem:s20+$0x2A0]  }
0xa7: {  	v0 =	vadd.f32 v2, v0  }
0xa8: {  	v2 =	vld [tilespmem:s20+$0x320]  }
0xa9: {  	v0 =	vadd.f32 v3, v0  }
0xaa: {  	v3 =	vld [tilespmem:s20+$0x3A0]  }
0xab: {  	v0 =	vadd.f32 v1, v0;
	_ =	sdelay $0x1  }
0xac: {  	v0 =	vadd.f32 v2, v0;
	_ =	sdelay $0x1  }
0xad: {  	v0 =	vadd.f32 v3, v0;
	_ =	sdelay $0x1  }
0xae: {  	[tilespmem:s22+$0x1C220] =	vst v0  }
0xaf: {  	v0 =	vld [tilespmem:s20+$0xFFFFFC30]  }
0xb0: {  	v1 =	vld [tilespmem:s20+$0xFFFFFCB0];
	_ =	sdelay $0x1  }
0xb1: {  	v2 =	vld [tilespmem:s20+$0xFFFFFD30];
	_ =	sdelay $0x1  }
0xb2: {  	v3 =	vld [tilespmem:s20+$0xFFFFFDB0]  }
0xb3: {  	v0 =	vadd.f32 v1, v0  }
0xb4: {  	v1 =	vld [tilespmem:s20+$0xFFFFFE30]  }
0xb5: {  	v0 =	vadd.f32 v2, v0  }
0xb6: {  	v2 =	vld [tilespmem:s20+$0xFFFFFEB0]  }
0xb7: {  	v0 =	vadd.f32 v3, v0  }
0xb8: {  	v3 =	vld [tilespmem:s20+$0xFFFFFF30]  }
0xb9: {  	v0 =	vadd.f32 v1, v0  }
0xba: {  	v1 =	vld [tilespmem:s20+$0xFFFFFFB0]  }
0xbb: {  	v0 =	vadd.f32 v2, v0  }
0xbc: {  	v2 =	vld [tilespmem:s20+$0x30]  }
0xbd: {  	v0 =	vadd.f32 v3, v0  }
0xbe: {  	v3 =	vld [tilespmem:s20+$0xB0]  }
0xbf: {  	v0 =	vadd.f32 v1, v0  }
0xc0: {  	v1 =	vld [tilespmem:s20+$0x130]  }
0xc1: {  	v0 =	vadd.f32 v2, v0  }
0xc2: {  	v2 =	vld [tilespmem:s20+$0x1B0]  }
0xc3: {  	v0 =	vadd.f32 v3, v0  }
0xc4: {  	v3 =	vld [tilespmem:s20+$0x230]  }
0xc5: {  	v0 =	vadd.f32 v1, v0  }
0xc6: {  	v1 =	vld [tilespmem:s20+$0x2B0]  }
0xc7: {  	v0 =	vadd.f32 v2, v0  }
0xc8: {  	v2 =	vld [tilespmem:s20+$0x330]  }
0xc9: {  	v0 =	vadd.f32 v3, v0  }
0xca: {  	v3 =	vld [tilespmem:s20+$0x3B0]  }
0xcb: {  	v0 =	vadd.f32 v1, v0;
	_ =	sdelay $0x1  }
0xcc: {  	v0 =	vadd.f32 v2, v0;
	_ =	sdelay $0x1  }
0xcd: {  	v0 =	vadd.f32 v3, v0;
	_ =	sdelay $0x1  }
0xce: {  	[tilespmem:s22+$0x1C230] =	vst v0  }
0xcf: {  	v0 =	vld [tilespmem:s20+$0xFFFFFC40]  }
0xd0: {  	v1 =	vld [tilespmem:s20+$0xFFFFFCC0];
	_ =	sdelay $0x1  }
0xd1: {  	v2 =	vld [tilespmem:s20+$0xFFFFFD40];
	_ =	sdelay $0x1  }
0xd2: {  	v3 =	vld [tilespmem:s20+$0xFFFFFDC0]  }
0xd3: {  	v0 =	vadd.f32 v1, v0  }
0xd4: {  	v1 =	vld [tilespmem:s20+$0xFFFFFE40]  }
0xd5: {  	v0 =	vadd.f32 v2, v0  }
0xd6: {  	v2 =	vld [tilespmem:s20+$0xFFFFFEC0]  }
0xd7: {  	v0 =	vadd.f32 v3, v0  }
0xd8: {  	v3 =	vld [tilespmem:s20+$0xFFFFFF40]  }
0xd9: {  	v0 =	vadd.f32 v1, v0  }
0xda: {  	v1 =	vld [tilespmem:s20+$0xFFFFFFC0]  }
0xdb: {  	v0 =	vadd.f32 v2, v0  }
0xdc: {  	v2 =	vld [tilespmem:s20+$0x40]  }
0xdd: {  	v0 =	vadd.f32 v3, v0  }
0xde: {  	v3 =	vld [tilespmem:s20+$0xC0]  }
0xdf: {  	v0 =	vadd.f32 v1, v0  }
0xe0: {  	v1 =	vld [tilespmem:s20+$0x140]  }
0xe1: {  	v0 =	vadd.f32 v2, v0  }
0xe2: {  	v2 =	vld [tilespmem:s20+$0x1C0]  }
0xe3: {  	v0 =	vadd.f32 v3, v0  }
0xe4: {  	v3 =	vld [tilespmem:s20+$0x240]  }
0xe5: {  	v0 =	vadd.f32 v1, v0  }
0xe6: {  	v1 =	vld [tilespmem:s20+$0x2C0]  }
0xe7: {  	v0 =	vadd.f32 v2, v0  }
0xe8: {  	v2 =	vld [tilespmem:s20+$0x340]  }
0xe9: {  	v0 =	vadd.f32 v3, v0  }
0xea: {  	v3 =	vld [tilespmem:s20+$0x3C0]  }
0xeb: {  	v0 =	vadd.f32 v1, v0;
	_ =	sdelay $0x1  }
0xec: {  	v0 =	vadd.f32 v2, v0;
	_ =	sdelay $0x1  }
0xed: {  	v0 =	vadd.f32 v3, v0;
	_ =	sdelay $0x1  }
0xee: {  	[tilespmem:s22+$0x1C240] =	vst v0  }
0xef: {  	v0 =	vld [tilespmem:s20+$0xFFFFFC50]  }
0xf0: {  	v1 =	vld [tilespmem:s20+$0xFFFFFCD0];
	_ =	sdelay $0x1  }
0xf1: {  	v2 =	vld [tilespmem:s20+$0xFFFFFD50];
	_ =	sdelay $0x1  }
0xf2: {  	v3 =	vld [tilespmem:s20+$0xFFFFFDD0]  }
0xf3: {  	v0 =	vadd.f32 v1, v0  }
0xf4: {  	v1 =	vld [tilespmem:s20+$0xFFFFFE50]  }
0xf5: {  	v0 =	vadd.f32 v2, v0  }
0xf6: {  	v2 =	vld [tilespmem:s20+$0xFFFFFED0]  }
0xf7: {  	v0 =	vadd.f32 v3, v0  }
0xf8: {  	v3 =	vld [tilespmem:s20+$0xFFFFFF50]  }
0xf9: {  	v0 =	vadd.f32 v1, v0  }
0xfa: {  	v1 =	vld [tilespmem:s20+$0xFFFFFFD0]  }
0xfb: {  	v0 =	vadd.f32 v2, v0  }
0xfc: {  	v2 =	vld [tilespmem:s20+$0x50]  }
0xfd: {  	v0 =	vadd.f32 v3, v0  }
0xfe: {  	v3 =	vld [tilespmem:s20+$0xD0]  }
0xff: {  	v0 =	vadd.f32 v1, v0  }
0x100: {  	v1 =	vld [tilespmem:s20+$0x150]  }
0x101: {  	v0 =	vadd.f32 v2, v0  }
0x102: {  	v2 =	vld [tilespmem:s20+$0x1D0]  }
0x103: {  	v0 =	vadd.f32 v3, v0  }
0x104: {  	v3 =	vld [tilespmem:s20+$0x250]  }
0x105: {  	v0 =	vadd.f32 v1, v0  }
0x106: {  	v1 =	vld [tilespmem:s20+$0x2D0]  }
0x107: {  	v0 =	vadd.f32 v2, v0  }
0x108: {  	v2 =	vld [tilespmem:s20+$0x350]  }
0x109: {  	v0 =	vadd.f32 v3, v0  }
0x10a: {  	v3 =	vld [tilespmem:s20+$0x3D0]  }
0x10b: {  	v0 =	vadd.f32 v1, v0;
	_ =	sdelay $0x1  }
0x10c: {  	v0 =	vadd.f32 v2, v0;
	_ =	sdelay $0x1  }
0x10d: {  	v0 =	vadd.f32 v3, v0;
	_ =	sdelay $0x1  }
0x10e: {  	[tilespmem:s22+$0x1C250] =	vst v0  }
0x10f: {  	v0 =	vld [tilespmem:s20+$0xFFFFFC60]  }
0x110: {  	v1 =	vld [tilespmem:s20+$0xFFFFFCE0];
	_ =	sdelay $0x1  }
0x111: {  	v2 =	vld [tilespmem:s20+$0xFFFFFD60];
	_ =	sdelay $0x1  }
0x112: {  	v3 =	vld [tilespmem:s20+$0xFFFFFDE0]  }
0x113: {  	v0 =	vadd.f32 v1, v0  }
0x114: {  	v1 =	vld [tilespmem:s20+$0xFFFFFE60]  }
0x115: {  	v0 =	vadd.f32 v2, v0  }
0x116: {  	v2 =	vld [tilespmem:s20+$0xFFFFFEE0]  }
0x117: {  	v0 =	vadd.f32 v3, v0  }
0x118: {  	v3 =	vld [tilespmem:s20+$0xFFFFFF60]  }
0x119: {  	v0 =	vadd.f32 v1, v0  }
0x11a: {  	v1 =	vld [tilespmem:s20+$0xFFFFFFE0]  }
0x11b: {  	v0 =	vadd.f32 v2, v0  }
0x11c: {  	v2 =	vld [tilespmem:s20+$0x60]  }
0x11d: {  	v0 =	vadd.f32 v3, v0  }
0x11e: {  	v3 =	vld [tilespmem:s20+$0xE0]  }
0x11f: {  	v0 =	vadd.f32 v1, v0  }
0x120: {  	v1 =	vld [tilespmem:s20+$0x160]  }
0x121: {  	v0 =	vadd.f32 v2, v0  }
0x122: {  	v2 =	vld [tilespmem:s20+$0x1E0]  }
0x123: {  	v0 =	vadd.f32 v3, v0  }
0x124: {  	v3 =	vld [tilespmem:s20+$0x260]  }
0x125: {  	v0 =	vadd.f32 v1, v0  }
0x126: {  	v1 =	vld [tilespmem:s20+$0x2E0]  }
0x127: {  	v0 =	vadd.f32 v2, v0  }
0x128: {  	v2 =	vld [tilespmem:s20+$0x360]  }
0x129: {  	v0 =	vadd.f32 v3, v0  }
0x12a: {  	v3 =	vld [tilespmem:s20+$0x3E0]  }
0x12b: {  	v0 =	vadd.f32 v1, v0;
	_ =	sdelay $0x1  }
0x12c: {  	v0 =	vadd.f32 v2, v0;
	_ =	sdelay $0x1  }
0x12d: {  	v0 =	vadd.f32 v3, v0;
	_ =	sdelay $0x1  }
0x12e: {  	[tilespmem:s22+$0x1C260] =	vst v0  }
0x12f: {  	v0 =	vld [tilespmem:s20+$0xFFFFFC70]  }
0x130: {  	v1 =	vld [tilespmem:s20+$0xFFFFFCF0];
	_ =	sdelay $0x1  }
0x131: {  	v2 =	vld [tilespmem:s20+$0xFFFFFD70];
	_ =	sdelay $0x1  }
0x132: {  	v3 =	vld [tilespmem:s20+$0xFFFFFDF0]  }
0x133: {  	v0 =	vadd.f32 v1, v0  }
0x134: {  	v1 =	vld [tilespmem:s20+$0xFFFFFE70]  }
0x135: {  	v0 =	vadd.f32 v2, v0  }
0x136: {  	v2 =	vld [tilespmem:s20+$0xFFFFFEF0]  }
0x137: {  	v0 =	vadd.f32 v3, v0  }
0x138: {  	v3 =	vld [tilespmem:s20+$0xFFFFFF70]  }
0x139: {  	v0 =	vadd.f32 v1, v0  }
0x13a: {  	v1 =	vld [tilespmem:s20+$0xFFFFFFF0]  }
0x13b: {  	v0 =	vadd.f32 v2, v0  }
0x13c: {  	v2 =	vld [tilespmem:s20+$0x70]  }
0x13d: {  	v0 =	vadd.f32 v3, v0  }
0x13e: {  	v3 =	vld [tilespmem:s20+$0xF0]  }
0x13f: {  	v0 =	vadd.f32 v1, v0  }
0x140: {  	v4 =	vld [tilespmem:s20+$0x170]  }
0x141: {  	v0 =	vadd.f32 v2, v0  }
0x142: {  	v5 =	vld [tilespmem:s20+$0x1F0]  }
0x143: {  	v0 =	vadd.f32 v3, v0  }
0x144: {  	v3 =	vld [tilespmem:s20+$0x270]  }
0x145: {  	v1 =	vld [tilespmem:s20+$0x2F0];
	v4 =	vadd.f32 v4, v0  }
0x146: {  	v2 =	vld [tilespmem:s20+$0x370]  }
0x147: {  	s21 =	simm.s32 $0x200;
	v0 =	vld [tilespmem:s20+$0x3F0];
	v4 =	vadd.f32 v5, v4  }
.LBB2_3:
0x148: {  	p2 =	sne.s32 s21, $0x1E00  }
0x149: {  	s20 =	sadd.s32 $0x800, s20;
	s23 =	smov.u32 s21;
	s21 =	sadd.s32 $0x200, s21;
	v3 =	vadd.f32 v3, v4  }
0x14a: {  	_ = 	snop  }
0x14b: {  	v1 =	vadd.f32 v1, v3;
	_ =	sdelay $0x1  }
0x14c: {  	v1 =	vadd.f32 v2, v1;
	_ =	sdelay $0x1  }
0x14d: {  	v0 =	vadd.f32 v0, v1;
	_ =	sdelay $0x1  }
0x14e: {  	[tilespmem:s22+$0x1C270] =	vst v0  }
0x14f: {  	v0 =	vld [tilespmem:s20+$0xFFFFFC80]  }
0x150: {  	v1 =	vld [tilespmem:s20+$0xFFFFFC00]  }
0x151: {  	v2 =	vld [tilespmem:s20+$0xFFFFFD00];
	_ =	sdelay $0x2  }
0x152: {  	v3 =	vld [tilespmem:s20+$0xFFFFFD80]  }
0x153: {  	v0 =	vadd.f32 v0, v1  }
0x154: {  	v1 =	vld [tilespmem:s20+$0xFFFFFE00]  }
0x155: {  	v0 =	vadd.f32 v2, v0  }
0x156: {  	v2 =	vld [tilespmem:s20+$0xFFFFFE80]  }
0x157: {  	v0 =	vadd.f32 v3, v0  }
0x158: {  	v3 =	vld [tilespmem:s20+$0xFFFFFF00]  }
0x159: {  	v0 =	vadd.f32 v1, v0  }
0x15a: {  	v1 =	vld [tilespmem:s20+$0xFFFFFF80]  }
0x15b: {  	v0 =	vadd.f32 v2, v0  }
0x15c: {  	v2 =	vld [tilespmem:s20+$0x0]  }
0x15d: {  	v0 =	vadd.f32 v3, v0  }
0x15e: {  	v3 =	vld [tilespmem:s20+$0x80]  }
0x15f: {  	v0 =	vadd.f32 v1, v0  }
0x160: {  	v1 =	vld [tilespmem:s20+$0x100]  }
0x161: {  	v0 =	vadd.f32 v2, v0  }
0x162: {  	v2 =	vld [tilespmem:s20+$0x180]  }
0x163: {  	v0 =	vadd.f32 v3, v0  }
0x164: {  	v3 =	vld [tilespmem:s20+$0x200]  }
0x165: {  	v0 =	vadd.f32 v1, v0  }
0x166: {  	v1 =	vld [tilespmem:s20+$0x280]  }
0x167: {  	v0 =	vadd.f32 v2, v0  }
0x168: {  	v2 =	vld [tilespmem:s20+$0x300]  }
0x169: {  	v0 =	vadd.f32 v3, v0  }
0x16a: {  	v3 =	vld [tilespmem:s20+$0x380]  }
0x16b: {  	v0 =	vadd.f32 v1, v0;
	_ =	sdelay $0x1  }
0x16c: {  	v0 =	vadd.f32 v2, v0;
	_ =	sdelay $0x1  }
0x16d: {  	v0 =	vadd.f32 v3, v0  }
0x16e: {  	s22 =	sshra.s32 s23, $0x2  }
0x16f: {  	[tilespmem:s22+$0x1C200] =	vst v0  }
0x170: {  	v0 =	vld [tilespmem:s20+$0xFFFFFC10]  }
0x171: {  	v1 =	vld [tilespmem:s20+$0xFFFFFC90];
	_ =	sdelay $0x1  }
0x172: {  	v2 =	vld [tilespmem:s20+$0xFFFFFD10];
	_ =	sdelay $0x1  }
0x173: {  	v3 =	vld [tilespmem:s20+$0xFFFFFD90]  }
0x174: {  	v0 =	vadd.f32 v1, v0  }
0x175: {  	v1 =	vld [tilespmem:s20+$0xFFFFFE10]  }
0x176: {  	v0 =	vadd.f32 v2, v0  }
0x177: {  	v2 =	vld [tilespmem:s20+$0xFFFFFE90]  }
0x178: {  	v0 =	vadd.f32 v3, v0  }
0x179: {  	v3 =	vld [tilespmem:s20+$0xFFFFFF10]  }
0x17a: {  	v0 =	vadd.f32 v1, v0  }
0x17b: {  	v1 =	vld [tilespmem:s20+$0xFFFFFF90]  }
0x17c: {  	v0 =	vadd.f32 v2, v0  }
0x17d: {  	v2 =	vld [tilespmem:s20+$0x10]  }
0x17e: {  	v0 =	vadd.f32 v3, v0  }
0x17f: {  	v3 =	vld [tilespmem:s20+$0x90]  }
0x180: {  	v0 =	vadd.f32 v1, v0  }
0x181: {  	v1 =	vld [tilespmem:s20+$0x110]  }
0x182: {  	v0 =	vadd.f32 v2, v0  }
0x183: {  	v2 =	vld [tilespmem:s20+$0x190]  }
0x184: {  	v0 =	vadd.f32 v3, v0  }
0x185: {  	v3 =	vld [tilespmem:s20+$0x210]  }
0x186: {  	v0 =	vadd.f32 v1, v0  }
0x187: {  	v1 =	vld [tilespmem:s20+$0x290]  }
0x188: {  	v0 =	vadd.f32 v2, v0  }
0x189: {  	v2 =	vld [tilespmem:s20+$0x310]  }
0x18a: {  	v0 =	vadd.f32 v3, v0  }
0x18b: {  	v3 =	vld [tilespmem:s20+$0x390]  }
0x18c: {  	v0 =	vadd.f32 v1, v0;
	_ =	sdelay $0x1  }
0x18d: {  	v0 =	vadd.f32 v2, v0;
	_ =	sdelay $0x1  }
0x18e: {  	v0 =	vadd.f32 v3, v0;
	_ =	sdelay $0x1  }
0x18f: {  	[tilespmem:s22+$0x1C210] =	vst v0  }
0x190: {  	v0 =	vld [tilespmem:s20+$0xFFFFFC20]  }
0x191: {  	v1 =	vld [tilespmem:s20+$0xFFFFFCA0];
	_ =	sdelay $0x1  }
0x192: {  	v2 =	vld [tilespmem:s20+$0xFFFFFD20];
	_ =	sdelay $0x1  }
0x193: {  	v3 =	vld [tilespmem:s20+$0xFFFFFDA0]  }
0x194: {  	v0 =	vadd.f32 v1, v0  }
0x195: {  	v1 =	vld [tilespmem:s20+$0xFFFFFE20]  }
0x196: {  	v0 =	vadd.f32 v2, v0  }
0x197: {  	v2 =	vld [tilespmem:s20+$0xFFFFFEA0]  }
0x198: {  	v0 =	vadd.f32 v3, v0  }
0x199: {  	v3 =	vld [tilespmem:s20+$0xFFFFFF20]  }
0x19a: {  	v0 =	vadd.f32 v1, v0  }
0x19b: {  	v1 =	vld [tilespmem:s20+$0xFFFFFFA0]  }
0x19c: {  	v0 =	vadd.f32 v2, v0  }
0x19d: {  	v2 =	vld [tilespmem:s20+$0x20]  }
0x19e: {  	v0 =	vadd.f32 v3, v0  }
0x19f: {  	v3 =	vld [tilespmem:s20+$0xA0]  }
0x1a0: {  	v0 =	vadd.f32 v1, v0  }
0x1a1: {  	v1 =	vld [tilespmem:s20+$0x120]  }
0x1a2: {  	v0 =	vadd.f32 v2, v0  }
0x1a3: {  	v2 =	vld [tilespmem:s20+$0x1A0]  }
0x1a4: {  	v0 =	vadd.f32 v3, v0  }
0x1a5: {  	v3 =	vld [tilespmem:s20+$0x220]  }
0x1a6: {  	v0 =	vadd.f32 v1, v0  }
0x1a7: {  	v1 =	vld [tilespmem:s20+$0x2A0]  }
0x1a8: {  	v0 =	vadd.f32 v2, v0  }
0x1a9: {  	v2 =	vld [tilespmem:s20+$0x320]  }
0x1aa: {  	v0 =	vadd.f32 v3, v0  }
0x1ab: {  	v3 =	vld [tilespmem:s20+$0x3A0]  }
0x1ac: {  	v0 =	vadd.f32 v1, v0;
	_ =	sdelay $0x1  }
0x1ad: {  	v0 =	vadd.f32 v2, v0;
	_ =	sdelay $0x1  }
0x1ae: {  	v0 =	vadd.f32 v3, v0;
	_ =	sdelay $0x1  }
0x1af: {  	[tilespmem:s22+$0x1C220] =	vst v0  }
0x1b0: {  	v0 =	vld [tilespmem:s20+$0xFFFFFC30]  }
0x1b1: {  	v1 =	vld [tilespmem:s20+$0xFFFFFCB0]  }
0x1b2: {  	v2 =	vld [tilespmem:s20+$0xFFFFFD30];
	_ =	sdelay $0x2  }
0x1b3: {  	v3 =	vld [tilespmem:s20+$0xFFFFFDB0]  }
0x1b4: {  	v0 =	vadd.f32 v1, v0  }
0x1b5: {  	v1 =	vld [tilespmem:s20+$0xFFFFFE30]  }
0x1b6: {  	v0 =	vadd.f32 v2, v0  }
0x1b7: {  	v2 =	vld [tilespmem:s20+$0xFFFFFEB0]  }
0x1b8: {  	v0 =	vadd.f32 v3, v0  }
0x1b9: {  	v3 =	vld [tilespmem:s20+$0xFFFFFF30]  }
0x1ba: {  	v0 =	vadd.f32 v1, v0  }
0x1bb: {  	v1 =	vld [tilespmem:s20+$0xFFFFFFB0]  }
0x1bc: {  	v0 =	vadd.f32 v2, v0  }
0x1bd: {  	v2 =	vld [tilespmem:s20+$0x30]  }
0x1be: {  	v0 =	vadd.f32 v3, v0  }
0x1bf: {  	v3 =	vld [tilespmem:s20+$0xB0]  }
0x1c0: {  	v0 =	vadd.f32 v1, v0  }
0x1c1: {  	v1 =	vld [tilespmem:s20+$0x130]  }
0x1c2: {  	v0 =	vadd.f32 v2, v0  }
0x1c3: {  	v2 =	vld [tilespmem:s20+$0x1B0]  }
0x1c4: {  	v0 =	vadd.f32 v3, v0  }
0x1c5: {  	v3 =	vld [tilespmem:s20+$0x230]  }
0x1c6: {  	v0 =	vadd.f32 v1, v0  }
0x1c7: {  	v1 =	vld [tilespmem:s20+$0x2B0]  }
0x1c8: {  	v0 =	vadd.f32 v2, v0  }
0x1c9: {  	v2 =	vld [tilespmem:s20+$0x330]  }
0x1ca: {  	v0 =	vadd.f32 v3, v0  }
0x1cb: {  	v3 =	vld [tilespmem:s20+$0x3B0]  }
0x1cc: {  	v0 =	vadd.f32 v1, v0;
	_ =	sdelay $0x1  }
0x1cd: {  	v0 =	vadd.f32 v2, v0;
	_ =	sdelay $0x1  }
0x1ce: {  	v0 =	vadd.f32 v3, v0;
	_ =	sdelay $0x1  }
0x1cf: {  	[tilespmem:s22+$0x1C230] =	vst v0  }
0x1d0: {  	v0 =	vld [tilespmem:s20+$0xFFFFFC40]  }
0x1d1: {  	v1 =	vld [tilespmem:s20+$0xFFFFFCC0]  }
0x1d2: {  	v2 =	vld [tilespmem:s20+$0xFFFFFD40];
	_ =	sdelay $0x2  }
0x1d3: {  	v3 =	vld [tilespmem:s20+$0xFFFFFDC0]  }
0x1d4: {  	v0 =	vadd.f32 v1, v0  }
0x1d5: {  	v1 =	vld [tilespmem:s20+$0xFFFFFE40]  }
0x1d6: {  	v0 =	vadd.f32 v2, v0  }
0x1d7: {  	v2 =	vld [tilespmem:s20+$0xFFFFFEC0]  }
0x1d8: {  	v0 =	vadd.f32 v3, v0  }
0x1d9: {  	v3 =	vld [tilespmem:s20+$0xFFFFFF40]  }
0x1da: {  	v0 =	vadd.f32 v1, v0  }
0x1db: {  	v1 =	vld [tilespmem:s20+$0xFFFFFFC0]  }
0x1dc: {  	v0 =	vadd.f32 v2, v0  }
0x1dd: {  	v2 =	vld [tilespmem:s20+$0x40]  }
0x1de: {  	v0 =	vadd.f32 v3, v0  }
0x1df: {  	v3 =	vld [tilespmem:s20+$0xC0]  }
0x1e0: {  	v0 =	vadd.f32 v1, v0  }
0x1e1: {  	v1 =	vld [tilespmem:s20+$0x140]  }
0x1e2: {  	v0 =	vadd.f32 v2, v0  }
0x1e3: {  	v2 =	vld [tilespmem:s20+$0x1C0]  }
0x1e4: {  	v0 =	vadd.f32 v3, v0  }
0x1e5: {  	v3 =	vld [tilespmem:s20+$0x240]  }
0x1e6: {  	v0 =	vadd.f32 v1, v0  }
0x1e7: {  	v1 =	vld [tilespmem:s20+$0x2C0]  }
0x1e8: {  	v0 =	vadd.f32 v2, v0  }
0x1e9: {  	v2 =	vld [tilespmem:s20+$0x340]  }
0x1ea: {  	v0 =	vadd.f32 v3, v0  }
0x1eb: {  	v3 =	vld [tilespmem:s20+$0x3C0]  }
0x1ec: {  	v0 =	vadd.f32 v1, v0;
	_ =	sdelay $0x1  }
0x1ed: {  	v0 =	vadd.f32 v2, v0;
	_ =	sdelay $0x1  }
0x1ee: {  	v0 =	vadd.f32 v3, v0;
	_ =	sdelay $0x1  }
0x1ef: {  	[tilespmem:s22+$0x1C240] =	vst v0  }
0x1f0: {  	v0 =	vld [tilespmem:s20+$0xFFFFFC50]  }
0x1f1: {  	v1 =	vld [tilespmem:s20+$0xFFFFFCD0]  }
0x1f2: {  	v2 =	vld [tilespmem:s20+$0xFFFFFD50]  }
0x1f3: {  	v3 =	vld [tilespmem:s20+$0xFFFFFDD0]  }
0x1f4: {  	v4 =	vld [tilespmem:s20+$0xFFFFFE50]  }
0x1f5: {  	v5 =	vld [tilespmem:s20+$0xFFFFFED0]  }
0x1f6: {  	v0 =	vadd.f32 v1, v0;
	v1 =	vld [tilespmem:s20+$0xFFFFFF50]  }
0x1f7: {  	v6 =	vld [tilespmem:s20+$0xFFFFFFD0]  }
0x1f8: {  	v0 =	vadd.f32 v2, v0;
	v2 =	vld [tilespmem:s20+$0x50]  }
0x1f9: {  	v7 =	vld [tilespmem:s20+$0xD0]  }
0x1fa: {  	v0 =	vadd.f32 v3, v0;
	v3 =	vld [tilespmem:s20+$0x150]  }
0x1fb: {  	v8 =	vld [tilespmem:s20+$0x1D0]  }
0x1fc: {  	v0 =	vadd.f32 v4, v0;
	v4 =	vld [tilespmem:s20+$0x250]  }
0x1fd: {  	v9 =	vld [tilespmem:s20+$0x2D0]  }
0x1fe: {  	v0 =	vadd.f32 v5, v0;
	v5 =	vld [tilespmem:s20+$0x350]  }
0x1ff: {  	v10 =	vld [tilespmem:s20+$0x3D0]  }
0x200: {  	v0 =	vadd.f32 v1, v0;
	_ =	sdelay $0x1  }
0x201: {  	v0 =	vadd.f32 v6, v0;
	_ =	sdelay $0x1  }
0x202: {  	v0 =	vadd.f32 v2, v0;
	_ =	sdelay $0x1  }
0x203: {  	v0 =	vadd.f32 v7, v0;
	_ =	sdelay $0x1  }
0x204: {  	v0 =	vadd.f32 v3, v0;
	_ =	sdelay $0x1  }
0x205: {  	v0 =	vadd.f32 v8, v0;
	_ =	sdelay $0x1  }
0x206: {  	v0 =	vadd.f32 v4, v0;
	_ =	sdelay $0x1  }
0x207: {  	v0 =	vadd.f32 v9, v0;
	_ =	sdelay $0x1  }
0x208: {  	v0 =	vadd.f32 v5, v0;
	_ =	sdelay $0x1  }
0x209: {  	v0 =	vadd.f32 v10, v0;
	_ =	sdelay $0x1  }
0x20a: {  	[tilespmem:s22+$0x1C250] =	vst v0  }
0x20b: {  	v0 =	vld [tilespmem:s20+$0xFFFFFC60]  }
0x20c: {  	v1 =	vld [tilespmem:s20+$0xFFFFFCE0]  }
0x20d: {  	v2 =	vld [tilespmem:s20+$0xFFFFFD60]  }
0x20e: {  	v3 =	vld [tilespmem:s20+$0xFFFFFDE0]  }
0x20f: {  	v4 =	vld [tilespmem:s20+$0xFFFFFE60]  }
0x210: {  	v5 =	vld [tilespmem:s20+$0xFFFFFEE0]  }
0x211: {  	v0 =	vadd.f32 v1, v0;
	v1 =	vld [tilespmem:s20+$0xFFFFFF60]  }
0x212: {  	v6 =	vld [tilespmem:s20+$0xFFFFFFE0]  }
0x213: {  	v0 =	vadd.f32 v2, v0;
	v2 =	vld [tilespmem:s20+$0x60]  }
0x214: {  	v7 =	vld [tilespmem:s20+$0xE0]  }
0x215: {  	v0 =	vadd.f32 v3, v0;
	v3 =	vld [tilespmem:s20+$0x160]  }
0x216: {  	v8 =	vld [tilespmem:s20+$0x1E0]  }
0x217: {  	v0 =	vadd.f32 v4, v0;
	v4 =	vld [tilespmem:s20+$0x260]  }
0x218: {  	v9 =	vld [tilespmem:s20+$0x2E0]  }
0x219: {  	v0 =	vadd.f32 v5, v0;
	v5 =	vld [tilespmem:s20+$0x360]  }
0x21a: {  	v10 =	vld [tilespmem:s20+$0x3E0]  }
0x21b: {  	v0 =	vadd.f32 v1, v0;
	_ =	sdelay $0x1  }
0x21c: {  	v0 =	vadd.f32 v6, v0;
	_ =	sdelay $0x1  }
0x21d: {  	v0 =	vadd.f32 v2, v0;
	_ =	sdelay $0x1  }
0x21e: {  	v0 =	vadd.f32 v7, v0;
	_ =	sdelay $0x1  }
0x21f: {  	v0 =	vadd.f32 v3, v0;
	_ =	sdelay $0x1  }
0x220: {  	v0 =	vadd.f32 v8, v0;
	_ =	sdelay $0x1  }
0x221: {  	v0 =	vadd.f32 v4, v0;
	_ =	sdelay $0x1  }
0x222: {  	v0 =	vadd.f32 v9, v0;
	_ =	sdelay $0x1  }
0x223: {  	v0 =	vadd.f32 v5, v0;
	_ =	sdelay $0x1  }
0x224: {  	v0 =	vadd.f32 v10, v0;
	_ =	sdelay $0x1  }
0x225: {  	[tilespmem:s22+$0x1C260] =	vst v0  }
0x226: {  	v0 =	vld [tilespmem:s20+$0xFFFFFC70]  }
0x227: {  	v1 =	vld [tilespmem:s20+$0xFFFFFCF0]  }
0x228: {  	v2 =	vld [tilespmem:s20+$0xFFFFFD70]  }
0x229: {  	v3 =	vld [tilespmem:s20+$0xFFFFFDF0]  }
0x22a: {  	v4 =	vld [tilespmem:s20+$0xFFFFFE70]  }
0x22b: {  	v5 =	vld [tilespmem:s20+$0xFFFFFEF0]  }
0x22c: {  	v0 =	vadd.f32 v1, v0;
	v6 =	vld [tilespmem:s20+$0xFFFFFF70]  }
0x22d: {  	v7 =	vld [tilespmem:s20+$0xFFFFFFF0]  }
0x22e: {  	v0 =	vadd.f32 v2, v0;
	v8 =	vld [tilespmem:s20+$0x70]  }
0x22f: {  	v9 =	vld [tilespmem:s20+$0xF0]  }
0x230: {  	v0 =	vadd.f32 v3, v0;
	v10 =	vld [tilespmem:s20+$0x170]  }
0x231: {  	v11 =	vld [tilespmem:s20+$0x1F0]  }
0x232: {  	v0 =	vadd.f32 v4, v0;
	v3 =	vld [tilespmem:s20+$0x270]  }
0x233: {  	v1 =	vld [tilespmem:s20+$0x2F0]  }
0x234: {  	v4 =	vadd.f32 v5, v0;
	v2 =	vld [tilespmem:s20+$0x370]  }
0x235: {  	v0 =	vld [tilespmem:s20+$0x3F0]  }
0x236: {  	v4 =	vadd.f32 v6, v4;
	_ =	sdelay $0x1  }
0x237: {  	v4 =	vadd.f32 v7, v4;
	_ =	sdelay $0x1  }
0x238: {  	v4 =	vadd.f32 v8, v4;
	_ =	sdelay $0x1  }
.Ltmp4:
0x239: {  	v4 =	vadd.f32 v9, v4;
	(pc) =	sbr.rel @p2 .LBB2_3-.Ltmp4, $3  }
0x23a: {  	_ = 	snop  }
0x23b: {  	v4 =	vadd.f32 v10, v4;
	_ =	sdelay $0x1  }
0x23c: {  	v4 =	vadd.f32 v11, v4  }
0x23d: {  	_ = 	snop  }
0x23e: {  	v3 =	vadd.f32 v3, v4;
	_ =	sdelay $0x1  }
0x23f: {  	v1 =	vadd.f32 v1, v3;
	_ =	sdelay $0x1  }
0x240: {  	p2 =	sgt.u32 s8, $0xA;
	s21 =	smul.u32 $0x30, s8;
	s20 =	smov.u32 s7;
	v1 =	vadd.f32 v2, v1  }
0x241: {  	s20 =	smov.u32 @p2 s11  }
0x242: {  	s23 =	smov.u32 s5;
	s20 =	sadd.s32 s21, s20;
	v0 =	vadd.f32 v0, v1  }
0x243: {  	p4 =	sne.s32 s19, $0x40;
	s23 =	smov.u32 @p2 s6;
	s20 =	sshll.u32 s20, $0x4  }
0x244: {  	s20 =	sadd.s32 s23, s20;
	[tilespmem:s22+$0x1C270] =	vst v0;
	s22 =	smul.u32 @!p4 $0x300, s8  }
0x245: {  	[hbm4b:s20+s4] =	stream.linear.scatter [tilespmem:s28], [sflag:$0x4], $0x800, $0x38;
	[tilespmem:$0x1D200] =	vst v63  }
0x246: {  	s20 =	sadd.s32 @!p4 s22, s12  }
0x247: {  	s24 =	smul.u32 @!p0 $0xC00, s8;
	s20 =	sshll.u32 @!p4 s20, $0x4  }
0x248: {  	s23 =	simm.s32 @!p4 $0x4200;
	s22 =	simm.s32 @!p4 $0x0;
	s20 =	sadd.s32 @!p4 s3, s20  }
0x249: {  	[hbm4b:s20+s22] =	stream.linear.scatter @!p4 [tilespmem:s23], [sflag:$0x6], $0x8000, $0x38;
	[tilespmem:$0x1D200] =	vst v63  }
0x24a: {  	s30 =	sadd.s32 $0xFFFFFFE3, s10;
	s20 =	sshra.s32 @!p0 s24, $0x2;
	s23 =	simm.s32 @!p0 $0x100  }
0x24b: {  	s24 =	simm.s32 @!p0 $0x4200;
	p4 =	slt.u32 s30, $0x20;
	s22 =	sadd.s32 @!p0 $0x300, s20  }
0x24c: {  	[tilespmem:s24], [sflag:$0x1] =	stream.indirect.gather @!p0 [hbm4b:s2+s23], $0x80, s22, s23, $0xb8;
	[tilespmem:$0x1D200] =	vst v63  }
0x24d: {  	s22 =	sadd.s32 @!p4 $0xFFFFFFC3, s10  }
0x24e: {  	p5 =	sgt.u32 @!p4 s22, $0x1  }
0x24f: {  	p5 =	por p4, !p5  }
.Ltmp5:
0x250: {  	_ = 	snop;
	(pc) =	sbr.rel @!p5 .LBB2_6-.Ltmp5, $1  }
0x251: {  	_ =	sdelay $0x3  }
0x252: {  	s22 =	smul.u32 $0xC00, s8  }
0x253: {  	s23 =	simm.s32 @!p4 $0xFFFF0C00;
	s24 =	simm.s32 @!p4 $0x4000  }
0x254: {  	s24 =	simm.s32 @p4 $0x2000;
	s23 =	simm.s32 @p4 $0xFFFF8C00;
	s22 =	sshra.s32 s22, $0x2  }
0x255: {  	s23 =	sshra.s32 s23, $0x2;
	s22 =	sadd.s32 s22, s24  }
0x256: {  	s30 =	simm.s32 $0x4200;
	s24 =	simm.s32 $0x100;
	s22 =	sadd.s32 s23, s22  }
0x257: {  	[tilespmem:s30], [sflag:$0x1] =	stream.indirect.gather [hbm4b:s2+s24], $0x80, s22, s24, $0xb8;
	[tilespmem:$0x1D200] =	vst v63  }
.LBB2_6:
.Ltmp6:
0x258: {  	(pc) =	sbr.rel @p3 .LBB2_9-.Ltmp6, $4  }
0x259: {  	_ = 	snop  }
0x25a: {  	_ =	swait.ge [sflag:s29], $0x8000  }
0x25b: {  	[sflag:s29] =	ssyncset.done $0x0  }
0x25c: {  	s23 =	smov.u32 s8;
	[sflag:s29] =	ssyncadd.s32 $0xFFFF8000  }
0x25d: {  	p3 =	seq.s32 s8, $0x15  }
.Ltmp7:
0x25e: {  	_ = 	snop;
	(pc) =	sbr.rel @p3 .LBB2_12-.Ltmp7, $1  }
0x25f: {  	_ =	sdelay $0x3  }
0x260: {  	_ =	swait.ge [sflag:s0], $0x800  }
0x261: {  	[sflag:s0] =	ssyncset.done $0x0  }
0x262: {  	s23 =	simm.s32 $0x0;
	[sflag:s0] =	ssyncadd.s32 $0xFFFFF800  }
.LBB2_9:
0x263: {  	s22 =	sshll.u32 s23, $0xD  }
0x264: {  	s30 =	sshra.s32 s22, $0x2  }
0x265: {  	v0 =	vld [tilespmem:s30+$0xC200]  }
0x266: {  	v1 =	vld [tilespmem:s30+$0xC280];
	_ =	sdelay $0x1  }
0x267: {  	v2 =	vld [tilespmem:s30+$0xC300];
	_ =	sdelay $0x1  }
0x268: {  	v3 =	vld [tilespmem:s30+$0xC380]  }
0x269: {  	v0 =	vadd.f32 v1, v0  }
0x26a: {  	v1 =	vld [tilespmem:s30+$0xC400]  }
0x26b: {  	v0 =	vadd.f32 v2, v0  }
0x26c: {  	v2 =	vld [tilespmem:s30+$0xC480]  }
0x26d: {  	v0 =	vadd.f32 v3, v0  }
0x26e: {  	v3 =	vld [tilespmem:s30+$0xC500]  }
0x26f: {  	v0 =	vadd.f32 v1, v0  }
0x270: {  	v1 =	vld [tilespmem:s30+$0xC580]  }
0x271: {  	v0 =	vadd.f32 v2, v0  }
0x272: {  	v2 =	vld [tilespmem:s30+$0xC600]  }
0x273: {  	v0 =	vadd.f32 v3, v0  }
0x274: {  	v3 =	vld [tilespmem:s30+$0xC680]  }
0x275: {  	v0 =	vadd.f32 v1, v0  }
0x276: {  	v1 =	vld [tilespmem:s30+$0xC700]  }
0x277: {  	v0 =	vadd.f32 v2, v0  }
0x278: {  	v2 =	vld [tilespmem:s30+$0xC780]  }
0x279: {  	v0 =	vadd.f32 v3, v0  }
0x27a: {  	v3 =	vld [tilespmem:s30+$0xC800]  }
0x27b: {  	v0 =	vadd.f32 v1, v0  }
0x27c: {  	v1 =	vld [tilespmem:s30+$0xC880]  }
0x27d: {  	v0 =	vadd.f32 v2, v0  }
0x27e: {  	v2 =	vld [tilespmem:s30+$0xC900]  }
0x27f: {  	v0 =	vadd.f32 v3, v0  }
0x280: {  	v3 =	vld [tilespmem:s30+$0xC980]  }
0x281: {  	v0 =	vadd.f32 v1, v0;
	_ =	sdelay $0x1  }
0x282: {  	v0 =	vadd.f32 v2, v0  }
0x283: {  	s24 =	sshll.u32 s23, $0x7  }
0x284: {  	s23 =	sand.u32 $0x3FFFFF80, s24;
	v0 =	vadd.f32 v3, v0  }
0x285: {  	s23 =	sadd.s32 $0x1CA40, s23  }
0x286: {  	[tilespmem:s23+$0xFFFFFFC0] =	vst v0  }
0x287: {  	v0 =	vld [tilespmem:s30+$0xC210]  }
0x288: {  	v1 =	vld [tilespmem:s30+$0xC290];
	_ =	sdelay $0x1  }
0x289: {  	v2 =	vld [tilespmem:s30+$0xC310];
	_ =	sdelay $0x1  }
0x28a: {  	v3 =	vld [tilespmem:s30+$0xC390]  }
0x28b: {  	v0 =	vadd.f32 v1, v0  }
0x28c: {  	v1 =	vld [tilespmem:s30+$0xC410]  }
0x28d: {  	v0 =	vadd.f32 v2, v0  }
0x28e: {  	v2 =	vld [tilespmem:s30+$0xC490]  }
0x28f: {  	v0 =	vadd.f32 v3, v0  }
0x290: {  	v3 =	vld [tilespmem:s30+$0xC510]  }
0x291: {  	v0 =	vadd.f32 v1, v0  }
0x292: {  	v1 =	vld [tilespmem:s30+$0xC590]  }
0x293: {  	v0 =	vadd.f32 v2, v0  }
0x294: {  	v2 =	vld [tilespmem:s30+$0xC610]  }
0x295: {  	v0 =	vadd.f32 v3, v0  }
0x296: {  	v3 =	vld [tilespmem:s30+$0xC690]  }
0x297: {  	v0 =	vadd.f32 v1, v0  }
0x298: {  	v1 =	vld [tilespmem:s30+$0xC710]  }
0x299: {  	v0 =	vadd.f32 v2, v0  }
0x29a: {  	v2 =	vld [tilespmem:s30+$0xC790]  }
0x29b: {  	v0 =	vadd.f32 v3, v0  }
0x29c: {  	v3 =	vld [tilespmem:s30+$0xC810]  }
0x29d: {  	v0 =	vadd.f32 v1, v0  }
0x29e: {  	v1 =	vld [tilespmem:s30+$0xC890]  }
0x29f: {  	v0 =	vadd.f32 v2, v0  }
0x2a0: {  	v2 =	vld [tilespmem:s30+$0xC910]  }
0x2a1: {  	v0 =	vadd.f32 v3, v0  }
0x2a2: {  	v3 =	vld [tilespmem:s30+$0xC990]  }
0x2a3: {  	v0 =	vadd.f32 v1, v0;
	_ =	sdelay $0x1  }
0x2a4: {  	v0 =	vadd.f32 v2, v0;
	_ =	sdelay $0x1  }
0x2a5: {  	v0 =	vadd.f32 v3, v0;
	_ =	sdelay $0x1  }
0x2a6: {  	[tilespmem:s23+$0xFFFFFFD0] =	vst v0  }
0x2a7: {  	v0 =	vld [tilespmem:s30+$0xC220]  }
0x2a8: {  	v1 =	vld [tilespmem:s30+$0xC2A0];
	_ =	sdelay $0x1  }
0x2a9: {  	v2 =	vld [tilespmem:s30+$0xC320];
	_ =	sdelay $0x1  }
0x2aa: {  	v3 =	vld [tilespmem:s30+$0xC3A0]  }
0x2ab: {  	v0 =	vadd.f32 v1, v0  }
0x2ac: {  	v1 =	vld [tilespmem:s30+$0xC420]  }
0x2ad: {  	v0 =	vadd.f32 v2, v0  }
0x2ae: {  	v2 =	vld [tilespmem:s30+$0xC4A0]  }
0x2af: {  	v0 =	vadd.f32 v3, v0  }
0x2b0: {  	v3 =	vld [tilespmem:s30+$0xC520]  }
0x2b1: {  	v0 =	vadd.f32 v1, v0  }
0x2b2: {  	v1 =	vld [tilespmem:s30+$0xC5A0]  }
0x2b3: {  	v0 =	vadd.f32 v2, v0  }
0x2b4: {  	v2 =	vld [tilespmem:s30+$0xC620]  }
0x2b5: {  	v0 =	vadd.f32 v3, v0  }
0x2b6: {  	v3 =	vld [tilespmem:s30+$0xC6A0]  }
0x2b7: {  	v0 =	vadd.f32 v1, v0  }
0x2b8: {  	v1 =	vld [tilespmem:s30+$0xC720]  }
0x2b9: {  	v0 =	vadd.f32 v2, v0  }
0x2ba: {  	v2 =	vld [tilespmem:s30+$0xC7A0]  }
0x2bb: {  	v0 =	vadd.f32 v3, v0  }
0x2bc: {  	v3 =	vld [tilespmem:s30+$0xC820]  }
0x2bd: {  	v0 =	vadd.f32 v1, v0  }
0x2be: {  	v1 =	vld [tilespmem:s30+$0xC8A0]  }
0x2bf: {  	v0 =	vadd.f32 v2, v0  }
0x2c0: {  	v2 =	vld [tilespmem:s30+$0xC920]  }
0x2c1: {  	v0 =	vadd.f32 v3, v0  }
0x2c2: {  	v3 =	vld [tilespmem:s30+$0xC9A0]  }
0x2c3: {  	v0 =	vadd.f32 v1, v0;
	_ =	sdelay $0x1  }
0x2c4: {  	v0 =	vadd.f32 v2, v0;
	_ =	sdelay $0x1  }
0x2c5: {  	v0 =	vadd.f32 v3, v0;
	_ =	sdelay $0x1  }
0x2c6: {  	[tilespmem:s23+$0xFFFFFFE0] =	vst v0  }
0x2c7: {  	v0 =	vld [tilespmem:s30+$0xC230]  }
0x2c8: {  	v1 =	vld [tilespmem:s30+$0xC2B0];
	_ =	sdelay $0x1  }
0x2c9: {  	v2 =	vld [tilespmem:s30+$0xC330];
	_ =	sdelay $0x1  }
0x2ca: {  	v3 =	vld [tilespmem:s30+$0xC3B0]  }
0x2cb: {  	v0 =	vadd.f32 v1, v0  }
0x2cc: {  	v1 =	vld [tilespmem:s30+$0xC430]  }
0x2cd: {  	v0 =	vadd.f32 v2, v0  }
0x2ce: {  	v2 =	vld [tilespmem:s30+$0xC4B0]  }
0x2cf: {  	v0 =	vadd.f32 v3, v0  }
0x2d0: {  	v3 =	vld [tilespmem:s30+$0xC530]  }
0x2d1: {  	v0 =	vadd.f32 v1, v0  }
0x2d2: {  	v1 =	vld [tilespmem:s30+$0xC5B0]  }
0x2d3: {  	v0 =	vadd.f32 v2, v0  }
0x2d4: {  	v2 =	vld [tilespmem:s30+$0xC630]  }
0x2d5: {  	v0 =	vadd.f32 v3, v0  }
0x2d6: {  	v3 =	vld [tilespmem:s30+$0xC6B0]  }
0x2d7: {  	v0 =	vadd.f32 v1, v0  }
0x2d8: {  	v1 =	vld [tilespmem:s30+$0xC730]  }
0x2d9: {  	v0 =	vadd.f32 v2, v0  }
0x2da: {  	v2 =	vld [tilespmem:s30+$0xC7B0]  }
0x2db: {  	v0 =	vadd.f32 v3, v0  }
0x2dc: {  	v3 =	vld [tilespmem:s30+$0xC830]  }
0x2dd: {  	v0 =	vadd.f32 v1, v0  }
0x2de: {  	v1 =	vld [tilespmem:s30+$0xC8B0]  }
0x2df: {  	v0 =	vadd.f32 v2, v0  }
0x2e0: {  	v2 =	vld [tilespmem:s30+$0xC930]  }
0x2e1: {  	v0 =	vadd.f32 v3, v0  }
0x2e2: {  	v3 =	vld [tilespmem:s30+$0xC9B0]  }
0x2e3: {  	v0 =	vadd.f32 v1, v0;
	_ =	sdelay $0x1  }
0x2e4: {  	v0 =	vadd.f32 v2, v0;
	_ =	sdelay $0x1  }
0x2e5: {  	v0 =	vadd.f32 v3, v0;
	_ =	sdelay $0x1  }
0x2e6: {  	[tilespmem:s23+$0xFFFFFFF0] =	vst v0  }
0x2e7: {  	v0 =	vld [tilespmem:s30+$0xC240]  }
0x2e8: {  	v1 =	vld [tilespmem:s30+$0xC2C0];
	_ =	sdelay $0x1  }
0x2e9: {  	v2 =	vld [tilespmem:s30+$0xC340];
	_ =	sdelay $0x1  }
0x2ea: {  	v3 =	vld [tilespmem:s30+$0xC3C0]  }
0x2eb: {  	v0 =	vadd.f32 v1, v0  }
0x2ec: {  	v1 =	vld [tilespmem:s30+$0xC440]  }
0x2ed: {  	v0 =	vadd.f32 v2, v0  }
0x2ee: {  	v2 =	vld [tilespmem:s30+$0xC4C0]  }
0x2ef: {  	v0 =	vadd.f32 v3, v0  }
0x2f0: {  	v3 =	vld [tilespmem:s30+$0xC540]  }
0x2f1: {  	v0 =	vadd.f32 v1, v0  }
0x2f2: {  	v1 =	vld [tilespmem:s30+$0xC5C0]  }
0x2f3: {  	v0 =	vadd.f32 v2, v0  }
0x2f4: {  	v2 =	vld [tilespmem:s30+$0xC640]  }
0x2f5: {  	v0 =	vadd.f32 v3, v0  }
0x2f6: {  	v3 =	vld [tilespmem:s30+$0xC6C0]  }
0x2f7: {  	v0 =	vadd.f32 v1, v0  }
0x2f8: {  	v1 =	vld [tilespmem:s30+$0xC740]  }
0x2f9: {  	v0 =	vadd.f32 v2, v0  }
0x2fa: {  	v2 =	vld [tilespmem:s30+$0xC7C0]  }
0x2fb: {  	v0 =	vadd.f32 v3, v0  }
0x2fc: {  	v3 =	vld [tilespmem:s30+$0xC840]  }
0x2fd: {  	v0 =	vadd.f32 v1, v0  }
0x2fe: {  	v1 =	vld [tilespmem:s30+$0xC8C0]  }
0x2ff: {  	v0 =	vadd.f32 v2, v0  }
0x300: {  	v2 =	vld [tilespmem:s30+$0xC940]  }
0x301: {  	v0 =	vadd.f32 v3, v0  }
0x302: {  	v3 =	vld [tilespmem:s30+$0xC9C0]  }
0x303: {  	v0 =	vadd.f32 v1, v0;
	_ =	sdelay $0x1  }
0x304: {  	v0 =	vadd.f32 v2, v0;
	_ =	sdelay $0x1  }
0x305: {  	v0 =	vadd.f32 v3, v0;
	_ =	sdelay $0x1  }
0x306: {  	[tilespmem:s23+$0x0] =	vst v0  }
0x307: {  	v0 =	vld [tilespmem:s30+$0xC250]  }
0x308: {  	v1 =	vld [tilespmem:s30+$0xC2D0];
	_ =	sdelay $0x1  }
0x309: {  	v2 =	vld [tilespmem:s30+$0xC350];
	_ =	sdelay $0x1  }
0x30a: {  	v3 =	vld [tilespmem:s30+$0xC3D0]  }
0x30b: {  	v0 =	vadd.f32 v1, v0  }
0x30c: {  	v1 =	vld [tilespmem:s30+$0xC450]  }
0x30d: {  	v0 =	vadd.f32 v2, v0  }
0x30e: {  	v2 =	vld [tilespmem:s30+$0xC4D0]  }
0x30f: {  	v0 =	vadd.f32 v3, v0  }
0x310: {  	v3 =	vld [tilespmem:s30+$0xC550]  }
0x311: {  	v0 =	vadd.f32 v1, v0  }
0x312: {  	v1 =	vld [tilespmem:s30+$0xC5D0]  }
0x313: {  	v0 =	vadd.f32 v2, v0  }
0x314: {  	v2 =	vld [tilespmem:s30+$0xC650]  }
0x315: {  	v0 =	vadd.f32 v3, v0  }
0x316: {  	v3 =	vld [tilespmem:s30+$0xC6D0]  }
0x317: {  	v0 =	vadd.f32 v1, v0  }
0x318: {  	v1 =	vld [tilespmem:s30+$0xC750]  }
0x319: {  	v0 =	vadd.f32 v2, v0  }
0x31a: {  	v2 =	vld [tilespmem:s30+$0xC7D0]  }
0x31b: {  	v0 =	vadd.f32 v3, v0  }
0x31c: {  	v3 =	vld [tilespmem:s30+$0xC850]  }
0x31d: {  	v0 =	vadd.f32 v1, v0  }
0x31e: {  	v1 =	vld [tilespmem:s30+$0xC8D0]  }
0x31f: {  	v0 =	vadd.f32 v2, v0  }
0x320: {  	v2 =	vld [tilespmem:s30+$0xC950]  }
0x321: {  	v0 =	vadd.f32 v3, v0  }
0x322: {  	v3 =	vld [tilespmem:s30+$0xC9D0]  }
0x323: {  	v0 =	vadd.f32 v1, v0;
	_ =	sdelay $0x1  }
0x324: {  	v0 =	vadd.f32 v2, v0;
	_ =	sdelay $0x1  }
0x325: {  	v0 =	vadd.f32 v3, v0;
	_ =	sdelay $0x1  }
0x326: {  	[tilespmem:s23+$0x10] =	vst v0  }
0x327: {  	v0 =	vld [tilespmem:s30+$0xC260]  }
0x328: {  	v1 =	vld [tilespmem:s30+$0xC2E0];
	_ =	sdelay $0x1  }
0x329: {  	v2 =	vld [tilespmem:s30+$0xC360];
	_ =	sdelay $0x1  }
0x32a: {  	v3 =	vld [tilespmem:s30+$0xC3E0]  }
0x32b: {  	v0 =	vadd.f32 v1, v0  }
0x32c: {  	v1 =	vld [tilespmem:s30+$0xC460]  }
0x32d: {  	v0 =	vadd.f32 v2, v0  }
0x32e: {  	v2 =	vld [tilespmem:s30+$0xC4E0]  }
0x32f: {  	v0 =	vadd.f32 v3, v0  }
0x330: {  	v3 =	vld [tilespmem:s30+$0xC560]  }
0x331: {  	v0 =	vadd.f32 v1, v0  }
0x332: {  	v1 =	vld [tilespmem:s30+$0xC5E0]  }
0x333: {  	v0 =	vadd.f32 v2, v0  }
0x334: {  	v2 =	vld [tilespmem:s30+$0xC660]  }
0x335: {  	v0 =	vadd.f32 v3, v0  }
0x336: {  	v3 =	vld [tilespmem:s30+$0xC6E0]  }
0x337: {  	v0 =	vadd.f32 v1, v0  }
0x338: {  	v1 =	vld [tilespmem:s30+$0xC760]  }
0x339: {  	v0 =	vadd.f32 v2, v0  }
0x33a: {  	v2 =	vld [tilespmem:s30+$0xC7E0]  }
0x33b: {  	v0 =	vadd.f32 v3, v0  }
0x33c: {  	v3 =	vld [tilespmem:s30+$0xC860]  }
0x33d: {  	v0 =	vadd.f32 v1, v0  }
0x33e: {  	v1 =	vld [tilespmem:s30+$0xC8E0]  }
0x33f: {  	v0 =	vadd.f32 v2, v0  }
0x340: {  	v2 =	vld [tilespmem:s30+$0xC960]  }
0x341: {  	v0 =	vadd.f32 v3, v0  }
0x342: {  	v3 =	vld [tilespmem:s30+$0xC9E0]  }
0x343: {  	v0 =	vadd.f32 v1, v0;
	_ =	sdelay $0x1  }
0x344: {  	v0 =	vadd.f32 v2, v0;
	_ =	sdelay $0x1  }
0x345: {  	v0 =	vadd.f32 v3, v0;
	_ =	sdelay $0x1  }
0x346: {  	[tilespmem:s23+$0x20] =	vst v0  }
0x347: {  	v0 =	vld [tilespmem:s30+$0xC270]  }
0x348: {  	v1 =	vld [tilespmem:s30+$0xC2F0];
	_ =	sdelay $0x1  }
0x349: {  	v2 =	vld [tilespmem:s30+$0xC370];
	_ =	sdelay $0x1  }
0x34a: {  	v3 =	vld [tilespmem:s30+$0xC3F0]  }
0x34b: {  	v0 =	vadd.f32 v1, v0  }
0x34c: {  	v1 =	vld [tilespmem:s30+$0xC470]  }
0x34d: {  	v0 =	vadd.f32 v2, v0  }
0x34e: {  	v2 =	vld [tilespmem:s30+$0xC4F0]  }
0x34f: {  	v0 =	vadd.f32 v3, v0  }
0x350: {  	v3 =	vld [tilespmem:s30+$0xC570]  }
0x351: {  	v0 =	vadd.f32 v1, v0  }
0x352: {  	v1 =	vld [tilespmem:s30+$0xC5F0]  }
0x353: {  	v0 =	vadd.f32 v2, v0  }
0x354: {  	v2 =	vld [tilespmem:s30+$0xC670]  }
0x355: {  	v0 =	vadd.f32 v3, v0  }
0x356: {  	v3 =	vld [tilespmem:s30+$0xC6F0]  }
0x357: {  	v0 =	vadd.f32 v1, v0  }
0x358: {  	v1 =	vld [tilespmem:s30+$0xC770]  }
0x359: {  	v0 =	vadd.f32 v2, v0  }
0x35a: {  	p3 =	sne.s32 s22, $0x1E000;
	v4 =	vld [tilespmem:s30+$0xC7F0]  }
.Ltmp8:
0x35b: {  	v3 =	vadd.f32 v3, v0;
	(pc) =	sbr.rel @!p3 .LBB2_11-.Ltmp8, $4  }
0x35c: {  	v2 =	vld [tilespmem:s30+$0xC870]  }
0x35d: {  	v0 =	vld [tilespmem:s30+$0xC8F0];
	v5 =	vadd.f32 v1, v3  }
0x35e: {  	v3 =	vld [tilespmem:s30+$0xC970]  }
0x35f: {  	s24 =	sadd.s32 $0x2000, s22;
	s22 =	smov.u32 s23;
	v1 =	vld [tilespmem:s30+$0xC9F0];
	v4 =	vadd.f32 v4, v5  }
.LBB2_10:
0x360: {  	p3 =	sne.s32 s24, $0x1E000  }
0x361: {  	s22 =	sadd.s32 $0x80, s22;
	s30 =	smov.u32 s24;
	s24 =	sadd.s32 $0x2000, s24  }
0x362: {  	v2 =	vadd.f32 v2, v4;
	_ =	sdelay $0x1  }
0x363: {  	v0 =	vadd.f32 v0, v2;
	_ =	sdelay $0x1  }
0x364: {  	v0 =	vadd.f32 v3, v0;
	_ =	sdelay $0x1  }
0x365: {  	v0 =	vadd.f32 v1, v0  }
0x366: {  	s30 =	sshra.s32 s30, $0x2  }
0x367: {  	[tilespmem:s23+$0x30] =	vst v0;
	s23 =	smov.u32 s22  }
0x368: {  	v0 =	vld [tilespmem:s30+$0xC200]  }
0x369: {  	v1 =	vld [tilespmem:s30+$0xC280]  }
0x36a: {  	v2 =	vld [tilespmem:s30+$0xC300];
	_ =	sdelay $0x1  }
0x36b: {  	v3 =	vld [tilespmem:s30+$0xC380];
	_ =	sdelay $0x1  }
0x36c: {  	v0 =	vadd.f32 v1, v0  }
0x36d: {  	v1 =	vld [tilespmem:s30+$0xC400]  }
0x36e: {  	v0 =	vadd.f32 v2, v0  }
0x36f: {  	v2 =	vld [tilespmem:s30+$0xC480]  }
0x370: {  	v0 =	vadd.f32 v3, v0  }
0x371: {  	v3 =	vld [tilespmem:s30+$0xC500]  }
0x372: {  	v0 =	vadd.f32 v1, v0  }
0x373: {  	v1 =	vld [tilespmem:s30+$0xC580]  }
0x374: {  	v0 =	vadd.f32 v2, v0  }
0x375: {  	v2 =	vld [tilespmem:s30+$0xC600]  }
0x376: {  	v0 =	vadd.f32 v3, v0  }
0x377: {  	v3 =	vld [tilespmem:s30+$0xC680]  }
0x378: {  	v0 =	vadd.f32 v1, v0  }
0x379: {  	v1 =	vld [tilespmem:s30+$0xC700]  }
0x37a: {  	v0 =	vadd.f32 v2, v0  }
0x37b: {  	v2 =	vld [tilespmem:s30+$0xC780]  }
0x37c: {  	v0 =	vadd.f32 v3, v0  }
0x37d: {  	v3 =	vld [tilespmem:s30+$0xC800]  }
0x37e: {  	v0 =	vadd.f32 v1, v0  }
0x37f: {  	v1 =	vld [tilespmem:s30+$0xC880]  }
0x380: {  	v0 =	vadd.f32 v2, v0  }
0x381: {  	v2 =	vld [tilespmem:s30+$0xC900]  }
0x382: {  	v0 =	vadd.f32 v3, v0  }
0x383: {  	v3 =	vld [tilespmem:s30+$0xC980]  }
0x384: {  	v0 =	vadd.f32 v1, v0;
	_ =	sdelay $0x1  }
0x385: {  	v0 =	vadd.f32 v2, v0;
	_ =	sdelay $0x1  }
0x386: {  	v0 =	vadd.f32 v3, v0;
	_ =	sdelay $0x1  }
0x387: {  	[tilespmem:s22+$0xFFFFFFC0] =	vst v0  }
0x388: {  	v0 =	vld [tilespmem:s30+$0xC210]  }
0x389: {  	v1 =	vld [tilespmem:s30+$0xC290];
	_ =	sdelay $0x1  }
0x38a: {  	v2 =	vld [tilespmem:s30+$0xC310];
	_ =	sdelay $0x1  }
0x38b: {  	v3 =	vld [tilespmem:s30+$0xC390]  }
0x38c: {  	v0 =	vadd.f32 v1, v0  }
0x38d: {  	v1 =	vld [tilespmem:s30+$0xC410]  }
0x38e: {  	v0 =	vadd.f32 v2, v0  }
0x38f: {  	v2 =	vld [tilespmem:s30+$0xC490]  }
0x390: {  	v0 =	vadd.f32 v3, v0  }
0x391: {  	v3 =	vld [tilespmem:s30+$0xC510]  }
0x392: {  	v0 =	vadd.f32 v1, v0  }
0x393: {  	v1 =	vld [tilespmem:s30+$0xC590]  }
0x394: {  	v0 =	vadd.f32 v2, v0  }
0x395: {  	v2 =	vld [tilespmem:s30+$0xC610]  }
0x396: {  	v0 =	vadd.f32 v3, v0  }
0x397: {  	v3 =	vld [tilespmem:s30+$0xC690]  }
0x398: {  	v0 =	vadd.f32 v1, v0  }
0x399: {  	v1 =	vld [tilespmem:s30+$0xC710]  }
0x39a: {  	v0 =	vadd.f32 v2, v0  }
0x39b: {  	v2 =	vld [tilespmem:s30+$0xC790]  }
0x39c: {  	v0 =	vadd.f32 v3, v0  }
0x39d: {  	v3 =	vld [tilespmem:s30+$0xC810]  }
0x39e: {  	v0 =	vadd.f32 v1, v0  }
0x39f: {  	v1 =	vld [tilespmem:s30+$0xC890]  }
0x3a0: {  	v0 =	vadd.f32 v2, v0  }
0x3a1: {  	v2 =	vld [tilespmem:s30+$0xC910]  }
0x3a2: {  	v0 =	vadd.f32 v3, v0  }
0x3a3: {  	v3 =	vld [tilespmem:s30+$0xC990]  }
0x3a4: {  	v0 =	vadd.f32 v1, v0;
	_ =	sdelay $0x1  }
0x3a5: {  	v0 =	vadd.f32 v2, v0;
	_ =	sdelay $0x1  }
0x3a6: {  	v0 =	vadd.f32 v3, v0;
	_ =	sdelay $0x1  }
0x3a7: {  	[tilespmem:s22+$0xFFFFFFD0] =	vst v0  }
0x3a8: {  	v0 =	vld [tilespmem:s30+$0xC220]  }
0x3a9: {  	v1 =	vld [tilespmem:s30+$0xC2A0];
	_ =	sdelay $0x1  }
0x3aa: {  	v2 =	vld [tilespmem:s30+$0xC320];
	_ =	sdelay $0x1  }
0x3ab: {  	v3 =	vld [tilespmem:s30+$0xC3A0]  }
0x3ac: {  	v0 =	vadd.f32 v1, v0  }
0x3ad: {  	v1 =	vld [tilespmem:s30+$0xC420]  }
0x3ae: {  	v0 =	vadd.f32 v2, v0  }
0x3af: {  	v2 =	vld [tilespmem:s30+$0xC4A0]  }
0x3b0: {  	v0 =	vadd.f32 v3, v0  }
0x3b1: {  	v3 =	vld [tilespmem:s30+$0xC520]  }
0x3b2: {  	v0 =	vadd.f32 v1, v0  }
0x3b3: {  	v1 =	vld [tilespmem:s30+$0xC5A0]  }
0x3b4: {  	v0 =	vadd.f32 v2, v0  }
0x3b5: {  	v2 =	vld [tilespmem:s30+$0xC620]  }
0x3b6: {  	v0 =	vadd.f32 v3, v0  }
0x3b7: {  	v3 =	vld [tilespmem:s30+$0xC6A0]  }
0x3b8: {  	v0 =	vadd.f32 v1, v0  }
0x3b9: {  	v1 =	vld [tilespmem:s30+$0xC720]  }
0x3ba: {  	v0 =	vadd.f32 v2, v0  }
0x3bb: {  	v2 =	vld [tilespmem:s30+$0xC7A0]  }
0x3bc: {  	v0 =	vadd.f32 v3, v0  }
0x3bd: {  	v3 =	vld [tilespmem:s30+$0xC820]  }
0x3be: {  	v0 =	vadd.f32 v1, v0  }
0x3bf: {  	v1 =	vld [tilespmem:s30+$0xC8A0]  }
0x3c0: {  	v0 =	vadd.f32 v2, v0  }
0x3c1: {  	v2 =	vld [tilespmem:s30+$0xC920]  }
0x3c2: {  	v0 =	vadd.f32 v3, v0  }
0x3c3: {  	v3 =	vld [tilespmem:s30+$0xC9A0]  }
0x3c4: {  	v0 =	vadd.f32 v1, v0;
	_ =	sdelay $0x1  }
0x3c5: {  	v0 =	vadd.f32 v2, v0;
	_ =	sdelay $0x1  }
0x3c6: {  	v0 =	vadd.f32 v3, v0;
	_ =	sdelay $0x1  }
0x3c7: {  	[tilespmem:s22+$0xFFFFFFE0] =	vst v0  }
0x3c8: {  	v0 =	vld [tilespmem:s30+$0xC230]  }
0x3c9: {  	v1 =	vld [tilespmem:s30+$0xC2B0];
	_ =	sdelay $0x1  }
0x3ca: {  	v2 =	vld [tilespmem:s30+$0xC330];
	_ =	sdelay $0x1  }
0x3cb: {  	v3 =	vld [tilespmem:s30+$0xC3B0]  }
0x3cc: {  	v0 =	vadd.f32 v1, v0  }
0x3cd: {  	v1 =	vld [tilespmem:s30+$0xC430]  }
0x3ce: {  	v0 =	vadd.f32 v2, v0  }
0x3cf: {  	v2 =	vld [tilespmem:s30+$0xC4B0]  }
0x3d0: {  	v0 =	vadd.f32 v3, v0  }
0x3d1: {  	v3 =	vld [tilespmem:s30+$0xC530]  }
0x3d2: {  	v0 =	vadd.f32 v1, v0  }
0x3d3: {  	v1 =	vld [tilespmem:s30+$0xC5B0]  }
0x3d4: {  	v0 =	vadd.f32 v2, v0  }
0x3d5: {  	v2 =	vld [tilespmem:s30+$0xC630]  }
0x3d6: {  	v0 =	vadd.f32 v3, v0  }
0x3d7: {  	v3 =	vld [tilespmem:s30+$0xC6B0]  }
0x3d8: {  	v0 =	vadd.f32 v1, v0  }
0x3d9: {  	v1 =	vld [tilespmem:s30+$0xC730]  }
0x3da: {  	v0 =	vadd.f32 v2, v0  }
0x3db: {  	v2 =	vld [tilespmem:s30+$0xC7B0]  }
0x3dc: {  	v0 =	vadd.f32 v3, v0  }
0x3dd: {  	v3 =	vld [tilespmem:s30+$0xC830]  }
0x3de: {  	v0 =	vadd.f32 v1, v0  }
0x3df: {  	v1 =	vld [tilespmem:s30+$0xC8B0]  }
0x3e0: {  	v0 =	vadd.f32 v2, v0  }
0x3e1: {  	v2 =	vld [tilespmem:s30+$0xC930]  }
0x3e2: {  	v0 =	vadd.f32 v3, v0  }
0x3e3: {  	v3 =	vld [tilespmem:s30+$0xC9B0]  }
0x3e4: {  	v0 =	vadd.f32 v1, v0;
	_ =	sdelay $0x1  }
0x3e5: {  	v0 =	vadd.f32 v2, v0;
	_ =	sdelay $0x1  }
0x3e6: {  	v0 =	vadd.f32 v3, v0;
	_ =	sdelay $0x1  }
0x3e7: {  	[tilespmem:s22+$0xFFFFFFF0] =	vst v0  }
0x3e8: {  	v0 =	vld [tilespmem:s30+$0xC240]  }
0x3e9: {  	v1 =	vld [tilespmem:s30+$0xC2C0]  }
0x3ea: {  	v2 =	vld [tilespmem:s30+$0xC340];
	_ =	sdelay $0x2  }
0x3eb: {  	v3 =	vld [tilespmem:s30+$0xC3C0]  }
0x3ec: {  	v0 =	vadd.f32 v1, v0  }
0x3ed: {  	v1 =	vld [tilespmem:s30+$0xC440]  }
0x3ee: {  	v0 =	vadd.f32 v2, v0  }
0x3ef: {  	v2 =	vld [tilespmem:s30+$0xC4C0]  }
0x3f0: {  	v0 =	vadd.f32 v3, v0  }
0x3f1: {  	v3 =	vld [tilespmem:s30+$0xC540]  }
0x3f2: {  	v0 =	vadd.f32 v1, v0  }
0x3f3: {  	v1 =	vld [tilespmem:s30+$0xC5C0]  }
0x3f4: {  	v0 =	vadd.f32 v2, v0  }
0x3f5: {  	v2 =	vld [tilespmem:s30+$0xC640]  }
0x3f6: {  	v0 =	vadd.f32 v3, v0  }
0x3f7: {  	v3 =	vld [tilespmem:s30+$0xC6C0]  }
0x3f8: {  	v0 =	vadd.f32 v1, v0  }
0x3f9: {  	v1 =	vld [tilespmem:s30+$0xC740]  }
0x3fa: {  	v0 =	vadd.f32 v2, v0  }
0x3fb: {  	v2 =	vld [tilespmem:s30+$0xC7C0]  }
0x3fc: {  	v0 =	vadd.f32 v3, v0  }
0x3fd: {  	v3 =	vld [tilespmem:s30+$0xC840]  }
0x3fe: {  	v0 =	vadd.f32 v1, v0  }
0x3ff: {  	v1 =	vld [tilespmem:s30+$0xC8C0]  }
0x400: {  	v0 =	vadd.f32 v2, v0  }
0x401: {  	v2 =	vld [tilespmem:s30+$0xC940]  }
0x402: {  	v0 =	vadd.f32 v3, v0  }
0x403: {  	v3 =	vld [tilespmem:s30+$0xC9C0]  }
0x404: {  	v0 =	vadd.f32 v1, v0;
	_ =	sdelay $0x1  }
0x405: {  	v0 =	vadd.f32 v2, v0;
	_ =	sdelay $0x1  }
0x406: {  	v0 =	vadd.f32 v3, v0;
	_ =	sdelay $0x1  }
0x407: {  	[tilespmem:s22+$0x0] =	vst v0  }
0x408: {  	v0 =	vld [tilespmem:s30+$0xC250]  }
0x409: {  	v1 =	vld [tilespmem:s30+$0xC2D0]  }
0x40a: {  	v2 =	vld [tilespmem:s30+$0xC350]  }
0x40b: {  	v3 =	vld [tilespmem:s30+$0xC3D0]  }
0x40c: {  	v4 =	vld [tilespmem:s30+$0xC450]  }
0x40d: {  	v5 =	vld [tilespmem:s30+$0xC4D0]  }
0x40e: {  	v0 =	vadd.f32 v1, v0;
	v1 =	vld [tilespmem:s30+$0xC550]  }
0x40f: {  	v6 =	vld [tilespmem:s30+$0xC5D0]  }
0x410: {  	v0 =	vadd.f32 v2, v0;
	v2 =	vld [tilespmem:s30+$0xC650]  }
0x411: {  	v7 =	vld [tilespmem:s30+$0xC6D0]  }
0x412: {  	v0 =	vadd.f32 v3, v0;
	v3 =	vld [tilespmem:s30+$0xC750]  }
0x413: {  	v8 =	vld [tilespmem:s30+$0xC7D0]  }
0x414: {  	v0 =	vadd.f32 v4, v0;
	v4 =	vld [tilespmem:s30+$0xC850]  }
0x415: {  	v9 =	vld [tilespmem:s30+$0xC8D0]  }
0x416: {  	v0 =	vadd.f32 v5, v0;
	v5 =	vld [tilespmem:s30+$0xC950]  }
0x417: {  	v10 =	vld [tilespmem:s30+$0xC9D0]  }
0x418: {  	v0 =	vadd.f32 v1, v0;
	_ =	sdelay $0x1  }
0x419: {  	v0 =	vadd.f32 v6, v0;
	_ =	sdelay $0x1  }
0x41a: {  	v0 =	vadd.f32 v2, v0;
	_ =	sdelay $0x1  }
0x41b: {  	v0 =	vadd.f32 v7, v0;
	_ =	sdelay $0x1  }
0x41c: {  	v0 =	vadd.f32 v3, v0;
	_ =	sdelay $0x1  }
0x41d: {  	v0 =	vadd.f32 v8, v0;
	_ =	sdelay $0x1  }
0x41e: {  	v0 =	vadd.f32 v4, v0;
	_ =	sdelay $0x1  }
0x41f: {  	v0 =	vadd.f32 v9, v0;
	_ =	sdelay $0x1  }
0x420: {  	v0 =	vadd.f32 v5, v0;
	_ =	sdelay $0x1  }
0x421: {  	v0 =	vadd.f32 v10, v0;
	_ =	sdelay $0x1  }
0x422: {  	[tilespmem:s22+$0x10] =	vst v0  }
0x423: {  	v0 =	vld [tilespmem:s30+$0xC260]  }
0x424: {  	v1 =	vld [tilespmem:s30+$0xC2E0]  }
0x425: {  	v2 =	vld [tilespmem:s30+$0xC360]  }
0x426: {  	v3 =	vld [tilespmem:s30+$0xC3E0]  }
0x427: {  	v4 =	vld [tilespmem:s30+$0xC460]  }
0x428: {  	v5 =	vld [tilespmem:s30+$0xC4E0]  }
0x429: {  	v0 =	vadd.f32 v1, v0;
	v1 =	vld [tilespmem:s30+$0xC560]  }
0x42a: {  	v6 =	vld [tilespmem:s30+$0xC5E0]  }
0x42b: {  	v0 =	vadd.f32 v2, v0;
	v2 =	vld [tilespmem:s30+$0xC660]  }
0x42c: {  	v7 =	vld [tilespmem:s30+$0xC6E0]  }
0x42d: {  	v0 =	vadd.f32 v3, v0;
	v3 =	vld [tilespmem:s30+$0xC760]  }
0x42e: {  	v8 =	vld [tilespmem:s30+$0xC7E0]  }
0x42f: {  	v0 =	vadd.f32 v4, v0;
	v4 =	vld [tilespmem:s30+$0xC860]  }
0x430: {  	v9 =	vld [tilespmem:s30+$0xC8E0]  }
0x431: {  	v0 =	vadd.f32 v5, v0;
	v5 =	vld [tilespmem:s30+$0xC960]  }
0x432: {  	v10 =	vld [tilespmem:s30+$0xC9E0]  }
0x433: {  	v0 =	vadd.f32 v1, v0;
	_ =	sdelay $0x1  }
0x434: {  	v0 =	vadd.f32 v6, v0;
	_ =	sdelay $0x1  }
0x435: {  	v0 =	vadd.f32 v2, v0;
	_ =	sdelay $0x1  }
0x436: {  	v0 =	vadd.f32 v7, v0;
	_ =	sdelay $0x1  }
0x437: {  	v0 =	vadd.f32 v3, v0;
	_ =	sdelay $0x1  }
0x438: {  	v0 =	vadd.f32 v8, v0;
	_ =	sdelay $0x1  }
0x439: {  	v0 =	vadd.f32 v4, v0;
	_ =	sdelay $0x1  }
0x43a: {  	v0 =	vadd.f32 v9, v0;
	_ =	sdelay $0x1  }
0x43b: {  	v0 =	vadd.f32 v5, v0;
	_ =	sdelay $0x1  }
0x43c: {  	v0 =	vadd.f32 v10, v0;
	_ =	sdelay $0x1  }
0x43d: {  	[tilespmem:s22+$0x20] =	vst v0  }
0x43e: {  	v0 =	vld [tilespmem:s30+$0xC270]  }
0x43f: {  	v1 =	vld [tilespmem:s30+$0xC2F0]  }
0x440: {  	v2 =	vld [tilespmem:s30+$0xC370]  }
0x441: {  	v3 =	vld [tilespmem:s30+$0xC3F0]  }
0x442: {  	v4 =	vld [tilespmem:s30+$0xC470]  }
0x443: {  	v5 =	vld [tilespmem:s30+$0xC4F0]  }
0x444: {  	v0 =	vadd.f32 v1, v0;
	v6 =	vld [tilespmem:s30+$0xC570]  }
0x445: {  	v7 =	vld [tilespmem:s30+$0xC5F0]  }
0x446: {  	v0 =	vadd.f32 v2, v0;
	v8 =	vld [tilespmem:s30+$0xC670]  }
0x447: {  	v9 =	vld [tilespmem:s30+$0xC6F0]  }
0x448: {  	v0 =	vadd.f32 v3, v0;
	v10 =	vld [tilespmem:s30+$0xC770]  }
0x449: {  	v11 =	vld [tilespmem:s30+$0xC7F0]  }
0x44a: {  	v1 =	vadd.f32 v4, v0;
	v2 =	vld [tilespmem:s30+$0xC870]  }
0x44b: {  	v0 =	vld [tilespmem:s30+$0xC8F0]  }
0x44c: {  	v4 =	vadd.f32 v5, v1;
	v3 =	vld [tilespmem:s30+$0xC970]  }
0x44d: {  	v1 =	vld [tilespmem:s30+$0xC9F0]  }
0x44e: {  	v4 =	vadd.f32 v6, v4;
	_ =	sdelay $0x1  }
0x44f: {  	v4 =	vadd.f32 v7, v4;
	_ =	sdelay $0x1  }
0x450: {  	v4 =	vadd.f32 v8, v4;
	_ =	sdelay $0x1  }
.Ltmp9:
0x451: {  	v4 =	vadd.f32 v9, v4;
	(pc) =	sbr.rel @p3 .LBB2_10-.Ltmp9, $3  }
0x452: {  	_ = 	snop  }
0x453: {  	v4 =	vadd.f32 v10, v4;
	_ =	sdelay $0x1  }
0x454: {  	v4 =	vadd.f32 v11, v4  }
.LBB2_11:
0x455: {  	_ = 	snop  }
0x456: {  	v2 =	vadd.f32 v2, v4  }
0x457: {  	s22 =	sadd.s32 @p2 s21, s15;
	s24 =	smul.u32 @!p2 $0x300, s8  }
0x458: {  	s22 =	sshll.u32 @p2 s22, $0x4;
	v0 =	vadd.f32 v0, v2  }
0x459: {  	s30 =	sadd.s32 $0xFFFFFFC1, s10;
	s22 =	sadd.s32 @p2 s6, s22;
	s24 =	sadd.s32 @!p2 s24, s14  }
0x45a: {  	s24 =	smov.u32 @p2 s22;
	p2 =	sgt.u32 s30, $0x1;
	v0 =	vadd.f32 v3, v0  }
.Ltmp10:
0x45b: {  	_ = 	snop;
	(pc) =	sbr.rel @p2 .LBB2_13-.Ltmp10, $3  }
0x45c: {  	v0 =	vadd.f32 v1, v0;
	_ =	sdelay $0x1  }
0x45d: {  	[tilespmem:s23+$0x30] =	vst v0;
	s23 =	simm.s32 $0x1CA00  }
0x45e: {  	[hbm4b:s24+s4] =	stream.linear.scatter [tilespmem:s23], [sflag:$0x5], $0x800, $0x38;
	[tilespmem:$0x1D200] =	vst v63  }
.LBB2_12:
0x45f: {  	s22 =	smul.u32 $0x300, s8;
	_ =	sdelay $0x1  }
0x460: {  	s22 =	sadd.s32 s22, s16  }
0x461: {  	s22 =	sshll.u32 s22, $0x4  }
0x462: {  	s22 =	sadd.s32 s3, s22  }
0x463: {  	[hbm4b:s22+s4] =	stream.linear.scatter [tilespmem:s25], [sflag:$0x6], $0x8000, $0x38;
	[tilespmem:$0x1D200] =	vst v63  }
.LBB2_13:
0x464: {  	s10 =	sadd.s32 $0xFFFFFFE4, s10  }
0x465: {  	s20 =	sadd.s32 @!p0 $0x400, s20;
	p2 =	sgt.u32 s10, $0x1F  }
0x466: {  	s22 =	simm.s32 @!p0 $0xC200;
	s10 =	simm.s32 @!p0 $0x100;
	s23 =	smul.u32 @!p2 $0xC00, s8  }
0x467: {  	[tilespmem:s22], [sflag:$0x2] =	stream.indirect.gather @!p0 [hbm4b:s2+s10], $0x80, s20, s10, $0xb8;
	[tilespmem:$0x1D200] =	vst v63  }
0x468: {  	p3 =	sne.s32 s19, $0x3C;
	s19 =	simm.s32 @!p2 $0x100;
	s10 =	sshra.s32 @!p2 s23, $0x2  }
0x469: {  	s20 =	simm.s32 @!p2 $0xC200;
	s22 =	smul.u32 @!p3 $0xC00, s8;
	s10 =	sadd.s32 @!p2 $0x400, s10  }
0x46a: {  	[tilespmem:s20], [sflag:$0x2] =	stream.indirect.gather @!p2 [hbm4b:s2+s19], $0x80, s10, s19, $0xb8;
	[tilespmem:$0x1D200] =	vst v63  }
0x46b: {  	s10 =	sshra.s32 @!p3 s22, $0x2;
	s19 =	simm.s32 @!p3 $0x100;
	p2 =	seq.s32 s8, $0x15  }
.Ltmp11:
0x46c: {  	s20 =	simm.s32 @!p3 $0xC200;
	s10 =	sadd.s32 @!p3 $0x400, s10;
	(pc) =	sbr.rel @p2 .LBB2_17-.Ltmp11, $4  }
0x46d: {  	[tilespmem:s20], [sflag:$0x2] =	stream.indirect.gather @!p3 [hbm4b:s2+s19], $0x80, s10, s19, $0xb8;
	[tilespmem:$0x1D200] =	vst v63  }
0x46e: {  	_ =	swait.ge [sflag:s31], $0x8000  }
0x46f: {  	[sflag:s31] =	ssyncset.done $0x0  }
0x470: {  	[sflag:s31] =	ssyncadd.s32 $0xFFFF8000  }
0x471: {  	_ =	swait.ge [sflag:s1], $0x800  }
0x472: {  	[sflag:s1] =	ssyncset.done $0x0  }
0x473: {  	s10 =	simm.s32 $0x14600;
	[sflag:s1] =	ssyncadd.s32 $0xFFFFF800  }
0x474: {  	v0 =	vld [tilespmem:s10+$0xFFFFFC80]  }
0x475: {  	v1 =	vld [tilespmem:s10+$0xFFFFFC00];
	_ =	sdelay $0x1  }
0x476: {  	v2 =	vld [tilespmem:s10+$0xFFFFFD00];
	_ =	sdelay $0x1  }
0x477: {  	v3 =	vld [tilespmem:s10+$0xFFFFFD80]  }
0x478: {  	v0 =	vadd.f32 v0, v1  }
0x479: {  	v1 =	vld [tilespmem:s10+$0xFFFFFE00]  }
0x47a: {  	v0 =	vadd.f32 v2, v0  }
0x47b: {  	v2 =	vld [tilespmem:s10+$0xFFFFFE80]  }
0x47c: {  	v0 =	vadd.f32 v3, v0  }
0x47d: {  	v3 =	vld [tilespmem:s10+$0xFFFFFF00]  }
0x47e: {  	v0 =	vadd.f32 v1, v0  }
0x47f: {  	v1 =	vld [tilespmem:s10+$0xFFFFFF80]  }
0x480: {  	v0 =	vadd.f32 v2, v0  }
0x481: {  	v2 =	vld [tilespmem:s10+$0x0]  }
0x482: {  	v0 =	vadd.f32 v3, v0  }
0x483: {  	v3 =	vld [tilespmem:s10+$0x80]  }
0x484: {  	v0 =	vadd.f32 v1, v0  }
0x485: {  	v1 =	vld [tilespmem:s10+$0x100]  }
0x486: {  	v0 =	vadd.f32 v2, v0  }
0x487: {  	v2 =	vld [tilespmem:s10+$0x180]  }
0x488: {  	v0 =	vadd.f32 v3, v0  }
0x489: {  	v3 =	vld [tilespmem:s10+$0x200]  }
0x48a: {  	v0 =	vadd.f32 v1, v0  }
0x48b: {  	v1 =	vld [tilespmem:s10+$0x280]  }
0x48c: {  	v0 =	vadd.f32 v2, v0  }
0x48d: {  	v2 =	vld [tilespmem:s10+$0x300]  }
0x48e: {  	v0 =	vadd.f32 v3, v0  }
0x48f: {  	v3 =	vld [tilespmem:s10+$0x380]  }
0x490: {  	v0 =	vadd.f32 v1, v0;
	_ =	sdelay $0x1  }
0x491: {  	v0 =	vadd.f32 v2, v0;
	_ =	sdelay $0x1  }
0x492: {  	v0 =	vadd.f32 v3, v0  }
0x493: {  	s19 =	simm.s32 $0x0  }
0x494: {  	[tilespmem:s19+$0x1C200] =	vst v0  }
0x495: {  	v0 =	vld [tilespmem:s10+$0xFFFFFC10]  }
0x496: {  	v1 =	vld [tilespmem:s10+$0xFFFFFC90];
	_ =	sdelay $0x1  }
0x497: {  	v2 =	vld [tilespmem:s10+$0xFFFFFD10];
	_ =	sdelay $0x1  }
0x498: {  	v3 =	vld [tilespmem:s10+$0xFFFFFD90]  }
0x499: {  	v0 =	vadd.f32 v1, v0  }
0x49a: {  	v1 =	vld [tilespmem:s10+$0xFFFFFE10]  }
0x49b: {  	v0 =	vadd.f32 v2, v0  }
0x49c: {  	v2 =	vld [tilespmem:s10+$0xFFFFFE90]  }
0x49d: {  	v0 =	vadd.f32 v3, v0  }
0x49e: {  	v3 =	vld [tilespmem:s10+$0xFFFFFF10]  }
0x49f: {  	v0 =	vadd.f32 v1, v0  }
0x4a0: {  	v1 =	vld [tilespmem:s10+$0xFFFFFF90]  }
0x4a1: {  	v0 =	vadd.f32 v2, v0  }
0x4a2: {  	v2 =	vld [tilespmem:s10+$0x10]  }
0x4a3: {  	v0 =	vadd.f32 v3, v0  }
0x4a4: {  	v3 =	vld [tilespmem:s10+$0x90]  }
0x4a5: {  	v0 =	vadd.f32 v1, v0  }
0x4a6: {  	v1 =	vld [tilespmem:s10+$0x110]  }
0x4a7: {  	v0 =	vadd.f32 v2, v0  }
0x4a8: {  	v2 =	vld [tilespmem:s10+$0x190]  }
0x4a9: {  	v0 =	vadd.f32 v3, v0  }
0x4aa: {  	v3 =	vld [tilespmem:s10+$0x210]  }
0x4ab: {  	v0 =	vadd.f32 v1, v0  }
0x4ac: {  	v1 =	vld [tilespmem:s10+$0x290]  }
0x4ad: {  	v0 =	vadd.f32 v2, v0  }
0x4ae: {  	v2 =	vld [tilespmem:s10+$0x310]  }
0x4af: {  	v0 =	vadd.f32 v3, v0  }
0x4b0: {  	v3 =	vld [tilespmem:s10+$0x390]  }
0x4b1: {  	v0 =	vadd.f32 v1, v0;
	_ =	sdelay $0x1  }
0x4b2: {  	v0 =	vadd.f32 v2, v0;
	_ =	sdelay $0x1  }
0x4b3: {  	v0 =	vadd.f32 v3, v0;
	_ =	sdelay $0x1  }
0x4b4: {  	[tilespmem:s19+$0x1C210] =	vst v0  }
0x4b5: {  	v0 =	vld [tilespmem:s10+$0xFFFFFC20]  }
0x4b6: {  	v1 =	vld [tilespmem:s10+$0xFFFFFCA0];
	_ =	sdelay $0x1  }
0x4b7: {  	v2 =	vld [tilespmem:s10+$0xFFFFFD20];
	_ =	sdelay $0x1  }
0x4b8: {  	v3 =	vld [tilespmem:s10+$0xFFFFFDA0]  }
0x4b9: {  	v0 =	vadd.f32 v1, v0  }
0x4ba: {  	v1 =	vld [tilespmem:s10+$0xFFFFFE20]  }
0x4bb: {  	v0 =	vadd.f32 v2, v0  }
0x4bc: {  	v2 =	vld [tilespmem:s10+$0xFFFFFEA0]  }
0x4bd: {  	v0 =	vadd.f32 v3, v0  }
0x4be: {  	v3 =	vld [tilespmem:s10+$0xFFFFFF20]  }
0x4bf: {  	v0 =	vadd.f32 v1, v0  }
0x4c0: {  	v1 =	vld [tilespmem:s10+$0xFFFFFFA0]  }
0x4c1: {  	v0 =	vadd.f32 v2, v0  }
0x4c2: {  	v2 =	vld [tilespmem:s10+$0x20]  }
0x4c3: {  	v0 =	vadd.f32 v3, v0  }
0x4c4: {  	v3 =	vld [tilespmem:s10+$0xA0]  }
0x4c5: {  	v0 =	vadd.f32 v1, v0  }
0x4c6: {  	v1 =	vld [tilespmem:s10+$0x120]  }
0x4c7: {  	v0 =	vadd.f32 v2, v0  }
0x4c8: {  	v2 =	vld [tilespmem:s10+$0x1A0]  }
0x4c9: {  	v0 =	vadd.f32 v3, v0  }
0x4ca: {  	v3 =	vld [tilespmem:s10+$0x220]  }
0x4cb: {  	v0 =	vadd.f32 v1, v0  }
0x4cc: {  	v1 =	vld [tilespmem:s10+$0x2A0]  }
0x4cd: {  	v0 =	vadd.f32 v2, v0  }
0x4ce: {  	v2 =	vld [tilespmem:s10+$0x320]  }
0x4cf: {  	v0 =	vadd.f32 v3, v0  }
0x4d0: {  	v3 =	vld [tilespmem:s10+$0x3A0]  }
0x4d1: {  	v0 =	vadd.f32 v1, v0;
	_ =	sdelay $0x1  }
0x4d2: {  	v0 =	vadd.f32 v2, v0;
	_ =	sdelay $0x1  }
0x4d3: {  	v0 =	vadd.f32 v3, v0;
	_ =	sdelay $0x1  }
0x4d4: {  	[tilespmem:s19+$0x1C220] =	vst v0  }
0x4d5: {  	v0 =	vld [tilespmem:s10+$0xFFFFFC30]  }
0x4d6: {  	v1 =	vld [tilespmem:s10+$0xFFFFFCB0];
	_ =	sdelay $0x1  }
0x4d7: {  	v2 =	vld [tilespmem:s10+$0xFFFFFD30];
	_ =	sdelay $0x1  }
0x4d8: {  	v3 =	vld [tilespmem:s10+$0xFFFFFDB0]  }
0x4d9: {  	v0 =	vadd.f32 v1, v0  }
0x4da: {  	v1 =	vld [tilespmem:s10+$0xFFFFFE30]  }
0x4db: {  	v0 =	vadd.f32 v2, v0  }
0x4dc: {  	v2 =	vld [tilespmem:s10+$0xFFFFFEB0]  }
0x4dd: {  	v0 =	vadd.f32 v3, v0  }
0x4de: {  	v3 =	vld [tilespmem:s10+$0xFFFFFF30]  }
0x4df: {  	v0 =	vadd.f32 v1, v0  }
0x4e0: {  	v1 =	vld [tilespmem:s10+$0xFFFFFFB0]  }
0x4e1: {  	v0 =	vadd.f32 v2, v0  }
0x4e2: {  	v2 =	vld [tilespmem:s10+$0x30]  }
0x4e3: {  	v0 =	vadd.f32 v3, v0  }
0x4e4: {  	v3 =	vld [tilespmem:s10+$0xB0]  }
0x4e5: {  	v0 =	vadd.f32 v1, v0  }
0x4e6: {  	v1 =	vld [tilespmem:s10+$0x130]  }
0x4e7: {  	v0 =	vadd.f32 v2, v0  }
0x4e8: {  	v2 =	vld [tilespmem:s10+$0x1B0]  }
0x4e9: {  	v0 =	vadd.f32 v3, v0  }
0x4ea: {  	v3 =	vld [tilespmem:s10+$0x230]  }
0x4eb: {  	v0 =	vadd.f32 v1, v0  }
0x4ec: {  	v1 =	vld [tilespmem:s10+$0x2B0]  }
0x4ed: {  	v0 =	vadd.f32 v2, v0  }
0x4ee: {  	v2 =	vld [tilespmem:s10+$0x330]  }
0x4ef: {  	v0 =	vadd.f32 v3, v0  }
0x4f0: {  	v3 =	vld [tilespmem:s10+$0x3B0]  }
0x4f1: {  	v0 =	vadd.f32 v1, v0;
	_ =	sdelay $0x1  }
0x4f2: {  	v0 =	vadd.f32 v2, v0;
	_ =	sdelay $0x1  }
0x4f3: {  	v0 =	vadd.f32 v3, v0;
	_ =	sdelay $0x1  }
0x4f4: {  	[tilespmem:s19+$0x1C230] =	vst v0  }
0x4f5: {  	v0 =	vld [tilespmem:s10+$0xFFFFFC40]  }
0x4f6: {  	v1 =	vld [tilespmem:s10+$0xFFFFFCC0];
	_ =	sdelay $0x1  }
0x4f7: {  	v2 =	vld [tilespmem:s10+$0xFFFFFD40];
	_ =	sdelay $0x1  }
0x4f8: {  	v3 =	vld [tilespmem:s10+$0xFFFFFDC0]  }
0x4f9: {  	v0 =	vadd.f32 v1, v0  }
0x4fa: {  	v1 =	vld [tilespmem:s10+$0xFFFFFE40]  }
0x4fb: {  	v0 =	vadd.f32 v2, v0  }
0x4fc: {  	v2 =	vld [tilespmem:s10+$0xFFFFFEC0]  }
0x4fd: {  	v0 =	vadd.f32 v3, v0  }
0x4fe: {  	v3 =	vld [tilespmem:s10+$0xFFFFFF40]  }
0x4ff: {  	v0 =	vadd.f32 v1, v0  }
0x500: {  	v1 =	vld [tilespmem:s10+$0xFFFFFFC0]  }
0x501: {  	v0 =	vadd.f32 v2, v0  }
0x502: {  	v2 =	vld [tilespmem:s10+$0x40]  }
0x503: {  	v0 =	vadd.f32 v3, v0  }
0x504: {  	v3 =	vld [tilespmem:s10+$0xC0]  }
0x505: {  	v0 =	vadd.f32 v1, v0  }
0x506: {  	v1 =	vld [tilespmem:s10+$0x140]  }
0x507: {  	v0 =	vadd.f32 v2, v0  }
0x508: {  	v2 =	vld [tilespmem:s10+$0x1C0]  }
0x509: {  	v0 =	vadd.f32 v3, v0  }
0x50a: {  	v3 =	vld [tilespmem:s10+$0x240]  }
0x50b: {  	v0 =	vadd.f32 v1, v0  }
0x50c: {  	v1 =	vld [tilespmem:s10+$0x2C0]  }
0x50d: {  	v0 =	vadd.f32 v2, v0  }
0x50e: {  	v2 =	vld [tilespmem:s10+$0x340]  }
0x50f: {  	v0 =	vadd.f32 v3, v0  }
0x510: {  	v3 =	vld [tilespmem:s10+$0x3C0]  }
0x511: {  	v0 =	vadd.f32 v1, v0;
	_ =	sdelay $0x1  }
0x512: {  	v0 =	vadd.f32 v2, v0;
	_ =	sdelay $0x1  }
0x513: {  	v0 =	vadd.f32 v3, v0;
	_ =	sdelay $0x1  }
0x514: {  	[tilespmem:s19+$0x1C240] =	vst v0  }
0x515: {  	v0 =	vld [tilespmem:s10+$0xFFFFFC50]  }
0x516: {  	v1 =	vld [tilespmem:s10+$0xFFFFFCD0];
	_ =	sdelay $0x1  }
0x517: {  	v2 =	vld [tilespmem:s10+$0xFFFFFD50];
	_ =	sdelay $0x1  }
0x518: {  	v3 =	vld [tilespmem:s10+$0xFFFFFDD0]  }
0x519: {  	v0 =	vadd.f32 v1, v0  }
0x51a: {  	v1 =	vld [tilespmem:s10+$0xFFFFFE50]  }
0x51b: {  	v0 =	vadd.f32 v2, v0  }
0x51c: {  	v2 =	vld [tilespmem:s10+$0xFFFFFED0]  }
0x51d: {  	v0 =	vadd.f32 v3, v0  }
0x51e: {  	v3 =	vld [tilespmem:s10+$0xFFFFFF50]  }
0x51f: {  	v0 =	vadd.f32 v1, v0  }
0x520: {  	v1 =	vld [tilespmem:s10+$0xFFFFFFD0]  }
0x521: {  	v0 =	vadd.f32 v2, v0  }
0x522: {  	v2 =	vld [tilespmem:s10+$0x50]  }
0x523: {  	v0 =	vadd.f32 v3, v0  }
0x524: {  	v3 =	vld [tilespmem:s10+$0xD0]  }
0x525: {  	v0 =	vadd.f32 v1, v0  }
0x526: {  	v1 =	vld [tilespmem:s10+$0x150]  }
0x527: {  	v0 =	vadd.f32 v2, v0  }
0x528: {  	v2 =	vld [tilespmem:s10+$0x1D0]  }
0x529: {  	v0 =	vadd.f32 v3, v0  }
0x52a: {  	v3 =	vld [tilespmem:s10+$0x250]  }
0x52b: {  	v0 =	vadd.f32 v1, v0  }
0x52c: {  	v1 =	vld [tilespmem:s10+$0x2D0]  }
0x52d: {  	v0 =	vadd.f32 v2, v0  }
0x52e: {  	v2 =	vld [tilespmem:s10+$0x350]  }
0x52f: {  	v0 =	vadd.f32 v3, v0  }
0x530: {  	v3 =	vld [tilespmem:s10+$0x3D0]  }
0x531: {  	v0 =	vadd.f32 v1, v0;
	_ =	sdelay $0x1  }
0x532: {  	v0 =	vadd.f32 v2, v0;
	_ =	sdelay $0x1  }
0x533: {  	v0 =	vadd.f32 v3, v0;
	_ =	sdelay $0x1  }
0x534: {  	[tilespmem:s19+$0x1C250] =	vst v0  }
0x535: {  	v0 =	vld [tilespmem:s10+$0xFFFFFC60]  }
0x536: {  	v1 =	vld [tilespmem:s10+$0xFFFFFCE0];
	_ =	sdelay $0x1  }
0x537: {  	v2 =	vld [tilespmem:s10+$0xFFFFFD60];
	_ =	sdelay $0x1  }
0x538: {  	v3 =	vld [tilespmem:s10+$0xFFFFFDE0]  }
0x539: {  	v0 =	vadd.f32 v1, v0  }
0x53a: {  	v1 =	vld [tilespmem:s10+$0xFFFFFE60]  }
0x53b: {  	v0 =	vadd.f32 v2, v0  }
0x53c: {  	v2 =	vld [tilespmem:s10+$0xFFFFFEE0]  }
0x53d: {  	v0 =	vadd.f32 v3, v0  }
0x53e: {  	v3 =	vld [tilespmem:s10+$0xFFFFFF60]  }
0x53f: {  	v0 =	vadd.f32 v1, v0  }
0x540: {  	v1 =	vld [tilespmem:s10+$0xFFFFFFE0]  }
0x541: {  	v0 =	vadd.f32 v2, v0  }
0x542: {  	v2 =	vld [tilespmem:s10+$0x60]  }
0x543: {  	v0 =	vadd.f32 v3, v0  }
0x544: {  	v3 =	vld [tilespmem:s10+$0xE0]  }
0x545: {  	v0 =	vadd.f32 v1, v0  }
0x546: {  	v1 =	vld [tilespmem:s10+$0x160]  }
0x547: {  	v0 =	vadd.f32 v2, v0  }
0x548: {  	v2 =	vld [tilespmem:s10+$0x1E0]  }
0x549: {  	v0 =	vadd.f32 v3, v0  }
0x54a: {  	v3 =	vld [tilespmem:s10+$0x260]  }
0x54b: {  	v0 =	vadd.f32 v1, v0  }
0x54c: {  	v1 =	vld [tilespmem:s10+$0x2E0]  }
0x54d: {  	v0 =	vadd.f32 v2, v0  }
0x54e: {  	v2 =	vld [tilespmem:s10+$0x360]  }
0x54f: {  	v0 =	vadd.f32 v3, v0  }
0x550: {  	v3 =	vld [tilespmem:s10+$0x3E0]  }
0x551: {  	v0 =	vadd.f32 v1, v0;
	_ =	sdelay $0x1  }
0x552: {  	v0 =	vadd.f32 v2, v0;
	_ =	sdelay $0x1  }
0x553: {  	v0 =	vadd.f32 v3, v0;
	_ =	sdelay $0x1  }
0x554: {  	[tilespmem:s19+$0x1C260] =	vst v0  }
0x555: {  	v0 =	vld [tilespmem:s10+$0xFFFFFC70]  }
0x556: {  	v1 =	vld [tilespmem:s10+$0xFFFFFCF0];
	_ =	sdelay $0x1  }
0x557: {  	v2 =	vld [tilespmem:s10+$0xFFFFFD70];
	_ =	sdelay $0x1  }
0x558: {  	v3 =	vld [tilespmem:s10+$0xFFFFFDF0]  }
0x559: {  	v0 =	vadd.f32 v1, v0  }
0x55a: {  	v1 =	vld [tilespmem:s10+$0xFFFFFE70]  }
0x55b: {  	v0 =	vadd.f32 v2, v0  }
0x55c: {  	v2 =	vld [tilespmem:s10+$0xFFFFFEF0]  }
0x55d: {  	v0 =	vadd.f32 v3, v0  }
0x55e: {  	v3 =	vld [tilespmem:s10+$0xFFFFFF70]  }
0x55f: {  	v0 =	vadd.f32 v1, v0  }
0x560: {  	v1 =	vld [tilespmem:s10+$0xFFFFFFF0]  }
0x561: {  	v0 =	vadd.f32 v2, v0  }
0x562: {  	v2 =	vld [tilespmem:s10+$0x70]  }
0x563: {  	v0 =	vadd.f32 v3, v0  }
0x564: {  	v3 =	vld [tilespmem:s10+$0xF0]  }
0x565: {  	v0 =	vadd.f32 v1, v0  }
0x566: {  	v1 =	vld [tilespmem:s10+$0x170]  }
0x567: {  	v0 =	vadd.f32 v2, v0  }
0x568: {  	v4 =	vld [tilespmem:s10+$0x1F0]  }
0x569: {  	v2 =	vadd.f32 v3, v0  }
0x56a: {  	v3 =	vld [tilespmem:s10+$0x270]  }
0x56b: {  	v0 =	vld [tilespmem:s10+$0x2F0];
	v5 =	vadd.f32 v1, v2  }
0x56c: {  	v2 =	vld [tilespmem:s10+$0x370]  }
0x56d: {  	s20 =	simm.s32 $0x200;
	v1 =	vld [tilespmem:s10+$0x3F0];
	v4 =	vadd.f32 v4, v5  }
.LBB2_15:
0x56e: {  	p2 =	sne.s32 s20, $0x1E00  }
0x56f: {  	s10 =	sadd.s32 $0x800, s10;
	s22 =	smov.u32 s20;
	s20 =	sadd.s32 $0x200, s20;
	v3 =	vadd.f32 v3, v4  }
0x570: {  	_ = 	snop  }
0x571: {  	v0 =	vadd.f32 v0, v3;
	_ =	sdelay $0x1  }
0x572: {  	v0 =	vadd.f32 v2, v0;
	_ =	sdelay $0x1  }
0x573: {  	v0 =	vadd.f32 v1, v0;
	_ =	sdelay $0x1  }
0x574: {  	[tilespmem:s19+$0x1C270] =	vst v0  }
0x575: {  	v0 =	vld [tilespmem:s10+$0xFFFFFC80]  }
0x576: {  	v1 =	vld [tilespmem:s10+$0xFFFFFC00]  }
0x577: {  	v2 =	vld [tilespmem:s10+$0xFFFFFD00];
	_ =	sdelay $0x2  }
0x578: {  	v3 =	vld [tilespmem:s10+$0xFFFFFD80]  }
0x579: {  	v0 =	vadd.f32 v0, v1  }
0x57a: {  	v1 =	vld [tilespmem:s10+$0xFFFFFE00]  }
0x57b: {  	v0 =	vadd.f32 v2, v0  }
0x57c: {  	v2 =	vld [tilespmem:s10+$0xFFFFFE80]  }
0x57d: {  	v0 =	vadd.f32 v3, v0  }
0x57e: {  	v3 =	vld [tilespmem:s10+$0xFFFFFF00]  }
0x57f: {  	v0 =	vadd.f32 v1, v0  }
0x580: {  	v1 =	vld [tilespmem:s10+$0xFFFFFF80]  }
0x581: {  	v0 =	vadd.f32 v2, v0  }
0x582: {  	v2 =	vld [tilespmem:s10+$0x0]  }
0x583: {  	v0 =	vadd.f32 v3, v0  }
0x584: {  	v3 =	vld [tilespmem:s10+$0x80]  }
0x585: {  	v0 =	vadd.f32 v1, v0  }
0x586: {  	v1 =	vld [tilespmem:s10+$0x100]  }
0x587: {  	v0 =	vadd.f32 v2, v0  }
0x588: {  	v2 =	vld [tilespmem:s10+$0x180]  }
0x589: {  	v0 =	vadd.f32 v3, v0  }
0x58a: {  	v3 =	vld [tilespmem:s10+$0x200]  }
0x58b: {  	v0 =	vadd.f32 v1, v0  }
0x58c: {  	v1 =	vld [tilespmem:s10+$0x280]  }
0x58d: {  	v0 =	vadd.f32 v2, v0  }
0x58e: {  	v2 =	vld [tilespmem:s10+$0x300]  }
0x58f: {  	v0 =	vadd.f32 v3, v0  }
0x590: {  	v3 =	vld [tilespmem:s10+$0x380]  }
0x591: {  	v0 =	vadd.f32 v1, v0;
	_ =	sdelay $0x1  }
0x592: {  	v0 =	vadd.f32 v2, v0;
	_ =	sdelay $0x1  }
0x593: {  	v0 =	vadd.f32 v3, v0  }
0x594: {  	s19 =	sshra.s32 s22, $0x2  }
0x595: {  	[tilespmem:s19+$0x1C200] =	vst v0  }
0x596: {  	v0 =	vld [tilespmem:s10+$0xFFFFFC10]  }
0x597: {  	v1 =	vld [tilespmem:s10+$0xFFFFFC90];
	_ =	sdelay $0x1  }
0x598: {  	v2 =	vld [tilespmem:s10+$0xFFFFFD10];
	_ =	sdelay $0x1  }
0x599: {  	v3 =	vld [tilespmem:s10+$0xFFFFFD90]  }
0x59a: {  	v0 =	vadd.f32 v1, v0  }
0x59b: {  	v1 =	vld [tilespmem:s10+$0xFFFFFE10]  }
0x59c: {  	v0 =	vadd.f32 v2, v0  }
0x59d: {  	v2 =	vld [tilespmem:s10+$0xFFFFFE90]  }
0x59e: {  	v0 =	vadd.f32 v3, v0  }
0x59f: {  	v3 =	vld [tilespmem:s10+$0xFFFFFF10]  }
0x5a0: {  	v0 =	vadd.f32 v1, v0  }
0x5a1: {  	v1 =	vld [tilespmem:s10+$0xFFFFFF90]  }
0x5a2: {  	v0 =	vadd.f32 v2, v0  }
0x5a3: {  	v2 =	vld [tilespmem:s10+$0x10]  }
0x5a4: {  	v0 =	vadd.f32 v3, v0  }
0x5a5: {  	v3 =	vld [tilespmem:s10+$0x90]  }
0x5a6: {  	v0 =	vadd.f32 v1, v0  }
0x5a7: {  	v1 =	vld [tilespmem:s10+$0x110]  }
0x5a8: {  	v0 =	vadd.f32 v2, v0  }
0x5a9: {  	v2 =	vld [tilespmem:s10+$0x190]  }
0x5aa: {  	v0 =	vadd.f32 v3, v0  }
0x5ab: {  	v3 =	vld [tilespmem:s10+$0x210]  }
0x5ac: {  	v0 =	vadd.f32 v1, v0  }
0x5ad: {  	v1 =	vld [tilespmem:s10+$0x290]  }
0x5ae: {  	v0 =	vadd.f32 v2, v0  }
0x5af: {  	v2 =	vld [tilespmem:s10+$0x310]  }
0x5b0: {  	v0 =	vadd.f32 v3, v0  }
0x5b1: {  	v3 =	vld [tilespmem:s10+$0x390]  }
0x5b2: {  	v0 =	vadd.f32 v1, v0;
	_ =	sdelay $0x1  }
0x5b3: {  	v0 =	vadd.f32 v2, v0;
	_ =	sdelay $0x1  }
0x5b4: {  	v0 =	vadd.f32 v3, v0;
	_ =	sdelay $0x1  }
0x5b5: {  	[tilespmem:s19+$0x1C210] =	vst v0  }
0x5b6: {  	v0 =	vld [tilespmem:s10+$0xFFFFFC20]  }
0x5b7: {  	v1 =	vld [tilespmem:s10+$0xFFFFFCA0];
	_ =	sdelay $0x1  }
0x5b8: {  	v2 =	vld [tilespmem:s10+$0xFFFFFD20];
	_ =	sdelay $0x1  }
0x5b9: {  	v3 =	vld [tilespmem:s10+$0xFFFFFDA0]  }
0x5ba: {  	v0 =	vadd.f32 v1, v0  }
0x5bb: {  	v1 =	vld [tilespmem:s10+$0xFFFFFE20]  }
0x5bc: {  	v0 =	vadd.f32 v2, v0  }
0x5bd: {  	v2 =	vld [tilespmem:s10+$0xFFFFFEA0]  }
0x5be: {  	v0 =	vadd.f32 v3, v0  }
0x5bf: {  	v3 =	vld [tilespmem:s10+$0xFFFFFF20]  }
0x5c0: {  	v0 =	vadd.f32 v1, v0  }
0x5c1: {  	v1 =	vld [tilespmem:s10+$0xFFFFFFA0]  }
0x5c2: {  	v0 =	vadd.f32 v2, v0  }
0x5c3: {  	v2 =	vld [tilespmem:s10+$0x20]  }
0x5c4: {  	v0 =	vadd.f32 v3, v0  }
0x5c5: {  	v3 =	vld [tilespmem:s10+$0xA0]  }
0x5c6: {  	v0 =	vadd.f32 v1, v0  }
0x5c7: {  	v1 =	vld [tilespmem:s10+$0x120]  }
0x5c8: {  	v0 =	vadd.f32 v2, v0  }
0x5c9: {  	v2 =	vld [tilespmem:s10+$0x1A0]  }
0x5ca: {  	v0 =	vadd.f32 v3, v0  }
0x5cb: {  	v3 =	vld [tilespmem:s10+$0x220]  }
0x5cc: {  	v0 =	vadd.f32 v1, v0  }
0x5cd: {  	v1 =	vld [tilespmem:s10+$0x2A0]  }
0x5ce: {  	v0 =	vadd.f32 v2, v0  }
0x5cf: {  	v2 =	vld [tilespmem:s10+$0x320]  }
0x5d0: {  	v0 =	vadd.f32 v3, v0  }
0x5d1: {  	v3 =	vld [tilespmem:s10+$0x3A0]  }
0x5d2: {  	v0 =	vadd.f32 v1, v0;
	_ =	sdelay $0x1  }
0x5d3: {  	v0 =	vadd.f32 v2, v0;
	_ =	sdelay $0x1  }
0x5d4: {  	v0 =	vadd.f32 v3, v0;
	_ =	sdelay $0x1  }
0x5d5: {  	[tilespmem:s19+$0x1C220] =	vst v0  }
0x5d6: {  	v0 =	vld [tilespmem:s10+$0xFFFFFC30]  }
0x5d7: {  	v1 =	vld [tilespmem:s10+$0xFFFFFCB0]  }
0x5d8: {  	v2 =	vld [tilespmem:s10+$0xFFFFFD30];
	_ =	sdelay $0x2  }
0x5d9: {  	v3 =	vld [tilespmem:s10+$0xFFFFFDB0]  }
0x5da: {  	v0 =	vadd.f32 v1, v0  }
0x5db: {  	v1 =	vld [tilespmem:s10+$0xFFFFFE30]  }
0x5dc: {  	v0 =	vadd.f32 v2, v0  }
0x5dd: {  	v2 =	vld [tilespmem:s10+$0xFFFFFEB0]  }
0x5de: {  	v0 =	vadd.f32 v3, v0  }
0x5df: {  	v3 =	vld [tilespmem:s10+$0xFFFFFF30]  }
0x5e0: {  	v0 =	vadd.f32 v1, v0  }
0x5e1: {  	v1 =	vld [tilespmem:s10+$0xFFFFFFB0]  }
0x5e2: {  	v0 =	vadd.f32 v2, v0  }
0x5e3: {  	v2 =	vld [tilespmem:s10+$0x30]  }
0x5e4: {  	v0 =	vadd.f32 v3, v0  }
0x5e5: {  	v3 =	vld [tilespmem:s10+$0xB0]  }
0x5e6: {  	v0 =	vadd.f32 v1, v0  }
0x5e7: {  	v1 =	vld [tilespmem:s10+$0x130]  }
0x5e8: {  	v0 =	vadd.f32 v2, v0  }
0x5e9: {  	v2 =	vld [tilespmem:s10+$0x1B0]  }
0x5ea: {  	v0 =	vadd.f32 v3, v0  }
0x5eb: {  	v3 =	vld [tilespmem:s10+$0x230]  }
0x5ec: {  	v0 =	vadd.f32 v1, v0  }
0x5ed: {  	v1 =	vld [tilespmem:s10+$0x2B0]  }
0x5ee: {  	v0 =	vadd.f32 v2, v0  }
0x5ef: {  	v2 =	vld [tilespmem:s10+$0x330]  }
0x5f0: {  	v0 =	vadd.f32 v3, v0  }
0x5f1: {  	v3 =	vld [tilespmem:s10+$0x3B0]  }
0x5f2: {  	v0 =	vadd.f32 v1, v0;
	_ =	sdelay $0x1  }
0x5f3: {  	v0 =	vadd.f32 v2, v0;
	_ =	sdelay $0x1  }
0x5f4: {  	v0 =	vadd.f32 v3, v0;
	_ =	sdelay $0x1  }
0x5f5: {  	[tilespmem:s19+$0x1C230] =	vst v0  }
0x5f6: {  	v0 =	vld [tilespmem:s10+$0xFFFFFC40]  }
0x5f7: {  	v1 =	vld [tilespmem:s10+$0xFFFFFCC0]  }
0x5f8: {  	v2 =	vld [tilespmem:s10+$0xFFFFFD40];
	_ =	sdelay $0x2  }
0x5f9: {  	v3 =	vld [tilespmem:s10+$0xFFFFFDC0]  }
0x5fa: {  	v0 =	vadd.f32 v1, v0  }
0x5fb: {  	v1 =	vld [tilespmem:s10+$0xFFFFFE40]  }
0x5fc: {  	v0 =	vadd.f32 v2, v0  }
0x5fd: {  	v2 =	vld [tilespmem:s10+$0xFFFFFEC0]  }
0x5fe: {  	v0 =	vadd.f32 v3, v0  }
0x5ff: {  	v3 =	vld [tilespmem:s10+$0xFFFFFF40]  }
0x600: {  	v0 =	vadd.f32 v1, v0  }
0x601: {  	v1 =	vld [tilespmem:s10+$0xFFFFFFC0]  }
0x602: {  	v0 =	vadd.f32 v2, v0  }
0x603: {  	v2 =	vld [tilespmem:s10+$0x40]  }
0x604: {  	v0 =	vadd.f32 v3, v0  }
0x605: {  	v3 =	vld [tilespmem:s10+$0xC0]  }
0x606: {  	v0 =	vadd.f32 v1, v0  }
0x607: {  	v1 =	vld [tilespmem:s10+$0x140]  }
0x608: {  	v0 =	vadd.f32 v2, v0  }
0x609: {  	v2 =	vld [tilespmem:s10+$0x1C0]  }
0x60a: {  	v0 =	vadd.f32 v3, v0  }
0x60b: {  	v3 =	vld [tilespmem:s10+$0x240]  }
0x60c: {  	v0 =	vadd.f32 v1, v0  }
0x60d: {  	v1 =	vld [tilespmem:s10+$0x2C0]  }
0x60e: {  	v0 =	vadd.f32 v2, v0  }
0x60f: {  	v2 =	vld [tilespmem:s10+$0x340]  }
0x610: {  	v0 =	vadd.f32 v3, v0  }
0x611: {  	v3 =	vld [tilespmem:s10+$0x3C0]  }
0x612: {  	v0 =	vadd.f32 v1, v0;
	_ =	sdelay $0x1  }
0x613: {  	v0 =	vadd.f32 v2, v0;
	_ =	sdelay $0x1  }
0x614: {  	v0 =	vadd.f32 v3, v0;
	_ =	sdelay $0x1  }
0x615: {  	[tilespmem:s19+$0x1C240] =	vst v0  }
0x616: {  	v0 =	vld [tilespmem:s10+$0xFFFFFC50]  }
0x617: {  	v1 =	vld [tilespmem:s10+$0xFFFFFCD0]  }
0x618: {  	v2 =	vld [tilespmem:s10+$0xFFFFFD50]  }
0x619: {  	v3 =	vld [tilespmem:s10+$0xFFFFFDD0]  }
0x61a: {  	v4 =	vld [tilespmem:s10+$0xFFFFFE50]  }
0x61b: {  	v5 =	vld [tilespmem:s10+$0xFFFFFED0]  }
0x61c: {  	v0 =	vadd.f32 v1, v0;
	v1 =	vld [tilespmem:s10+$0xFFFFFF50]  }
0x61d: {  	v6 =	vld [tilespmem:s10+$0xFFFFFFD0]  }
0x61e: {  	v0 =	vadd.f32 v2, v0;
	v2 =	vld [tilespmem:s10+$0x50]  }
0x61f: {  	v7 =	vld [tilespmem:s10+$0xD0]  }
0x620: {  	v0 =	vadd.f32 v3, v0;
	v3 =	vld [tilespmem:s10+$0x150]  }
0x621: {  	v8 =	vld [tilespmem:s10+$0x1D0]  }
0x622: {  	v0 =	vadd.f32 v4, v0;
	v4 =	vld [tilespmem:s10+$0x250]  }
0x623: {  	v9 =	vld [tilespmem:s10+$0x2D0]  }
0x624: {  	v0 =	vadd.f32 v5, v0;
	v5 =	vld [tilespmem:s10+$0x350]  }
0x625: {  	v10 =	vld [tilespmem:s10+$0x3D0]  }
0x626: {  	v0 =	vadd.f32 v1, v0;
	_ =	sdelay $0x1  }
0x627: {  	v0 =	vadd.f32 v6, v0;
	_ =	sdelay $0x1  }
0x628: {  	v0 =	vadd.f32 v2, v0;
	_ =	sdelay $0x1  }
0x629: {  	v0 =	vadd.f32 v7, v0;
	_ =	sdelay $0x1  }
0x62a: {  	v0 =	vadd.f32 v3, v0;
	_ =	sdelay $0x1  }
0x62b: {  	v0 =	vadd.f32 v8, v0;
	_ =	sdelay $0x1  }
0x62c: {  	v0 =	vadd.f32 v4, v0;
	_ =	sdelay $0x1  }
0x62d: {  	v0 =	vadd.f32 v9, v0;
	_ =	sdelay $0x1  }
0x62e: {  	v0 =	vadd.f32 v5, v0;
	_ =	sdelay $0x1  }
0x62f: {  	v0 =	vadd.f32 v10, v0;
	_ =	sdelay $0x1  }
0x630: {  	[tilespmem:s19+$0x1C250] =	vst v0  }
0x631: {  	v0 =	vld [tilespmem:s10+$0xFFFFFC60]  }
0x632: {  	v1 =	vld [tilespmem:s10+$0xFFFFFCE0]  }
0x633: {  	v2 =	vld [tilespmem:s10+$0xFFFFFD60]  }
0x634: {  	v3 =	vld [tilespmem:s10+$0xFFFFFDE0]  }
0x635: {  	v4 =	vld [tilespmem:s10+$0xFFFFFE60]  }
0x636: {  	v5 =	vld [tilespmem:s10+$0xFFFFFEE0]  }
0x637: {  	v0 =	vadd.f32 v1, v0;
	v1 =	vld [tilespmem:s10+$0xFFFFFF60]  }
0x638: {  	v6 =	vld [tilespmem:s10+$0xFFFFFFE0]  }
0x639: {  	v0 =	vadd.f32 v2, v0;
	v2 =	vld [tilespmem:s10+$0x60]  }
0x63a: {  	v7 =	vld [tilespmem:s10+$0xE0]  }
0x63b: {  	v0 =	vadd.f32 v3, v0;
	v3 =	vld [tilespmem:s10+$0x160]  }
0x63c: {  	v8 =	vld [tilespmem:s10+$0x1E0]  }
0x63d: {  	v0 =	vadd.f32 v4, v0;
	v4 =	vld [tilespmem:s10+$0x260]  }
0x63e: {  	v9 =	vld [tilespmem:s10+$0x2E0]  }
0x63f: {  	v0 =	vadd.f32 v5, v0;
	v5 =	vld [tilespmem:s10+$0x360]  }
0x640: {  	v10 =	vld [tilespmem:s10+$0x3E0]  }
0x641: {  	v0 =	vadd.f32 v1, v0;
	_ =	sdelay $0x1  }
0x642: {  	v0 =	vadd.f32 v6, v0;
	_ =	sdelay $0x1  }
0x643: {  	v0 =	vadd.f32 v2, v0;
	_ =	sdelay $0x1  }
0x644: {  	v0 =	vadd.f32 v7, v0;
	_ =	sdelay $0x1  }
0x645: {  	v0 =	vadd.f32 v3, v0;
	_ =	sdelay $0x1  }
0x646: {  	v0 =	vadd.f32 v8, v0;
	_ =	sdelay $0x1  }
0x647: {  	v0 =	vadd.f32 v4, v0;
	_ =	sdelay $0x1  }
0x648: {  	v0 =	vadd.f32 v9, v0;
	_ =	sdelay $0x1  }
0x649: {  	v0 =	vadd.f32 v5, v0;
	_ =	sdelay $0x1  }
0x64a: {  	v0 =	vadd.f32 v10, v0;
	_ =	sdelay $0x1  }
0x64b: {  	[tilespmem:s19+$0x1C260] =	vst v0  }
0x64c: {  	v0 =	vld [tilespmem:s10+$0xFFFFFC70]  }
0x64d: {  	v1 =	vld [tilespmem:s10+$0xFFFFFCF0]  }
0x64e: {  	v2 =	vld [tilespmem:s10+$0xFFFFFD70]  }
0x64f: {  	v3 =	vld [tilespmem:s10+$0xFFFFFDF0]  }
0x650: {  	v4 =	vld [tilespmem:s10+$0xFFFFFE70]  }
0x651: {  	v5 =	vld [tilespmem:s10+$0xFFFFFEF0]  }
0x652: {  	v0 =	vadd.f32 v1, v0;
	v6 =	vld [tilespmem:s10+$0xFFFFFF70]  }
0x653: {  	v7 =	vld [tilespmem:s10+$0xFFFFFFF0]  }
0x654: {  	v0 =	vadd.f32 v2, v0;
	v8 =	vld [tilespmem:s10+$0x70]  }
0x655: {  	v9 =	vld [tilespmem:s10+$0xF0]  }
0x656: {  	v0 =	vadd.f32 v3, v0;
	v10 =	vld [tilespmem:s10+$0x170]  }
0x657: {  	v11 =	vld [tilespmem:s10+$0x1F0]  }
0x658: {  	v1 =	vadd.f32 v4, v0;
	v3 =	vld [tilespmem:s10+$0x270]  }
0x659: {  	v0 =	vld [tilespmem:s10+$0x2F0]  }
0x65a: {  	v4 =	vadd.f32 v5, v1;
	v2 =	vld [tilespmem:s10+$0x370]  }
0x65b: {  	v1 =	vld [tilespmem:s10+$0x3F0]  }
0x65c: {  	v4 =	vadd.f32 v6, v4;
	_ =	sdelay $0x1  }
0x65d: {  	v4 =	vadd.f32 v7, v4;
	_ =	sdelay $0x1  }
0x65e: {  	v4 =	vadd.f32 v8, v4;
	_ =	sdelay $0x1  }
.Ltmp12:
0x65f: {  	v4 =	vadd.f32 v9, v4;
	(pc) =	sbr.rel @p2 .LBB2_15-.Ltmp12, $3  }
0x660: {  	_ = 	snop  }
0x661: {  	v4 =	vadd.f32 v10, v4;
	_ =	sdelay $0x1  }
0x662: {  	v4 =	vadd.f32 v11, v4  }
0x663: {  	_ = 	snop  }
0x664: {  	v3 =	vadd.f32 v3, v4;
	_ =	sdelay $0x1  }
0x665: {  	v0 =	vadd.f32 v0, v3;
	_ =	sdelay $0x1  }
0x666: {  	v0 =	vadd.f32 v2, v0  }
.Ltmp13:
0x667: {  	s10 =	sadd.s32 @p0 s21, s17;
	(pc) =	sbr.rel .LBB2_17-.Ltmp13, $4  }
0x668: {  	s10 =	sshll.u32 @p0 s10, $0x4;
	v0 =	vadd.f32 v1, v0  }
0x669: {  	s9 =	sadd.s32 @!p0 s9, s13;
	s10 =	sadd.s32 @p0 s6, s10  }
0x66a: {  	s9 =	smov.u32 @p0 s10;
	[tilespmem:s19+$0x1C270] =	vst v0  }
0x66b: {  	[hbm4b:s9+s4] =	stream.linear.scatter [tilespmem:s28], [sflag:$0x4], $0x800, $0x38;
	[tilespmem:$0x1D200] =	vst v63  }
.LBB2_19:
0x66c: {  	_ =	sfence.sel $0x180000  }
0x66d: {  	[bflag:$0x0] =	sbarrier.arrive $0xFFFF  }
0x66e: {  	_ =	strace $0x90000047  }
0x66f: {  	s0 =	stileid.u32;
	[bflag:$0x2] =	sbarrier.arrive $0xFFFF  }
0x670: {  	p0 =	sne.s32 s0, $0x0;
	s0 =	rddreg [dreg:$0x4]  }
0x671: {  	s0 =	sadd.s32 @!p0 $0x100000, s0  }
0x672: {  	[sflag:s0] =	ssyncadd.tile.s32 @!p0 $0x1;
	_ =	shalt  }
.Lfunc_end2:
_tile_overlayer_lowered:
.L_overlay_start_2:
0x673: {  	(tag) =	ssettag $0x2  }
0x674: {  	s0 =	rddreg [dreg:$0x0];
	s2 =	stileid.u32  }
0x675: {  	s1 =	rddreg [dreg:$0x1];
	p0 =	sne.s32 s2, $0x0  }
0x676: {  	s3 =	rddreg [dreg:$0x2];
	[bflag:$0x3] =	sbarrier.arrive $0xFFFF;
	s2 =	simm.s32 @!p0 $0x1C07  }
0x677: {  	[timem:s3], [sflag:s2] =	dma.local @!p0 [hbm:s0], s1  }
0x678: {  	s0 =	simm.s32 @!p0 $0x7  }
0x679: {  	_ =	swait.ge @!p0 [sflag:s0], s1  }
0x67a: {  	s1 =	ssub.s32 @!p0 $0x0, s1;
	[sflag:s0] =	ssyncset.done @!p0 $0x0  }
0x67b: {  	[sflag:s0] =	ssyncadd.s32 @!p0 s1  }
0x67c: {  	[bflag:$0x3] =	sbarrier.arrive $0xFFFF  }
0x67d: {  	_ =	shalt  }

</sc_bundles>
